<compile_context>
chip_gen: v7x
topology: tpu7x:2x2x1
jax: 0.10.2.dev20260603
libtpu: 0.0.44.dev20260713+nightly
codegen_flags: <defaults>
</compile_context>

<pallas_src>
import functools

import jax
import jax.numpy as jnp
from jax import lax
from jax.experimental import pallas as pl
from jax.experimental.pallas import tpu as pltpu
from jax.experimental.pallas import tpu_sc as plsc

B, L = 4096, 200
EMBED = 8
OUT_D = 3 * EMBED

NC, NS = 2, 16
NW = NC * NS
BT = B // NW
LC = 8
M = LC * BT
NCH = L // LC
TIME_V = 1442
DIS_V = 100000
SPEED_V = 1002


def _body(t_hbm, d_hbm, s_hbm, wtT_hbm, wd_hbm, wsT_hbm, out_hbm,
          ti_v, di_v, si_v, gb_v, ob_v, wtT_v, wsT_v, ssem, gsem, osem):
    sid = lax.axis_index("s")
    wid = sid * NC + lax.axis_index("c")
    b0 = wid * BT
    iota = lax.iota(jnp.int32, 16)
    seconst = [jnp.full((16,), se, jnp.int32) for se in range(EMBED)]

    pltpu.sync_copy(wtT_hbm, wtT_v)
    pltpu.sync_copy(wsT_hbm, wsT_v)

    def stage(p, k):
        for idx_hbm, idx_v in ((t_hbm, ti_v), (s_hbm, si_v)):
            pltpu.async_copy(idx_hbm.at[p, wid], idx_v.at[k], ssem)
        for lp in range(LC):
            pltpu.async_copy(
                d_hbm.at[p, wid, lp],
                di_v.at[k, pl.ds(lp * BT, BT)], ssem)

    def stage_wait(k):
        for _ in range(3):
            pltpu.make_async_copy(
                t_hbm.at[0, 0], ti_v.at[k], ssem).wait()

    def gathers(p, k):
        pltpu.async_copy(wd_hbm.at[di_v.at[k]], gb_v.at[k], gsem)

    def gathers_wait(k):
        pltpu.make_async_copy(
            wd_hbm.at[di_v.at[k]], gb_v.at[k], gsem).wait()

    def transpose(p, k):
        @plsc.parallel_loop(0, LC * (BT // 16), 1, unroll=16)
        def per_blk(i):
            lp = i // (BT // 16)
            sbg = lax.rem(i, BT // 16)
            tvi = ti_v[k, lp, pl.ds(sbg * 16, 16)]
            svi = si_v[k, lp, pl.ds(sbg * 16, 16)]
            rows = iota + i * 16
            for se in range(EMBED):
                vt = plsc.load_gather(wtT_v, [seconst[se], tvi])
                ob_v[k, lp, 0, se, pl.ds(sbg * 16, 16)] = vt
                vd = plsc.load_gather(gb_v.at[k], [rows, seconst[se]])
                ob_v[k, lp, 1, se, pl.ds(sbg * 16, 16)] = vd
                vs = plsc.load_gather(wsT_v, [seconst[se], svi])
                ob_v[k, lp, 2, se, pl.ds(sbg * 16, 16)] = vs

    def write(p, k):
        pltpu.async_copy(
            ob_v.at[k], out_hbm.at[pl.ds(p * LC, LC), :, wid], osem)

    def write_wait(k):
        pltpu.make_async_copy(
            ob_v.at[k], out_hbm.at[pl.ds(0, LC), :, wid], osem).wait()

    stage(0, 0)
    stage(1, 1)
    stage_wait(0)
    gathers(0, 0)

    def chunk_body(p, _):
        for kk in (0, 1):

            @pl.when(lax.rem(p, 2) == kk)
            def _(kk=kk):
                @pl.when(p + 1 < NCH)
                def _():
                    stage_wait(kk ^ 1)

                gathers_wait(kk)

                @pl.when(p + 1 < NCH)
                def _():
                    gathers(p + 1, kk ^ 1)

                @pl.when(p >= 2)
                def _():
                    write_wait(kk)

                transpose(p, kk)

                @pl.when(p + 2 < NCH)
                def _():
                    stage(p + 2, kk)

                write(p, kk)

        return 0

    lax.fori_loop(0, NCH, chunk_body, 0)
    write_wait(0 if NCH % 2 == 1 else 1)
    write_wait(1 if NCH % 2 == 1 else 0)


@functools.partial(jax.jit, static_argnames=())
def kernel(time, dis, speed, W_time, W_dis, W_speed):
    def tiled(x):
        return (x.astype(jnp.int32).T
                .reshape(L // 8, 8, NW, BT).transpose(0, 2, 1, 3))

    t = tiled(time)
    d = tiled(dis)
    s = tiled(speed)

    mesh = plsc.VectorSubcoreMesh(core_axis_name="c", subcore_axis_name="s")
    run = pl.kernel(
        _body,
        out_type=jax.ShapeDtypeStruct((L, 3, NW, EMBED, BT), jnp.float32),
        mesh=mesh,
        scratch_types=[
            pltpu.VMEM((2, LC, BT), jnp.int32),
            pltpu.VMEM((2, M), jnp.int32),
            pltpu.VMEM((2, LC, BT), jnp.int32),
            pltpu.VMEM((2, M, EMBED), jnp.float32),
            pltpu.VMEM((2, LC, 3, EMBED, BT), jnp.float32),
            pltpu.VMEM((EMBED, TIME_V), jnp.float32),
            pltpu.VMEM((EMBED, SPEED_V), jnp.float32),
            pltpu.SemaphoreType.DMA,
            pltpu.SemaphoreType.DMA,
            pltpu.SemaphoreType.DMA,
        ],
        compiler_params=pltpu.CompilerParams(
            needs_layout_passes=False,
            use_tc_tiling_on_sc=False,
        ),
    )
    out5 = run(t, d, s, W_time.T, W_dis, W_speed.T)
    return out5.transpose(2, 4, 0, 1, 3).reshape(B, L, OUT_D)

# --- scband reference (transcript-rebuilt; emitter-appended) ---
"""Pipeline reference for scband-gener-embedding-traj-50002009260266 (READ-ONLY COPY).

The authoritative reference and input builder live on the scoring server;
editing this copy changes nothing except your own understanding.
"""

import jax, jax.numpy as jnp
import numpy as np

B, L = 4096, 200
TIME_VOCAB = 1440 + 2
DIS_VOCAB = 100000 + 2
SPEED_VOCAB = 1000 + 2
EMBED = 8


def setup_inputs(seed: int = 0) -> dict:
    key = jax.random.key(seed)
    k1, k2, k3, k4, k5, k6 = jax.random.split(key, 6)
    time = jax.random.randint(k1, (B, L), 0, TIME_VOCAB, dtype=jnp.int64 if jax.config.jax_enable_x64 else jnp.int32)
    dis = jax.random.randint(k2, (B, L), 0, DIS_VOCAB, dtype=jnp.int64 if jax.config.jax_enable_x64 else jnp.int32)
    speed = jax.random.randint(k3, (B, L), 0, SPEED_VOCAB, dtype=jnp.int64 if jax.config.jax_enable_x64 else jnp.int32)
    W_time = jax.random.normal(k4, (TIME_VOCAB, EMBED), dtype=jnp.float32) * 0.02
    W_dis = jax.random.normal(k5, (DIS_VOCAB, EMBED), dtype=jnp.float32) * 0.02
    W_speed = jax.random.normal(k6, (SPEED_VOCAB, EMBED), dtype=jnp.float32) * 0.02
    return {"time": time, "dis": dis, "speed": speed, "W_time": W_time, "W_dis": W_dis, "W_speed": W_speed}


def reference(time, dis, speed, W_time, W_dis, W_speed):
    # Faithful translation: x = cat(time_emb(time), dis_emb(dis), speed_emb(speed), dim=2)
    e_time = jnp.take(W_time, time, axis=0)   # [B, L, 8]
    e_dis = jnp.take(W_dis, dis, axis=0)      # [B, L, 8]
    e_speed = jnp.take(W_speed, speed, axis=0)  # [B, L, 8]
    return jnp.concatenate((e_time, e_dis, e_speed), axis=2)  # [B, L, 24]

if __name__ == "__main__":
    import jax
    _d = setup_inputs()
    print(jax.jit(kernel)(*tuple(_d.values())))

</pallas_src>

<mosaic_0001>
#map = affine_map<(d0, d1) -> (0, 0, 0, 0)>
#map1 = affine_map<(d0, d1) -> (0, 0)>
#map2 = affine_map<(d0, d1) -> (0, 0, 0, 0, 0)>
module attributes {stable_mosaic.version = 14 : i64} {
  func.func @_body(%arg0: i32, %arg1: i32, %arg2: memref<25x32x8x128xi32, #tpu.memory_space<hbm>>, %arg3: memref<25x32x8x128xi32, #tpu.memory_space<hbm>>, %arg4: memref<25x32x8x128xi32, #tpu.memory_space<hbm>>, %arg5: memref<8x1442xf32, #tpu.memory_space<hbm>>, %arg6: memref<100002x8xf32, #tpu.memory_space<hbm>>, %arg7: memref<8x1002xf32, #tpu.memory_space<hbm>>, %arg8: memref<200x3x32x8x128xf32, #tpu.memory_space<hbm>>, %arg9: memref<2x8x128xi32, #tpu.memory_space<vmem>>, %arg10: memref<2x1024xi32, #tpu.memory_space<vmem>>, %arg11: memref<2x8x128xi32, #tpu.memory_space<vmem>>, %arg12: memref<2x1024x8xf32, #tpu.memory_space<vmem>>, %arg13: memref<2x8x3x8x128xf32, #tpu.memory_space<vmem>>, %arg14: memref<8x1442xf32, #tpu.memory_space<vmem>>, %arg15: memref<8x1002xf32, #tpu.memory_space<vmem>>, %arg16: memref<!tpu.dma_semaphore, #tpu.memory_space<semaphore_mem>>, %arg17: memref<!tpu.dma_semaphore, #tpu.memory_space<semaphore_mem>>, %arg18: memref<!tpu.dma_semaphore, #tpu.memory_space<semaphore_mem>>) attributes {dimension_semantics = [#tpu.dimension_semantics<core_parallel>, #tpu.dimension_semantics<subcore_parallel>], iteration_bounds = array<i64: 2, 16>, scalar_prefetch = 0 : i64, scratch_operands = 10 : i64, tpu.core_type = #tpu.core_type<sc_vector_subcore>, window_params = [{transform_indices = #map}, {transform_indices = #map}, {transform_indices = #map}, {transform_indices = #map1}, {transform_indices = #map1}, {transform_indices = #map1}, {transform_indices = #map2}]} {
    %mul3A = arith.constant 2 : i32
    %mul3A_0 = arith.muli %arg1, %mul3A : i32
    %add3A = arith.addi %mul3A_0, %arg0 : i32
    %mul3A_1 = arith.constant 128 : i32
    %mul3A_2 = arith.muli %add3A, %mul3A_1 : i32
    %iota3A = tpu.iota {dimensions = array<i32: 0>} : vector<16xi32>
    %broadcast_in_dim3A = arith.constant 0 : i32
    %broadcast_in_dim3A_3 = vector.broadcast %broadcast_in_dim3A : i32 to vector<16xi32>
    %broadcast_in_dim3A_4 = arith.constant 1 : i32
    %broadcast_in_dim3A_5 = vector.broadcast %broadcast_in_dim3A_4 : i32 to vector<16xi32>
    %broadcast_in_dim3A_6 = arith.constant 2 : i32
    %broadcast_in_dim3A_7 = vector.broadcast %broadcast_in_dim3A_6 : i32 to vector<16xi32>
    %broadcast_in_dim3A_8 = arith.constant 3 : i32
    %broadcast_in_dim3A_9 = vector.broadcast %broadcast_in_dim3A_8 : i32 to vector<16xi32>
    %broadcast_in_dim3A_10 = arith.constant 4 : i32
    %broadcast_in_dim3A_11 = vector.broadcast %broadcast_in_dim3A_10 : i32 to vector<16xi32>
    %broadcast_in_dim3A_12 = arith.constant 5 : i32
    %broadcast_in_dim3A_13 = vector.broadcast %broadcast_in_dim3A_12 : i32 to vector<16xi32>
    %broadcast_in_dim3A_14 = arith.constant 6 : i32
    %broadcast_in_dim3A_15 = vector.broadcast %broadcast_in_dim3A_14 : i32 to vector<16xi32>
    %broadcast_in_dim3A_16 = arith.constant 7 : i32
    %broadcast_in_dim3A_17 = vector.broadcast %broadcast_in_dim3A_16 : i32 to vector<16xi32>
    "tpu.region"() ({
      %run_scoped3A = tpu.sem_alloc : memref<!tpu.dma_semaphore, #tpu.memory_space<semaphore_mem>>
      tpu.enqueue_dma source(%arg5 : memref<8x1442xf32, #tpu.memory_space<hbm>>) target(%arg14 : memref<8x1442xf32, #tpu.memory_space<vmem>>) target_semaphore(%run_scoped3A : memref<!tpu.dma_semaphore, #tpu.memory_space<semaphore_mem>>)
      tpu.wait_dma2 semaphore(%run_scoped3A : memref<!tpu.dma_semaphore, #tpu.memory_space<semaphore_mem>>) src(%arg5 : memref<8x1442xf32, #tpu.memory_space<hbm>>) dst(%arg14 : memref<8x1442xf32, #tpu.memory_space<vmem>>)
      tpu.yield
    }) : () -> ()
    "tpu.region"() ({
      %run_scoped3A = tpu.sem_alloc : memref<!tpu.dma_semaphore, #tpu.memory_space<semaphore_mem>>
      tpu.enqueue_dma source(%arg7 : memref<8x1002xf32, #tpu.memory_space<hbm>>) target(%arg15 : memref<8x1002xf32, #tpu.memory_space<vmem>>) target_semaphore(%run_scoped3A : memref<!tpu.dma_semaphore, #tpu.memory_space<semaphore_mem>>)
      tpu.wait_dma2 semaphore(%run_scoped3A : memref<!tpu.dma_semaphore, #tpu.memory_space<semaphore_mem>>) src(%arg7 : memref<8x1002xf32, #tpu.memory_space<hbm>>) dst(%arg15 : memref<8x1002xf32, #tpu.memory_space<vmem>>)
      tpu.yield
    }) : () -> ()
    %dma_start3A = arith.constant 0 : i32
    %dma_start3A_18 = arith.constant 0 : i32
    %dma_start3A_19 = arith.constant 0 : i32
    %dma_start3A_20 = arith.constant 0 : i32
    %dma_start3A_21 = tpu.memref_slice %arg9[%dma_start3A_18, %dma_start3A_19, %dma_start3A_20] : memref<2x8x128xi32, #tpu.memory_space<vmem>> -> memref<1x8x128xi32, #tpu.memory_space<vmem>>
    %dma_start3A_22 = tpu.memref_squeeze %dma_start3A_21 : memref<1x8x128xi32, #tpu.memory_space<vmem>> -> memref<8x128xi32, #tpu.memory_space<vmem>>
    %dma_start3A_23 = arith.constant 0 : i32
    %dma_start3A_24 = arith.constant 0 : i32
    %dma_start3A_25 = tpu.memref_slice %arg2[%dma_start3A, %add3A, %dma_start3A_23, %dma_start3A_24] : memref<25x32x8x128xi32, #tpu.memory_space<hbm>> -> memref<1x1x8x128xi32, #tpu.memory_space<hbm>>
    %dma_start3A_26 = tpu.memref_squeeze %dma_start3A_25 : memref<1x1x8x128xi32, #tpu.memory_space<hbm>> -> memref<8x128xi32, #tpu.memory_space<hbm>>
    %dma_start3A_27 = arith.constant 0 : i32
    %dma_start3A_28 = arith.constant 0 : i32
    %dma_start3A_29 = tpu.memref_slice %arg9[%dma_start3A_18, %dma_start3A_27, %dma_start3A_28] : memref<2x8x128xi32, #tpu.memory_space<vmem>> -> memref<1x8x128xi32, #tpu.memory_space<vmem>>
    %dma_start3A_30 = tpu.memref_squeeze %dma_start3A_29 : memref<1x8x128xi32, #tpu.memory_space<vmem>> -> memref<8x128xi32, #tpu.memory_space<vmem>>
    %dma_start3A_31 = arith.constant 0 : i32
    %dma_start3A_32 = arith.constant 0 : i32
    %dma_start3A_33 = tpu.memref_slice %arg2[%dma_start3A, %add3A, %dma_start3A_31, %dma_start3A_32] : memref<25x32x8x128xi32, #tpu.memory_space<hbm>> -> memref<1x1x8x128xi32, #tpu.memory_space<hbm>>
    %dma_start3A_34 = tpu.memref_squeeze %dma_start3A_33 : memref<1x1x8x128xi32, #tpu.memory_space<hbm>> -> memref<8x128xi32, #tpu.memory_space<hbm>>
    tpu.enqueue_dma source(%dma_start3A_34 : memref<8x128xi32, #tpu.memory_space<hbm>>) target(%dma_start3A_30 : memref<8x128xi32, #tpu.memory_space<vmem>>) target_semaphore(%arg16 : memref<!tpu.dma_semaphore, #tpu.memory_space<semaphore_mem>>)
    %dma_start3A_35 = arith.constant 0 : i32
    %dma_start3A_36 = arith.constant 0 : i32
    %dma_start3A_37 = arith.constant 0 : i32
    %dma_start3A_38 = arith.constant 0 : i32
    %dma_start3A_39 = tpu.memref_slice %arg11[%dma_start3A_36, %dma_start3A_37, %dma_start3A_38] : memref<2x8x128xi32, #tpu.memory_space<vmem>> -> memref<1x8x128xi32, #tpu.memory_space<vmem>>
    %dma_start3A_40 = tpu.memref_squeeze %dma_start3A_39 : memref<1x8x128xi32, #tpu.memory_space<vmem>> -> memref<8x128xi32, #tpu.memory_space<vmem>>
    %dma_start3A_41 = arith.constant 0 : i32
    %dma_start3A_42 = arith.constant 0 : i32
    %dma_start3A_43 = tpu.memref_slice %arg4[%dma_start3A_35, %add3A, %dma_start3A_41, %dma_start3A_42] : memref<25x32x8x128xi32, #tpu.memory_space<hbm>> -> memref<1x1x8x128xi32, #tpu.memory_space<hbm>>
    %dma_start3A_44 = tpu.memref_squeeze %dma_start3A_43 : memref<1x1x8x128xi32, #tpu.memory_space<hbm>> -> memref<8x128xi32, #tpu.memory_space<hbm>>
    %dma_start3A_45 = arith.constant 0 : i32
    %dma_start3A_46 = arith.constant 0 : i32
    %dma_start3A_47 = tpu.memref_slice %arg11[%dma_start3A_36, %dma_start3A_45, %dma_start3A_46] : memref<2x8x128xi32, #tpu.memory_space<vmem>> -> memref<1x8x128xi32, #tpu.memory_space<vmem>>
    %dma_start3A_48 = tpu.memref_squeeze %dma_start3A_47 : memref<1x8x128xi32, #tpu.memory_space<vmem>> -> memref<8x128xi32, #tpu.memory_space<vmem>>
    %dma_start3A_49 = arith.constant 0 : i32
    %dma_start3A_50 = arith.constant 0 : i32
    %dma_start3A_51 = tpu.memref_slice %arg4[%dma_start3A_35, %add3A, %dma_start3A_49, %dma_start3A_50] : memref<25x32x8x128xi32, #tpu.memory_space<hbm>> -> memref<1x1x8x128xi32, #tpu.memory_space<hbm>>
    %dma_start3A_52 = tpu.memref_squeeze %dma_start3A_51 : memref<1x1x8x128xi32, #tpu.memory_space<hbm>> -> memref<8x128xi32, #tpu.memory_space<hbm>>
    tpu.enqueue_dma source(%dma_start3A_52 : memref<8x128xi32, #tpu.memory_space<hbm>>) target(%dma_start3A_48 : memref<8x128xi32, #tpu.memory_space<vmem>>) target_semaphore(%arg16 : memref<!tpu.dma_semaphore, #tpu.memory_space<semaphore_mem>>)
    %dma_start3A_53 = arith.constant 0 : i32
    %dma_start3A_54 = arith.constant 0 : i32
    %dma_start3A_55 = arith.constant 0 : i32
    %dma_start3A_56 = arith.constant 0 : i32
    %dma_start3A_57 = tpu.memref_slice %arg10[%dma_start3A_55, %dma_start3A_56] : memref<2x1024xi32, #tpu.memory_space<vmem>> -> memref<1x128xi32, #tpu.memory_space<vmem>>
    %dma_start3A_58 = tpu.memref_squeeze %dma_start3A_57 : memref<1x128xi32, #tpu.memory_space<vmem>> -> memref<128xi32, #tpu.memory_space<vmem>>
    %dma_start3A_59 = arith.constant 0 : i32
    %dma_start3A_60 = tpu.memref_slice %arg3[%dma_start3A_53, %add3A, %dma_start3A_54, %dma_start3A_59] : memref<25x32x8x128xi32, #tpu.memory_space<hbm>> -> memref<1x1x1x128xi32, #tpu.memory_space<hbm>>
    %dma_start3A_61 = tpu.memref_squeeze %dma_start3A_60 : memref<1x1x1x128xi32, #tpu.memory_space<hbm>> -> memref<128xi32, #tpu.memory_space<hbm>>
    %dma_start3A_62 = arith.constant 0 : i32
    %dma_start3A_63 = tpu.memref_slice %arg10[%dma_start3A_55, %dma_start3A_62] : memref<2x1024xi32, #tpu.memory_space<vmem>> -> memref<1x128xi32, #tpu.memory_space<vmem>>
    %dma_start3A_64 = tpu.memref_squeeze %dma_start3A_63 : memref<1x128xi32, #tpu.memory_space<vmem>> -> memref<128xi32, #tpu.memory_space<vmem>>
    %dma_start3A_65 = arith.constant 0 : i32
    %dma_start3A_66 = tpu.memref_slice %arg3[%dma_start3A_53, %add3A, %dma_start3A_54, %dma_start3A_65] : memref<25x32x8x128xi32, #tpu.memory_space<hbm>> -> memref<1x1x1x128xi32, #tpu.memory_space<hbm>>
    %dma_start3A_67 = tpu.memref_squeeze %dma_start3A_66 : memref<1x1x1x128xi32, #tpu.memory_space<hbm>> -> memref<128xi32, #tpu.memory_space<hbm>>
    tpu.enqueue_dma source(%dma_start3A_67 : memref<128xi32, #tpu.memory_space<hbm>>) target(%dma_start3A_64 : memref<128xi32, #tpu.memory_space<vmem>>) target_semaphore(%arg16 : memref<!tpu.dma_semaphore, #tpu.memory_space<semaphore_mem>>)
    %dma_start3A_68 = arith.constant 0 : i32
    %dma_start3A_69 = arith.constant 1 : i32
    %dma_start3A_70 = arith.constant 0 : i32
    %dma_start3A_71 = arith.constant 128 : i32
    %dma_start3A_72 = tpu.memref_slice %arg10[%dma_start3A_70, %dma_start3A_71] : memref<2x1024xi32, #tpu.memory_space<vmem>> -> memref<1x128xi32, #tpu.memory_space<vmem>>
    %dma_start3A_73 = tpu.memref_squeeze %dma_start3A_72 : memref<1x128xi32, #tpu.memory_space<vmem>> -> memref<128xi32, #tpu.memory_space<vmem>>
    %dma_start3A_74 = arith.constant 0 : i32
    %dma_start3A_75 = tpu.memref_slice %arg3[%dma_start3A_68, %add3A, %dma_start3A_69, %dma_start3A_74] : memref<25x32x8x128xi32, #tpu.memory_space<hbm>> -> memref<1x1x1x128xi32, #tpu.memory_space<hbm>>
    %dma_start3A_76 = tpu.memref_squeeze %dma_start3A_75 : memref<1x1x1x128xi32, #tpu.memory_space<hbm>> -> memref<128xi32, #tpu.memory_space<hbm>>
    %dma_start3A_77 = arith.constant 128 : i32
    %dma_start3A_78 = tpu.memref_slice %arg10[%dma_start3A_70, %dma_start3A_77] : memref<2x1024xi32, #tpu.memory_space<vmem>> -> memref<1x128xi32, #tpu.memory_space<vmem>>
    %dma_start3A_79 = tpu.memref_squeeze %dma_start3A_78 : memref<1x128xi32, #tpu.memory_space<vmem>> -> memref<128xi32, #tpu.memory_space<vmem>>
    %dma_start3A_80 = arith.constant 0 : i32
    %dma_start3A_81 = tpu.memref_slice %arg3[%dma_start3A_68, %add3A, %dma_start3A_69, %dma_start3A_80] : memref<25x32x8x128xi32, #tpu.memory_space<hbm>> -> memref<1x1x1x128xi32, #tpu.memory_space<hbm>>
    %dma_start3A_82 = tpu.memref_squeeze %dma_start3A_81 : memref<1x1x1x128xi32, #tpu.memory_space<hbm>> -> memref<128xi32, #tpu.memory_space<hbm>>
    tpu.enqueue_dma source(%dma_start3A_82 : memref<128xi32, #tpu.memory_space<hbm>>) target(%dma_start3A_79 : memref<128xi32, #tpu.memory_space<vmem>>) target_semaphore(%arg16 : memref<!tpu.dma_semaphore, #tpu.memory_space<semaphore_mem>>)
    %dma_start3A_83 = arith.constant 0 : i32
    %dma_start3A_84 = arith.constant 2 : i32
    %dma_start3A_85 = arith.constant 0 : i32
    %dma_start3A_86 = arith.constant 256 : i32
    %dma_start3A_87 = tpu.memref_slice %arg10[%dma_start3A_85, %dma_start3A_86] : memref<2x1024xi32, #tpu.memory_space<vmem>> -> memref<1x128xi32, #tpu.memory_space<vmem>>
    %dma_start3A_88 = tpu.memref_squeeze %dma_start3A_87 : memref<1x128xi32, #tpu.memory_space<vmem>> -> memref<128xi32, #tpu.memory_space<vmem>>
    %dma_start3A_89 = arith.constant 0 : i32
    %dma_start3A_90 = tpu.memref_slice %arg3[%dma_start3A_83, %add3A, %dma_start3A_84, %dma_start3A_89] : memref<25x32x8x128xi32, #tpu.memory_space<hbm>> -> memref<1x1x1x128xi32, #tpu.memory_space<hbm>>
    %dma_start3A_91 = tpu.memref_squeeze %dma_start3A_90 : memref<1x1x1x128xi32, #tpu.memory_space<hbm>> -> memref<128xi32, #tpu.memory_space<hbm>>
    %dma_start3A_92 = arith.constant 256 : i32
    %dma_start3A_93 = tpu.memref_slice %arg10[%dma_start3A_85, %dma_start3A_92] : memref<2x1024xi32, #tpu.memory_space<vmem>> -> memref<1x128xi32, #tpu.memory_space<vmem>>
    %dma_start3A_94 = tpu.memref_squeeze %dma_start3A_93 : memref<1x128xi32, #tpu.memory_space<vmem>> -> memref<128xi32, #tpu.memory_space<vmem>>
    %dma_start3A_95 = arith.constant 0 : i32
    %dma_start3A_96 = tpu.memref_slice %arg3[%dma_start3A_83, %add3A, %dma_start3A_84, %dma_start3A_95] : memref<25x32x8x128xi32, #tpu.memory_space<hbm>> -> memref<1x1x1x128xi32, #tpu.memory_space<hbm>>
    %dma_start3A_97 = tpu.memref_squeeze %dma_start3A_96 : memref<1x1x1x128xi32, #tpu.memory_space<hbm>> -> memref<128xi32, #tpu.memory_space<hbm>>
    tpu.enqueue_dma source(%dma_start3A_97 : memref<128xi32, #tpu.memory_space<hbm>>) target(%dma_start3A_94 : memref<128xi32, #tpu.memory_space<vmem>>) target_semaphore(%arg16 : memref<!tpu.dma_semaphore, #tpu.memory_space<semaphore_mem>>)
    %dma_start3A_98 = arith.constant 0 : i32
    %dma_start3A_99 = arith.constant 3 : i32
    %dma_start3A_100 = arith.constant 0 : i32
    %dma_start3A_101 = arith.constant 384 : i32
    %dma_start3A_102 = tpu.memref_slice %arg10[%dma_start3A_100, %dma_start3A_101] : memref<2x1024xi32, #tpu.memory_space<vmem>> -> memref<1x128xi32, #tpu.memory_space<vmem>>
    %dma_start3A_103 = tpu.memref_squeeze %dma_start3A_102 : memref<1x128xi32, #tpu.memory_space<vmem>> -> memref<128xi32, #tpu.memory_space<vmem>>
    %dma_start3A_104 = arith.constant 0 : i32
    %dma_start3A_105 = tpu.memref_slice %arg3[%dma_start3A_98, %add3A, %dma_start3A_99, %dma_start3A_104] : memref<25x32x8x128xi32, #tpu.memory_space<hbm>> -> memref<1x1x1x128xi32, #tpu.memory_space<hbm>>
    %dma_start3A_106 = tpu.memref_squeeze %dma_start3A_105 : memref<1x1x1x128xi32, #tpu.memory_space<hbm>> -> memref<128xi32, #tpu.memory_space<hbm>>
    %dma_start3A_107 = arith.constant 384 : i32
    %dma_start3A_108 = tpu.memref_slice %arg10[%dma_start3A_100, %dma_start3A_107] : memref<2x1024xi32, #tpu.memory_space<vmem>> -> memref<1x128xi32, #tpu.memory_space<vmem>>
    %dma_start3A_109 = tpu.memref_squeeze %dma_start3A_108 : memref<1x128xi32, #tpu.memory_space<vmem>> -> memref<128xi32, #tpu.memory_space<vmem>>
    %dma_start3A_110 = arith.constant 0 : i32
    %dma_start3A_111 = tpu.memref_slice %arg3[%dma_start3A_98, %add3A, %dma_start3A_99, %dma_start3A_110] : memref<25x32x8x128xi32, #tpu.memory_space<hbm>> -> memref<1x1x1x128xi32, #tpu.memory_space<hbm>>
    %dma_start3A_112 = tpu.memref_squeeze %dma_start3A_111 : memref<1x1x1x128xi32, #tpu.memory_space<hbm>> -> memref<128xi32, #tpu.memory_space<hbm>>
    tpu.enqueue_dma source(%dma_start3A_112 : memref<128xi32, #tpu.memory_space<hbm>>) target(%dma_start3A_109 : memref<128xi32, #tpu.memory_space<vmem>>) target_semaphore(%arg16 : memref<!tpu.dma_semaphore, #tpu.memory_space<semaphore_mem>>)
    %dma_start3A_113 = arith.constant 0 : i32
    %dma_start3A_114 = arith.constant 4 : i32
    %dma_start3A_115 = arith.constant 0 : i32
    %dma_start3A_116 = arith.constant 512 : i32
    %dma_start3A_117 = tpu.memref_slice %arg10[%dma_start3A_115, %dma_start3A_116] : memref<2x1024xi32, #tpu.memory_space<vmem>> -> memref<1x128xi32, #tpu.memory_space<vmem>>
    %dma_start3A_118 = tpu.memref_squeeze %dma_start3A_117 : memref<1x128xi32, #tpu.memory_space<vmem>> -> memref<128xi32, #tpu.memory_space<vmem>>
    %dma_start3A_119 = arith.constant 0 : i32
    %dma_start3A_120 = tpu.memref_slice %arg3[%dma_start3A_113, %add3A, %dma_start3A_114, %dma_start3A_119] : memref<25x32x8x128xi32, #tpu.memory_space<hbm>> -> memref<1x1x1x128xi32, #tpu.memory_space<hbm>>
    %dma_start3A_121 = tpu.memref_squeeze %dma_start3A_120 : memref<1x1x1x128xi32, #tpu.memory_space<hbm>> -> memref<128xi32, #tpu.memory_space<hbm>>
    %dma_start3A_122 = arith.constant 512 : i32
    %dma_start3A_123 = tpu.memref_slice %arg10[%dma_start3A_115, %dma_start3A_122] : memref<2x1024xi32, #tpu.memory_space<vmem>> -> memref<1x128xi32, #tpu.memory_space<vmem>>
    %dma_start3A_124 = tpu.memref_squeeze %dma_start3A_123 : memref<1x128xi32, #tpu.memory_space<vmem>> -> memref<128xi32, #tpu.memory_space<vmem>>
    %dma_start3A_125 = arith.constant 0 : i32
    %dma_start3A_126 = tpu.memref_slice %arg3[%dma_start3A_113, %add3A, %dma_start3A_114, %dma_start3A_125] : memref<25x32x8x128xi32, #tpu.memory_space<hbm>> -> memref<1x1x1x128xi32, #tpu.memory_space<hbm>>
    %dma_start3A_127 = tpu.memref_squeeze %dma_start3A_126 : memref<1x1x1x128xi32, #tpu.memory_space<hbm>> -> memref<128xi32, #tpu.memory_space<hbm>>
    tpu.enqueue_dma source(%dma_start3A_127 : memref<128xi32, #tpu.memory_space<hbm>>) target(%dma_start3A_124 : memref<128xi32, #tpu.memory_space<vmem>>) target_semaphore(%arg16 : memref<!tpu.dma_semaphore, #tpu.memory_space<semaphore_mem>>)
    %dma_start3A_128 = arith.constant 0 : i32
    %dma_start3A_129 = arith.constant 5 : i32
    %dma_start3A_130 = arith.constant 0 : i32
    %dma_start3A_131 = arith.constant 640 : i32
    %dma_start3A_132 = tpu.memref_slice %arg10[%dma_start3A_130, %dma_start3A_131] : memref<2x1024xi32, #tpu.memory_space<vmem>> -> memref<1x128xi32, #tpu.memory_space<vmem>>
    %dma_start3A_133 = tpu.memref_squeeze %dma_start3A_132 : memref<1x128xi32, #tpu.memory_space<vmem>> -> memref<128xi32, #tpu.memory_space<vmem>>
    %dma_start3A_134 = arith.constant 0 : i32
    %dma_start3A_135 = tpu.memref_slice %arg3[%dma_start3A_128, %add3A, %dma_start3A_129, %dma_start3A_134] : memref<25x32x8x128xi32, #tpu.memory_space<hbm>> -> memref<1x1x1x128xi32, #tpu.memory_space<hbm>>
    %dma_start3A_136 = tpu.memref_squeeze %dma_start3A_135 : memref<1x1x1x128xi32, #tpu.memory_space<hbm>> -> memref<128xi32, #tpu.memory_space<hbm>>
    %dma_start3A_137 = arith.constant 640 : i32
    %dma_start3A_138 = tpu.memref_slice %arg10[%dma_start3A_130, %dma_start3A_137] : memref<2x1024xi32, #tpu.memory_space<vmem>> -> memref<1x128xi32, #tpu.memory_space<vmem>>
    %dma_start3A_139 = tpu.memref_squeeze %dma_start3A_138 : memref<1x128xi32, #tpu.memory_space<vmem>> -> memref<128xi32, #tpu.memory_space<vmem>>
    %dma_start3A_140 = arith.constant 0 : i32
    %dma_start3A_141 = tpu.memref_slice %arg3[%dma_start3A_128, %add3A, %dma_start3A_129, %dma_start3A_140] : memref<25x32x8x128xi32, #tpu.memory_space<hbm>> -> memref<1x1x1x128xi32, #tpu.memory_space<hbm>>
    %dma_start3A_142 = tpu.memref_squeeze %dma_start3A_141 : memref<1x1x1x128xi32, #tpu.memory_space<hbm>> -> memref<128xi32, #tpu.memory_space<hbm>>
    tpu.enqueue_dma source(%dma_start3A_142 : memref<128xi32, #tpu.memory_space<hbm>>) target(%dma_start3A_139 : memref<128xi32, #tpu.memory_space<vmem>>) target_semaphore(%arg16 : memref<!tpu.dma_semaphore, #tpu.memory_space<semaphore_mem>>)
    %dma_start3A_143 = arith.constant 0 : i32
    %dma_start3A_144 = arith.constant 6 : i32
    %dma_start3A_145 = arith.constant 0 : i32
    %dma_start3A_146 = arith.constant 768 : i32
    %dma_start3A_147 = tpu.memref_slice %arg10[%dma_start3A_145, %dma_start3A_146] : memref<2x1024xi32, #tpu.memory_space<vmem>> -> memref<1x128xi32, #tpu.memory_space<vmem>>
    %dma_start3A_148 = tpu.memref_squeeze %dma_start3A_147 : memref<1x128xi32, #tpu.memory_space<vmem>> -> memref<128xi32, #tpu.memory_space<vmem>>
    %dma_start3A_149 = arith.constant 0 : i32
    %dma_start3A_150 = tpu.memref_slice %arg3[%dma_start3A_143, %add3A, %dma_start3A_144, %dma_start3A_149] : memref<25x32x8x128xi32, #tpu.memory_space<hbm>> -> memref<1x1x1x128xi32, #tpu.memory_space<hbm>>
    %dma_start3A_151 = tpu.memref_squeeze %dma_start3A_150 : memref<1x1x1x128xi32, #tpu.memory_space<hbm>> -> memref<128xi32, #tpu.memory_space<hbm>>
    %dma_start3A_152 = arith.constant 768 : i32
    %dma_start3A_153 = tpu.memref_slice %arg10[%dma_start3A_145, %dma_start3A_152] : memref<2x1024xi32, #tpu.memory_space<vmem>> -> memref<1x128xi32, #tpu.memory_space<vmem>>
    %dma_start3A_154 = tpu.memref_squeeze %dma_start3A_153 : memref<1x128xi32, #tpu.memory_space<vmem>> -> memref<128xi32, #tpu.memory_space<vmem>>
    %dma_start3A_155 = arith.constant 0 : i32
    %dma_start3A_156 = tpu.memref_slice %arg3[%dma_start3A_143, %add3A, %dma_start3A_144, %dma_start3A_155] : memref<25x32x8x128xi32, #tpu.memory_space<hbm>> -> memref<1x1x1x128xi32, #tpu.memory_space<hbm>>
    %dma_start3A_157 = tpu.memref_squeeze %dma_start3A_156 : memref<1x1x1x128xi32, #tpu.memory_space<hbm>> -> memref<128xi32, #tpu.memory_space<hbm>>
    tpu.enqueue_dma source(%dma_start3A_157 : memref<128xi32, #tpu.memory_space<hbm>>) target(%dma_start3A_154 : memref<128xi32, #tpu.memory_space<vmem>>) target_semaphore(%arg16 : memref<!tpu.dma_semaphore, #tpu.memory_space<semaphore_mem>>)
    %dma_start3A_158 = arith.constant 0 : i32
    %dma_start3A_159 = arith.constant 7 : i32
    %dma_start3A_160 = arith.constant 0 : i32
    %dma_start3A_161 = arith.constant 896 : i32
    %dma_start3A_162 = tpu.memref_slice %arg10[%dma_start3A_160, %dma_start3A_161] : memref<2x1024xi32, #tpu.memory_space<vmem>> -> memref<1x128xi32, #tpu.memory_space<vmem>>
    %dma_start3A_163 = tpu.memref_squeeze %dma_start3A_162 : memref<1x128xi32, #tpu.memory_space<vmem>> -> memref<128xi32, #tpu.memory_space<vmem>>
    %dma_start3A_164 = arith.constant 0 : i32
    %dma_start3A_165 = tpu.memref_slice %arg3[%dma_start3A_158, %add3A, %dma_start3A_159, %dma_start3A_164] : memref<25x32x8x128xi32, #tpu.memory_space<hbm>> -> memref<1x1x1x128xi32, #tpu.memory_space<hbm>>
    %dma_start3A_166 = tpu.memref_squeeze %dma_start3A_165 : memref<1x1x1x128xi32, #tpu.memory_space<hbm>> -> memref<128xi32, #tpu.memory_space<hbm>>
    %dma_start3A_167 = arith.constant 896 : i32
    %dma_start3A_168 = tpu.memref_slice %arg10[%dma_start3A_160, %dma_start3A_167] : memref<2x1024xi32, #tpu.memory_space<vmem>> -> memref<1x128xi32, #tpu.memory_space<vmem>>
    %dma_start3A_169 = tpu.memref_squeeze %dma_start3A_168 : memref<1x128xi32, #tpu.memory_space<vmem>> -> memref<128xi32, #tpu.memory_space<vmem>>
    %dma_start3A_170 = arith.constant 0 : i32
    %dma_start3A_171 = tpu.memref_slice %arg3[%dma_start3A_158, %add3A, %dma_start3A_159, %dma_start3A_170] : memref<25x32x8x128xi32, #tpu.memory_space<hbm>> -> memref<1x1x1x128xi32, #tpu.memory_space<hbm>>
    %dma_start3A_172 = tpu.memref_squeeze %dma_start3A_171 : memref<1x1x1x128xi32, #tpu.memory_space<hbm>> -> memref<128xi32, #tpu.memory_space<hbm>>
    tpu.enqueue_dma source(%dma_start3A_172 : memref<128xi32, #tpu.memory_space<hbm>>) target(%dma_start3A_169 : memref<128xi32, #tpu.memory_space<vmem>>) target_semaphore(%arg16 : memref<!tpu.dma_semaphore, #tpu.memory_space<semaphore_mem>>)
    %dma_start3A_173 = arith.constant 1 : i32
    %dma_start3A_174 = arith.constant 1 : i32
    %dma_start3A_175 = arith.constant 0 : i32
    %dma_start3A_176 = arith.constant 0 : i32
    %dma_start3A_177 = tpu.memref_slice %arg9[%dma_start3A_174, %dma_start3A_175, %dma_start3A_176] : memref<2x8x128xi32, #tpu.memory_space<vmem>> -> memref<1x8x128xi32, #tpu.memory_space<vmem>>
    %dma_start3A_178 = tpu.memref_squeeze %dma_start3A_177 : memref<1x8x128xi32, #tpu.memory_space<vmem>> -> memref<8x128xi32, #tpu.memory_space<vmem>>
    %dma_start3A_179 = arith.constant 0 : i32
    %dma_start3A_180 = arith.constant 0 : i32
    %dma_start3A_181 = tpu.memref_slice %arg2[%dma_start3A_173, %add3A, %dma_start3A_179, %dma_start3A_180] : memref<25x32x8x128xi32, #tpu.memory_space<hbm>> -> memref<1x1x8x128xi32, #tpu.memory_space<hbm>>
    %dma_start3A_182 = tpu.memref_squeeze %dma_start3A_181 : memref<1x1x8x128xi32, #tpu.memory_space<hbm>> -> memref<8x128xi32, #tpu.memory_space<hbm>>
    %dma_start3A_183 = arith.constant 0 : i32
    %dma_start3A_184 = arith.constant 0 : i32
    %dma_start3A_185 = tpu.memref_slice %arg9[%dma_start3A_174, %dma_start3A_183, %dma_start3A_184] : memref<2x8x128xi32, #tpu.memory_space<vmem>> -> memref<1x8x128xi32, #tpu.memory_space<vmem>>
    %dma_start3A_186 = tpu.memref_squeeze %dma_start3A_185 : memref<1x8x128xi32, #tpu.memory_space<vmem>> -> memref<8x128xi32, #tpu.memory_space<vmem>>
    %dma_start3A_187 = arith.constant 0 : i32
    %dma_start3A_188 = arith.constant 0 : i32
    %dma_start3A_189 = tpu.memref_slice %arg2[%dma_start3A_173, %add3A, %dma_start3A_187, %dma_start3A_188] : memref<25x32x8x128xi32, #tpu.memory_space<hbm>> -> memref<1x1x8x128xi32, #tpu.memory_space<hbm>>
    %dma_start3A_190 = tpu.memref_squeeze %dma_start3A_189 : memref<1x1x8x128xi32, #tpu.memory_space<hbm>> -> memref<8x128xi32, #tpu.memory_space<hbm>>
    tpu.enqueue_dma source(%dma_start3A_190 : memref<8x128xi32, #tpu.memory_space<hbm>>) target(%dma_start3A_186 : memref<8x128xi32, #tpu.memory_space<vmem>>) target_semaphore(%arg16 : memref<!tpu.dma_semaphore, #tpu.memory_space<semaphore_mem>>)
    %dma_start3A_191 = arith.constant 1 : i32
    %dma_start3A_192 = arith.constant 1 : i32
    %dma_start3A_193 = arith.constant 0 : i32
    %dma_start3A_194 = arith.constant 0 : i32
    %dma_start3A_195 = tpu.memref_slice %arg11[%dma_start3A_192, %dma_start3A_193, %dma_start3A_194] : memref<2x8x128xi32, #tpu.memory_space<vmem>> -> memref<1x8x128xi32, #tpu.memory_space<vmem>>
    %dma_start3A_196 = tpu.memref_squeeze %dma_start3A_195 : memref<1x8x128xi32, #tpu.memory_space<vmem>> -> memref<8x128xi32, #tpu.memory_space<vmem>>
    %dma_start3A_197 = arith.constant 0 : i32
    %dma_start3A_198 = arith.constant 0 : i32
    %dma_start3A_199 = tpu.memref_slice %arg4[%dma_start3A_191, %add3A, %dma_start3A_197, %dma_start3A_198] : memref<25x32x8x128xi32, #tpu.memory_space<hbm>> -> memref<1x1x8x128xi32, #tpu.memory_space<hbm>>
    %dma_start3A_200 = tpu.memref_squeeze %dma_start3A_199 : memref<1x1x8x128xi32, #tpu.memory_space<hbm>> -> memref<8x128xi32, #tpu.memory_space<hbm>>
    %dma_start3A_201 = arith.constant 0 : i32
    %dma_start3A_202 = arith.constant 0 : i32
    %dma_start3A_203 = tpu.memref_slice %arg11[%dma_start3A_192, %dma_start3A_201, %dma_start3A_202] : memref<2x8x128xi32, #tpu.memory_space<vmem>> -> memref<1x8x128xi32, #tpu.memory_space<vmem>>
    %dma_start3A_204 = tpu.memref_squeeze %dma_start3A_203 : memref<1x8x128xi32, #tpu.memory_space<vmem>> -> memref<8x128xi32, #tpu.memory_space<vmem>>
    %dma_start3A_205 = arith.constant 0 : i32
    %dma_start3A_206 = arith.constant 0 : i32
    %dma_start3A_207 = tpu.memref_slice %arg4[%dma_start3A_191, %add3A, %dma_start3A_205, %dma_start3A_206] : memref<25x32x8x128xi32, #tpu.memory_space<hbm>> -> memref<1x1x8x128xi32, #tpu.memory_space<hbm>>
    %dma_start3A_208 = tpu.memref_squeeze %dma_start3A_207 : memref<1x1x8x128xi32, #tpu.memory_space<hbm>> -> memref<8x128xi32, #tpu.memory_space<hbm>>
    tpu.enqueue_dma source(%dma_start3A_208 : memref<8x128xi32, #tpu.memory_space<hbm>>) target(%dma_start3A_204 : memref<8x128xi32, #tpu.memory_space<vmem>>) target_semaphore(%arg16 : memref<!tpu.dma_semaphore, #tpu.memory_space<semaphore_mem>>)
    %dma_start3A_209 = arith.constant 1 : i32
    %dma_start3A_210 = arith.constant 0 : i32
    %dma_start3A_211 = arith.constant 1 : i32
    %dma_start3A_212 = arith.constant 0 : i32
    %dma_start3A_213 = tpu.memref_slice %arg10[%dma_start3A_211, %dma_start3A_212] : memref<2x1024xi32, #tpu.memory_space<vmem>> -> memref<1x128xi32, #tpu.memory_space<vmem>>
    %dma_start3A_214 = tpu.memref_squeeze %dma_start3A_213 : memref<1x128xi32, #tpu.memory_space<vmem>> -> memref<128xi32, #tpu.memory_space<vmem>>
    %dma_start3A_215 = arith.constant 0 : i32
    %dma_start3A_216 = tpu.memref_slice %arg3[%dma_start3A_209, %add3A, %dma_start3A_210, %dma_start3A_215] : memref<25x32x8x128xi32, #tpu.memory_space<hbm>> -> memref<1x1x1x128xi32, #tpu.memory_space<hbm>>
    %dma_start3A_217 = tpu.memref_squeeze %dma_start3A_216 : memref<1x1x1x128xi32, #tpu.memory_space<hbm>> -> memref<128xi32, #tpu.memory_space<hbm>>
    %dma_start3A_218 = arith.constant 0 : i32
    %dma_start3A_219 = tpu.memref_slice %arg10[%dma_start3A_211, %dma_start3A_218] : memref<2x1024xi32, #tpu.memory_space<vmem>> -> memref<1x128xi32, #tpu.memory_space<vmem>>
    %dma_start3A_220 = tpu.memref_squeeze %dma_start3A_219 : memref<1x128xi32, #tpu.memory_space<vmem>> -> memref<128xi32, #tpu.memory_space<vmem>>
    %dma_start3A_221 = arith.constant 0 : i32
    %dma_start3A_222 = tpu.memref_slice %arg3[%dma_start3A_209, %add3A, %dma_start3A_210, %dma_start3A_221] : memref<25x32x8x128xi32, #tpu.memory_space<hbm>> -> memref<1x1x1x128xi32, #tpu.memory_space<hbm>>
    %dma_start3A_223 = tpu.memref_squeeze %dma_start3A_222 : memref<1x1x1x128xi32, #tpu.memory_space<hbm>> -> memref<128xi32, #tpu.memory_space<hbm>>
    tpu.enqueue_dma source(%dma_start3A_223 : memref<128xi32, #tpu.memory_space<hbm>>) target(%dma_start3A_220 : memref<128xi32, #tpu.memory_space<vmem>>) target_semaphore(%arg16 : memref<!tpu.dma_semaphore, #tpu.memory_space<semaphore_mem>>)
    %dma_start3A_224 = arith.constant 1 : i32
    %dma_start3A_225 = arith.constant 1 : i32
    %dma_start3A_226 = arith.constant 1 : i32
    %dma_start3A_227 = arith.constant 128 : i32
    %dma_start3A_228 = tpu.memref_slice %arg10[%dma_start3A_226, %dma_start3A_227] : memref<2x1024xi32, #tpu.memory_space<vmem>> -> memref<1x128xi32, #tpu.memory_space<vmem>>
    %dma_start3A_229 = tpu.memref_squeeze %dma_start3A_228 : memref<1x128xi32, #tpu.memory_space<vmem>> -> memref<128xi32, #tpu.memory_space<vmem>>
    %dma_start3A_230 = arith.constant 0 : i32
    %dma_start3A_231 = tpu.memref_slice %arg3[%dma_start3A_224, %add3A, %dma_start3A_225, %dma_start3A_230] : memref<25x32x8x128xi32, #tpu.memory_space<hbm>> -> memref<1x1x1x128xi32, #tpu.memory_space<hbm>>
    %dma_start3A_232 = tpu.memref_squeeze %dma_start3A_231 : memref<1x1x1x128xi32, #tpu.memory_space<hbm>> -> memref<128xi32, #tpu.memory_space<hbm>>
    %dma_start3A_233 = arith.constant 128 : i32
    %dma_start3A_234 = tpu.memref_slice %arg10[%dma_start3A_226, %dma_start3A_233] : memref<2x1024xi32, #tpu.memory_space<vmem>> -> memref<1x128xi32, #tpu.memory_space<vmem>>
    %dma_start3A_235 = tpu.memref_squeeze %dma_start3A_234 : memref<1x128xi32, #tpu.memory_space<vmem>> -> memref<128xi32, #tpu.memory_space<vmem>>
    %dma_start3A_236 = arith.constant 0 : i32
    %dma_start3A_237 = tpu.memref_slice %arg3[%dma_start3A_224, %add3A, %dma_start3A_225, %dma_start3A_236] : memref<25x32x8x128xi32, #tpu.memory_space<hbm>> -> memref<1x1x1x128xi32, #tpu.memory_space<hbm>>
    %dma_start3A_238 = tpu.memref_squeeze %dma_start3A_237 : memref<1x1x1x128xi32, #tpu.memory_space<hbm>> -> memref<128xi32, #tpu.memory_space<hbm>>
    tpu.enqueue_dma source(%dma_start3A_238 : memref<128xi32, #tpu.memory_space<hbm>>) target(%dma_start3A_235 : memref<128xi32, #tpu.memory_space<vmem>>) target_semaphore(%arg16 : memref<!tpu.dma_semaphore, #tpu.memory_space<semaphore_mem>>)
    %dma_start3A_239 = arith.constant 1 : i32
    %dma_start3A_240 = arith.constant 2 : i32
    %dma_start3A_241 = arith.constant 1 : i32
    %dma_start3A_242 = arith.constant 256 : i32
    %dma_start3A_243 = tpu.memref_slice %arg10[%dma_start3A_241, %dma_start3A_242] : memref<2x1024xi32, #tpu.memory_space<vmem>> -> memref<1x128xi32, #tpu.memory_space<vmem>>
    %dma_start3A_244 = tpu.memref_squeeze %dma_start3A_243 : memref<1x128xi32, #tpu.memory_space<vmem>> -> memref<128xi32, #tpu.memory_space<vmem>>
    %dma_start3A_245 = arith.constant 0 : i32
    %dma_start3A_246 = tpu.memref_slice %arg3[%dma_start3A_239, %add3A, %dma_start3A_240, %dma_start3A_245] : memref<25x32x8x128xi32, #tpu.memory_space<hbm>> -> memref<1x1x1x128xi32, #tpu.memory_space<hbm>>
    %dma_start3A_247 = tpu.memref_squeeze %dma_start3A_246 : memref<1x1x1x128xi32, #tpu.memory_space<hbm>> -> memref<128xi32, #tpu.memory_space<hbm>>
    %dma_start3A_248 = arith.constant 256 : i32
    %dma_start3A_249 = tpu.memref_slice %arg10[%dma_start3A_241, %dma_start3A_248] : memref<2x1024xi32, #tpu.memory_space<vmem>> -> memref<1x128xi32, #tpu.memory_space<vmem>>
    %dma_start3A_250 = tpu.memref_squeeze %dma_start3A_249 : memref<1x128xi32, #tpu.memory_space<vmem>> -> memref<128xi32, #tpu.memory_space<vmem>>
    %dma_start3A_251 = arith.constant 0 : i32
    %dma_start3A_252 = tpu.memref_slice %arg3[%dma_start3A_239, %add3A, %dma_start3A_240, %dma_start3A_251] : memref<25x32x8x128xi32, #tpu.memory_space<hbm>> -> memref<1x1x1x128xi32, #tpu.memory_space<hbm>>
    %dma_start3A_253 = tpu.memref_squeeze %dma_start3A_252 : memref<1x1x1x128xi32, #tpu.memory_space<hbm>> -> memref<128xi32, #tpu.memory_space<hbm>>
    tpu.enqueue_dma source(%dma_start3A_253 : memref<128xi32, #tpu.memory_space<hbm>>) target(%dma_start3A_250 : memref<128xi32, #tpu.memory_space<vmem>>) target_semaphore(%arg16 : memref<!tpu.dma_semaphore, #tpu.memory_space<semaphore_mem>>)
    %dma_start3A_254 = arith.constant 1 : i32
    %dma_start3A_255 = arith.constant 3 : i32
    %dma_start3A_256 = arith.constant 1 : i32
    %dma_start3A_257 = arith.constant 384 : i32
    %dma_start3A_258 = tpu.memref_slice %arg10[%dma_start3A_256, %dma_start3A_257] : memref<2x1024xi32, #tpu.memory_space<vmem>> -> memref<1x128xi32, #tpu.memory_space<vmem>>
    %dma_start3A_259 = tpu.memref_squeeze %dma_start3A_258 : memref<1x128xi32, #tpu.memory_space<vmem>> -> memref<128xi32, #tpu.memory_space<vmem>>
    %dma_start3A_260 = arith.constant 0 : i32
    %dma_start3A_261 = tpu.memref_slice %arg3[%dma_start3A_254, %add3A, %dma_start3A_255, %dma_start3A_260] : memref<25x32x8x128xi32, #tpu.memory_space<hbm>> -> memref<1x1x1x128xi32, #tpu.memory_space<hbm>>
    %dma_start3A_262 = tpu.memref_squeeze %dma_start3A_261 : memref<1x1x1x128xi32, #tpu.memory_space<hbm>> -> memref<128xi32, #tpu.memory_space<hbm>>
    %dma_start3A_263 = arith.constant 384 : i32
    %dma_start3A_264 = tpu.memref_slice %arg10[%dma_start3A_256, %dma_start3A_263] : memref<2x1024xi32, #tpu.memory_space<vmem>> -> memref<1x128xi32, #tpu.memory_space<vmem>>
    %dma_start3A_265 = tpu.memref_squeeze %dma_start3A_264 : memref<1x128xi32, #tpu.memory_space<vmem>> -> memref<128xi32, #tpu.memory_space<vmem>>
    %dma_start3A_266 = arith.constant 0 : i32
    %dma_start3A_267 = tpu.memref_slice %arg3[%dma_start3A_254, %add3A, %dma_start3A_255, %dma_start3A_266] : memref<25x32x8x128xi32, #tpu.memory_space<hbm>> -> memref<1x1x1x128xi32, #tpu.memory_space<hbm>>
    %dma_start3A_268 = tpu.memref_squeeze %dma_start3A_267 : memref<1x1x1x128xi32, #tpu.memory_space<hbm>> -> memref<128xi32, #tpu.memory_space<hbm>>
    tpu.enqueue_dma source(%dma_start3A_268 : memref<128xi32, #tpu.memory_space<hbm>>) target(%dma_start3A_265 : memref<128xi32, #tpu.memory_space<vmem>>) target_semaphore(%arg16 : memref<!tpu.dma_semaphore, #tpu.memory_space<semaphore_mem>>)
    %dma_start3A_269 = arith.constant 1 : i32
    %dma_start3A_270 = arith.constant 4 : i32
    %dma_start3A_271 = arith.constant 1 : i32
    %dma_start3A_272 = arith.constant 512 : i32
    %dma_start3A_273 = tpu.memref_slice %arg10[%dma_start3A_271, %dma_start3A_272] : memref<2x1024xi32, #tpu.memory_space<vmem>> -> memref<1x128xi32, #tpu.memory_space<vmem>>
    %dma_start3A_274 = tpu.memref_squeeze %dma_start3A_273 : memref<1x128xi32, #tpu.memory_space<vmem>> -> memref<128xi32, #tpu.memory_space<vmem>>
    %dma_start3A_275 = arith.constant 0 : i32
    %dma_start3A_276 = tpu.memref_slice %arg3[%dma_start3A_269, %add3A, %dma_start3A_270, %dma_start3A_275] : memref<25x32x8x128xi32, #tpu.memory_space<hbm>> -> memref<1x1x1x128xi32, #tpu.memory_space<hbm>>
    %dma_start3A_277 = tpu.memref_squeeze %dma_start3A_276 : memref<1x1x1x128xi32, #tpu.memory_space<hbm>> -> memref<128xi32, #tpu.memory_space<hbm>>
    %dma_start3A_278 = arith.constant 512 : i32
    %dma_start3A_279 = tpu.memref_slice %arg10[%dma_start3A_271, %dma_start3A_278] : memref<2x1024xi32, #tpu.memory_space<vmem>> -> memref<1x128xi32, #tpu.memory_space<vmem>>
    %dma_start3A_280 = tpu.memref_squeeze %dma_start3A_279 : memref<1x128xi32, #tpu.memory_space<vmem>> -> memref<128xi32, #tpu.memory_space<vmem>>
    %dma_start3A_281 = arith.constant 0 : i32
    %dma_start3A_282 = tpu.memref_slice %arg3[%dma_start3A_269, %add3A, %dma_start3A_270, %dma_start3A_281] : memref<25x32x8x128xi32, #tpu.memory_space<hbm>> -> memref<1x1x1x128xi32, #tpu.memory_space<hbm>>
    %dma_start3A_283 = tpu.memref_squeeze %dma_start3A_282 : memref<1x1x1x128xi32, #tpu.memory_space<hbm>> -> memref<128xi32, #tpu.memory_space<hbm>>
    tpu.enqueue_dma source(%dma_start3A_283 : memref<128xi32, #tpu.memory_space<hbm>>) target(%dma_start3A_280 : memref<128xi32, #tpu.memory_space<vmem>>) target_semaphore(%arg16 : memref<!tpu.dma_semaphore, #tpu.memory_space<semaphore_mem>>)
    %dma_start3A_284 = arith.constant 1 : i32
    %dma_start3A_285 = arith.constant 5 : i32
    %dma_start3A_286 = arith.constant 1 : i32
    %dma_start3A_287 = arith.constant 640 : i32
    %dma_start3A_288 = tpu.memref_slice %arg10[%dma_start3A_286, %dma_start3A_287] : memref<2x1024xi32, #tpu.memory_space<vmem>> -> memref<1x128xi32, #tpu.memory_space<vmem>>
    %dma_start3A_289 = tpu.memref_squeeze %dma_start3A_288 : memref<1x128xi32, #tpu.memory_space<vmem>> -> memref<128xi32, #tpu.memory_space<vmem>>
    %dma_start3A_290 = arith.constant 0 : i32
    %dma_start3A_291 = tpu.memref_slice %arg3[%dma_start3A_284, %add3A, %dma_start3A_285, %dma_start3A_290] : memref<25x32x8x128xi32, #tpu.memory_space<hbm>> -> memref<1x1x1x128xi32, #tpu.memory_space<hbm>>
    %dma_start3A_292 = tpu.memref_squeeze %dma_start3A_291 : memref<1x1x1x128xi32, #tpu.memory_space<hbm>> -> memref<128xi32, #tpu.memory_space<hbm>>
    %dma_start3A_293 = arith.constant 640 : i32
    %dma_start3A_294 = tpu.memref_slice %arg10[%dma_start3A_286, %dma_start3A_293] : memref<2x1024xi32, #tpu.memory_space<vmem>> -> memref<1x128xi32, #tpu.memory_space<vmem>>
    %dma_start3A_295 = tpu.memref_squeeze %dma_start3A_294 : memref<1x128xi32, #tpu.memory_space<vmem>> -> memref<128xi32, #tpu.memory_space<vmem>>
    %dma_start3A_296 = arith.constant 0 : i32
    %dma_start3A_297 = tpu.memref_slice %arg3[%dma_start3A_284, %add3A, %dma_start3A_285, %dma_start3A_296] : memref<25x32x8x128xi32, #tpu.memory_space<hbm>> -> memref<1x1x1x128xi32, #tpu.memory_space<hbm>>
    %dma_start3A_298 = tpu.memref_squeeze %dma_start3A_297 : memref<1x1x1x128xi32, #tpu.memory_space<hbm>> -> memref<128xi32, #tpu.memory_space<hbm>>
    tpu.enqueue_dma source(%dma_start3A_298 : memref<128xi32, #tpu.memory_space<hbm>>) target(%dma_start3A_295 : memref<128xi32, #tpu.memory_space<vmem>>) target_semaphore(%arg16 : memref<!tpu.dma_semaphore, #tpu.memory_space<semaphore_mem>>)
    %dma_start3A_299 = arith.constant 1 : i32
    %dma_start3A_300 = arith.constant 6 : i32
    %dma_start3A_301 = arith.constant 1 : i32
    %dma_start3A_302 = arith.constant 768 : i32
    %dma_start3A_303 = tpu.memref_slice %arg10[%dma_start3A_301, %dma_start3A_302] : memref<2x1024xi32, #tpu.memory_space<vmem>> -> memref<1x128xi32, #tpu.memory_space<vmem>>
    %dma_start3A_304 = tpu.memref_squeeze %dma_start3A_303 : memref<1x128xi32, #tpu.memory_space<vmem>> -> memref<128xi32, #tpu.memory_space<vmem>>
    %dma_start3A_305 = arith.constant 0 : i32
    %dma_start3A_306 = tpu.memref_slice %arg3[%dma_start3A_299, %add3A, %dma_start3A_300, %dma_start3A_305] : memref<25x32x8x128xi32, #tpu.memory_space<hbm>> -> memref<1x1x1x128xi32, #tpu.memory_space<hbm>>
    %dma_start3A_307 = tpu.memref_squeeze %dma_start3A_306 : memref<1x1x1x128xi32, #tpu.memory_space<hbm>> -> memref<128xi32, #tpu.memory_space<hbm>>
    %dma_start3A_308 = arith.constant 768 : i32
    %dma_start3A_309 = tpu.memref_slice %arg10[%dma_start3A_301, %dma_start3A_308] : memref<2x1024xi32, #tpu.memory_space<vmem>> -> memref<1x128xi32, #tpu.memory_space<vmem>>
    %dma_start3A_310 = tpu.memref_squeeze %dma_start3A_309 : memref<1x128xi32, #tpu.memory_space<vmem>> -> memref<128xi32, #tpu.memory_space<vmem>>
    %dma_start3A_311 = arith.constant 0 : i32
    %dma_start3A_312 = tpu.memref_slice %arg3[%dma_start3A_299, %add3A, %dma_start3A_300, %dma_start3A_311] : memref<25x32x8x128xi32, #tpu.memory_space<hbm>> -> memref<1x1x1x128xi32, #tpu.memory_space<hbm>>
    %dma_start3A_313 = tpu.memref_squeeze %dma_start3A_312 : memref<1x1x1x128xi32, #tpu.memory_space<hbm>> -> memref<128xi32, #tpu.memory_space<hbm>>
    tpu.enqueue_dma source(%dma_start3A_313 : memref<128xi32, #tpu.memory_space<hbm>>) target(%dma_start3A_310 : memref<128xi32, #tpu.memory_space<vmem>>) target_semaphore(%arg16 : memref<!tpu.dma_semaphore, #tpu.memory_space<semaphore_mem>>)
    %dma_start3A_314 = arith.constant 1 : i32
    %dma_start3A_315 = arith.constant 7 : i32
    %dma_start3A_316 = arith.constant 1 : i32
    %dma_start3A_317 = arith.constant 896 : i32
    %dma_start3A_318 = tpu.memref_slice %arg10[%dma_start3A_316, %dma_start3A_317] : memref<2x1024xi32, #tpu.memory_space<vmem>> -> memref<1x128xi32, #tpu.memory_space<vmem>>
    %dma_start3A_319 = tpu.memref_squeeze %dma_start3A_318 : memref<1x128xi32, #tpu.memory_space<vmem>> -> memref<128xi32, #tpu.memory_space<vmem>>
    %dma_start3A_320 = arith.constant 0 : i32
    %dma_start3A_321 = tpu.memref_slice %arg3[%dma_start3A_314, %add3A, %dma_start3A_315, %dma_start3A_320] : memref<25x32x8x128xi32, #tpu.memory_space<hbm>> -> memref<1x1x1x128xi32, #tpu.memory_space<hbm>>
    %dma_start3A_322 = tpu.memref_squeeze %dma_start3A_321 : memref<1x1x1x128xi32, #tpu.memory_space<hbm>> -> memref<128xi32, #tpu.memory_space<hbm>>
    %dma_start3A_323 = arith.constant 896 : i32
    %dma_start3A_324 = tpu.memref_slice %arg10[%dma_start3A_316, %dma_start3A_323] : memref<2x1024xi32, #tpu.memory_space<vmem>> -> memref<1x128xi32, #tpu.memory_space<vmem>>
    %dma_start3A_325 = tpu.memref_squeeze %dma_start3A_324 : memref<1x128xi32, #tpu.memory_space<vmem>> -> memref<128xi32, #tpu.memory_space<vmem>>
    %dma_start3A_326 = arith.constant 0 : i32
    %dma_start3A_327 = tpu.memref_slice %arg3[%dma_start3A_314, %add3A, %dma_start3A_315, %dma_start3A_326] : memref<25x32x8x128xi32, #tpu.memory_space<hbm>> -> memref<1x1x1x128xi32, #tpu.memory_space<hbm>>
    %dma_start3A_328 = tpu.memref_squeeze %dma_start3A_327 : memref<1x1x1x128xi32, #tpu.memory_space<hbm>> -> memref<128xi32, #tpu.memory_space<hbm>>
    tpu.enqueue_dma source(%dma_start3A_328 : memref<128xi32, #tpu.memory_space<hbm>>) target(%dma_start3A_325 : memref<128xi32, #tpu.memory_space<vmem>>) target_semaphore(%arg16 : memref<!tpu.dma_semaphore, #tpu.memory_space<semaphore_mem>>)
    %dma_wait3A = arith.constant 0 : i32
    %dma_wait3A_329 = arith.constant 0 : i32
    %dma_wait3A_330 = arith.constant 0 : i32
    %dma_wait3A_331 = arith.constant 0 : i32
    %dma_wait3A_332 = arith.constant 0 : i32
    %dma_wait3A_333 = tpu.memref_slice %arg9[%dma_wait3A_330, %dma_wait3A_331, %dma_wait3A_332] : memref<2x8x128xi32, #tpu.memory_space<vmem>> -> memref<1x8x128xi32, #tpu.memory_space<vmem>>
    %dma_wait3A_334 = tpu.memref_squeeze %dma_wait3A_333 : memref<1x8x128xi32, #tpu.memory_space<vmem>> -> memref<8x128xi32, #tpu.memory_space<vmem>>
    %dma_wait3A_335 = arith.constant 0 : i32
    %dma_wait3A_336 = arith.constant 0 : i32
    %dma_wait3A_337 = tpu.memref_slice %arg2[%dma_wait3A, %dma_wait3A_329, %dma_wait3A_335, %dma_wait3A_336] : memref<25x32x8x128xi32, #tpu.memory_space<hbm>> -> memref<1x1x8x128xi32, #tpu.memory_space<hbm>>
    %dma_wait3A_338 = tpu.memref_squeeze %dma_wait3A_337 : memref<1x1x8x128xi32, #tpu.memory_space<hbm>> -> memref<8x128xi32, #tpu.memory_space<hbm>>
    %dma_wait3A_339 = arith.constant 0 : i32
    %dma_wait3A_340 = arith.constant 0 : i32
    %dma_wait3A_341 = tpu.memref_slice %arg9[%dma_wait3A_330, %dma_wait3A_339, %dma_wait3A_340] : memref<2x8x128xi32, #tpu.memory_space<vmem>> -> memref<1x8x128xi32, #tpu.memory_space<vmem>>
    %dma_wait3A_342 = tpu.memref_squeeze %dma_wait3A_341 : memref<1x8x128xi32, #tpu.memory_space<vmem>> -> memref<8x128xi32, #tpu.memory_space<vmem>>
    %dma_wait3A_343 = arith.constant 0 : i32
    %dma_wait3A_344 = arith.constant 0 : i32
    %dma_wait3A_345 = tpu.memref_slice %arg2[%dma_wait3A, %dma_wait3A_329, %dma_wait3A_343, %dma_wait3A_344] : memref<25x32x8x128xi32, #tpu.memory_space<hbm>> -> memref<1x1x8x128xi32, #tpu.memory_space<hbm>>
    %dma_wait3A_346 = tpu.memref_squeeze %dma_wait3A_345 : memref<1x1x8x128xi32, #tpu.memory_space<hbm>> -> memref<8x128xi32, #tpu.memory_space<hbm>>
    tpu.wait_dma2 semaphore(%arg16 : memref<!tpu.dma_semaphore, #tpu.memory_space<semaphore_mem>>) src(%dma_wait3A_346 : memref<8x128xi32, #tpu.memory_space<hbm>>) dst(%dma_wait3A_342 : memref<8x128xi32, #tpu.memory_space<vmem>>)
    %dma_wait3A_347 = arith.constant 0 : i32
    %dma_wait3A_348 = arith.constant 0 : i32
    %dma_wait3A_349 = arith.constant 0 : i32
    %dma_wait3A_350 = arith.constant 0 : i32
    %dma_wait3A_351 = arith.constant 0 : i32
    %dma_wait3A_352 = tpu.memref_slice %arg9[%dma_wait3A_349, %dma_wait3A_350, %dma_wait3A_351] : memref<2x8x128xi32, #tpu.memory_space<vmem>> -> memref<1x8x128xi32, #tpu.memory_space<vmem>>
    %dma_wait3A_353 = tpu.memref_squeeze %dma_wait3A_352 : memref<1x8x128xi32, #tpu.memory_space<vmem>> -> memref<8x128xi32, #tpu.memory_space<vmem>>
    %dma_wait3A_354 = arith.constant 0 : i32
    %dma_wait3A_355 = arith.constant 0 : i32
    %dma_wait3A_356 = tpu.memref_slice %arg2[%dma_wait3A_347, %dma_wait3A_348, %dma_wait3A_354, %dma_wait3A_355] : memref<25x32x8x128xi32, #tpu.memory_space<hbm>> -> memref<1x1x8x128xi32, #tpu.memory_space<hbm>>
    %dma_wait3A_357 = tpu.memref_squeeze %dma_wait3A_356 : memref<1x1x8x128xi32, #tpu.memory_space<hbm>> -> memref<8x128xi32, #tpu.memory_space<hbm>>
    %dma_wait3A_358 = arith.constant 0 : i32
    %dma_wait3A_359 = arith.constant 0 : i32
    %dma_wait3A_360 = tpu.memref_slice %arg9[%dma_wait3A_349, %dma_wait3A_358, %dma_wait3A_359] : memref<2x8x128xi32, #tpu.memory_space<vmem>> -> memref<1x8x128xi32, #tpu.memory_space<vmem>>
    %dma_wait3A_361 = tpu.memref_squeeze %dma_wait3A_360 : memref<1x8x128xi32, #tpu.memory_space<vmem>> -> memref<8x128xi32, #tpu.memory_space<vmem>>
    %dma_wait3A_362 = arith.constant 0 : i32
    %dma_wait3A_363 = arith.constant 0 : i32
    %dma_wait3A_364 = tpu.memref_slice %arg2[%dma_wait3A_347, %dma_wait3A_348, %dma_wait3A_362, %dma_wait3A_363] : memref<25x32x8x128xi32, #tpu.memory_space<hbm>> -> memref<1x1x8x128xi32, #tpu.memory_space<hbm>>
    %dma_wait3A_365 = tpu.memref_squeeze %dma_wait3A_364 : memref<1x1x8x128xi32, #tpu.memory_space<hbm>> -> memref<8x128xi32, #tpu.memory_space<hbm>>
    tpu.wait_dma2 semaphore(%arg16 : memref<!tpu.dma_semaphore, #tpu.memory_space<semaphore_mem>>) src(%dma_wait3A_365 : memref<8x128xi32, #tpu.memory_space<hbm>>) dst(%dma_wait3A_361 : memref<8x128xi32, #tpu.memory_space<vmem>>)
    %dma_wait3A_366 = arith.constant 0 : i32
    %dma_wait3A_367 = arith.constant 0 : i32
    %dma_wait3A_368 = arith.constant 0 : i32
    %dma_wait3A_369 = arith.constant 0 : i32
    %dma_wait3A_370 = arith.constant 0 : i32
    %dma_wait3A_371 = tpu.memref_slice %arg9[%dma_wait3A_368, %dma_wait3A_369, %dma_wait3A_370] : memref<2x8x128xi32, #tpu.memory_space<vmem>> -> memref<1x8x128xi32, #tpu.memory_space<vmem>>
    %dma_wait3A_372 = tpu.memref_squeeze %dma_wait3A_371 : memref<1x8x128xi32, #tpu.memory_space<vmem>> -> memref<8x128xi32, #tpu.memory_space<vmem>>
    %dma_wait3A_373 = arith.constant 0 : i32
    %dma_wait3A_374 = arith.constant 0 : i32
    %dma_wait3A_375 = tpu.memref_slice %arg2[%dma_wait3A_366, %dma_wait3A_367, %dma_wait3A_373, %dma_wait3A_374] : memref<25x32x8x128xi32, #tpu.memory_space<hbm>> -> memref<1x1x8x128xi32, #tpu.memory_space<hbm>>
    %dma_wait3A_376 = tpu.memref_squeeze %dma_wait3A_375 : memref<1x1x8x128xi32, #tpu.memory_space<hbm>> -> memref<8x128xi32, #tpu.memory_space<hbm>>
    %dma_wait3A_377 = arith.constant 0 : i32
    %dma_wait3A_378 = arith.constant 0 : i32
    %dma_wait3A_379 = tpu.memref_slice %arg9[%dma_wait3A_368, %dma_wait3A_377, %dma_wait3A_378] : memref<2x8x128xi32, #tpu.memory_space<vmem>> -> memref<1x8x128xi32, #tpu.memory_space<vmem>>
    %dma_wait3A_380 = tpu.memref_squeeze %dma_wait3A_379 : memref<1x8x128xi32, #tpu.memory_space<vmem>> -> memref<8x128xi32, #tpu.memory_space<vmem>>
    %dma_wait3A_381 = arith.constant 0 : i32
    %dma_wait3A_382 = arith.constant 0 : i32
    %dma_wait3A_383 = tpu.memref_slice %arg2[%dma_wait3A_366, %dma_wait3A_367, %dma_wait3A_381, %dma_wait3A_382] : memref<25x32x8x128xi32, #tpu.memory_space<hbm>> -> memref<1x1x8x128xi32, #tpu.memory_space<hbm>>
    %dma_wait3A_384 = tpu.memref_squeeze %dma_wait3A_383 : memref<1x1x8x128xi32, #tpu.memory_space<hbm>> -> memref<8x128xi32, #tpu.memory_space<hbm>>
    tpu.wait_dma2 semaphore(%arg16 : memref<!tpu.dma_semaphore, #tpu.memory_space<semaphore_mem>>) src(%dma_wait3A_384 : memref<8x128xi32, #tpu.memory_space<hbm>>) dst(%dma_wait3A_380 : memref<8x128xi32, #tpu.memory_space<vmem>>)
    %dma_start3A_385 = arith.constant 0 : i32
    %dma_start3A_386 = arith.constant 0 : i32
    %dma_start3A_387 = arith.constant 0 : i32
    %dma_start3A_388 = arith.constant 0 : i32
    %dma_start3A_389 = tpu.memref_slice %arg12[%dma_start3A_386, %dma_start3A_387, %dma_start3A_388] : memref<2x1024x8xf32, #tpu.memory_space<vmem>> -> memref<1x1024x8xf32, #tpu.memory_space<vmem>>
    %dma_start3A_390 = tpu.memref_squeeze %dma_start3A_389 : memref<1x1024x8xf32, #tpu.memory_space<vmem>> -> memref<1024x8xf32, #tpu.memory_space<vmem>>
    %dma_start3A_391 = arith.constant 0 : i32
    %dma_start3A_392 = tpu.memref_slice %arg10[%dma_start3A_385, %dma_start3A_391] : memref<2x1024xi32, #tpu.memory_space<vmem>> -> memref<1x1024xi32, #tpu.memory_space<vmem>>
    %dma_start3A_393 = tpu.memref_squeeze %dma_start3A_392 : memref<1x1024xi32, #tpu.memory_space<vmem>> -> memref<1024xi32, #tpu.memory_space<vmem>>
    %dma_start3A_394 = arith.constant 0 : i32
    %dma_start3A_395 = arith.constant 0 : i32
    %dma_start3A_396 = tpu.memref_slice %arg6[%dma_start3A_394, %dma_start3A_395] : memref<100002x8xf32, #tpu.memory_space<hbm>> -> memref<100002x8xf32, #tpu.memory_space<hbm>>
    tpu.enqueue_indirect_dma source(%dma_start3A_396 : memref<100002x8xf32, #tpu.memory_space<hbm>>) target(%dma_start3A_390 : memref<1024x8xf32, #tpu.memory_space<vmem>>) offsets(%dma_start3A_393 : memref<1024xi32, #tpu.memory_space<vmem>>) semaphore(%arg17 : memref<!tpu.dma_semaphore, #tpu.memory_space<semaphore_mem>>)
    %scan3A = arith.constant 0 : i32
    %scan3A_397 = arith.constant 0 : i32
    %scan3A_398 = arith.constant 25 : i32
    %scan3A_399 = arith.addi %scan3A_397, %scan3A_398 : i32
    %scan3A_400 = arith.constant 1 : i32
    %scan3A_401 = scf.for %scan3A_453 = %scan3A_397 to %scan3A_399 step %scan3A_400 iter_args(%scan3A_454 = %scan3A) -> (i32)  : i32 {
      %rem3A = arith.constant 2 : i32
      %rem3A_455 = arith.remsi %scan3A_453, %rem3A : i32
      %eq3A = arith.constant 0 : i32
      %eq3A_456 = arith.cmpi eq, %rem3A_455, %eq3A : i32
      %convert_element_type3A = arith.extui %eq3A_456 : i1 to i32
      %cond3A = arith.constant 0 : i32
      %cond3A_457 = arith.cmpi ne, %convert_element_type3A, %cond3A : i32
      scf.if %cond3A_457 {
        %add3A_466 = arith.constant 1 : i32
        %add3A_467 = arith.addi %scan3A_453, %add3A_466 : i32
        %lt3A = arith.constant 25 : i32
        %lt3A_468 = arith.cmpi slt, %add3A_467, %lt3A : i32
        %convert_element_type3A_469 = arith.extui %lt3A_468 : i1 to i32
        %cond3A_470 = arith.constant 0 : i32
        %cond3A_471 = arith.cmpi ne, %convert_element_type3A_469, %cond3A_470 : i32
        scf.if %cond3A_471 {
          %dma_wait3A_529 = arith.constant 0 : i32
          %dma_wait3A_530 = arith.constant 0 : i32
          %dma_wait3A_531 = arith.constant 1 : i32
          %dma_wait3A_532 = arith.constant 0 : i32
          %dma_wait3A_533 = arith.constant 0 : i32
          %dma_wait3A_534 = tpu.memref_slice %arg9[%dma_wait3A_531, %dma_wait3A_532, %dma_wait3A_533] : memref<2x8x128xi32, #tpu.memory_space<vmem>> -> memref<1x8x128xi32, #tpu.memory_space<vmem>>
          %dma_wait3A_535 = tpu.memref_squeeze %dma_wait3A_534 : memref<1x8x128xi32, #tpu.memory_space<vmem>> -> memref<8x128xi32, #tpu.memory_space<vmem>>
          %dma_wait3A_536 = arith.constant 0 : i32
          %dma_wait3A_537 = arith.constant 0 : i32
          %dma_wait3A_538 = tpu.memref_slice %arg2[%dma_wait3A_529, %dma_wait3A_530, %dma_wait3A_536, %dma_wait3A_537] : memref<25x32x8x128xi32, #tpu.memory_space<hbm>> -> memref<1x1x8x128xi32, #tpu.memory_space<hbm>>
          %dma_wait3A_539 = tpu.memref_squeeze %dma_wait3A_538 : memref<1x1x8x128xi32, #tpu.memory_space<hbm>> -> memref<8x128xi32, #tpu.memory_space<hbm>>
          %dma_wait3A_540 = arith.constant 0 : i32
          %dma_wait3A_541 = arith.constant 0 : i32
          %dma_wait3A_542 = tpu.memref_slice %arg9[%dma_wait3A_531, %dma_wait3A_540, %dma_wait3A_541] : memref<2x8x128xi32, #tpu.memory_space<vmem>> -> memref<1x8x128xi32, #tpu.memory_space<vmem>>
          %dma_wait3A_543 = tpu.memref_squeeze %dma_wait3A_542 : memref<1x8x128xi32, #tpu.memory_space<vmem>> -> memref<8x128xi32, #tpu.memory_space<vmem>>
          %dma_wait3A_544 = arith.constant 0 : i32
          %dma_wait3A_545 = arith.constant 0 : i32
          %dma_wait3A_546 = tpu.memref_slice %arg2[%dma_wait3A_529, %dma_wait3A_530, %dma_wait3A_544, %dma_wait3A_545] : memref<25x32x8x128xi32, #tpu.memory_space<hbm>> -> memref<1x1x8x128xi32, #tpu.memory_space<hbm>>
          %dma_wait3A_547 = tpu.memref_squeeze %dma_wait3A_546 : memref<1x1x8x128xi32, #tpu.memory_space<hbm>> -> memref<8x128xi32, #tpu.memory_space<hbm>>
          tpu.wait_dma2 semaphore(%arg16 : memref<!tpu.dma_semaphore, #tpu.memory_space<semaphore_mem>>) src(%dma_wait3A_547 : memref<8x128xi32, #tpu.memory_space<hbm>>) dst(%dma_wait3A_543 : memref<8x128xi32, #tpu.memory_space<vmem>>)
          %dma_wait3A_548 = arith.constant 0 : i32
          %dma_wait3A_549 = arith.constant 0 : i32
          %dma_wait3A_550 = arith.constant 1 : i32
          %dma_wait3A_551 = arith.constant 0 : i32
          %dma_wait3A_552 = arith.constant 0 : i32
          %dma_wait3A_553 = tpu.memref_slice %arg9[%dma_wait3A_550, %dma_wait3A_551, %dma_wait3A_552] : memref<2x8x128xi32, #tpu.memory_space<vmem>> -> memref<1x8x128xi32, #tpu.memory_space<vmem>>
          %dma_wait3A_554 = tpu.memref_squeeze %dma_wait3A_553 : memref<1x8x128xi32, #tpu.memory_space<vmem>> -> memref<8x128xi32, #tpu.memory_space<vmem>>
          %dma_wait3A_555 = arith.constant 0 : i32
          %dma_wait3A_556 = arith.constant 0 : i32
          %dma_wait3A_557 = tpu.memref_slice %arg2[%dma_wait3A_548, %dma_wait3A_549, %dma_wait3A_555, %dma_wait3A_556] : memref<25x32x8x128xi32, #tpu.memory_space<hbm>> -> memref<1x1x8x128xi32, #tpu.memory_space<hbm>>
          %dma_wait3A_558 = tpu.memref_squeeze %dma_wait3A_557 : memref<1x1x8x128xi32, #tpu.memory_space<hbm>> -> memref<8x128xi32, #tpu.memory_space<hbm>>
          %dma_wait3A_559 = arith.constant 0 : i32
          %dma_wait3A_560 = arith.constant 0 : i32
          %dma_wait3A_561 = tpu.memref_slice %arg9[%dma_wait3A_550, %dma_wait3A_559, %dma_wait3A_560] : memref<2x8x128xi32, #tpu.memory_space<vmem>> -> memref<1x8x128xi32, #tpu.memory_space<vmem>>
          %dma_wait3A_562 = tpu.memref_squeeze %dma_wait3A_561 : memref<1x8x128xi32, #tpu.memory_space<vmem>> -> memref<8x128xi32, #tpu.memory_space<vmem>>
          %dma_wait3A_563 = arith.constant 0 : i32
          %dma_wait3A_564 = arith.constant 0 : i32
          %dma_wait3A_565 = tpu.memref_slice %arg2[%dma_wait3A_548, %dma_wait3A_549, %dma_wait3A_563, %dma_wait3A_564] : memref<25x32x8x128xi32, #tpu.memory_space<hbm>> -> memref<1x1x8x128xi32, #tpu.memory_space<hbm>>
          %dma_wait3A_566 = tpu.memref_squeeze %dma_wait3A_565 : memref<1x1x8x128xi32, #tpu.memory_space<hbm>> -> memref<8x128xi32, #tpu.memory_space<hbm>>
          tpu.wait_dma2 semaphore(%arg16 : memref<!tpu.dma_semaphore, #tpu.memory_space<semaphore_mem>>) src(%dma_wait3A_566 : memref<8x128xi32, #tpu.memory_space<hbm>>) dst(%dma_wait3A_562 : memref<8x128xi32, #tpu.memory_space<vmem>>)
          %dma_wait3A_567 = arith.constant 0 : i32
          %dma_wait3A_568 = arith.constant 0 : i32
          %dma_wait3A_569 = arith.constant 1 : i32
          %dma_wait3A_570 = arith.constant 0 : i32
          %dma_wait3A_571 = arith.constant 0 : i32
          %dma_wait3A_572 = tpu.memref_slice %arg9[%dma_wait3A_569, %dma_wait3A_570, %dma_wait3A_571] : memref<2x8x128xi32, #tpu.memory_space<vmem>> -> memref<1x8x128xi32, #tpu.memory_space<vmem>>
          %dma_wait3A_573 = tpu.memref_squeeze %dma_wait3A_572 : memref<1x8x128xi32, #tpu.memory_space<vmem>> -> memref<8x128xi32, #tpu.memory_space<vmem>>
          %dma_wait3A_574 = arith.constant 0 : i32
          %dma_wait3A_575 = arith.constant 0 : i32
          %dma_wait3A_576 = tpu.memref_slice %arg2[%dma_wait3A_567, %dma_wait3A_568, %dma_wait3A_574, %dma_wait3A_575] : memref<25x32x8x128xi32, #tpu.memory_space<hbm>> -> memref<1x1x8x128xi32, #tpu.memory_space<hbm>>
          %dma_wait3A_577 = tpu.memref_squeeze %dma_wait3A_576 : memref<1x1x8x128xi32, #tpu.memory_space<hbm>> -> memref<8x128xi32, #tpu.memory_space<hbm>>
          %dma_wait3A_578 = arith.constant 0 : i32
          %dma_wait3A_579 = arith.constant 0 : i32
          %dma_wait3A_580 = tpu.memref_slice %arg9[%dma_wait3A_569, %dma_wait3A_578, %dma_wait3A_579] : memref<2x8x128xi32, #tpu.memory_space<vmem>> -> memref<1x8x128xi32, #tpu.memory_space<vmem>>
          %dma_wait3A_581 = tpu.memref_squeeze %dma_wait3A_580 : memref<1x8x128xi32, #tpu.memory_space<vmem>> -> memref<8x128xi32, #tpu.memory_space<vmem>>
          %dma_wait3A_582 = arith.constant 0 : i32
          %dma_wait3A_583 = arith.constant 0 : i32
          %dma_wait3A_584 = tpu.memref_slice %arg2[%dma_wait3A_567, %dma_wait3A_568, %dma_wait3A_582, %dma_wait3A_583] : memref<25x32x8x128xi32, #tpu.memory_space<hbm>> -> memref<1x1x8x128xi32, #tpu.memory_space<hbm>>
          %dma_wait3A_585 = tpu.memref_squeeze %dma_wait3A_584 : memref<1x1x8x128xi32, #tpu.memory_space<hbm>> -> memref<8x128xi32, #tpu.memory_space<hbm>>
          tpu.wait_dma2 semaphore(%arg16 : memref<!tpu.dma_semaphore, #tpu.memory_space<semaphore_mem>>) src(%dma_wait3A_585 : memref<8x128xi32, #tpu.memory_space<hbm>>) dst(%dma_wait3A_581 : memref<8x128xi32, #tpu.memory_space<vmem>>)
        } else {
        }
        %dma_wait3A_472 = arith.constant 0 : i32
        %dma_wait3A_473 = arith.constant 0 : i32
        %dma_wait3A_474 = arith.constant 0 : i32
        %dma_wait3A_475 = arith.constant 0 : i32
        %dma_wait3A_476 = tpu.memref_slice %arg12[%dma_wait3A_473, %dma_wait3A_474, %dma_wait3A_475] : memref<2x1024x8xf32, #tpu.memory_space<vmem>> -> memref<1x1024x8xf32, #tpu.memory_space<vmem>>
        %dma_wait3A_477 = tpu.memref_squeeze %dma_wait3A_476 : memref<1x1024x8xf32, #tpu.memory_space<vmem>> -> memref<1024x8xf32, #tpu.memory_space<vmem>>
        %dma_wait3A_478 = arith.constant 0 : i32
        %dma_wait3A_479 = tpu.memref_slice %arg10[%dma_wait3A_472, %dma_wait3A_478] : memref<2x1024xi32, #tpu.memory_space<vmem>> -> memref<1x1024xi32, #tpu.memory_space<vmem>>
        %dma_wait3A_480 = tpu.memref_squeeze %dma_wait3A_479 : memref<1x1024xi32, #tpu.memory_space<vmem>> -> memref<1024xi32, #tpu.memory_space<vmem>>
        %dma_wait3A_481 = arith.constant 0 : i32
        %dma_wait3A_482 = arith.constant 0 : i32
        %dma_wait3A_483 = tpu.memref_slice %arg6[%dma_wait3A_481, %dma_wait3A_482] : memref<100002x8xf32, #tpu.memory_space<hbm>> -> memref<100002x8xf32, #tpu.memory_space<hbm>>
        tpu.wait_indirect_dma semaphore(%arg17 : memref<!tpu.dma_semaphore, #tpu.memory_space<semaphore_mem>>) src(%dma_wait3A_483 : memref<100002x8xf32, #tpu.memory_space<hbm>>) dst(%dma_wait3A_477 : memref<1024x8xf32, #tpu.memory_space<vmem>>)
        %add3A_484 = arith.constant 1 : i32
        %add3A_485 = arith.addi %scan3A_453, %add3A_484 : i32
        %lt3A_486 = arith.constant 25 : i32
        %lt3A_487 = arith.cmpi slt, %add3A_485, %lt3A_486 : i32
        %convert_element_type3A_488 = arith.extui %lt3A_487 : i1 to i32
        %cond3A_489 = arith.constant 0 : i32
        %cond3A_490 = arith.cmpi ne, %convert_element_type3A_488, %cond3A_489 : i32
        scf.if %cond3A_490 {
          %add3A_529 = arith.constant 1 : i32
          %add3A_530 = arith.addi %scan3A_453, %add3A_529 : i32
          %dma_start3A_531 = arith.constant 1 : i32
          %dma_start3A_532 = arith.constant 1 : i32
          %dma_start3A_533 = arith.constant 0 : i32
          %dma_start3A_534 = arith.constant 0 : i32
          %dma_start3A_535 = tpu.memref_slice %arg12[%dma_start3A_532, %dma_start3A_533, %dma_start3A_534] : memref<2x1024x8xf32, #tpu.memory_space<vmem>> -> memref<1x1024x8xf32, #tpu.memory_space<vmem>>
          %dma_start3A_536 = tpu.memref_squeeze %dma_start3A_535 : memref<1x1024x8xf32, #tpu.memory_space<vmem>> -> memref<1024x8xf32, #tpu.memory_space<vmem>>
          %dma_start3A_537 = arith.constant 0 : i32
          %dma_start3A_538 = tpu.memref_slice %arg10[%dma_start3A_531, %dma_start3A_537] : memref<2x1024xi32, #tpu.memory_space<vmem>> -> memref<1x1024xi32, #tpu.memory_space<vmem>>
          %dma_start3A_539 = tpu.memref_squeeze %dma_start3A_538 : memref<1x1024xi32, #tpu.memory_space<vmem>> -> memref<1024xi32, #tpu.memory_space<vmem>>
          %dma_start3A_540 = arith.constant 0 : i32
          %dma_start3A_541 = arith.constant 0 : i32
          %dma_start3A_542 = tpu.memref_slice %arg6[%dma_start3A_540, %dma_start3A_541] : memref<100002x8xf32, #tpu.memory_space<hbm>> -> memref<100002x8xf32, #tpu.memory_space<hbm>>
          tpu.enqueue_indirect_dma source(%dma_start3A_542 : memref<100002x8xf32, #tpu.memory_space<hbm>>) target(%dma_start3A_536 : memref<1024x8xf32, #tpu.memory_space<vmem>>) offsets(%dma_start3A_539 : memref<1024xi32, #tpu.memory_space<vmem>>) semaphore(%arg17 : memref<!tpu.dma_semaphore, #tpu.memory_space<semaphore_mem>>)
        } else {
        }
        %ge3A = arith.constant 2 : i32
        %ge3A_491 = arith.cmpi sge, %scan3A_453, %ge3A : i32
        %convert_element_type3A_492 = arith.extui %ge3A_491 : i1 to i32
        %cond3A_493 = arith.constant 0 : i32
        %cond3A_494 = arith.cmpi ne, %convert_element_type3A_492, %cond3A_493 : i32
        scf.if %cond3A_494 {
          %dma_wait3A_529 = arith.constant 0 : i32
          %dma_wait3A_530 = arith.constant 0 : i32
          %dma_wait3A_531 = arith.constant 0 : i32
          %dma_wait3A_532 = arith.constant 0 : i32
          %dma_wait3A_533 = arith.constant 0 : i32
          %dma_wait3A_534 = tpu.memref_slice %arg13[%dma_wait3A_529, %dma_wait3A_530, %dma_wait3A_531, %dma_wait3A_532, %dma_wait3A_533] : memref<2x8x3x8x128xf32, #tpu.memory_space<vmem>> -> memref<1x8x3x8x128xf32, #tpu.memory_space<vmem>>
          %dma_wait3A_535 = tpu.memref_squeeze %dma_wait3A_534 : memref<1x8x3x8x128xf32, #tpu.memory_space<vmem>> -> memref<8x3x8x128xf32, #tpu.memory_space<vmem>>
          %dma_wait3A_536 = arith.constant 0 : i32
          %dma_wait3A_537 = arith.constant 0 : i32
          %dma_wait3A_538 = arith.constant 0 : i32
          %dma_wait3A_539 = arith.constant 0 : i32
          %dma_wait3A_540 = tpu.memref_slice %arg8[%dma_wait3A_536, %dma_wait3A_537, %add3A, %dma_wait3A_538, %dma_wait3A_539] : memref<200x3x32x8x128xf32, #tpu.memory_space<hbm>> -> memref<8x3x1x8x128xf32, #tpu.memory_space<hbm>>
          %dma_wait3A_541 = tpu.memref_squeeze %dma_wait3A_540 : memref<8x3x1x8x128xf32, #tpu.memory_space<hbm>> -> memref<8x3x8x128xf32, #tpu.memory_space<hbm>>
          %dma_wait3A_542 = arith.constant 0 : i32
          %dma_wait3A_543 = arith.constant 0 : i32
          %dma_wait3A_544 = arith.constant 0 : i32
          %dma_wait3A_545 = arith.constant 0 : i32
          %dma_wait3A_546 = tpu.memref_slice %arg8[%dma_wait3A_542, %dma_wait3A_543, %add3A, %dma_wait3A_544, %dma_wait3A_545] : memref<200x3x32x8x128xf32, #tpu.memory_space<hbm>> -> memref<8x3x1x8x128xf32, #tpu.memory_space<hbm>>
          %dma_wait3A_547 = tpu.memref_squeeze %dma_wait3A_546 : memref<8x3x1x8x128xf32, #tpu.memory_space<hbm>> -> memref<8x3x8x128xf32, #tpu.memory_space<hbm>>
          %dma_wait3A_548 = arith.constant 0 : i32
          %dma_wait3A_549 = arith.constant 0 : i32
          %dma_wait3A_550 = arith.constant 0 : i32
          %dma_wait3A_551 = arith.constant 0 : i32
          %dma_wait3A_552 = tpu.memref_slice %arg13[%dma_wait3A_529, %dma_wait3A_548, %dma_wait3A_549, %dma_wait3A_550, %dma_wait3A_551] : memref<2x8x3x8x128xf32, #tpu.memory_space<vmem>> -> memref<1x8x3x8x128xf32, #tpu.memory_space<vmem>>
          %dma_wait3A_553 = tpu.memref_squeeze %dma_wait3A_552 : memref<1x8x3x8x128xf32, #tpu.memory_space<vmem>> -> memref<8x3x8x128xf32, #tpu.memory_space<vmem>>
          tpu.wait_dma2 semaphore(%arg18 : memref<!tpu.dma_semaphore, #tpu.memory_space<semaphore_mem>>) src(%dma_wait3A_553 : memref<8x3x8x128xf32, #tpu.memory_space<vmem>>) dst(%dma_wait3A_547 : memref<8x3x8x128xf32, #tpu.memory_space<hbm>>)
        } else {
        }
        %parallel_loop3A = arith.constant 0 : i32
        %parallel_loop3A_495 = arith.constant 64 : i32
        %parallel_loop3A_496 = arith.constant 1 : i32
        scf.for %parallel_loop3A_529 = %parallel_loop3A to %parallel_loop3A_495 step %parallel_loop3A_496  : i32 {
          %parallel_loop3A_530 = arith.constant 8 : i32
          %parallel_loop3A_531 = arith.divsi %parallel_loop3A_529, %parallel_loop3A_530 : i32
          %parallel_loop3A_532 = arith.constant 0 : i32
          %parallel_loop3A_533 = arith.cmpi sgt, %parallel_loop3A_529, %parallel_loop3A_532 : i32
          %parallel_loop3A_534 = arith.extui %parallel_loop3A_533 : i1 to i32
          %parallel_loop3A_535 = arith.constant 0 : i32
          %parallel_loop3A_536 = arith.cmpi slt, %parallel_loop3A_529, %parallel_loop3A_535 : i32
          %parallel_loop3A_537 = arith.extui %parallel_loop3A_536 : i1 to i32
          %parallel_loop3A_538 = arith.subi %parallel_loop3A_534, %parallel_loop3A_537 : i32
          %parallel_loop3A_539 = arith.constant 0 : i32
          %parallel_loop3A_540 = arith.cmpi sgt, %parallel_loop3A_530, %parallel_loop3A_539 : i32
          %parallel_loop3A_541 = arith.extui %parallel_loop3A_540 : i1 to i32
          %parallel_loop3A_542 = arith.constant 0 : i32
          %parallel_loop3A_543 = arith.cmpi slt, %parallel_loop3A_530, %parallel_loop3A_542 : i32
          %parallel_loop3A_544 = arith.extui %parallel_loop3A_543 : i1 to i32
          %parallel_loop3A_545 = arith.subi %parallel_loop3A_541, %parallel_loop3A_544 : i32
          %parallel_loop3A_546 = arith.cmpi ne, %parallel_loop3A_538, %parallel_loop3A_545 : i32
          %parallel_loop3A_547 = arith.remsi %parallel_loop3A_529, %parallel_loop3A_530 : i32
          %parallel_loop3A_548 = arith.constant 0 : i32
          %parallel_loop3A_549 = arith.cmpi ne, %parallel_loop3A_547, %parallel_loop3A_548 : i32
          %parallel_loop3A_550 = arith.andi %parallel_loop3A_546, %parallel_loop3A_549 : i1
          %parallel_loop3A_551 = arith.constant 1 : i32
          %parallel_loop3A_552 = arith.subi %parallel_loop3A_531, %parallel_loop3A_551 : i32
          %parallel_loop3A_553 = arith.select %parallel_loop3A_550, %parallel_loop3A_552, %parallel_loop3A_531 : i32
          %parallel_loop3A_554 = arith.constant 8 : i32
          %parallel_loop3A_555 = arith.remsi %parallel_loop3A_529, %parallel_loop3A_554 : i32
          %parallel_loop3A_556 = arith.constant 16 : i32
          %parallel_loop3A_557 = arith.muli %parallel_loop3A_555, %parallel_loop3A_556 : i32
          %parallel_loop3A_558 = arith.constant 0 : i32
          %parallel_loop3A_559 = arith.index_cast %parallel_loop3A_558 : i32 to index
          %parallel_loop3A_560 = arith.index_cast %parallel_loop3A_553 : i32 to index
          %parallel_loop3A_561 = arith.index_cast %parallel_loop3A_557 : i32 to index
          %parallel_loop3A_562 = tpu.vector_load %arg9[%parallel_loop3A_559, %parallel_loop3A_560, %parallel_loop3A_561] {strides = array<i32>} : memref<2x8x128xi32, #tpu.memory_space<vmem>>, vector<16xi32>,
          %parallel_loop3A_563 = arith.constant 16 : i32
          %parallel_loop3A_564 = arith.muli %parallel_loop3A_555, %parallel_loop3A_563 : i32
          %parallel_loop3A_565 = arith.constant 0 : i32
          %parallel_loop3A_566 = arith.index_cast %parallel_loop3A_565 : i32 to index
          %parallel_loop3A_567 = arith.index_cast %parallel_loop3A_553 : i32 to index
          %parallel_loop3A_568 = arith.index_cast %parallel_loop3A_564 : i32 to index
          %parallel_loop3A_569 = tpu.vector_load %arg11[%parallel_loop3A_566, %parallel_loop3A_567, %parallel_loop3A_568] {strides = array<i32>} : memref<2x8x128xi32, #tpu.memory_space<vmem>>, vector<16xi32>,
          %parallel_loop3A_570 = arith.constant 16 : i32
          %parallel_loop3A_571 = arith.muli %parallel_loop3A_529, %parallel_loop3A_570 : i32
          %parallel_loop3A_572 = vector.broadcast %parallel_loop3A_571 : i32 to vector<16xi32>
          %parallel_loop3A_573 = arith.addi %iota3A, %parallel_loop3A_572 : vector<16xi32>
          %parallel_loop3A_574 = tpu.vector_load_idx %arg14[%broadcast_in_dim3A_3, %parallel_loop3A_562] : memref<8x1442xf32, #tpu.memory_space<vmem>>[vector<16xi32>, vector<16xi32>], vector<16xf32>,
          %parallel_loop3A_575 = arith.constant 16 : i32
          %parallel_loop3A_576 = arith.muli %parallel_loop3A_555, %parallel_loop3A_575 : i32
          %parallel_loop3A_577 = arith.constant 0 : i32
          %parallel_loop3A_578 = arith.constant 0 : i32
          %parallel_loop3A_579 = arith.constant 0 : i32
          %parallel_loop3A_580 = arith.index_cast %parallel_loop3A_577 : i32 to index
          %parallel_loop3A_581 = arith.index_cast %parallel_loop3A_553 : i32 to index
          %parallel_loop3A_582 = arith.index_cast %parallel_loop3A_578 : i32 to index
          %parallel_loop3A_583 = arith.index_cast %parallel_loop3A_579 : i32 to index
          %parallel_loop3A_584 = arith.index_cast %parallel_loop3A_576 : i32 to index
          %parallel_loop3A_585 = tpu.vector_load %arg13[%parallel_loop3A_580, %parallel_loop3A_581, %parallel_loop3A_582, %parallel_loop3A_583, %parallel_loop3A_584] {strides = array<i32>} : memref<2x8x3x8x128xf32, #tpu.memory_space<vmem>>, vector<16xf32>,
          tpu.vector_store %arg13[%parallel_loop3A_580, %parallel_loop3A_581, %parallel_loop3A_582, %parallel_loop3A_583, %parallel_loop3A_584], %parallel_loop3A_574 {strides = array<i32>} : memref<2x8x3x8x128xf32, #tpu.memory_space<vmem>>, vector<16xf32>,
          %parallel_loop3A_586 = arith.constant 0 : i32
          %parallel_loop3A_587 = arith.constant 0 : i32
          %parallel_loop3A_588 = arith.constant 0 : i32
          %parallel_loop3A_589 = tpu.memref_slice %arg12[%parallel_loop3A_586, %parallel_loop3A_587, %parallel_loop3A_588] : memref<2x1024x8xf32, #tpu.memory_space<vmem>> -> memref<1x1024x8xf32, #tpu.memory_space<vmem>>
          %parallel_loop3A_590 = tpu.memref_squeeze %parallel_loop3A_589 : memref<1x1024x8xf32, #tpu.memory_space<vmem>> -> memref<1024x8xf32, #tpu.memory_space<vmem>>
          %parallel_loop3A_591 = tpu.vector_load_idx %parallel_loop3A_590[%parallel_loop3A_573, %broadcast_in_dim3A_3] : memref<1024x8xf32, #tpu.memory_space<vmem>>[vector<16xi32>, vector<16xi32>], vector<16xf32>,
          %parallel_loop3A_592 = arith.constant 16 : i32
          %parallel_loop3A_593 = arith.muli %parallel_loop3A_555, %parallel_loop3A_592 : i32
          %parallel_loop3A_594 = arith.constant 0 : i32
          %parallel_loop3A_595 = arith.constant 1 : i32
          %parallel_loop3A_596 = arith.constant 0 : i32
          %parallel_loop3A_597 = arith.index_cast %parallel_loop3A_594 : i32 to index
          %parallel_loop3A_598 = arith.index_cast %parallel_loop3A_553 : i32 to index
          %parallel_loop3A_599 = arith.index_cast %parallel_loop3A_595 : i32 to index
          %parallel_loop3A_600 = arith.index_cast %parallel_loop3A_596 : i32 to index
          %parallel_loop3A_601 = arith.index_cast %parallel_loop3A_593 : i32 to index
          %parallel_loop3A_602 = tpu.vector_load %arg13[%parallel_loop3A_597, %parallel_loop3A_598, %parallel_loop3A_599, %parallel_loop3A_600, %parallel_loop3A_601] {strides = array<i32>} : memref<2x8x3x8x128xf32, #tpu.memory_space<vmem>>, vector<16xf32>,
          tpu.vector_store %arg13[%parallel_loop3A_597, %parallel_loop3A_598, %parallel_loop3A_599, %parallel_loop3A_600, %parallel_loop3A_601], %parallel_loop3A_591 {strides = array<i32>} : memref<2x8x3x8x128xf32, #tpu.memory_space<vmem>>, vector<16xf32>,
          %parallel_loop3A_603 = tpu.vector_load_idx %arg15[%broadcast_in_dim3A_3, %parallel_loop3A_569] : memref<8x1002xf32, #tpu.memory_space<vmem>>[vector<16xi32>, vector<16xi32>], vector<16xf32>,
          %parallel_loop3A_604 = arith.constant 16 : i32
          %parallel_loop3A_605 = arith.muli %parallel_loop3A_555, %parallel_loop3A_604 : i32
          %parallel_loop3A_606 = arith.constant 0 : i32
          %parallel_loop3A_607 = arith.constant 2 : i32
          %parallel_loop3A_608 = arith.constant 0 : i32
          %parallel_loop3A_609 = arith.index_cast %parallel_loop3A_606 : i32 to index
          %parallel_loop3A_610 = arith.index_cast %parallel_loop3A_553 : i32 to index
          %parallel_loop3A_611 = arith.index_cast %parallel_loop3A_607 : i32 to index
          %parallel_loop3A_612 = arith.index_cast %parallel_loop3A_608 : i32 to index
          %parallel_loop3A_613 = arith.index_cast %parallel_loop3A_605 : i32 to index
          %parallel_loop3A_614 = tpu.vector_load %arg13[%parallel_loop3A_609, %parallel_loop3A_610, %parallel_loop3A_611, %parallel_loop3A_612, %parallel_loop3A_613] {strides = array<i32>} : memref<2x8x3x8x128xf32, #tpu.memory_space<vmem>>, vector<16xf32>,
          tpu.vector_store %arg13[%parallel_loop3A_609, %parallel_loop3A_610, %parallel_loop3A_611, %parallel_loop3A_612, %parallel_loop3A_613], %parallel_loop3A_603 {strides = array<i32>} : memref<2x8x3x8x128xf32, #tpu.memory_space<vmem>>, vector<16xf32>,
          %parallel_loop3A_615 = tpu.vector_load_idx %arg14[%broadcast_in_dim3A_5, %parallel_loop3A_562] : memref<8x1442xf32, #tpu.memory_space<vmem>>[vector<16xi32>, vector<16xi32>], vector<16xf32>,
          %parallel_loop3A_616 = arith.constant 16 : i32
          %parallel_loop3A_617 = arith.muli %parallel_loop3A_555, %parallel_loop3A_616 : i32
          %parallel_loop3A_618 = arith.constant 0 : i32
          %parallel_loop3A_619 = arith.constant 0 : i32
          %parallel_loop3A_620 = arith.constant 1 : i32
          %parallel_loop3A_621 = arith.index_cast %parallel_loop3A_618 : i32 to index
          %parallel_loop3A_622 = arith.index_cast %parallel_loop3A_553 : i32 to index
          %parallel_loop3A_623 = arith.index_cast %parallel_loop3A_619 : i32 to index
          %parallel_loop3A_624 = arith.index_cast %parallel_loop3A_620 : i32 to index
          %parallel_loop3A_625 = arith.index_cast %parallel_loop3A_617 : i32 to index
          %parallel_loop3A_626 = tpu.vector_load %arg13[%parallel_loop3A_621, %parallel_loop3A_622, %parallel_loop3A_623, %parallel_loop3A_624, %parallel_loop3A_625] {strides = array<i32>} : memref<2x8x3x8x128xf32, #tpu.memory_space<vmem>>, vector<16xf32>,
          tpu.vector_store %arg13[%parallel_loop3A_621, %parallel_loop3A_622, %parallel_loop3A_623, %parallel_loop3A_624, %parallel_loop3A_625], %parallel_loop3A_615 {strides = array<i32>} : memref<2x8x3x8x128xf32, #tpu.memory_space<vmem>>, vector<16xf32>,
          %parallel_loop3A_627 = arith.constant 0 : i32
          %parallel_loop3A_628 = arith.constant 0 : i32
          %parallel_loop3A_629 = arith.constant 0 : i32
          %parallel_loop3A_630 = tpu.memref_slice %arg12[%parallel_loop3A_627, %parallel_loop3A_628, %parallel_loop3A_629] : memref<2x1024x8xf32, #tpu.memory_space<vmem>> -> memref<1x1024x8xf32, #tpu.memory_space<vmem>>
          %parallel_loop3A_631 = tpu.memref_squeeze %parallel_loop3A_630 : memref<1x1024x8xf32, #tpu.memory_space<vmem>> -> memref<1024x8xf32, #tpu.memory_space<vmem>>
          %parallel_loop3A_632 = tpu.vector_load_idx %parallel_loop3A_631[%parallel_loop3A_573, %broadcast_in_dim3A_5] : memref<1024x8xf32, #tpu.memory_space<vmem>>[vector<16xi32>, vector<16xi32>], vector<16xf32>,
          %parallel_loop3A_633 = arith.constant 16 : i32
          %parallel_loop3A_634 = arith.muli %parallel_loop3A_555, %parallel_loop3A_633 : i32
          %parallel_loop3A_635 = arith.constant 0 : i32
          %parallel_loop3A_636 = arith.constant 1 : i32
          %parallel_loop3A_637 = arith.constant 1 : i32
          %parallel_loop3A_638 = arith.index_cast %parallel_loop3A_635 : i32 to index
          %parallel_loop3A_639 = arith.index_cast %parallel_loop3A_553 : i32 to index
          %parallel_loop3A_640 = arith.index_cast %parallel_loop3A_636 : i32 to index
          %parallel_loop3A_641 = arith.index_cast %parallel_loop3A_637 : i32 to index
          %parallel_loop3A_642 = arith.index_cast %parallel_loop3A_634 : i32 to index
          %parallel_loop3A_643 = tpu.vector_load %arg13[%parallel_loop3A_638, %parallel_loop3A_639, %parallel_loop3A_640, %parallel_loop3A_641, %parallel_loop3A_642] {strides = array<i32>} : memref<2x8x3x8x128xf32, #tpu.memory_space<vmem>>, vector<16xf32>,
          tpu.vector_store %arg13[%parallel_loop3A_638, %parallel_loop3A_639, %parallel_loop3A_640, %parallel_loop3A_641, %parallel_loop3A_642], %parallel_loop3A_632 {strides = array<i32>} : memref<2x8x3x8x128xf32, #tpu.memory_space<vmem>>, vector<16xf32>,
          %parallel_loop3A_644 = tpu.vector_load_idx %arg15[%broadcast_in_dim3A_5, %parallel_loop3A_569] : memref<8x1002xf32, #tpu.memory_space<vmem>>[vector<16xi32>, vector<16xi32>], vector<16xf32>,
          %parallel_loop3A_645 = arith.constant 16 : i32
          %parallel_loop3A_646 = arith.muli %parallel_loop3A_555, %parallel_loop3A_645 : i32
          %parallel_loop3A_647 = arith.constant 0 : i32
          %parallel_loop3A_648 = arith.constant 2 : i32
          %parallel_loop3A_649 = arith.constant 1 : i32
          %parallel_loop3A_650 = arith.index_cast %parallel_loop3A_647 : i32 to index
          %parallel_loop3A_651 = arith.index_cast %parallel_loop3A_553 : i32 to index
          %parallel_loop3A_652 = arith.index_cast %parallel_loop3A_648 : i32 to index
          %parallel_loop3A_653 = arith.index_cast %parallel_loop3A_649 : i32 to index
          %parallel_loop3A_654 = arith.index_cast %parallel_loop3A_646 : i32 to index
          %parallel_loop3A_655 = tpu.vector_load %arg13[%parallel_loop3A_650, %parallel_loop3A_651, %parallel_loop3A_652, %parallel_loop3A_653, %parallel_loop3A_654] {strides = array<i32>} : memref<2x8x3x8x128xf32, #tpu.memory_space<vmem>>, vector<16xf32>,
          tpu.vector_store %arg13[%parallel_loop3A_650, %parallel_loop3A_651, %parallel_loop3A_652, %parallel_loop3A_653, %parallel_loop3A_654], %parallel_loop3A_644 {strides = array<i32>} : memref<2x8x3x8x128xf32, #tpu.memory_space<vmem>>, vector<16xf32>,
          %parallel_loop3A_656 = tpu.vector_load_idx %arg14[%broadcast_in_dim3A_7, %parallel_loop3A_562] : memref<8x1442xf32, #tpu.memory_space<vmem>>[vector<16xi32>, vector<16xi32>], vector<16xf32>,
          %parallel_loop3A_657 = arith.constant 16 : i32
          %parallel_loop3A_658 = arith.muli %parallel_loop3A_555, %parallel_loop3A_657 : i32
          %parallel_loop3A_659 = arith.constant 0 : i32
          %parallel_loop3A_660 = arith.constant 0 : i32
          %parallel_loop3A_661 = arith.constant 2 : i32
          %parallel_loop3A_662 = arith.index_cast %parallel_loop3A_659 : i32 to index
          %parallel_loop3A_663 = arith.index_cast %parallel_loop3A_553 : i32 to index
          %parallel_loop3A_664 = arith.index_cast %parallel_loop3A_660 : i32 to index
          %parallel_loop3A_665 = arith.index_cast %parallel_loop3A_661 : i32 to index
          %parallel_loop3A_666 = arith.index_cast %parallel_loop3A_658 : i32 to index
          %parallel_loop3A_667 = tpu.vector_load %arg13[%parallel_loop3A_662, %parallel_loop3A_663, %parallel_loop3A_664, %parallel_loop3A_665, %parallel_loop3A_666] {strides = array<i32>} : memref<2x8x3x8x128xf32, #tpu.memory_space<vmem>>, vector<16xf32>,
          tpu.vector_store %arg13[%parallel_loop3A_662, %parallel_loop3A_663, %parallel_loop3A_664, %parallel_loop3A_665, %parallel_loop3A_666], %parallel_loop3A_656 {strides = array<i32>} : memref<2x8x3x8x128xf32, #tpu.memory_space<vmem>>, vector<16xf32>,
          %parallel_loop3A_668 = arith.constant 0 : i32
          %parallel_loop3A_669 = arith.constant 0 : i32
          %parallel_loop3A_670 = arith.constant 0 : i32
          %parallel_loop3A_671 = tpu.memref_slice %arg12[%parallel_loop3A_668, %parallel_loop3A_669, %parallel_loop3A_670] : memref<2x1024x8xf32, #tpu.memory_space<vmem>> -> memref<1x1024x8xf32, #tpu.memory_space<vmem>>
          %parallel_loop3A_672 = tpu.memref_squeeze %parallel_loop3A_671 : memref<1x1024x8xf32, #tpu.memory_space<vmem>> -> memref<1024x8xf32, #tpu.memory_space<vmem>>
          %parallel_loop3A_673 = tpu.vector_load_idx %parallel_loop3A_672[%parallel_loop3A_573, %broadcast_in_dim3A_7] : memref<1024x8xf32, #tpu.memory_space<vmem>>[vector<16xi32>, vector<16xi32>], vector<16xf32>,
          %parallel_loop3A_674 = arith.constant 16 : i32
          %parallel_loop3A_675 = arith.muli %parallel_loop3A_555, %parallel_loop3A_674 : i32
          %parallel_loop3A_676 = arith.constant 0 : i32
          %parallel_loop3A_677 = arith.constant 1 : i32
          %parallel_loop3A_678 = arith.constant 2 : i32
          %parallel_loop3A_679 = arith.index_cast %parallel_loop3A_676 : i32 to index
          %parallel_loop3A_680 = arith.index_cast %parallel_loop3A_553 : i32 to index
          %parallel_loop3A_681 = arith.index_cast %parallel_loop3A_677 : i32 to index
          %parallel_loop3A_682 = arith.index_cast %parallel_loop3A_678 : i32 to index
          %parallel_loop3A_683 = arith.index_cast %parallel_loop3A_675 : i32 to index
          %parallel_loop3A_684 = tpu.vector_load %arg13[%parallel_loop3A_679, %parallel_loop3A_680, %parallel_loop3A_681, %parallel_loop3A_682, %parallel_loop3A_683] {strides = array<i32>} : memref<2x8x3x8x128xf32, #tpu.memory_space<vmem>>, vector<16xf32>,
          tpu.vector_store %arg13[%parallel_loop3A_679, %parallel_loop3A_680, %parallel_loop3A_681, %parallel_loop3A_682, %parallel_loop3A_683], %parallel_loop3A_673 {strides = array<i32>} : memref<2x8x3x8x128xf32, #tpu.memory_space<vmem>>, vector<16xf32>,
          %parallel_loop3A_685 = tpu.vector_load_idx %arg15[%broadcast_in_dim3A_7, %parallel_loop3A_569] : memref<8x1002xf32, #tpu.memory_space<vmem>>[vector<16xi32>, vector<16xi32>], vector<16xf32>,
          %parallel_loop3A_686 = arith.constant 16 : i32
          %parallel_loop3A_687 = arith.muli %parallel_loop3A_555, %parallel_loop3A_686 : i32
          %parallel_loop3A_688 = arith.constant 0 : i32
          %parallel_loop3A_689 = arith.constant 2 : i32
          %parallel_loop3A_690 = arith.constant 2 : i32
          %parallel_loop3A_691 = arith.index_cast %parallel_loop3A_688 : i32 to index
          %parallel_loop3A_692 = arith.index_cast %parallel_loop3A_553 : i32 to index
          %parallel_loop3A_693 = arith.index_cast %parallel_loop3A_689 : i32 to index
          %parallel_loop3A_694 = arith.index_cast %parallel_loop3A_690 : i32 to index
          %parallel_loop3A_695 = arith.index_cast %parallel_loop3A_687 : i32 to index
          %parallel_loop3A_696 = tpu.vector_load %arg13[%parallel_loop3A_691, %parallel_loop3A_692, %parallel_loop3A_693, %parallel_loop3A_694, %parallel_loop3A_695] {strides = array<i32>} : memref<2x8x3x8x128xf32, #tpu.memory_space<vmem>>, vector<16xf32>,
          tpu.vector_store %arg13[%parallel_loop3A_691, %parallel_loop3A_692, %parallel_loop3A_693, %parallel_loop3A_694, %parallel_loop3A_695], %parallel_loop3A_685 {strides = array<i32>} : memref<2x8x3x8x128xf32, #tpu.memory_space<vmem>>, vector<16xf32>,
          %parallel_loop3A_697 = tpu.vector_load_idx %arg14[%broadcast_in_dim3A_9, %parallel_loop3A_562] : memref<8x1442xf32, #tpu.memory_space<vmem>>[vector<16xi32>, vector<16xi32>], vector<16xf32>,
          %parallel_loop3A_698 = arith.constant 16 : i32
          %parallel_loop3A_699 = arith.muli %parallel_loop3A_555, %parallel_loop3A_698 : i32
          %parallel_loop3A_700 = arith.constant 0 : i32
          %parallel_loop3A_701 = arith.constant 0 : i32
          %parallel_loop3A_702 = arith.constant 3 : i32
          %parallel_loop3A_703 = arith.index_cast %parallel_loop3A_700 : i32 to index
          %parallel_loop3A_704 = arith.index_cast %parallel_loop3A_553 : i32 to index
          %parallel_loop3A_705 = arith.index_cast %parallel_loop3A_701 : i32 to index
          %parallel_loop3A_706 = arith.index_cast %parallel_loop3A_702 : i32 to index
          %parallel_loop3A_707 = arith.index_cast %parallel_loop3A_699 : i32 to index
          %parallel_loop3A_708 = tpu.vector_load %arg13[%parallel_loop3A_703, %parallel_loop3A_704, %parallel_loop3A_705, %parallel_loop3A_706, %parallel_loop3A_707] {strides = array<i32>} : memref<2x8x3x8x128xf32, #tpu.memory_space<vmem>>, vector<16xf32>,
          tpu.vector_store %arg13[%parallel_loop3A_703, %parallel_loop3A_704, %parallel_loop3A_705, %parallel_loop3A_706, %parallel_loop3A_707], %parallel_loop3A_697 {strides = array<i32>} : memref<2x8x3x8x128xf32, #tpu.memory_space<vmem>>, vector<16xf32>,
          %parallel_loop3A_709 = arith.constant 0 : i32
          %parallel_loop3A_710 = arith.constant 0 : i32
          %parallel_loop3A_711 = arith.constant 0 : i32
          %parallel_loop3A_712 = tpu.memref_slice %arg12[%parallel_loop3A_709, %parallel_loop3A_710, %parallel_loop3A_711] : memref<2x1024x8xf32, #tpu.memory_space<vmem>> -> memref<1x1024x8xf32, #tpu.memory_space<vmem>>
          %parallel_loop3A_713 = tpu.memref_squeeze %parallel_loop3A_712 : memref<1x1024x8xf32, #tpu.memory_space<vmem>> -> memref<1024x8xf32, #tpu.memory_space<vmem>>
          %parallel_loop3A_714 = tpu.vector_load_idx %parallel_loop3A_713[%parallel_loop3A_573, %broadcast_in_dim3A_9] : memref<1024x8xf32, #tpu.memory_space<vmem>>[vector<16xi32>, vector<16xi32>], vector<16xf32>,
          %parallel_loop3A_715 = arith.constant 16 : i32
          %parallel_loop3A_716 = arith.muli %parallel_loop3A_555, %parallel_loop3A_715 : i32
          %parallel_loop3A_717 = arith.constant 0 : i32
          %parallel_loop3A_718 = arith.constant 1 : i32
          %parallel_loop3A_719 = arith.constant 3 : i32
          %parallel_loop3A_720 = arith.index_cast %parallel_loop3A_717 : i32 to index
          %parallel_loop3A_721 = arith.index_cast %parallel_loop3A_553 : i32 to index
          %parallel_loop3A_722 = arith.index_cast %parallel_loop3A_718 : i32 to index
          %parallel_loop3A_723 = arith.index_cast %parallel_loop3A_719 : i32 to index
          %parallel_loop3A_724 = arith.index_cast %parallel_loop3A_716 : i32 to index
          %parallel_loop3A_725 = tpu.vector_load %arg13[%parallel_loop3A_720, %parallel_loop3A_721, %parallel_loop3A_722, %parallel_loop3A_723, %parallel_loop3A_724] {strides = array<i32>} : memref<2x8x3x8x128xf32, #tpu.memory_space<vmem>>, vector<16xf32>,
          tpu.vector_store %arg13[%parallel_loop3A_720, %parallel_loop3A_721, %parallel_loop3A_722, %parallel_loop3A_723, %parallel_loop3A_724], %parallel_loop3A_714 {strides = array<i32>} : memref<2x8x3x8x128xf32, #tpu.memory_space<vmem>>, vector<16xf32>,
          %parallel_loop3A_726 = tpu.vector_load_idx %arg15[%broadcast_in_dim3A_9, %parallel_loop3A_569] : memref<8x1002xf32, #tpu.memory_space<vmem>>[vector<16xi32>, vector<16xi32>], vector<16xf32>,
          %parallel_loop3A_727 = arith.constant 16 : i32
          %parallel_loop3A_728 = arith.muli %parallel_loop3A_555, %parallel_loop3A_727 : i32
          %parallel_loop3A_729 = arith.constant 0 : i32
          %parallel_loop3A_730 = arith.constant 2 : i32
          %parallel_loop3A_731 = arith.constant 3 : i32
          %parallel_loop3A_732 = arith.index_cast %parallel_loop3A_729 : i32 to index
          %parallel_loop3A_733 = arith.index_cast %parallel_loop3A_553 : i32 to index
          %parallel_loop3A_734 = arith.index_cast %parallel_loop3A_730 : i32 to index
          %parallel_loop3A_735 = arith.index_cast %parallel_loop3A_731 : i32 to index
          %parallel_loop3A_736 = arith.index_cast %parallel_loop3A_728 : i32 to index
          %parallel_loop3A_737 = tpu.vector_load %arg13[%parallel_loop3A_732, %parallel_loop3A_733, %parallel_loop3A_734, %parallel_loop3A_735, %parallel_loop3A_736] {strides = array<i32>} : memref<2x8x3x8x128xf32, #tpu.memory_space<vmem>>, vector<16xf32>,
          tpu.vector_store %arg13[%parallel_loop3A_732, %parallel_loop3A_733, %parallel_loop3A_734, %parallel_loop3A_735, %parallel_loop3A_736], %parallel_loop3A_726 {strides = array<i32>} : memref<2x8x3x8x128xf32, #tpu.memory_space<vmem>>, vector<16xf32>,
          %parallel_loop3A_738 = tpu.vector_load_idx %arg14[%broadcast_in_dim3A_11, %parallel_loop3A_562] : memref<8x1442xf32, #tpu.memory_space<vmem>>[vector<16xi32>, vector<16xi32>], vector<16xf32>,
          %parallel_loop3A_739 = arith.constant 16 : i32
          %parallel_loop3A_740 = arith.muli %parallel_loop3A_555, %parallel_loop3A_739 : i32
          %parallel_loop3A_741 = arith.constant 0 : i32
          %parallel_loop3A_742 = arith.constant 0 : i32
          %parallel_loop3A_743 = arith.constant 4 : i32
          %parallel_loop3A_744 = arith.index_cast %parallel_loop3A_741 : i32 to index
          %parallel_loop3A_745 = arith.index_cast %parallel_loop3A_553 : i32 to index
          %parallel_loop3A_746 = arith.index_cast %parallel_loop3A_742 : i32 to index
          %parallel_loop3A_747 = arith.index_cast %parallel_loop3A_743 : i32 to index
          %parallel_loop3A_748 = arith.index_cast %parallel_loop3A_740 : i32 to index
          %parallel_loop3A_749 = tpu.vector_load %arg13[%parallel_loop3A_744, %parallel_loop3A_745, %parallel_loop3A_746, %parallel_loop3A_747, %parallel_loop3A_748] {strides = array<i32>} : memref<2x8x3x8x128xf32, #tpu.memory_space<vmem>>, vector<16xf32>,
          tpu.vector_store %arg13[%parallel_loop3A_744, %parallel_loop3A_745, %parallel_loop3A_746, %parallel_loop3A_747, %parallel_loop3A_748], %parallel_loop3A_738 {strides = array<i32>} : memref<2x8x3x8x128xf32, #tpu.memory_space<vmem>>, vector<16xf32>,
          %parallel_loop3A_750 = arith.constant 0 : i32
          %parallel_loop3A_751 = arith.constant 0 : i32
          %parallel_loop3A_752 = arith.constant 0 : i32
          %parallel_loop3A_753 = tpu.memref_slice %arg12[%parallel_loop3A_750, %parallel_loop3A_751, %parallel_loop3A_752] : memref<2x1024x8xf32, #tpu.memory_space<vmem>> -> memref<1x1024x8xf32, #tpu.memory_space<vmem>>
          %parallel_loop3A_754 = tpu.memref_squeeze %parallel_loop3A_753 : memref<1x1024x8xf32, #tpu.memory_space<vmem>> -> memref<1024x8xf32, #tpu.memory_space<vmem>>
          %parallel_loop3A_755 = tpu.vector_load_idx %parallel_loop3A_754[%parallel_loop3A_573, %broadcast_in_dim3A_11] : memref<1024x8xf32, #tpu.memory_space<vmem>>[vector<16xi32>, vector<16xi32>], vector<16xf32>,
          %parallel_loop3A_756 = arith.constant 16 : i32
          %parallel_loop3A_757 = arith.muli %parallel_loop3A_555, %parallel_loop3A_756 : i32
          %parallel_loop3A_758 = arith.constant 0 : i32
          %parallel_loop3A_759 = arith.constant 1 : i32
          %parallel_loop3A_760 = arith.constant 4 : i32
          %parallel_loop3A_761 = arith.index_cast %parallel_loop3A_758 : i32 to index
          %parallel_loop3A_762 = arith.index_cast %parallel_loop3A_553 : i32 to index
          %parallel_loop3A_763 = arith.index_cast %parallel_loop3A_759 : i32 to index
          %parallel_loop3A_764 = arith.index_cast %parallel_loop3A_760 : i32 to index
          %parallel_loop3A_765 = arith.index_cast %parallel_loop3A_757 : i32 to index
          %parallel_loop3A_766 = tpu.vector_load %arg13[%parallel_loop3A_761, %parallel_loop3A_762, %parallel_loop3A_763, %parallel_loop3A_764, %parallel_loop3A_765] {strides = array<i32>} : memref<2x8x3x8x128xf32, #tpu.memory_space<vmem>>, vector<16xf32>,
          tpu.vector_store %arg13[%parallel_loop3A_761, %parallel_loop3A_762, %parallel_loop3A_763, %parallel_loop3A_764, %parallel_loop3A_765], %parallel_loop3A_755 {strides = array<i32>} : memref<2x8x3x8x128xf32, #tpu.memory_space<vmem>>, vector<16xf32>,
          %parallel_loop3A_767 = tpu.vector_load_idx %arg15[%broadcast_in_dim3A_11, %parallel_loop3A_569] : memref<8x1002xf32, #tpu.memory_space<vmem>>[vector<16xi32>, vector<16xi32>], vector<16xf32>,
          %parallel_loop3A_768 = arith.constant 16 : i32
          %parallel_loop3A_769 = arith.muli %parallel_loop3A_555, %parallel_loop3A_768 : i32
          %parallel_loop3A_770 = arith.constant 0 : i32
          %parallel_loop3A_771 = arith.constant 2 : i32
          %parallel_loop3A_772 = arith.constant 4 : i32
          %parallel_loop3A_773 = arith.index_cast %parallel_loop3A_770 : i32 to index
          %parallel_loop3A_774 = arith.index_cast %parallel_loop3A_553 : i32 to index
          %parallel_loop3A_775 = arith.index_cast %parallel_loop3A_771 : i32 to index
          %parallel_loop3A_776 = arith.index_cast %parallel_loop3A_772 : i32 to index
          %parallel_loop3A_777 = arith.index_cast %parallel_loop3A_769 : i32 to index
          %parallel_loop3A_778 = tpu.vector_load %arg13[%parallel_loop3A_773, %parallel_loop3A_774, %parallel_loop3A_775, %parallel_loop3A_776, %parallel_loop3A_777] {strides = array<i32>} : memref<2x8x3x8x128xf32, #tpu.memory_space<vmem>>, vector<16xf32>,
          tpu.vector_store %arg13[%parallel_loop3A_773, %parallel_loop3A_774, %parallel_loop3A_775, %parallel_loop3A_776, %parallel_loop3A_777], %parallel_loop3A_767 {strides = array<i32>} : memref<2x8x3x8x128xf32, #tpu.memory_space<vmem>>, vector<16xf32>,
          %parallel_loop3A_779 = tpu.vector_load_idx %arg14[%broadcast_in_dim3A_13, %parallel_loop3A_562] : memref<8x1442xf32, #tpu.memory_space<vmem>>[vector<16xi32>, vector<16xi32>], vector<16xf32>,
          %parallel_loop3A_780 = arith.constant 16 : i32
          %parallel_loop3A_781 = arith.muli %parallel_loop3A_555, %parallel_loop3A_780 : i32
          %parallel_loop3A_782 = arith.constant 0 : i32
          %parallel_loop3A_783 = arith.constant 0 : i32
          %parallel_loop3A_784 = arith.constant 5 : i32
          %parallel_loop3A_785 = arith.index_cast %parallel_loop3A_782 : i32 to index
          %parallel_loop3A_786 = arith.index_cast %parallel_loop3A_553 : i32 to index
          %parallel_loop3A_787 = arith.index_cast %parallel_loop3A_783 : i32 to index
          %parallel_loop3A_788 = arith.index_cast %parallel_loop3A_784 : i32 to index
          %parallel_loop3A_789 = arith.index_cast %parallel_loop3A_781 : i32 to index
          %parallel_loop3A_790 = tpu.vector_load %arg13[%parallel_loop3A_785, %parallel_loop3A_786, %parallel_loop3A_787, %parallel_loop3A_788, %parallel_loop3A_789] {strides = array<i32>} : memref<2x8x3x8x128xf32, #tpu.memory_space<vmem>>, vector<16xf32>,
          tpu.vector_store %arg13[%parallel_loop3A_785, %parallel_loop3A_786, %parallel_loop3A_787, %parallel_loop3A_788, %parallel_loop3A_789], %parallel_loop3A_779 {strides = array<i32>} : memref<2x8x3x8x128xf32, #tpu.memory_space<vmem>>, vector<16xf32>,
          %parallel_loop3A_791 = arith.constant 0 : i32
          %parallel_loop3A_792 = arith.constant 0 : i32
          %parallel_loop3A_793 = arith.constant 0 : i32
          %parallel_loop3A_794 = tpu.memref_slice %arg12[%parallel_loop3A_791, %parallel_loop3A_792, %parallel_loop3A_793] : memref<2x1024x8xf32, #tpu.memory_space<vmem>> -> memref<1x1024x8xf32, #tpu.memory_space<vmem>>
          %parallel_loop3A_795 = tpu.memref_squeeze %parallel_loop3A_794 : memref<1x1024x8xf32, #tpu.memory_space<vmem>> -> memref<1024x8xf32, #tpu.memory_space<vmem>>
          %parallel_loop3A_796 = tpu.vector_load_idx %parallel_loop3A_795[%parallel_loop3A_573, %broadcast_in_dim3A_13] : memref<1024x8xf32, #tpu.memory_space<vmem>>[vector<16xi32>, vector<16xi32>], vector<16xf32>,
          %parallel_loop3A_797 = arith.constant 16 : i32
          %parallel_loop3A_798 = arith.muli %parallel_loop3A_555, %parallel_loop3A_797 : i32
          %parallel_loop3A_799 = arith.constant 0 : i32
          %parallel_loop3A_800 = arith.constant 1 : i32
          %parallel_loop3A_801 = arith.constant 5 : i32
          %parallel_loop3A_802 = arith.index_cast %parallel_loop3A_799 : i32 to index
          %parallel_loop3A_803 = arith.index_cast %parallel_loop3A_553 : i32 to index
          %parallel_loop3A_804 = arith.index_cast %parallel_loop3A_800 : i32 to index
          %parallel_loop3A_805 = arith.index_cast %parallel_loop3A_801 : i32 to index
          %parallel_loop3A_806 = arith.index_cast %parallel_loop3A_798 : i32 to index
          %parallel_loop3A_807 = tpu.vector_load %arg13[%parallel_loop3A_802, %parallel_loop3A_803, %parallel_loop3A_804, %parallel_loop3A_805, %parallel_loop3A_806] {strides = array<i32>} : memref<2x8x3x8x128xf32, #tpu.memory_space<vmem>>, vector<16xf32>,
          tpu.vector_store %arg13[%parallel_loop3A_802, %parallel_loop3A_803, %parallel_loop3A_804, %parallel_loop3A_805, %parallel_loop3A_806], %parallel_loop3A_796 {strides = array<i32>} : memref<2x8x3x8x128xf32, #tpu.memory_space<vmem>>, vector<16xf32>,
          %parallel_loop3A_808 = tpu.vector_load_idx %arg15[%broadcast_in_dim3A_13, %parallel_loop3A_569] : memref<8x1002xf32, #tpu.memory_space<vmem>>[vector<16xi32>, vector<16xi32>], vector<16xf32>,
          %parallel_loop3A_809 = arith.constant 16 : i32
          %parallel_loop3A_810 = arith.muli %parallel_loop3A_555, %parallel_loop3A_809 : i32
          %parallel_loop3A_811 = arith.constant 0 : i32
          %parallel_loop3A_812 = arith.constant 2 : i32
          %parallel_loop3A_813 = arith.constant 5 : i32
          %parallel_loop3A_814 = arith.index_cast %parallel_loop3A_811 : i32 to index
          %parallel_loop3A_815 = arith.index_cast %parallel_loop3A_553 : i32 to index
          %parallel_loop3A_816 = arith.index_cast %parallel_loop3A_812 : i32 to index
          %parallel_loop3A_817 = arith.index_cast %parallel_loop3A_813 : i32 to index
          %parallel_loop3A_818 = arith.index_cast %parallel_loop3A_810 : i32 to index
          %parallel_loop3A_819 = tpu.vector_load %arg13[%parallel_loop3A_814, %parallel_loop3A_815, %parallel_loop3A_816, %parallel_loop3A_817, %parallel_loop3A_818] {strides = array<i32>} : memref<2x8x3x8x128xf32, #tpu.memory_space<vmem>>, vector<16xf32>,
          tpu.vector_store %arg13[%parallel_loop3A_814, %parallel_loop3A_815, %parallel_loop3A_816, %parallel_loop3A_817, %parallel_loop3A_818], %parallel_loop3A_808 {strides = array<i32>} : memref<2x8x3x8x128xf32, #tpu.memory_space<vmem>>, vector<16xf32>,
          %parallel_loop3A_820 = tpu.vector_load_idx %arg14[%broadcast_in_dim3A_15, %parallel_loop3A_562] : memref<8x1442xf32, #tpu.memory_space<vmem>>[vector<16xi32>, vector<16xi32>], vector<16xf32>,
          %parallel_loop3A_821 = arith.constant 16 : i32
          %parallel_loop3A_822 = arith.muli %parallel_loop3A_555, %parallel_loop3A_821 : i32
          %parallel_loop3A_823 = arith.constant 0 : i32
          %parallel_loop3A_824 = arith.constant 0 : i32
          %parallel_loop3A_825 = arith.constant 6 : i32
          %parallel_loop3A_826 = arith.index_cast %parallel_loop3A_823 : i32 to index
          %parallel_loop3A_827 = arith.index_cast %parallel_loop3A_553 : i32 to index
          %parallel_loop3A_828 = arith.index_cast %parallel_loop3A_824 : i32 to index
          %parallel_loop3A_829 = arith.index_cast %parallel_loop3A_825 : i32 to index
          %parallel_loop3A_830 = arith.index_cast %parallel_loop3A_822 : i32 to index
          %parallel_loop3A_831 = tpu.vector_load %arg13[%parallel_loop3A_826, %parallel_loop3A_827, %parallel_loop3A_828, %parallel_loop3A_829, %parallel_loop3A_830] {strides = array<i32>} : memref<2x8x3x8x128xf32, #tpu.memory_space<vmem>>, vector<16xf32>,
          tpu.vector_store %arg13[%parallel_loop3A_826, %parallel_loop3A_827, %parallel_loop3A_828, %parallel_loop3A_829, %parallel_loop3A_830], %parallel_loop3A_820 {strides = array<i32>} : memref<2x8x3x8x128xf32, #tpu.memory_space<vmem>>, vector<16xf32>,
          %parallel_loop3A_832 = arith.constant 0 : i32
          %parallel_loop3A_833 = arith.constant 0 : i32
          %parallel_loop3A_834 = arith.constant 0 : i32
          %parallel_loop3A_835 = tpu.memref_slice %arg12[%parallel_loop3A_832, %parallel_loop3A_833, %parallel_loop3A_834] : memref<2x1024x8xf32, #tpu.memory_space<vmem>> -> memref<1x1024x8xf32, #tpu.memory_space<vmem>>
          %parallel_loop3A_836 = tpu.memref_squeeze %parallel_loop3A_835 : memref<1x1024x8xf32, #tpu.memory_space<vmem>> -> memref<1024x8xf32, #tpu.memory_space<vmem>>
          %parallel_loop3A_837 = tpu.vector_load_idx %parallel_loop3A_836[%parallel_loop3A_573, %broadcast_in_dim3A_15] : memref<1024x8xf32, #tpu.memory_space<vmem>>[vector<16xi32>, vector<16xi32>], vector<16xf32>,
          %parallel_loop3A_838 = arith.constant 16 : i32
          %parallel_loop3A_839 = arith.muli %parallel_loop3A_555, %parallel_loop3A_838 : i32
          %parallel_loop3A_840 = arith.constant 0 : i32
          %parallel_loop3A_841 = arith.constant 1 : i32
          %parallel_loop3A_842 = arith.constant 6 : i32
          %parallel_loop3A_843 = arith.index_cast %parallel_loop3A_840 : i32 to index
          %parallel_loop3A_844 = arith.index_cast %parallel_loop3A_553 : i32 to index
          %parallel_loop3A_845 = arith.index_cast %parallel_loop3A_841 : i32 to index
          %parallel_loop3A_846 = arith.index_cast %parallel_loop3A_842 : i32 to index
          %parallel_loop3A_847 = arith.index_cast %parallel_loop3A_839 : i32 to index
          %parallel_loop3A_848 = tpu.vector_load %arg13[%parallel_loop3A_843, %parallel_loop3A_844, %parallel_loop3A_845, %parallel_loop3A_846, %parallel_loop3A_847] {strides = array<i32>} : memref<2x8x3x8x128xf32, #tpu.memory_space<vmem>>, vector<16xf32>,
          tpu.vector_store %arg13[%parallel_loop3A_843, %parallel_loop3A_844, %parallel_loop3A_845, %parallel_loop3A_846, %parallel_loop3A_847], %parallel_loop3A_837 {strides = array<i32>} : memref<2x8x3x8x128xf32, #tpu.memory_space<vmem>>, vector<16xf32>,
          %parallel_loop3A_849 = tpu.vector_load_idx %arg15[%broadcast_in_dim3A_15, %parallel_loop3A_569] : memref<8x1002xf32, #tpu.memory_space<vmem>>[vector<16xi32>, vector<16xi32>], vector<16xf32>,
          %parallel_loop3A_850 = arith.constant 16 : i32
          %parallel_loop3A_851 = arith.muli %parallel_loop3A_555, %parallel_loop3A_850 : i32
          %parallel_loop3A_852 = arith.constant 0 : i32
          %parallel_loop3A_853 = arith.constant 2 : i32
          %parallel_loop3A_854 = arith.constant 6 : i32
          %parallel_loop3A_855 = arith.index_cast %parallel_loop3A_852 : i32 to index
          %parallel_loop3A_856 = arith.index_cast %parallel_loop3A_553 : i32 to index
          %parallel_loop3A_857 = arith.index_cast %parallel_loop3A_853 : i32 to index
          %parallel_loop3A_858 = arith.index_cast %parallel_loop3A_854 : i32 to index
          %parallel_loop3A_859 = arith.index_cast %parallel_loop3A_851 : i32 to index
          %parallel_loop3A_860 = tpu.vector_load %arg13[%parallel_loop3A_855, %parallel_loop3A_856, %parallel_loop3A_857, %parallel_loop3A_858, %parallel_loop3A_859] {strides = array<i32>} : memref<2x8x3x8x128xf32, #tpu.memory_space<vmem>>, vector<16xf32>,
          tpu.vector_store %arg13[%parallel_loop3A_855, %parallel_loop3A_856, %parallel_loop3A_857, %parallel_loop3A_858, %parallel_loop3A_859], %parallel_loop3A_849 {strides = array<i32>} : memref<2x8x3x8x128xf32, #tpu.memory_space<vmem>>, vector<16xf32>,
          %parallel_loop3A_861 = tpu.vector_load_idx %arg14[%broadcast_in_dim3A_17, %parallel_loop3A_562] : memref<8x1442xf32, #tpu.memory_space<vmem>>[vector<16xi32>, vector<16xi32>], vector<16xf32>,
          %parallel_loop3A_862 = arith.constant 16 : i32
          %parallel_loop3A_863 = arith.muli %parallel_loop3A_555, %parallel_loop3A_862 : i32
          %parallel_loop3A_864 = arith.constant 0 : i32
          %parallel_loop3A_865 = arith.constant 0 : i32
          %parallel_loop3A_866 = arith.constant 7 : i32
          %parallel_loop3A_867 = arith.index_cast %parallel_loop3A_864 : i32 to index
          %parallel_loop3A_868 = arith.index_cast %parallel_loop3A_553 : i32 to index
          %parallel_loop3A_869 = arith.index_cast %parallel_loop3A_865 : i32 to index
          %parallel_loop3A_870 = arith.index_cast %parallel_loop3A_866 : i32 to index
          %parallel_loop3A_871 = arith.index_cast %parallel_loop3A_863 : i32 to index
          %parallel_loop3A_872 = tpu.vector_load %arg13[%parallel_loop3A_867, %parallel_loop3A_868, %parallel_loop3A_869, %parallel_loop3A_870, %parallel_loop3A_871] {strides = array<i32>} : memref<2x8x3x8x128xf32, #tpu.memory_space<vmem>>, vector<16xf32>,
          tpu.vector_store %arg13[%parallel_loop3A_867, %parallel_loop3A_868, %parallel_loop3A_869, %parallel_loop3A_870, %parallel_loop3A_871], %parallel_loop3A_861 {strides = array<i32>} : memref<2x8x3x8x128xf32, #tpu.memory_space<vmem>>, vector<16xf32>,
          %parallel_loop3A_873 = arith.constant 0 : i32
          %parallel_loop3A_874 = arith.constant 0 : i32
          %parallel_loop3A_875 = arith.constant 0 : i32
          %parallel_loop3A_876 = tpu.memref_slice %arg12[%parallel_loop3A_873, %parallel_loop3A_874, %parallel_loop3A_875] : memref<2x1024x8xf32, #tpu.memory_space<vmem>> -> memref<1x1024x8xf32, #tpu.memory_space<vmem>>
          %parallel_loop3A_877 = tpu.memref_squeeze %parallel_loop3A_876 : memref<1x1024x8xf32, #tpu.memory_space<vmem>> -> memref<1024x8xf32, #tpu.memory_space<vmem>>
          %parallel_loop3A_878 = tpu.vector_load_idx %parallel_loop3A_877[%parallel_loop3A_573, %broadcast_in_dim3A_17] : memref<1024x8xf32, #tpu.memory_space<vmem>>[vector<16xi32>, vector<16xi32>], vector<16xf32>,
          %parallel_loop3A_879 = arith.constant 16 : i32
          %parallel_loop3A_880 = arith.muli %parallel_loop3A_555, %parallel_loop3A_879 : i32
          %parallel_loop3A_881 = arith.constant 0 : i32
          %parallel_loop3A_882 = arith.constant 1 : i32
          %parallel_loop3A_883 = arith.constant 7 : i32
          %parallel_loop3A_884 = arith.index_cast %parallel_loop3A_881 : i32 to index
          %parallel_loop3A_885 = arith.index_cast %parallel_loop3A_553 : i32 to index
          %parallel_loop3A_886 = arith.index_cast %parallel_loop3A_882 : i32 to index
          %parallel_loop3A_887 = arith.index_cast %parallel_loop3A_883 : i32 to index
          %parallel_loop3A_888 = arith.index_cast %parallel_loop3A_880 : i32 to index
          %parallel_loop3A_889 = tpu.vector_load %arg13[%parallel_loop3A_884, %parallel_loop3A_885, %parallel_loop3A_886, %parallel_loop3A_887, %parallel_loop3A_888] {strides = array<i32>} : memref<2x8x3x8x128xf32, #tpu.memory_space<vmem>>, vector<16xf32>,
          tpu.vector_store %arg13[%parallel_loop3A_884, %parallel_loop3A_885, %parallel_loop3A_886, %parallel_loop3A_887, %parallel_loop3A_888], %parallel_loop3A_878 {strides = array<i32>} : memref<2x8x3x8x128xf32, #tpu.memory_space<vmem>>, vector<16xf32>,
          %parallel_loop3A_890 = tpu.vector_load_idx %arg15[%broadcast_in_dim3A_17, %parallel_loop3A_569] : memref<8x1002xf32, #tpu.memory_space<vmem>>[vector<16xi32>, vector<16xi32>], vector<16xf32>,
          %parallel_loop3A_891 = arith.constant 16 : i32
          %parallel_loop3A_892 = arith.muli %parallel_loop3A_555, %parallel_loop3A_891 : i32
          %parallel_loop3A_893 = arith.constant 0 : i32
          %parallel_loop3A_894 = arith.constant 2 : i32
          %parallel_loop3A_895 = arith.constant 7 : i32
          %parallel_loop3A_896 = arith.index_cast %parallel_loop3A_893 : i32 to index
          %parallel_loop3A_897 = arith.index_cast %parallel_loop3A_553 : i32 to index
          %parallel_loop3A_898 = arith.index_cast %parallel_loop3A_894 : i32 to index
          %parallel_loop3A_899 = arith.index_cast %parallel_loop3A_895 : i32 to index
          %parallel_loop3A_900 = arith.index_cast %parallel_loop3A_892 : i32 to index
          %parallel_loop3A_901 = tpu.vector_load %arg13[%parallel_loop3A_896, %parallel_loop3A_897, %parallel_loop3A_898, %parallel_loop3A_899, %parallel_loop3A_900] {strides = array<i32>} : memref<2x8x3x8x128xf32, #tpu.memory_space<vmem>>, vector<16xf32>,
          tpu.vector_store %arg13[%parallel_loop3A_896, %parallel_loop3A_897, %parallel_loop3A_898, %parallel_loop3A_899, %parallel_loop3A_900], %parallel_loop3A_890 {strides = array<i32>} : memref<2x8x3x8x128xf32, #tpu.memory_space<vmem>>, vector<16xf32>,
        } {sc.loop_unroll_factor = 16 : i64, sc.parallel_access}
        %add3A_497 = arith.constant 2 : i32
        %add3A_498 = arith.addi %scan3A_453, %add3A_497 : i32
        %lt3A_499 = arith.constant 25 : i32
        %lt3A_500 = arith.cmpi slt, %add3A_498, %lt3A_499 : i32
        %convert_element_type3A_501 = arith.extui %lt3A_500 : i1 to i32
        %cond3A_502 = arith.constant 0 : i32
        %cond3A_503 = arith.cmpi ne, %convert_element_type3A_501, %cond3A_502 : i32
        scf.if %cond3A_503 {
          %add3A_529 = arith.constant 2 : i32
          %add3A_530 = arith.addi %scan3A_453, %add3A_529 : i32
          %dma_start3A_531 = arith.constant 0 : i32
          %dma_start3A_532 = arith.constant 0 : i32
          %dma_start3A_533 = arith.constant 0 : i32
          %dma_start3A_534 = tpu.memref_slice %arg9[%dma_start3A_531, %dma_start3A_532, %dma_start3A_533] : memref<2x8x128xi32, #tpu.memory_space<vmem>> -> memref<1x8x128xi32, #tpu.memory_space<vmem>>
          %dma_start3A_535 = tpu.memref_squeeze %dma_start3A_534 : memref<1x8x128xi32, #tpu.memory_space<vmem>> -> memref<8x128xi32, #tpu.memory_space<vmem>>
          %dma_start3A_536 = arith.constant 0 : i32
          %dma_start3A_537 = arith.constant 0 : i32
          %dma_start3A_538 = tpu.memref_slice %arg2[%add3A_530, %add3A, %dma_start3A_536, %dma_start3A_537] : memref<25x32x8x128xi32, #tpu.memory_space<hbm>> -> memref<1x1x8x128xi32, #tpu.memory_space<hbm>>
          %dma_start3A_539 = tpu.memref_squeeze %dma_start3A_538 : memref<1x1x8x128xi32, #tpu.memory_space<hbm>> -> memref<8x128xi32, #tpu.memory_space<hbm>>
          %dma_start3A_540 = arith.constant 0 : i32
          %dma_start3A_541 = arith.constant 0 : i32
          %dma_start3A_542 = tpu.memref_slice %arg9[%dma_start3A_531, %dma_start3A_540, %dma_start3A_541] : memref<2x8x128xi32, #tpu.memory_space<vmem>> -> memref<1x8x128xi32, #tpu.memory_space<vmem>>
          %dma_start3A_543 = tpu.memref_squeeze %dma_start3A_542 : memref<1x8x128xi32, #tpu.memory_space<vmem>> -> memref<8x128xi32, #tpu.memory_space<vmem>>
          %dma_start3A_544 = arith.constant 0 : i32
          %dma_start3A_545 = arith.constant 0 : i32
          %dma_start3A_546 = tpu.memref_slice %arg2[%add3A_530, %add3A, %dma_start3A_544, %dma_start3A_545] : memref<25x32x8x128xi32, #tpu.memory_space<hbm>> -> memref<1x1x8x128xi32, #tpu.memory_space<hbm>>
          %dma_start3A_547 = tpu.memref_squeeze %dma_start3A_546 : memref<1x1x8x128xi32, #tpu.memory_space<hbm>> -> memref<8x128xi32, #tpu.memory_space<hbm>>
          tpu.enqueue_dma source(%dma_start3A_547 : memref<8x128xi32, #tpu.memory_space<hbm>>) target(%dma_start3A_543 : memref<8x128xi32, #tpu.memory_space<vmem>>) target_semaphore(%arg16 : memref<!tpu.dma_semaphore, #tpu.memory_space<semaphore_mem>>)
          %dma_start3A_548 = arith.constant 0 : i32
          %dma_start3A_549 = arith.constant 0 : i32
          %dma_start3A_550 = arith.constant 0 : i32
          %dma_start3A_551 = tpu.memref_slice %arg11[%dma_start3A_548, %dma_start3A_549, %dma_start3A_550] : memref<2x8x128xi32, #tpu.memory_space<vmem>> -> memref<1x8x128xi32, #tpu.memory_space<vmem>>
          %dma_start3A_552 = tpu.memref_squeeze %dma_start3A_551 : memref<1x8x128xi32, #tpu.memory_space<vmem>> -> memref<8x128xi32, #tpu.memory_space<vmem>>
          %dma_start3A_553 = arith.constant 0 : i32
          %dma_start3A_554 = arith.constant 0 : i32
          %dma_start3A_555 = tpu.memref_slice %arg4[%add3A_530, %add3A, %dma_start3A_553, %dma_start3A_554] : memref<25x32x8x128xi32, #tpu.memory_space<hbm>> -> memref<1x1x8x128xi32, #tpu.memory_space<hbm>>
          %dma_start3A_556 = tpu.memref_squeeze %dma_start3A_555 : memref<1x1x8x128xi32, #tpu.memory_space<hbm>> -> memref<8x128xi32, #tpu.memory_space<hbm>>
          %dma_start3A_557 = arith.constant 0 : i32
          %dma_start3A_558 = arith.constant 0 : i32
          %dma_start3A_559 = tpu.memref_slice %arg11[%dma_start3A_548, %dma_start3A_557, %dma_start3A_558] : memref<2x8x128xi32, #tpu.memory_space<vmem>> -> memref<1x8x128xi32, #tpu.memory_space<vmem>>
          %dma_start3A_560 = tpu.memref_squeeze %dma_start3A_559 : memref<1x8x128xi32, #tpu.memory_space<vmem>> -> memref<8x128xi32, #tpu.memory_space<vmem>>
          %dma_start3A_561 = arith.constant 0 : i32
          %dma_start3A_562 = arith.constant 0 : i32
          %dma_start3A_563 = tpu.memref_slice %arg4[%add3A_530, %add3A, %dma_start3A_561, %dma_start3A_562] : memref<25x32x8x128xi32, #tpu.memory_space<hbm>> -> memref<1x1x8x128xi32, #tpu.memory_space<hbm>>
          %dma_start3A_564 = tpu.memref_squeeze %dma_start3A_563 : memref<1x1x8x128xi32, #tpu.memory_space<hbm>> -> memref<8x128xi32, #tpu.memory_space<hbm>>
          tpu.enqueue_dma source(%dma_start3A_564 : memref<8x128xi32, #tpu.memory_space<hbm>>) target(%dma_start3A_560 : memref<8x128xi32, #tpu.memory_space<vmem>>) target_semaphore(%arg16 : memref<!tpu.dma_semaphore, #tpu.memory_space<semaphore_mem>>)
          %dma_start3A_565 = arith.constant 0 : i32
          %dma_start3A_566 = arith.constant 0 : i32
          %dma_start3A_567 = arith.constant 0 : i32
          %dma_start3A_568 = tpu.memref_slice %arg10[%dma_start3A_566, %dma_start3A_567] : memref<2x1024xi32, #tpu.memory_space<vmem>> -> memref<1x128xi32, #tpu.memory_space<vmem>>
          %dma_start3A_569 = tpu.memref_squeeze %dma_start3A_568 : memref<1x128xi32, #tpu.memory_space<vmem>> -> memref<128xi32, #tpu.memory_space<vmem>>
          %dma_start3A_570 = arith.constant 0 : i32
          %dma_start3A_571 = tpu.memref_slice %arg3[%add3A_530, %add3A, %dma_start3A_565, %dma_start3A_570] : memref<25x32x8x128xi32, #tpu.memory_space<hbm>> -> memref<1x1x1x128xi32, #tpu.memory_space<hbm>>
          %dma_start3A_572 = tpu.memref_squeeze %dma_start3A_571 : memref<1x1x1x128xi32, #tpu.memory_space<hbm>> -> memref<128xi32, #tpu.memory_space<hbm>>
          %dma_start3A_573 = arith.constant 0 : i32
          %dma_start3A_574 = tpu.memref_slice %arg10[%dma_start3A_566, %dma_start3A_573] : memref<2x1024xi32, #tpu.memory_space<vmem>> -> memref<1x128xi32, #tpu.memory_space<vmem>>
          %dma_start3A_575 = tpu.memref_squeeze %dma_start3A_574 : memref<1x128xi32, #tpu.memory_space<vmem>> -> memref<128xi32, #tpu.memory_space<vmem>>
          %dma_start3A_576 = arith.constant 0 : i32
          %dma_start3A_577 = tpu.memref_slice %arg3[%add3A_530, %add3A, %dma_start3A_565, %dma_start3A_576] : memref<25x32x8x128xi32, #tpu.memory_space<hbm>> -> memref<1x1x1x128xi32, #tpu.memory_space<hbm>>
          %dma_start3A_578 = tpu.memref_squeeze %dma_start3A_577 : memref<1x1x1x128xi32, #tpu.memory_space<hbm>> -> memref<128xi32, #tpu.memory_space<hbm>>
          tpu.enqueue_dma source(%dma_start3A_578 : memref<128xi32, #tpu.memory_space<hbm>>) target(%dma_start3A_575 : memref<128xi32, #tpu.memory_space<vmem>>) target_semaphore(%arg16 : memref<!tpu.dma_semaphore, #tpu.memory_space<semaphore_mem>>)
          %dma_start3A_579 = arith.constant 1 : i32
          %dma_start3A_580 = arith.constant 0 : i32
          %dma_start3A_581 = arith.constant 128 : i32
          %dma_start3A_582 = tpu.memref_slice %arg10[%dma_start3A_580, %dma_start3A_581] : memref<2x1024xi32, #tpu.memory_space<vmem>> -> memref<1x128xi32, #tpu.memory_space<vmem>>
          %dma_start3A_583 = tpu.memref_squeeze %dma_start3A_582 : memref<1x128xi32, #tpu.memory_space<vmem>> -> memref<128xi32, #tpu.memory_space<vmem>>
          %dma_start3A_584 = arith.constant 0 : i32
          %dma_start3A_585 = tpu.memref_slice %arg3[%add3A_530, %add3A, %dma_start3A_579, %dma_start3A_584] : memref<25x32x8x128xi32, #tpu.memory_space<hbm>> -> memref<1x1x1x128xi32, #tpu.memory_space<hbm>>
          %dma_start3A_586 = tpu.memref_squeeze %dma_start3A_585 : memref<1x1x1x128xi32, #tpu.memory_space<hbm>> -> memref<128xi32, #tpu.memory_space<hbm>>
          %dma_start3A_587 = arith.constant 128 : i32
          %dma_start3A_588 = tpu.memref_slice %arg10[%dma_start3A_580, %dma_start3A_587] : memref<2x1024xi32, #tpu.memory_space<vmem>> -> memref<1x128xi32, #tpu.memory_space<vmem>>
          %dma_start3A_589 = tpu.memref_squeeze %dma_start3A_588 : memref<1x128xi32, #tpu.memory_space<vmem>> -> memref<128xi32, #tpu.memory_space<vmem>>
          %dma_start3A_590 = arith.constant 0 : i32
          %dma_start3A_591 = tpu.memref_slice %arg3[%add3A_530, %add3A, %dma_start3A_579, %dma_start3A_590] : memref<25x32x8x128xi32, #tpu.memory_space<hbm>> -> memref<1x1x1x128xi32, #tpu.memory_space<hbm>>
          %dma_start3A_592 = tpu.memref_squeeze %dma_start3A_591 : memref<1x1x1x128xi32, #tpu.memory_space<hbm>> -> memref<128xi32, #tpu.memory_space<hbm>>
          tpu.enqueue_dma source(%dma_start3A_592 : memref<128xi32, #tpu.memory_space<hbm>>) target(%dma_start3A_589 : memref<128xi32, #tpu.memory_space<vmem>>) target_semaphore(%arg16 : memref<!tpu.dma_semaphore, #tpu.memory_space<semaphore_mem>>)
          %dma_start3A_593 = arith.constant 2 : i32
          %dma_start3A_594 = arith.constant 0 : i32
          %dma_start3A_595 = arith.constant 256 : i32
          %dma_start3A_596 = tpu.memref_slice %arg10[%dma_start3A_594, %dma_start3A_595] : memref<2x1024xi32, #tpu.memory_space<vmem>> -> memref<1x128xi32, #tpu.memory_space<vmem>>
          %dma_start3A_597 = tpu.memref_squeeze %dma_start3A_596 : memref<1x128xi32, #tpu.memory_space<vmem>> -> memref<128xi32, #tpu.memory_space<vmem>>
          %dma_start3A_598 = arith.constant 0 : i32
          %dma_start3A_599 = tpu.memref_slice %arg3[%add3A_530, %add3A, %dma_start3A_593, %dma_start3A_598] : memref<25x32x8x128xi32, #tpu.memory_space<hbm>> -> memref<1x1x1x128xi32, #tpu.memory_space<hbm>>
          %dma_start3A_600 = tpu.memref_squeeze %dma_start3A_599 : memref<1x1x1x128xi32, #tpu.memory_space<hbm>> -> memref<128xi32, #tpu.memory_space<hbm>>
          %dma_start3A_601 = arith.constant 256 : i32
          %dma_start3A_602 = tpu.memref_slice %arg10[%dma_start3A_594, %dma_start3A_601] : memref<2x1024xi32, #tpu.memory_space<vmem>> -> memref<1x128xi32, #tpu.memory_space<vmem>>
          %dma_start3A_603 = tpu.memref_squeeze %dma_start3A_602 : memref<1x128xi32, #tpu.memory_space<vmem>> -> memref<128xi32, #tpu.memory_space<vmem>>
          %dma_start3A_604 = arith.constant 0 : i32
          %dma_start3A_605 = tpu.memref_slice %arg3[%add3A_530, %add3A, %dma_start3A_593, %dma_start3A_604] : memref<25x32x8x128xi32, #tpu.memory_space<hbm>> -> memref<1x1x1x128xi32, #tpu.memory_space<hbm>>
          %dma_start3A_606 = tpu.memref_squeeze %dma_start3A_605 : memref<1x1x1x128xi32, #tpu.memory_space<hbm>> -> memref<128xi32, #tpu.memory_space<hbm>>
          tpu.enqueue_dma source(%dma_start3A_606 : memref<128xi32, #tpu.memory_space<hbm>>) target(%dma_start3A_603 : memref<128xi32, #tpu.memory_space<vmem>>) target_semaphore(%arg16 : memref<!tpu.dma_semaphore, #tpu.memory_space<semaphore_mem>>)
          %dma_start3A_607 = arith.constant 3 : i32
          %dma_start3A_608 = arith.constant 0 : i32
          %dma_start3A_609 = arith.constant 384 : i32
          %dma_start3A_610 = tpu.memref_slice %arg10[%dma_start3A_608, %dma_start3A_609] : memref<2x1024xi32, #tpu.memory_space<vmem>> -> memref<1x128xi32, #tpu.memory_space<vmem>>
          %dma_start3A_611 = tpu.memref_squeeze %dma_start3A_610 : memref<1x128xi32, #tpu.memory_space<vmem>> -> memref<128xi32, #tpu.memory_space<vmem>>
          %dma_start3A_612 = arith.constant 0 : i32
          %dma_start3A_613 = tpu.memref_slice %arg3[%add3A_530, %add3A, %dma_start3A_607, %dma_start3A_612] : memref<25x32x8x128xi32, #tpu.memory_space<hbm>> -> memref<1x1x1x128xi32, #tpu.memory_space<hbm>>
          %dma_start3A_614 = tpu.memref_squeeze %dma_start3A_613 : memref<1x1x1x128xi32, #tpu.memory_space<hbm>> -> memref<128xi32, #tpu.memory_space<hbm>>
          %dma_start3A_615 = arith.constant 384 : i32
          %dma_start3A_616 = tpu.memref_slice %arg10[%dma_start3A_608, %dma_start3A_615] : memref<2x1024xi32, #tpu.memory_space<vmem>> -> memref<1x128xi32, #tpu.memory_space<vmem>>
          %dma_start3A_617 = tpu.memref_squeeze %dma_start3A_616 : memref<1x128xi32, #tpu.memory_space<vmem>> -> memref<128xi32, #tpu.memory_space<vmem>>
          %dma_start3A_618 = arith.constant 0 : i32
          %dma_start3A_619 = tpu.memref_slice %arg3[%add3A_530, %add3A, %dma_start3A_607, %dma_start3A_618] : memref<25x32x8x128xi32, #tpu.memory_space<hbm>> -> memref<1x1x1x128xi32, #tpu.memory_space<hbm>>
          %dma_start3A_620 = tpu.memref_squeeze %dma_start3A_619 : memref<1x1x1x128xi32, #tpu.memory_space<hbm>> -> memref<128xi32, #tpu.memory_space<hbm>>
          tpu.enqueue_dma source(%dma_start3A_620 : memref<128xi32, #tpu.memory_space<hbm>>) target(%dma_start3A_617 : memref<128xi32, #tpu.memory_space<vmem>>) target_semaphore(%arg16 : memref<!tpu.dma_semaphore, #tpu.memory_space<semaphore_mem>>)
          %dma_start3A_621 = arith.constant 4 : i32
          %dma_start3A_622 = arith.constant 0 : i32
          %dma_start3A_623 = arith.constant 512 : i32
          %dma_start3A_624 = tpu.memref_slice %arg10[%dma_start3A_622, %dma_start3A_623] : memref<2x1024xi32, #tpu.memory_space<vmem>> -> memref<1x128xi32, #tpu.memory_space<vmem>>
          %dma_start3A_625 = tpu.memref_squeeze %dma_start3A_624 : memref<1x128xi32, #tpu.memory_space<vmem>> -> memref<128xi32, #tpu.memory_space<vmem>>
          %dma_start3A_626 = arith.constant 0 : i32
          %dma_start3A_627 = tpu.memref_slice %arg3[%add3A_530, %add3A, %dma_start3A_621, %dma_start3A_626] : memref<25x32x8x128xi32, #tpu.memory_space<hbm>> -> memref<1x1x1x128xi32, #tpu.memory_space<hbm>>
          %dma_start3A_628 = tpu.memref_squeeze %dma_start3A_627 : memref<1x1x1x128xi32, #tpu.memory_space<hbm>> -> memref<128xi32, #tpu.memory_space<hbm>>
          %dma_start3A_629 = arith.constant 512 : i32
          %dma_start3A_630 = tpu.memref_slice %arg10[%dma_start3A_622, %dma_start3A_629] : memref<2x1024xi32, #tpu.memory_space<vmem>> -> memref<1x128xi32, #tpu.memory_space<vmem>>
          %dma_start3A_631 = tpu.memref_squeeze %dma_start3A_630 : memref<1x128xi32, #tpu.memory_space<vmem>> -> memref<128xi32, #tpu.memory_space<vmem>>
          %dma_start3A_632 = arith.constant 0 : i32
          %dma_start3A_633 = tpu.memref_slice %arg3[%add3A_530, %add3A, %dma_start3A_621, %dma_start3A_632] : memref<25x32x8x128xi32, #tpu.memory_space<hbm>> -> memref<1x1x1x128xi32, #tpu.memory_space<hbm>>
          %dma_start3A_634 = tpu.memref_squeeze %dma_start3A_633 : memref<1x1x1x128xi32, #tpu.memory_space<hbm>> -> memref<128xi32, #tpu.memory_space<hbm>>
          tpu.enqueue_dma source(%dma_start3A_634 : memref<128xi32, #tpu.memory_space<hbm>>) target(%dma_start3A_631 : memref<128xi32, #tpu.memory_space<vmem>>) target_semaphore(%arg16 : memref<!tpu.dma_semaphore, #tpu.memory_space<semaphore_mem>>)
          %dma_start3A_635 = arith.constant 5 : i32
          %dma_start3A_636 = arith.constant 0 : i32
          %dma_start3A_637 = arith.constant 640 : i32
          %dma_start3A_638 = tpu.memref_slice %arg10[%dma_start3A_636, %dma_start3A_637] : memref<2x1024xi32, #tpu.memory_space<vmem>> -> memref<1x128xi32, #tpu.memory_space<vmem>>
          %dma_start3A_639 = tpu.memref_squeeze %dma_start3A_638 : memref<1x128xi32, #tpu.memory_space<vmem>> -> memref<128xi32, #tpu.memory_space<vmem>>
          %dma_start3A_640 = arith.constant 0 : i32
          %dma_start3A_641 = tpu.memref_slice %arg3[%add3A_530, %add3A, %dma_start3A_635, %dma_start3A_640] : memref<25x32x8x128xi32, #tpu.memory_space<hbm>> -> memref<1x1x1x128xi32, #tpu.memory_space<hbm>>
          %dma_start3A_642 = tpu.memref_squeeze %dma_start3A_641 : memref<1x1x1x128xi32, #tpu.memory_space<hbm>> -> memref<128xi32, #tpu.memory_space<hbm>>
          %dma_start3A_643 = arith.constant 640 : i32
          %dma_start3A_644 = tpu.memref_slice %arg10[%dma_start3A_636, %dma_start3A_643] : memref<2x1024xi32, #tpu.memory_space<vmem>> -> memref<1x128xi32, #tpu.memory_space<vmem>>
          %dma_start3A_645 = tpu.memref_squeeze %dma_start3A_644 : memref<1x128xi32, #tpu.memory_space<vmem>> -> memref<128xi32, #tpu.memory_space<vmem>>
          %dma_start3A_646 = arith.constant 0 : i32
          %dma_start3A_647 = tpu.memref_slice %arg3[%add3A_530, %add3A, %dma_start3A_635, %dma_start3A_646] : memref<25x32x8x128xi32, #tpu.memory_space<hbm>> -> memref<1x1x1x128xi32, #tpu.memory_space<hbm>>
          %dma_start3A_648 = tpu.memref_squeeze %dma_start3A_647 : memref<1x1x1x128xi32, #tpu.memory_space<hbm>> -> memref<128xi32, #tpu.memory_space<hbm>>
          tpu.enqueue_dma source(%dma_start3A_648 : memref<128xi32, #tpu.memory_space<hbm>>) target(%dma_start3A_645 : memref<128xi32, #tpu.memory_space<vmem>>) target_semaphore(%arg16 : memref<!tpu.dma_semaphore, #tpu.memory_space<semaphore_mem>>)
          %dma_start3A_649 = arith.constant 6 : i32
          %dma_start3A_650 = arith.constant 0 : i32
          %dma_start3A_651 = arith.constant 768 : i32
          %dma_start3A_652 = tpu.memref_slice %arg10[%dma_start3A_650, %dma_start3A_651] : memref<2x1024xi32, #tpu.memory_space<vmem>> -> memref<1x128xi32, #tpu.memory_space<vmem>>
          %dma_start3A_653 = tpu.memref_squeeze %dma_start3A_652 : memref<1x128xi32, #tpu.memory_space<vmem>> -> memref<128xi32, #tpu.memory_space<vmem>>
          %dma_start3A_654 = arith.constant 0 : i32
          %dma_start3A_655 = tpu.memref_slice %arg3[%add3A_530, %add3A, %dma_start3A_649, %dma_start3A_654] : memref<25x32x8x128xi32, #tpu.memory_space<hbm>> -> memref<1x1x1x128xi32, #tpu.memory_space<hbm>>
          %dma_start3A_656 = tpu.memref_squeeze %dma_start3A_655 : memref<1x1x1x128xi32, #tpu.memory_space<hbm>> -> memref<128xi32, #tpu.memory_space<hbm>>
          %dma_start3A_657 = arith.constant 768 : i32
          %dma_start3A_658 = tpu.memref_slice %arg10[%dma_start3A_650, %dma_start3A_657] : memref<2x1024xi32, #tpu.memory_space<vmem>> -> memref<1x128xi32, #tpu.memory_space<vmem>>
          %dma_start3A_659 = tpu.memref_squeeze %dma_start3A_658 : memref<1x128xi32, #tpu.memory_space<vmem>> -> memref<128xi32, #tpu.memory_space<vmem>>
          %dma_start3A_660 = arith.constant 0 : i32
          %dma_start3A_661 = tpu.memref_slice %arg3[%add3A_530, %add3A, %dma_start3A_649, %dma_start3A_660] : memref<25x32x8x128xi32, #tpu.memory_space<hbm>> -> memref<1x1x1x128xi32, #tpu.memory_space<hbm>>
          %dma_start3A_662 = tpu.memref_squeeze %dma_start3A_661 : memref<1x1x1x128xi32, #tpu.memory_space<hbm>> -> memref<128xi32, #tpu.memory_space<hbm>>
          tpu.enqueue_dma source(%dma_start3A_662 : memref<128xi32, #tpu.memory_space<hbm>>) target(%dma_start3A_659 : memref<128xi32, #tpu.memory_space<vmem>>) target_semaphore(%arg16 : memref<!tpu.dma_semaphore, #tpu.memory_space<semaphore_mem>>)
          %dma_start3A_663 = arith.constant 7 : i32
          %dma_start3A_664 = arith.constant 0 : i32
          %dma_start3A_665 = arith.constant 896 : i32
          %dma_start3A_666 = tpu.memref_slice %arg10[%dma_start3A_664, %dma_start3A_665] : memref<2x1024xi32, #tpu.memory_space<vmem>> -> memref<1x128xi32, #tpu.memory_space<vmem>>
          %dma_start3A_667 = tpu.memref_squeeze %dma_start3A_666 : memref<1x128xi32, #tpu.memory_space<vmem>> -> memref<128xi32, #tpu.memory_space<vmem>>
          %dma_start3A_668 = arith.constant 0 : i32
          %dma_start3A_669 = tpu.memref_slice %arg3[%add3A_530, %add3A, %dma_start3A_663, %dma_start3A_668] : memref<25x32x8x128xi32, #tpu.memory_space<hbm>> -> memref<1x1x1x128xi32, #tpu.memory_space<hbm>>
          %dma_start3A_670 = tpu.memref_squeeze %dma_start3A_669 : memref<1x1x1x128xi32, #tpu.memory_space<hbm>> -> memref<128xi32, #tpu.memory_space<hbm>>
          %dma_start3A_671 = arith.constant 896 : i32
          %dma_start3A_672 = tpu.memref_slice %arg10[%dma_start3A_664, %dma_start3A_671] : memref<2x1024xi32, #tpu.memory_space<vmem>> -> memref<1x128xi32, #tpu.memory_space<vmem>>
          %dma_start3A_673 = tpu.memref_squeeze %dma_start3A_672 : memref<1x128xi32, #tpu.memory_space<vmem>> -> memref<128xi32, #tpu.memory_space<vmem>>
          %dma_start3A_674 = arith.constant 0 : i32
          %dma_start3A_675 = tpu.memref_slice %arg3[%add3A_530, %add3A, %dma_start3A_663, %dma_start3A_674] : memref<25x32x8x128xi32, #tpu.memory_space<hbm>> -> memref<1x1x1x128xi32, #tpu.memory_space<hbm>>
          %dma_start3A_676 = tpu.memref_squeeze %dma_start3A_675 : memref<1x1x1x128xi32, #tpu.memory_space<hbm>> -> memref<128xi32, #tpu.memory_space<hbm>>
          tpu.enqueue_dma source(%dma_start3A_676 : memref<128xi32, #tpu.memory_space<hbm>>) target(%dma_start3A_673 : memref<128xi32, #tpu.memory_space<vmem>>) target_semaphore(%arg16 : memref<!tpu.dma_semaphore, #tpu.memory_space<semaphore_mem>>)
        } else {
        }
        %mul3A_504 = arith.constant 8 : i32
        %mul3A_505 = arith.muli %scan3A_453, %mul3A_504 : i32
        %dma_start3A_506 = arith.constant 0 : i32
        %dma_start3A_507 = arith.constant 0 : i32
        %dma_start3A_508 = arith.constant 0 : i32
        %dma_start3A_509 = arith.constant 0 : i32
        %dma_start3A_510 = arith.constant 0 : i32
        %dma_start3A_511 = tpu.memref_slice %arg13[%dma_start3A_506, %dma_start3A_507, %dma_start3A_508, %dma_start3A_509, %dma_start3A_510] : memref<2x8x3x8x128xf32, #tpu.memory_space<vmem>> -> memref<1x8x3x8x128xf32, #tpu.memory_space<vmem>>
        %dma_start3A_512 = tpu.memref_squeeze %dma_start3A_511 : memref<1x8x3x8x128xf32, #tpu.memory_space<vmem>> -> memref<8x3x8x128xf32, #tpu.memory_space<vmem>>
        %dma_start3A_513 = arith.constant 0 : i32
        %dma_start3A_514 = arith.constant 0 : i32
        %dma_start3A_515 = arith.constant 0 : i32
        %dma_start3A_516 = tpu.memref_slice %arg8[%mul3A_505, %dma_start3A_513, %add3A, %dma_start3A_514, %dma_start3A_515] : memref<200x3x32x8x128xf32, #tpu.memory_space<hbm>> -> memref<8x3x1x8x128xf32, #tpu.memory_space<hbm>>
        %dma_start3A_517 = tpu.memref_squeeze %dma_start3A_516 : memref<8x3x1x8x128xf32, #tpu.memory_space<hbm>> -> memref<8x3x8x128xf32, #tpu.memory_space<hbm>>
        %dma_start3A_518 = arith.constant 0 : i32
        %dma_start3A_519 = arith.constant 0 : i32
        %dma_start3A_520 = arith.constant 0 : i32
        %dma_start3A_521 = tpu.memref_slice %arg8[%mul3A_505, %dma_start3A_518, %add3A, %dma_start3A_519, %dma_start3A_520] : memref<200x3x32x8x128xf32, #tpu.memory_space<hbm>> -> memref<8x3x1x8x128xf32, #tpu.memory_space<hbm>>
        %dma_start3A_522 = tpu.memref_squeeze %dma_start3A_521 : memref<8x3x1x8x128xf32, #tpu.memory_space<hbm>> -> memref<8x3x8x128xf32, #tpu.memory_space<hbm>>
        %dma_start3A_523 = arith.constant 0 : i32
        %dma_start3A_524 = arith.constant 0 : i32
        %dma_start3A_525 = arith.constant 0 : i32
        %dma_start3A_526 = arith.constant 0 : i32
        %dma_start3A_527 = tpu.memref_slice %arg13[%dma_start3A_506, %dma_start3A_523, %dma_start3A_524, %dma_start3A_525, %dma_start3A_526] : memref<2x8x3x8x128xf32, #tpu.memory_space<vmem>> -> memref<1x8x3x8x128xf32, #tpu.memory_space<vmem>>
        %dma_start3A_528 = tpu.memref_squeeze %dma_start3A_527 : memref<1x8x3x8x128xf32, #tpu.memory_space<vmem>> -> memref<8x3x8x128xf32, #tpu.memory_space<vmem>>
        tpu.enqueue_dma source(%dma_start3A_528 : memref<8x3x8x128xf32, #tpu.memory_space<vmem>>) target(%dma_start3A_522 : memref<8x3x8x128xf32, #tpu.memory_space<hbm>>) target_semaphore(%arg18 : memref<!tpu.dma_semaphore, #tpu.memory_space<semaphore_mem>>)
      } else {
      }
      %rem3A_458 = arith.constant 2 : i32
      %rem3A_459 = arith.remsi %scan3A_453, %rem3A_458 : i32
      %eq3A_460 = arith.constant 1 : i32
      %eq3A_461 = arith.cmpi eq, %rem3A_459, %eq3A_460 : i32
      %convert_element_type3A_462 = arith.extui %eq3A_461 : i1 to i32
      %cond3A_463 = arith.constant 0 : i32
      %cond3A_464 = arith.cmpi ne, %convert_element_type3A_462, %cond3A_463 : i32
      scf.if %cond3A_464 {
        %add3A_466 = arith.constant 1 : i32
        %add3A_467 = arith.addi %scan3A_453, %add3A_466 : i32
        %lt3A = arith.constant 25 : i32
        %lt3A_468 = arith.cmpi slt, %add3A_467, %lt3A : i32
        %convert_element_type3A_469 = arith.extui %lt3A_468 : i1 to i32
        %cond3A_470 = arith.constant 0 : i32
        %cond3A_471 = arith.cmpi ne, %convert_element_type3A_469, %cond3A_470 : i32
        scf.if %cond3A_471 {
          %dma_wait3A_529 = arith.constant 0 : i32
          %dma_wait3A_530 = arith.constant 0 : i32
          %dma_wait3A_531 = arith.constant 0 : i32
          %dma_wait3A_532 = arith.constant 0 : i32
          %dma_wait3A_533 = arith.constant 0 : i32
          %dma_wait3A_534 = tpu.memref_slice %arg9[%dma_wait3A_531, %dma_wait3A_532, %dma_wait3A_533] : memref<2x8x128xi32, #tpu.memory_space<vmem>> -> memref<1x8x128xi32, #tpu.memory_space<vmem>>
          %dma_wait3A_535 = tpu.memref_squeeze %dma_wait3A_534 : memref<1x8x128xi32, #tpu.memory_space<vmem>> -> memref<8x128xi32, #tpu.memory_space<vmem>>
          %dma_wait3A_536 = arith.constant 0 : i32
          %dma_wait3A_537 = arith.constant 0 : i32
          %dma_wait3A_538 = tpu.memref_slice %arg2[%dma_wait3A_529, %dma_wait3A_530, %dma_wait3A_536, %dma_wait3A_537] : memref<25x32x8x128xi32, #tpu.memory_space<hbm>> -> memref<1x1x8x128xi32, #tpu.memory_space<hbm>>
          %dma_wait3A_539 = tpu.memref_squeeze %dma_wait3A_538 : memref<1x1x8x128xi32, #tpu.memory_space<hbm>> -> memref<8x128xi32, #tpu.memory_space<hbm>>
          %dma_wait3A_540 = arith.constant 0 : i32
          %dma_wait3A_541 = arith.constant 0 : i32
          %dma_wait3A_542 = tpu.memref_slice %arg9[%dma_wait3A_531, %dma_wait3A_540, %dma_wait3A_541] : memref<2x8x128xi32, #tpu.memory_space<vmem>> -> memref<1x8x128xi32, #tpu.memory_space<vmem>>
          %dma_wait3A_543 = tpu.memref_squeeze %dma_wait3A_542 : memref<1x8x128xi32, #tpu.memory_space<vmem>> -> memref<8x128xi32, #tpu.memory_space<vmem>>
          %dma_wait3A_544 = arith.constant 0 : i32
          %dma_wait3A_545 = arith.constant 0 : i32
          %dma_wait3A_546 = tpu.memref_slice %arg2[%dma_wait3A_529, %dma_wait3A_530, %dma_wait3A_544, %dma_wait3A_545] : memref<25x32x8x128xi32, #tpu.memory_space<hbm>> -> memref<1x1x8x128xi32, #tpu.memory_space<hbm>>
          %dma_wait3A_547 = tpu.memref_squeeze %dma_wait3A_546 : memref<1x1x8x128xi32, #tpu.memory_space<hbm>> -> memref<8x128xi32, #tpu.memory_space<hbm>>
          tpu.wait_dma2 semaphore(%arg16 : memref<!tpu.dma_semaphore, #tpu.memory_space<semaphore_mem>>) src(%dma_wait3A_547 : memref<8x128xi32, #tpu.memory_space<hbm>>) dst(%dma_wait3A_543 : memref<8x128xi32, #tpu.memory_space<vmem>>)
          %dma_wait3A_548 = arith.constant 0 : i32
          %dma_wait3A_549 = arith.constant 0 : i32
          %dma_wait3A_550 = arith.constant 0 : i32
          %dma_wait3A_551 = arith.constant 0 : i32
          %dma_wait3A_552 = arith.constant 0 : i32
          %dma_wait3A_553 = tpu.memref_slice %arg9[%dma_wait3A_550, %dma_wait3A_551, %dma_wait3A_552] : memref<2x8x128xi32, #tpu.memory_space<vmem>> -> memref<1x8x128xi32, #tpu.memory_space<vmem>>
          %dma_wait3A_554 = tpu.memref_squeeze %dma_wait3A_553 : memref<1x8x128xi32, #tpu.memory_space<vmem>> -> memref<8x128xi32, #tpu.memory_space<vmem>>
          %dma_wait3A_555 = arith.constant 0 : i32
          %dma_wait3A_556 = arith.constant 0 : i32
          %dma_wait3A_557 = tpu.memref_slice %arg2[%dma_wait3A_548, %dma_wait3A_549, %dma_wait3A_555, %dma_wait3A_556] : memref<25x32x8x128xi32, #tpu.memory_space<hbm>> -> memref<1x1x8x128xi32, #tpu.memory_space<hbm>>
          %dma_wait3A_558 = tpu.memref_squeeze %dma_wait3A_557 : memref<1x1x8x128xi32, #tpu.memory_space<hbm>> -> memref<8x128xi32, #tpu.memory_space<hbm>>
          %dma_wait3A_559 = arith.constant 0 : i32
          %dma_wait3A_560 = arith.constant 0 : i32
          %dma_wait3A_561 = tpu.memref_slice %arg9[%dma_wait3A_550, %dma_wait3A_559, %dma_wait3A_560] : memref<2x8x128xi32, #tpu.memory_space<vmem>> -> memref<1x8x128xi32, #tpu.memory_space<vmem>>
          %dma_wait3A_562 = tpu.memref_squeeze %dma_wait3A_561 : memref<1x8x128xi32, #tpu.memory_space<vmem>> -> memref<8x128xi32, #tpu.memory_space<vmem>>
          %dma_wait3A_563 = arith.constant 0 : i32
          %dma_wait3A_564 = arith.constant 0 : i32
          %dma_wait3A_565 = tpu.memref_slice %arg2[%dma_wait3A_548, %dma_wait3A_549, %dma_wait3A_563, %dma_wait3A_564] : memref<25x32x8x128xi32, #tpu.memory_space<hbm>> -> memref<1x1x8x128xi32, #tpu.memory_space<hbm>>
          %dma_wait3A_566 = tpu.memref_squeeze %dma_wait3A_565 : memref<1x1x8x128xi32, #tpu.memory_space<hbm>> -> memref<8x128xi32, #tpu.memory_space<hbm>>
          tpu.wait_dma2 semaphore(%arg16 : memref<!tpu.dma_semaphore, #tpu.memory_space<semaphore_mem>>) src(%dma_wait3A_566 : memref<8x128xi32, #tpu.memory_space<hbm>>) dst(%dma_wait3A_562 : memref<8x128xi32, #tpu.memory_space<vmem>>)
          %dma_wait3A_567 = arith.constant 0 : i32
          %dma_wait3A_568 = arith.constant 0 : i32
          %dma_wait3A_569 = arith.constant 0 : i32
          %dma_wait3A_570 = arith.constant 0 : i32
          %dma_wait3A_571 = arith.constant 0 : i32
          %dma_wait3A_572 = tpu.memref_slice %arg9[%dma_wait3A_569, %dma_wait3A_570, %dma_wait3A_571] : memref<2x8x128xi32, #tpu.memory_space<vmem>> -> memref<1x8x128xi32, #tpu.memory_space<vmem>>
          %dma_wait3A_573 = tpu.memref_squeeze %dma_wait3A_572 : memref<1x8x128xi32, #tpu.memory_space<vmem>> -> memref<8x128xi32, #tpu.memory_space<vmem>>
          %dma_wait3A_574 = arith.constant 0 : i32
          %dma_wait3A_575 = arith.constant 0 : i32
          %dma_wait3A_576 = tpu.memref_slice %arg2[%dma_wait3A_567, %dma_wait3A_568, %dma_wait3A_574, %dma_wait3A_575] : memref<25x32x8x128xi32, #tpu.memory_space<hbm>> -> memref<1x1x8x128xi32, #tpu.memory_space<hbm>>
          %dma_wait3A_577 = tpu.memref_squeeze %dma_wait3A_576 : memref<1x1x8x128xi32, #tpu.memory_space<hbm>> -> memref<8x128xi32, #tpu.memory_space<hbm>>
          %dma_wait3A_578 = arith.constant 0 : i32
          %dma_wait3A_579 = arith.constant 0 : i32
          %dma_wait3A_580 = tpu.memref_slice %arg9[%dma_wait3A_569, %dma_wait3A_578, %dma_wait3A_579] : memref<2x8x128xi32, #tpu.memory_space<vmem>> -> memref<1x8x128xi32, #tpu.memory_space<vmem>>
          %dma_wait3A_581 = tpu.memref_squeeze %dma_wait3A_580 : memref<1x8x128xi32, #tpu.memory_space<vmem>> -> memref<8x128xi32, #tpu.memory_space<vmem>>
          %dma_wait3A_582 = arith.constant 0 : i32
          %dma_wait3A_583 = arith.constant 0 : i32
          %dma_wait3A_584 = tpu.memref_slice %arg2[%dma_wait3A_567, %dma_wait3A_568, %dma_wait3A_582, %dma_wait3A_583] : memref<25x32x8x128xi32, #tpu.memory_space<hbm>> -> memref<1x1x8x128xi32, #tpu.memory_space<hbm>>
          %dma_wait3A_585 = tpu.memref_squeeze %dma_wait3A_584 : memref<1x1x8x128xi32, #tpu.memory_space<hbm>> -> memref<8x128xi32, #tpu.memory_space<hbm>>
          tpu.wait_dma2 semaphore(%arg16 : memref<!tpu.dma_semaphore, #tpu.memory_space<semaphore_mem>>) src(%dma_wait3A_585 : memref<8x128xi32, #tpu.memory_space<hbm>>) dst(%dma_wait3A_581 : memref<8x128xi32, #tpu.memory_space<vmem>>)
        } else {
        }
        %dma_wait3A_472 = arith.constant 1 : i32
        %dma_wait3A_473 = arith.constant 1 : i32
        %dma_wait3A_474 = arith.constant 0 : i32
        %dma_wait3A_475 = arith.constant 0 : i32
        %dma_wait3A_476 = tpu.memref_slice %arg12[%dma_wait3A_473, %dma_wait3A_474, %dma_wait3A_475] : memref<2x1024x8xf32, #tpu.memory_space<vmem>> -> memref<1x1024x8xf32, #tpu.memory_space<vmem>>
        %dma_wait3A_477 = tpu.memref_squeeze %dma_wait3A_476 : memref<1x1024x8xf32, #tpu.memory_space<vmem>> -> memref<1024x8xf32, #tpu.memory_space<vmem>>
        %dma_wait3A_478 = arith.constant 0 : i32
        %dma_wait3A_479 = tpu.memref_slice %arg10[%dma_wait3A_472, %dma_wait3A_478] : memref<2x1024xi32, #tpu.memory_space<vmem>> -> memref<1x1024xi32, #tpu.memory_space<vmem>>
        %dma_wait3A_480 = tpu.memref_squeeze %dma_wait3A_479 : memref<1x1024xi32, #tpu.memory_space<vmem>> -> memref<1024xi32, #tpu.memory_space<vmem>>
        %dma_wait3A_481 = arith.constant 0 : i32
        %dma_wait3A_482 = arith.constant 0 : i32
        %dma_wait3A_483 = tpu.memref_slice %arg6[%dma_wait3A_481, %dma_wait3A_482] : memref<100002x8xf32, #tpu.memory_space<hbm>> -> memref<100002x8xf32, #tpu.memory_space<hbm>>
        tpu.wait_indirect_dma semaphore(%arg17 : memref<!tpu.dma_semaphore, #tpu.memory_space<semaphore_mem>>) src(%dma_wait3A_483 : memref<100002x8xf32, #tpu.memory_space<hbm>>) dst(%dma_wait3A_477 : memref<1024x8xf32, #tpu.memory_space<vmem>>)
        %add3A_484 = arith.constant 1 : i32
        %add3A_485 = arith.addi %scan3A_453, %add3A_484 : i32
        %lt3A_486 = arith.constant 25 : i32
        %lt3A_487 = arith.cmpi slt, %add3A_485, %lt3A_486 : i32
        %convert_element_type3A_488 = arith.extui %lt3A_487 : i1 to i32
        %cond3A_489 = arith.constant 0 : i32
        %cond3A_490 = arith.cmpi ne, %convert_element_type3A_488, %cond3A_489 : i32
        scf.if %cond3A_490 {
          %add3A_529 = arith.constant 1 : i32
          %add3A_530 = arith.addi %scan3A_453, %add3A_529 : i32
          %dma_start3A_531 = arith.constant 0 : i32
          %dma_start3A_532 = arith.constant 0 : i32
          %dma_start3A_533 = arith.constant 0 : i32
          %dma_start3A_534 = arith.constant 0 : i32
          %dma_start3A_535 = tpu.memref_slice %arg12[%dma_start3A_532, %dma_start3A_533, %dma_start3A_534] : memref<2x1024x8xf32, #tpu.memory_space<vmem>> -> memref<1x1024x8xf32, #tpu.memory_space<vmem>>
          %dma_start3A_536 = tpu.memref_squeeze %dma_start3A_535 : memref<1x1024x8xf32, #tpu.memory_space<vmem>> -> memref<1024x8xf32, #tpu.memory_space<vmem>>
          %dma_start3A_537 = arith.constant 0 : i32
          %dma_start3A_538 = tpu.memref_slice %arg10[%dma_start3A_531, %dma_start3A_537] : memref<2x1024xi32, #tpu.memory_space<vmem>> -> memref<1x1024xi32, #tpu.memory_space<vmem>>
          %dma_start3A_539 = tpu.memref_squeeze %dma_start3A_538 : memref<1x1024xi32, #tpu.memory_space<vmem>> -> memref<1024xi32, #tpu.memory_space<vmem>>
          %dma_start3A_540 = arith.constant 0 : i32
          %dma_start3A_541 = arith.constant 0 : i32
          %dma_start3A_542 = tpu.memref_slice %arg6[%dma_start3A_540, %dma_start3A_541] : memref<100002x8xf32, #tpu.memory_space<hbm>> -> memref<100002x8xf32, #tpu.memory_space<hbm>>
          tpu.enqueue_indirect_dma source(%dma_start3A_542 : memref<100002x8xf32, #tpu.memory_space<hbm>>) target(%dma_start3A_536 : memref<1024x8xf32, #tpu.memory_space<vmem>>) offsets(%dma_start3A_539 : memref<1024xi32, #tpu.memory_space<vmem>>) semaphore(%arg17 : memref<!tpu.dma_semaphore, #tpu.memory_space<semaphore_mem>>)
        } else {
        }
        %ge3A = arith.constant 2 : i32
        %ge3A_491 = arith.cmpi sge, %scan3A_453, %ge3A : i32
        %convert_element_type3A_492 = arith.extui %ge3A_491 : i1 to i32
        %cond3A_493 = arith.constant 0 : i32
        %cond3A_494 = arith.cmpi ne, %convert_element_type3A_492, %cond3A_493 : i32
        scf.if %cond3A_494 {
          %dma_wait3A_529 = arith.constant 1 : i32
          %dma_wait3A_530 = arith.constant 0 : i32
          %dma_wait3A_531 = arith.constant 0 : i32
          %dma_wait3A_532 = arith.constant 0 : i32
          %dma_wait3A_533 = arith.constant 0 : i32
          %dma_wait3A_534 = tpu.memref_slice %arg13[%dma_wait3A_529, %dma_wait3A_530, %dma_wait3A_531, %dma_wait3A_532, %dma_wait3A_533] : memref<2x8x3x8x128xf32, #tpu.memory_space<vmem>> -> memref<1x8x3x8x128xf32, #tpu.memory_space<vmem>>
          %dma_wait3A_535 = tpu.memref_squeeze %dma_wait3A_534 : memref<1x8x3x8x128xf32, #tpu.memory_space<vmem>> -> memref<8x3x8x128xf32, #tpu.memory_space<vmem>>
          %dma_wait3A_536 = arith.constant 0 : i32
          %dma_wait3A_537 = arith.constant 0 : i32
          %dma_wait3A_538 = arith.constant 0 : i32
          %dma_wait3A_539 = arith.constant 0 : i32
          %dma_wait3A_540 = tpu.memref_slice %arg8[%dma_wait3A_536, %dma_wait3A_537, %add3A, %dma_wait3A_538, %dma_wait3A_539] : memref<200x3x32x8x128xf32, #tpu.memory_space<hbm>> -> memref<8x3x1x8x128xf32, #tpu.memory_space<hbm>>
          %dma_wait3A_541 = tpu.memref_squeeze %dma_wait3A_540 : memref<8x3x1x8x128xf32, #tpu.memory_space<hbm>> -> memref<8x3x8x128xf32, #tpu.memory_space<hbm>>
          %dma_wait3A_542 = arith.constant 0 : i32
          %dma_wait3A_543 = arith.constant 0 : i32
          %dma_wait3A_544 = arith.constant 0 : i32
          %dma_wait3A_545 = arith.constant 0 : i32
          %dma_wait3A_546 = tpu.memref_slice %arg8[%dma_wait3A_542, %dma_wait3A_543, %add3A, %dma_wait3A_544, %dma_wait3A_545] : memref<200x3x32x8x128xf32, #tpu.memory_space<hbm>> -> memref<8x3x1x8x128xf32, #tpu.memory_space<hbm>>
          %dma_wait3A_547 = tpu.memref_squeeze %dma_wait3A_546 : memref<8x3x1x8x128xf32, #tpu.memory_space<hbm>> -> memref<8x3x8x128xf32, #tpu.memory_space<hbm>>
          %dma_wait3A_548 = arith.constant 0 : i32
          %dma_wait3A_549 = arith.constant 0 : i32
          %dma_wait3A_550 = arith.constant 0 : i32
          %dma_wait3A_551 = arith.constant 0 : i32
          %dma_wait3A_552 = tpu.memref_slice %arg13[%dma_wait3A_529, %dma_wait3A_548, %dma_wait3A_549, %dma_wait3A_550, %dma_wait3A_551] : memref<2x8x3x8x128xf32, #tpu.memory_space<vmem>> -> memref<1x8x3x8x128xf32, #tpu.memory_space<vmem>>
          %dma_wait3A_553 = tpu.memref_squeeze %dma_wait3A_552 : memref<1x8x3x8x128xf32, #tpu.memory_space<vmem>> -> memref<8x3x8x128xf32, #tpu.memory_space<vmem>>
          tpu.wait_dma2 semaphore(%arg18 : memref<!tpu.dma_semaphore, #tpu.memory_space<semaphore_mem>>) src(%dma_wait3A_553 : memref<8x3x8x128xf32, #tpu.memory_space<vmem>>) dst(%dma_wait3A_547 : memref<8x3x8x128xf32, #tpu.memory_space<hbm>>)
        } else {
        }
        %parallel_loop3A = arith.constant 0 : i32
        %parallel_loop3A_495 = arith.constant 64 : i32
        %parallel_loop3A_496 = arith.constant 1 : i32
        scf.for %parallel_loop3A_529 = %parallel_loop3A to %parallel_loop3A_495 step %parallel_loop3A_496  : i32 {
          %parallel_loop3A_530 = arith.constant 8 : i32
          %parallel_loop3A_531 = arith.divsi %parallel_loop3A_529, %parallel_loop3A_530 : i32
          %parallel_loop3A_532 = arith.constant 0 : i32
          %parallel_loop3A_533 = arith.cmpi sgt, %parallel_loop3A_529, %parallel_loop3A_532 : i32
          %parallel_loop3A_534 = arith.extui %parallel_loop3A_533 : i1 to i32
          %parallel_loop3A_535 = arith.constant 0 : i32
          %parallel_loop3A_536 = arith.cmpi slt, %parallel_loop3A_529, %parallel_loop3A_535 : i32
          %parallel_loop3A_537 = arith.extui %parallel_loop3A_536 : i1 to i32
          %parallel_loop3A_538 = arith.subi %parallel_loop3A_534, %parallel_loop3A_537 : i32
          %parallel_loop3A_539 = arith.constant 0 : i32
          %parallel_loop3A_540 = arith.cmpi sgt, %parallel_loop3A_530, %parallel_loop3A_539 : i32
          %parallel_loop3A_541 = arith.extui %parallel_loop3A_540 : i1 to i32
          %parallel_loop3A_542 = arith.constant 0 : i32
          %parallel_loop3A_543 = arith.cmpi slt, %parallel_loop3A_530, %parallel_loop3A_542 : i32
          %parallel_loop3A_544 = arith.extui %parallel_loop3A_543 : i1 to i32
          %parallel_loop3A_545 = arith.subi %parallel_loop3A_541, %parallel_loop3A_544 : i32
          %parallel_loop3A_546 = arith.cmpi ne, %parallel_loop3A_538, %parallel_loop3A_545 : i32
          %parallel_loop3A_547 = arith.remsi %parallel_loop3A_529, %parallel_loop3A_530 : i32
          %parallel_loop3A_548 = arith.constant 0 : i32
          %parallel_loop3A_549 = arith.cmpi ne, %parallel_loop3A_547, %parallel_loop3A_548 : i32
          %parallel_loop3A_550 = arith.andi %parallel_loop3A_546, %parallel_loop3A_549 : i1
          %parallel_loop3A_551 = arith.constant 1 : i32
          %parallel_loop3A_552 = arith.subi %parallel_loop3A_531, %parallel_loop3A_551 : i32
          %parallel_loop3A_553 = arith.select %parallel_loop3A_550, %parallel_loop3A_552, %parallel_loop3A_531 : i32
          %parallel_loop3A_554 = arith.constant 8 : i32
          %parallel_loop3A_555 = arith.remsi %parallel_loop3A_529, %parallel_loop3A_554 : i32
          %parallel_loop3A_556 = arith.constant 16 : i32
          %parallel_loop3A_557 = arith.muli %parallel_loop3A_555, %parallel_loop3A_556 : i32
          %parallel_loop3A_558 = arith.constant 1 : i32
          %parallel_loop3A_559 = arith.index_cast %parallel_loop3A_558 : i32 to index
          %parallel_loop3A_560 = arith.index_cast %parallel_loop3A_553 : i32 to index
          %parallel_loop3A_561 = arith.index_cast %parallel_loop3A_557 : i32 to index
          %parallel_loop3A_562 = tpu.vector_load %arg9[%parallel_loop3A_559, %parallel_loop3A_560, %parallel_loop3A_561] {strides = array<i32>} : memref<2x8x128xi32, #tpu.memory_space<vmem>>, vector<16xi32>,
          %parallel_loop3A_563 = arith.constant 16 : i32
          %parallel_loop3A_564 = arith.muli %parallel_loop3A_555, %parallel_loop3A_563 : i32
          %parallel_loop3A_565 = arith.constant 1 : i32
          %parallel_loop3A_566 = arith.index_cast %parallel_loop3A_565 : i32 to index
          %parallel_loop3A_567 = arith.index_cast %parallel_loop3A_553 : i32 to index
          %parallel_loop3A_568 = arith.index_cast %parallel_loop3A_564 : i32 to index
          %parallel_loop3A_569 = tpu.vector_load %arg11[%parallel_loop3A_566, %parallel_loop3A_567, %parallel_loop3A_568] {strides = array<i32>} : memref<2x8x128xi32, #tpu.memory_space<vmem>>, vector<16xi32>,
          %parallel_loop3A_570 = arith.constant 16 : i32
          %parallel_loop3A_571 = arith.muli %parallel_loop3A_529, %parallel_loop3A_570 : i32
          %parallel_loop3A_572 = vector.broadcast %parallel_loop3A_571 : i32 to vector<16xi32>
          %parallel_loop3A_573 = arith.addi %iota3A, %parallel_loop3A_572 : vector<16xi32>
          %parallel_loop3A_574 = tpu.vector_load_idx %arg14[%broadcast_in_dim3A_3, %parallel_loop3A_562] : memref<8x1442xf32, #tpu.memory_space<vmem>>[vector<16xi32>, vector<16xi32>], vector<16xf32>,
          %parallel_loop3A_575 = arith.constant 16 : i32
          %parallel_loop3A_576 = arith.muli %parallel_loop3A_555, %parallel_loop3A_575 : i32
          %parallel_loop3A_577 = arith.constant 1 : i32
          %parallel_loop3A_578 = arith.constant 0 : i32
          %parallel_loop3A_579 = arith.constant 0 : i32
          %parallel_loop3A_580 = arith.index_cast %parallel_loop3A_577 : i32 to index
          %parallel_loop3A_581 = arith.index_cast %parallel_loop3A_553 : i32 to index
          %parallel_loop3A_582 = arith.index_cast %parallel_loop3A_578 : i32 to index
          %parallel_loop3A_583 = arith.index_cast %parallel_loop3A_579 : i32 to index
          %parallel_loop3A_584 = arith.index_cast %parallel_loop3A_576 : i32 to index
          %parallel_loop3A_585 = tpu.vector_load %arg13[%parallel_loop3A_580, %parallel_loop3A_581, %parallel_loop3A_582, %parallel_loop3A_583, %parallel_loop3A_584] {strides = array<i32>} : memref<2x8x3x8x128xf32, #tpu.memory_space<vmem>>, vector<16xf32>,
          tpu.vector_store %arg13[%parallel_loop3A_580, %parallel_loop3A_581, %parallel_loop3A_582, %parallel_loop3A_583, %parallel_loop3A_584], %parallel_loop3A_574 {strides = array<i32>} : memref<2x8x3x8x128xf32, #tpu.memory_space<vmem>>, vector<16xf32>,
          %parallel_loop3A_586 = arith.constant 1 : i32
          %parallel_loop3A_587 = arith.constant 0 : i32
          %parallel_loop3A_588 = arith.constant 0 : i32
          %parallel_loop3A_589 = tpu.memref_slice %arg12[%parallel_loop3A_586, %parallel_loop3A_587, %parallel_loop3A_588] : memref<2x1024x8xf32, #tpu.memory_space<vmem>> -> memref<1x1024x8xf32, #tpu.memory_space<vmem>>
          %parallel_loop3A_590 = tpu.memref_squeeze %parallel_loop3A_589 : memref<1x1024x8xf32, #tpu.memory_space<vmem>> -> memref<1024x8xf32, #tpu.memory_space<vmem>>
          %parallel_loop3A_591 = tpu.vector_load_idx %parallel_loop3A_590[%parallel_loop3A_573, %broadcast_in_dim3A_3] : memref<1024x8xf32, #tpu.memory_space<vmem>>[vector<16xi32>, vector<16xi32>], vector<16xf32>,
          %parallel_loop3A_592 = arith.constant 16 : i32
          %parallel_loop3A_593 = arith.muli %parallel_loop3A_555, %parallel_loop3A_592 : i32
          %parallel_loop3A_594 = arith.constant 1 : i32
          %parallel_loop3A_595 = arith.constant 1 : i32
          %parallel_loop3A_596 = arith.constant 0 : i32
          %parallel_loop3A_597 = arith.index_cast %parallel_loop3A_594 : i32 to index
          %parallel_loop3A_598 = arith.index_cast %parallel_loop3A_553 : i32 to index
          %parallel_loop3A_599 = arith.index_cast %parallel_loop3A_595 : i32 to index
          %parallel_loop3A_600 = arith.index_cast %parallel_loop3A_596 : i32 to index
          %parallel_loop3A_601 = arith.index_cast %parallel_loop3A_593 : i32 to index
          %parallel_loop3A_602 = tpu.vector_load %arg13[%parallel_loop3A_597, %parallel_loop3A_598, %parallel_loop3A_599, %parallel_loop3A_600, %parallel_loop3A_601] {strides = array<i32>} : memref<2x8x3x8x128xf32, #tpu.memory_space<vmem>>, vector<16xf32>,
          tpu.vector_store %arg13[%parallel_loop3A_597, %parallel_loop3A_598, %parallel_loop3A_599, %parallel_loop3A_600, %parallel_loop3A_601], %parallel_loop3A_591 {strides = array<i32>} : memref<2x8x3x8x128xf32, #tpu.memory_space<vmem>>, vector<16xf32>,
          %parallel_loop3A_603 = tpu.vector_load_idx %arg15[%broadcast_in_dim3A_3, %parallel_loop3A_569] : memref<8x1002xf32, #tpu.memory_space<vmem>>[vector<16xi32>, vector<16xi32>], vector<16xf32>,
          %parallel_loop3A_604 = arith.constant 16 : i32
          %parallel_loop3A_605 = arith.muli %parallel_loop3A_555, %parallel_loop3A_604 : i32
          %parallel_loop3A_606 = arith.constant 1 : i32
          %parallel_loop3A_607 = arith.constant 2 : i32
          %parallel_loop3A_608 = arith.constant 0 : i32
          %parallel_loop3A_609 = arith.index_cast %parallel_loop3A_606 : i32 to index
          %parallel_loop3A_610 = arith.index_cast %parallel_loop3A_553 : i32 to index
          %parallel_loop3A_611 = arith.index_cast %parallel_loop3A_607 : i32 to index
          %parallel_loop3A_612 = arith.index_cast %parallel_loop3A_608 : i32 to index
          %parallel_loop3A_613 = arith.index_cast %parallel_loop3A_605 : i32 to index
          %parallel_loop3A_614 = tpu.vector_load %arg13[%parallel_loop3A_609, %parallel_loop3A_610, %parallel_loop3A_611, %parallel_loop3A_612, %parallel_loop3A_613] {strides = array<i32>} : memref<2x8x3x8x128xf32, #tpu.memory_space<vmem>>, vector<16xf32>,
          tpu.vector_store %arg13[%parallel_loop3A_609, %parallel_loop3A_610, %parallel_loop3A_611, %parallel_loop3A_612, %parallel_loop3A_613], %parallel_loop3A_603 {strides = array<i32>} : memref<2x8x3x8x128xf32, #tpu.memory_space<vmem>>, vector<16xf32>,
          %parallel_loop3A_615 = tpu.vector_load_idx %arg14[%broadcast_in_dim3A_5, %parallel_loop3A_562] : memref<8x1442xf32, #tpu.memory_space<vmem>>[vector<16xi32>, vector<16xi32>], vector<16xf32>,
          %parallel_loop3A_616 = arith.constant 16 : i32
          %parallel_loop3A_617 = arith.muli %parallel_loop3A_555, %parallel_loop3A_616 : i32
          %parallel_loop3A_618 = arith.constant 1 : i32
          %parallel_loop3A_619 = arith.constant 0 : i32
          %parallel_loop3A_620 = arith.constant 1 : i32
          %parallel_loop3A_621 = arith.index_cast %parallel_loop3A_618 : i32 to index
          %parallel_loop3A_622 = arith.index_cast %parallel_loop3A_553 : i32 to index
          %parallel_loop3A_623 = arith.index_cast %parallel_loop3A_619 : i32 to index
          %parallel_loop3A_624 = arith.index_cast %parallel_loop3A_620 : i32 to index
          %parallel_loop3A_625 = arith.index_cast %parallel_loop3A_617 : i32 to index
          %parallel_loop3A_626 = tpu.vector_load %arg13[%parallel_loop3A_621, %parallel_loop3A_622, %parallel_loop3A_623, %parallel_loop3A_624, %parallel_loop3A_625] {strides = array<i32>} : memref<2x8x3x8x128xf32, #tpu.memory_space<vmem>>, vector<16xf32>,
          tpu.vector_store %arg13[%parallel_loop3A_621, %parallel_loop3A_622, %parallel_loop3A_623, %parallel_loop3A_624, %parallel_loop3A_625], %parallel_loop3A_615 {strides = array<i32>} : memref<2x8x3x8x128xf32, #tpu.memory_space<vmem>>, vector<16xf32>,
          %parallel_loop3A_627 = arith.constant 1 : i32
          %parallel_loop3A_628 = arith.constant 0 : i32
          %parallel_loop3A_629 = arith.constant 0 : i32
          %parallel_loop3A_630 = tpu.memref_slice %arg12[%parallel_loop3A_627, %parallel_loop3A_628, %parallel_loop3A_629] : memref<2x1024x8xf32, #tpu.memory_space<vmem>> -> memref<1x1024x8xf32, #tpu.memory_space<vmem>>
          %parallel_loop3A_631 = tpu.memref_squeeze %parallel_loop3A_630 : memref<1x1024x8xf32, #tpu.memory_space<vmem>> -> memref<1024x8xf32, #tpu.memory_space<vmem>>
          %parallel_loop3A_632 = tpu.vector_load_idx %parallel_loop3A_631[%parallel_loop3A_573, %broadcast_in_dim3A_5] : memref<1024x8xf32, #tpu.memory_space<vmem>>[vector<16xi32>, vector<16xi32>], vector<16xf32>,
          %parallel_loop3A_633 = arith.constant 16 : i32
          %parallel_loop3A_634 = arith.muli %parallel_loop3A_555, %parallel_loop3A_633 : i32
          %parallel_loop3A_635 = arith.constant 1 : i32
          %parallel_loop3A_636 = arith.constant 1 : i32
          %parallel_loop3A_637 = arith.constant 1 : i32
          %parallel_loop3A_638 = arith.index_cast %parallel_loop3A_635 : i32 to index
          %parallel_loop3A_639 = arith.index_cast %parallel_loop3A_553 : i32 to index
          %parallel_loop3A_640 = arith.index_cast %parallel_loop3A_636 : i32 to index
          %parallel_loop3A_641 = arith.index_cast %parallel_loop3A_637 : i32 to index
          %parallel_loop3A_642 = arith.index_cast %parallel_loop3A_634 : i32 to index
          %parallel_loop3A_643 = tpu.vector_load %arg13[%parallel_loop3A_638, %parallel_loop3A_639, %parallel_loop3A_640, %parallel_loop3A_641, %parallel_loop3A_642] {strides = array<i32>} : memref<2x8x3x8x128xf32, #tpu.memory_space<vmem>>, vector<16xf32>,
          tpu.vector_store %arg13[%parallel_loop3A_638, %parallel_loop3A_639, %parallel_loop3A_640, %parallel_loop3A_641, %parallel_loop3A_642], %parallel_loop3A_632 {strides = array<i32>} : memref<2x8x3x8x128xf32, #tpu.memory_space<vmem>>, vector<16xf32>,
          %parallel_loop3A_644 = tpu.vector_load_idx %arg15[%broadcast_in_dim3A_5, %parallel_loop3A_569] : memref<8x1002xf32, #tpu.memory_space<vmem>>[vector<16xi32>, vector<16xi32>], vector<16xf32>,
          %parallel_loop3A_645 = arith.constant 16 : i32
          %parallel_loop3A_646 = arith.muli %parallel_loop3A_555, %parallel_loop3A_645 : i32
          %parallel_loop3A_647 = arith.constant 1 : i32
          %parallel_loop3A_648 = arith.constant 2 : i32
          %parallel_loop3A_649 = arith.constant 1 : i32
          %parallel_loop3A_650 = arith.index_cast %parallel_loop3A_647 : i32 to index
          %parallel_loop3A_651 = arith.index_cast %parallel_loop3A_553 : i32 to index
          %parallel_loop3A_652 = arith.index_cast %parallel_loop3A_648 : i32 to index
          %parallel_loop3A_653 = arith.index_cast %parallel_loop3A_649 : i32 to index
          %parallel_loop3A_654 = arith.index_cast %parallel_loop3A_646 : i32 to index
          %parallel_loop3A_655 = tpu.vector_load %arg13[%parallel_loop3A_650, %parallel_loop3A_651, %parallel_loop3A_652, %parallel_loop3A_653, %parallel_loop3A_654] {strides = array<i32>} : memref<2x8x3x8x128xf32, #tpu.memory_space<vmem>>, vector<16xf32>,
          tpu.vector_store %arg13[%parallel_loop3A_650, %parallel_loop3A_651, %parallel_loop3A_652, %parallel_loop3A_653, %parallel_loop3A_654], %parallel_loop3A_644 {strides = array<i32>} : memref<2x8x3x8x128xf32, #tpu.memory_space<vmem>>, vector<16xf32>,
          %parallel_loop3A_656 = tpu.vector_load_idx %arg14[%broadcast_in_dim3A_7, %parallel_loop3A_562] : memref<8x1442xf32, #tpu.memory_space<vmem>>[vector<16xi32>, vector<16xi32>], vector<16xf32>,
          %parallel_loop3A_657 = arith.constant 16 : i32
          %parallel_loop3A_658 = arith.muli %parallel_loop3A_555, %parallel_loop3A_657 : i32
          %parallel_loop3A_659 = arith.constant 1 : i32
          %parallel_loop3A_660 = arith.constant 0 : i32
          %parallel_loop3A_661 = arith.constant 2 : i32
          %parallel_loop3A_662 = arith.index_cast %parallel_loop3A_659 : i32 to index
          %parallel_loop3A_663 = arith.index_cast %parallel_loop3A_553 : i32 to index
          %parallel_loop3A_664 = arith.index_cast %parallel_loop3A_660 : i32 to index
          %parallel_loop3A_665 = arith.index_cast %parallel_loop3A_661 : i32 to index
          %parallel_loop3A_666 = arith.index_cast %parallel_loop3A_658 : i32 to index
          %parallel_loop3A_667 = tpu.vector_load %arg13[%parallel_loop3A_662, %parallel_loop3A_663, %parallel_loop3A_664, %parallel_loop3A_665, %parallel_loop3A_666] {strides = array<i32>} : memref<2x8x3x8x128xf32, #tpu.memory_space<vmem>>, vector<16xf32>,
          tpu.vector_store %arg13[%parallel_loop3A_662, %parallel_loop3A_663, %parallel_loop3A_664, %parallel_loop3A_665, %parallel_loop3A_666], %parallel_loop3A_656 {strides = array<i32>} : memref<2x8x3x8x128xf32, #tpu.memory_space<vmem>>, vector<16xf32>,
          %parallel_loop3A_668 = arith.constant 1 : i32
          %parallel_loop3A_669 = arith.constant 0 : i32
          %parallel_loop3A_670 = arith.constant 0 : i32
          %parallel_loop3A_671 = tpu.memref_slice %arg12[%parallel_loop3A_668, %parallel_loop3A_669, %parallel_loop3A_670] : memref<2x1024x8xf32, #tpu.memory_space<vmem>> -> memref<1x1024x8xf32, #tpu.memory_space<vmem>>
          %parallel_loop3A_672 = tpu.memref_squeeze %parallel_loop3A_671 : memref<1x1024x8xf32, #tpu.memory_space<vmem>> -> memref<1024x8xf32, #tpu.memory_space<vmem>>
          %parallel_loop3A_673 = tpu.vector_load_idx %parallel_loop3A_672[%parallel_loop3A_573, %broadcast_in_dim3A_7] : memref<1024x8xf32, #tpu.memory_space<vmem>>[vector<16xi32>, vector<16xi32>], vector<16xf32>,
          %parallel_loop3A_674 = arith.constant 16 : i32
          %parallel_loop3A_675 = arith.muli %parallel_loop3A_555, %parallel_loop3A_674 : i32
          %parallel_loop3A_676 = arith.constant 1 : i32
          %parallel_loop3A_677 = arith.constant 1 : i32
          %parallel_loop3A_678 = arith.constant 2 : i32
          %parallel_loop3A_679 = arith.index_cast %parallel_loop3A_676 : i32 to index
          %parallel_loop3A_680 = arith.index_cast %parallel_loop3A_553 : i32 to index
          %parallel_loop3A_681 = arith.index_cast %parallel_loop3A_677 : i32 to index
          %parallel_loop3A_682 = arith.index_cast %parallel_loop3A_678 : i32 to index
          %parallel_loop3A_683 = arith.index_cast %parallel_loop3A_675 : i32 to index
          %parallel_loop3A_684 = tpu.vector_load %arg13[%parallel_loop3A_679, %parallel_loop3A_680, %parallel_loop3A_681, %parallel_loop3A_682, %parallel_loop3A_683] {strides = array<i32>} : memref<2x8x3x8x128xf32, #tpu.memory_space<vmem>>, vector<16xf32>,
          tpu.vector_store %arg13[%parallel_loop3A_679, %parallel_loop3A_680, %parallel_loop3A_681, %parallel_loop3A_682, %parallel_loop3A_683], %parallel_loop3A_673 {strides = array<i32>} : memref<2x8x3x8x128xf32, #tpu.memory_space<vmem>>, vector<16xf32>,
          %parallel_loop3A_685 = tpu.vector_load_idx %arg15[%broadcast_in_dim3A_7, %parallel_loop3A_569] : memref<8x1002xf32, #tpu.memory_space<vmem>>[vector<16xi32>, vector<16xi32>], vector<16xf32>,
          %parallel_loop3A_686 = arith.constant 16 : i32
          %parallel_loop3A_687 = arith.muli %parallel_loop3A_555, %parallel_loop3A_686 : i32
          %parallel_loop3A_688 = arith.constant 1 : i32
          %parallel_loop3A_689 = arith.constant 2 : i32
          %parallel_loop3A_690 = arith.constant 2 : i32
          %parallel_loop3A_691 = arith.index_cast %parallel_loop3A_688 : i32 to index
          %parallel_loop3A_692 = arith.index_cast %parallel_loop3A_553 : i32 to index
          %parallel_loop3A_693 = arith.index_cast %parallel_loop3A_689 : i32 to index
          %parallel_loop3A_694 = arith.index_cast %parallel_loop3A_690 : i32 to index
          %parallel_loop3A_695 = arith.index_cast %parallel_loop3A_687 : i32 to index
          %parallel_loop3A_696 = tpu.vector_load %arg13[%parallel_loop3A_691, %parallel_loop3A_692, %parallel_loop3A_693, %parallel_loop3A_694, %parallel_loop3A_695] {strides = array<i32>} : memref<2x8x3x8x128xf32, #tpu.memory_space<vmem>>, vector<16xf32>,
          tpu.vector_store %arg13[%parallel_loop3A_691, %parallel_loop3A_692, %parallel_loop3A_693, %parallel_loop3A_694, %parallel_loop3A_695], %parallel_loop3A_685 {strides = array<i32>} : memref<2x8x3x8x128xf32, #tpu.memory_space<vmem>>, vector<16xf32>,
          %parallel_loop3A_697 = tpu.vector_load_idx %arg14[%broadcast_in_dim3A_9, %parallel_loop3A_562] : memref<8x1442xf32, #tpu.memory_space<vmem>>[vector<16xi32>, vector<16xi32>], vector<16xf32>,
          %parallel_loop3A_698 = arith.constant 16 : i32
          %parallel_loop3A_699 = arith.muli %parallel_loop3A_555, %parallel_loop3A_698 : i32
          %parallel_loop3A_700 = arith.constant 1 : i32
          %parallel_loop3A_701 = arith.constant 0 : i32
          %parallel_loop3A_702 = arith.constant 3 : i32
          %parallel_loop3A_703 = arith.index_cast %parallel_loop3A_700 : i32 to index
          %parallel_loop3A_704 = arith.index_cast %parallel_loop3A_553 : i32 to index
          %parallel_loop3A_705 = arith.index_cast %parallel_loop3A_701 : i32 to index
          %parallel_loop3A_706 = arith.index_cast %parallel_loop3A_702 : i32 to index
          %parallel_loop3A_707 = arith.index_cast %parallel_loop3A_699 : i32 to index
          %parallel_loop3A_708 = tpu.vector_load %arg13[%parallel_loop3A_703, %parallel_loop3A_704, %parallel_loop3A_705, %parallel_loop3A_706, %parallel_loop3A_707] {strides = array<i32>} : memref<2x8x3x8x128xf32, #tpu.memory_space<vmem>>, vector<16xf32>,
          tpu.vector_store %arg13[%parallel_loop3A_703, %parallel_loop3A_704, %parallel_loop3A_705, %parallel_loop3A_706, %parallel_loop3A_707], %parallel_loop3A_697 {strides = array<i32>} : memref<2x8x3x8x128xf32, #tpu.memory_space<vmem>>, vector<16xf32>,
          %parallel_loop3A_709 = arith.constant 1 : i32
          %parallel_loop3A_710 = arith.constant 0 : i32
          %parallel_loop3A_711 = arith.constant 0 : i32
          %parallel_loop3A_712 = tpu.memref_slice %arg12[%parallel_loop3A_709, %parallel_loop3A_710, %parallel_loop3A_711] : memref<2x1024x8xf32, #tpu.memory_space<vmem>> -> memref<1x1024x8xf32, #tpu.memory_space<vmem>>
          %parallel_loop3A_713 = tpu.memref_squeeze %parallel_loop3A_712 : memref<1x1024x8xf32, #tpu.memory_space<vmem>> -> memref<1024x8xf32, #tpu.memory_space<vmem>>
          %parallel_loop3A_714 = tpu.vector_load_idx %parallel_loop3A_713[%parallel_loop3A_573, %broadcast_in_dim3A_9] : memref<1024x8xf32, #tpu.memory_space<vmem>>[vector<16xi32>, vector<16xi32>], vector<16xf32>,
          %parallel_loop3A_715 = arith.constant 16 : i32
          %parallel_loop3A_716 = arith.muli %parallel_loop3A_555, %parallel_loop3A_715 : i32
          %parallel_loop3A_717 = arith.constant 1 : i32
          %parallel_loop3A_718 = arith.constant 1 : i32
          %parallel_loop3A_719 = arith.constant 3 : i32
          %parallel_loop3A_720 = arith.index_cast %parallel_loop3A_717 : i32 to index
          %parallel_loop3A_721 = arith.index_cast %parallel_loop3A_553 : i32 to index
          %parallel_loop3A_722 = arith.index_cast %parallel_loop3A_718 : i32 to index
          %parallel_loop3A_723 = arith.index_cast %parallel_loop3A_719 : i32 to index
          %parallel_loop3A_724 = arith.index_cast %parallel_loop3A_716 : i32 to index
          %parallel_loop3A_725 = tpu.vector_load %arg13[%parallel_loop3A_720, %parallel_loop3A_721, %parallel_loop3A_722, %parallel_loop3A_723, %parallel_loop3A_724] {strides = array<i32>} : memref<2x8x3x8x128xf32, #tpu.memory_space<vmem>>, vector<16xf32>,
          tpu.vector_store %arg13[%parallel_loop3A_720, %parallel_loop3A_721, %parallel_loop3A_722, %parallel_loop3A_723, %parallel_loop3A_724], %parallel_loop3A_714 {strides = array<i32>} : memref<2x8x3x8x128xf32, #tpu.memory_space<vmem>>, vector<16xf32>,
          %parallel_loop3A_726 = tpu.vector_load_idx %arg15[%broadcast_in_dim3A_9, %parallel_loop3A_569] : memref<8x1002xf32, #tpu.memory_space<vmem>>[vector<16xi32>, vector<16xi32>], vector<16xf32>,
          %parallel_loop3A_727 = arith.constant 16 : i32
          %parallel_loop3A_728 = arith.muli %parallel_loop3A_555, %parallel_loop3A_727 : i32
          %parallel_loop3A_729 = arith.constant 1 : i32
          %parallel_loop3A_730 = arith.constant 2 : i32
          %parallel_loop3A_731 = arith.constant 3 : i32
          %parallel_loop3A_732 = arith.index_cast %parallel_loop3A_729 : i32 to index
          %parallel_loop3A_733 = arith.index_cast %parallel_loop3A_553 : i32 to index
          %parallel_loop3A_734 = arith.index_cast %parallel_loop3A_730 : i32 to index
          %parallel_loop3A_735 = arith.index_cast %parallel_loop3A_731 : i32 to index
          %parallel_loop3A_736 = arith.index_cast %parallel_loop3A_728 : i32 to index
          %parallel_loop3A_737 = tpu.vector_load %arg13[%parallel_loop3A_732, %parallel_loop3A_733, %parallel_loop3A_734, %parallel_loop3A_735, %parallel_loop3A_736] {strides = array<i32>} : memref<2x8x3x8x128xf32, #tpu.memory_space<vmem>>, vector<16xf32>,
          tpu.vector_store %arg13[%parallel_loop3A_732, %parallel_loop3A_733, %parallel_loop3A_734, %parallel_loop3A_735, %parallel_loop3A_736], %parallel_loop3A_726 {strides = array<i32>} : memref<2x8x3x8x128xf32, #tpu.memory_space<vmem>>, vector<16xf32>,
          %parallel_loop3A_738 = tpu.vector_load_idx %arg14[%broadcast_in_dim3A_11, %parallel_loop3A_562] : memref<8x1442xf32, #tpu.memory_space<vmem>>[vector<16xi32>, vector<16xi32>], vector<16xf32>,
          %parallel_loop3A_739 = arith.constant 16 : i32
          %parallel_loop3A_740 = arith.muli %parallel_loop3A_555, %parallel_loop3A_739 : i32
          %parallel_loop3A_741 = arith.constant 1 : i32
          %parallel_loop3A_742 = arith.constant 0 : i32
          %parallel_loop3A_743 = arith.constant 4 : i32
          %parallel_loop3A_744 = arith.index_cast %parallel_loop3A_741 : i32 to index
          %parallel_loop3A_745 = arith.index_cast %parallel_loop3A_553 : i32 to index
          %parallel_loop3A_746 = arith.index_cast %parallel_loop3A_742 : i32 to index
          %parallel_loop3A_747 = arith.index_cast %parallel_loop3A_743 : i32 to index
          %parallel_loop3A_748 = arith.index_cast %parallel_loop3A_740 : i32 to index
          %parallel_loop3A_749 = tpu.vector_load %arg13[%parallel_loop3A_744, %parallel_loop3A_745, %parallel_loop3A_746, %parallel_loop3A_747, %parallel_loop3A_748] {strides = array<i32>} : memref<2x8x3x8x128xf32, #tpu.memory_space<vmem>>, vector<16xf32>,
          tpu.vector_store %arg13[%parallel_loop3A_744, %parallel_loop3A_745, %parallel_loop3A_746, %parallel_loop3A_747, %parallel_loop3A_748], %parallel_loop3A_738 {strides = array<i32>} : memref<2x8x3x8x128xf32, #tpu.memory_space<vmem>>, vector<16xf32>,
          %parallel_loop3A_750 = arith.constant 1 : i32
          %parallel_loop3A_751 = arith.constant 0 : i32
          %parallel_loop3A_752 = arith.constant 0 : i32
          %parallel_loop3A_753 = tpu.memref_slice %arg12[%parallel_loop3A_750, %parallel_loop3A_751, %parallel_loop3A_752] : memref<2x1024x8xf32, #tpu.memory_space<vmem>> -> memref<1x1024x8xf32, #tpu.memory_space<vmem>>
          %parallel_loop3A_754 = tpu.memref_squeeze %parallel_loop3A_753 : memref<1x1024x8xf32, #tpu.memory_space<vmem>> -> memref<1024x8xf32, #tpu.memory_space<vmem>>
          %parallel_loop3A_755 = tpu.vector_load_idx %parallel_loop3A_754[%parallel_loop3A_573, %broadcast_in_dim3A_11] : memref<1024x8xf32, #tpu.memory_space<vmem>>[vector<16xi32>, vector<16xi32>], vector<16xf32>,
          %parallel_loop3A_756 = arith.constant 16 : i32
          %parallel_loop3A_757 = arith.muli %parallel_loop3A_555, %parallel_loop3A_756 : i32
          %parallel_loop3A_758 = arith.constant 1 : i32
          %parallel_loop3A_759 = arith.constant 1 : i32
          %parallel_loop3A_760 = arith.constant 4 : i32
          %parallel_loop3A_761 = arith.index_cast %parallel_loop3A_758 : i32 to index
          %parallel_loop3A_762 = arith.index_cast %parallel_loop3A_553 : i32 to index
          %parallel_loop3A_763 = arith.index_cast %parallel_loop3A_759 : i32 to index
          %parallel_loop3A_764 = arith.index_cast %parallel_loop3A_760 : i32 to index
          %parallel_loop3A_765 = arith.index_cast %parallel_loop3A_757 : i32 to index
          %parallel_loop3A_766 = tpu.vector_load %arg13[%parallel_loop3A_761, %parallel_loop3A_762, %parallel_loop3A_763, %parallel_loop3A_764, %parallel_loop3A_765] {strides = array<i32>} : memref<2x8x3x8x128xf32, #tpu.memory_space<vmem>>, vector<16xf32>,
          tpu.vector_store %arg13[%parallel_loop3A_761, %parallel_loop3A_762, %parallel_loop3A_763, %parallel_loop3A_764, %parallel_loop3A_765], %parallel_loop3A_755 {strides = array<i32>} : memref<2x8x3x8x128xf32, #tpu.memory_space<vmem>>, vector<16xf32>,
          %parallel_loop3A_767 = tpu.vector_load_idx %arg15[%broadcast_in_dim3A_11, %parallel_loop3A_569] : memref<8x1002xf32, #tpu.memory_space<vmem>>[vector<16xi32>, vector<16xi32>], vector<16xf32>,
          %parallel_loop3A_768 = arith.constant 16 : i32
          %parallel_loop3A_769 = arith.muli %parallel_loop3A_555, %parallel_loop3A_768 : i32
          %parallel_loop3A_770 = arith.constant 1 : i32
          %parallel_loop3A_771 = arith.constant 2 : i32
          %parallel_loop3A_772 = arith.constant 4 : i32
          %parallel_loop3A_773 = arith.index_cast %parallel_loop3A_770 : i32 to index
          %parallel_loop3A_774 = arith.index_cast %parallel_loop3A_553 : i32 to index
          %parallel_loop3A_775 = arith.index_cast %parallel_loop3A_771 : i32 to index
          %parallel_loop3A_776 = arith.index_cast %parallel_loop3A_772 : i32 to index
          %parallel_loop3A_777 = arith.index_cast %parallel_loop3A_769 : i32 to index
          %parallel_loop3A_778 = tpu.vector_load %arg13[%parallel_loop3A_773, %parallel_loop3A_774, %parallel_loop3A_775, %parallel_loop3A_776, %parallel_loop3A_777] {strides = array<i32>} : memref<2x8x3x8x128xf32, #tpu.memory_space<vmem>>, vector<16xf32>,
          tpu.vector_store %arg13[%parallel_loop3A_773, %parallel_loop3A_774, %parallel_loop3A_775, %parallel_loop3A_776, %parallel_loop3A_777], %parallel_loop3A_767 {strides = array<i32>} : memref<2x8x3x8x128xf32, #tpu.memory_space<vmem>>, vector<16xf32>,
          %parallel_loop3A_779 = tpu.vector_load_idx %arg14[%broadcast_in_dim3A_13, %parallel_loop3A_562] : memref<8x1442xf32, #tpu.memory_space<vmem>>[vector<16xi32>, vector<16xi32>], vector<16xf32>,
          %parallel_loop3A_780 = arith.constant 16 : i32
          %parallel_loop3A_781 = arith.muli %parallel_loop3A_555, %parallel_loop3A_780 : i32
          %parallel_loop3A_782 = arith.constant 1 : i32
          %parallel_loop3A_783 = arith.constant 0 : i32
          %parallel_loop3A_784 = arith.constant 5 : i32
          %parallel_loop3A_785 = arith.index_cast %parallel_loop3A_782 : i32 to index
          %parallel_loop3A_786 = arith.index_cast %parallel_loop3A_553 : i32 to index
          %parallel_loop3A_787 = arith.index_cast %parallel_loop3A_783 : i32 to index
          %parallel_loop3A_788 = arith.index_cast %parallel_loop3A_784 : i32 to index
          %parallel_loop3A_789 = arith.index_cast %parallel_loop3A_781 : i32 to index
          %parallel_loop3A_790 = tpu.vector_load %arg13[%parallel_loop3A_785, %parallel_loop3A_786, %parallel_loop3A_787, %parallel_loop3A_788, %parallel_loop3A_789] {strides = array<i32>} : memref<2x8x3x8x128xf32, #tpu.memory_space<vmem>>, vector<16xf32>,
          tpu.vector_store %arg13[%parallel_loop3A_785, %parallel_loop3A_786, %parallel_loop3A_787, %parallel_loop3A_788, %parallel_loop3A_789], %parallel_loop3A_779 {strides = array<i32>} : memref<2x8x3x8x128xf32, #tpu.memory_space<vmem>>, vector<16xf32>,
          %parallel_loop3A_791 = arith.constant 1 : i32
          %parallel_loop3A_792 = arith.constant 0 : i32
          %parallel_loop3A_793 = arith.constant 0 : i32
          %parallel_loop3A_794 = tpu.memref_slice %arg12[%parallel_loop3A_791, %parallel_loop3A_792, %parallel_loop3A_793] : memref<2x1024x8xf32, #tpu.memory_space<vmem>> -> memref<1x1024x8xf32, #tpu.memory_space<vmem>>
          %parallel_loop3A_795 = tpu.memref_squeeze %parallel_loop3A_794 : memref<1x1024x8xf32, #tpu.memory_space<vmem>> -> memref<1024x8xf32, #tpu.memory_space<vmem>>
          %parallel_loop3A_796 = tpu.vector_load_idx %parallel_loop3A_795[%parallel_loop3A_573, %broadcast_in_dim3A_13] : memref<1024x8xf32, #tpu.memory_space<vmem>>[vector<16xi32>, vector<16xi32>], vector<16xf32>,
          %parallel_loop3A_797 = arith.constant 16 : i32
          %parallel_loop3A_798 = arith.muli %parallel_loop3A_555, %parallel_loop3A_797 : i32
          %parallel_loop3A_799 = arith.constant 1 : i32
          %parallel_loop3A_800 = arith.constant 1 : i32
          %parallel_loop3A_801 = arith.constant 5 : i32
          %parallel_loop3A_802 = arith.index_cast %parallel_loop3A_799 : i32 to index
          %parallel_loop3A_803 = arith.index_cast %parallel_loop3A_553 : i32 to index
          %parallel_loop3A_804 = arith.index_cast %parallel_loop3A_800 : i32 to index
          %parallel_loop3A_805 = arith.index_cast %parallel_loop3A_801 : i32 to index
          %parallel_loop3A_806 = arith.index_cast %parallel_loop3A_798 : i32 to index
          %parallel_loop3A_807 = tpu.vector_load %arg13[%parallel_loop3A_802, %parallel_loop3A_803, %parallel_loop3A_804, %parallel_loop3A_805, %parallel_loop3A_806] {strides = array<i32>} : memref<2x8x3x8x128xf32, #tpu.memory_space<vmem>>, vector<16xf32>,
          tpu.vector_store %arg13[%parallel_loop3A_802, %parallel_loop3A_803, %parallel_loop3A_804, %parallel_loop3A_805, %parallel_loop3A_806], %parallel_loop3A_796 {strides = array<i32>} : memref<2x8x3x8x128xf32, #tpu.memory_space<vmem>>, vector<16xf32>,
          %parallel_loop3A_808 = tpu.vector_load_idx %arg15[%broadcast_in_dim3A_13, %parallel_loop3A_569] : memref<8x1002xf32, #tpu.memory_space<vmem>>[vector<16xi32>, vector<16xi32>], vector<16xf32>,
          %parallel_loop3A_809 = arith.constant 16 : i32
          %parallel_loop3A_810 = arith.muli %parallel_loop3A_555, %parallel_loop3A_809 : i32
          %parallel_loop3A_811 = arith.constant 1 : i32
          %parallel_loop3A_812 = arith.constant 2 : i32
          %parallel_loop3A_813 = arith.constant 5 : i32
          %parallel_loop3A_814 = arith.index_cast %parallel_loop3A_811 : i32 to index
          %parallel_loop3A_815 = arith.index_cast %parallel_loop3A_553 : i32 to index
          %parallel_loop3A_816 = arith.index_cast %parallel_loop3A_812 : i32 to index
          %parallel_loop3A_817 = arith.index_cast %parallel_loop3A_813 : i32 to index
          %parallel_loop3A_818 = arith.index_cast %parallel_loop3A_810 : i32 to index
          %parallel_loop3A_819 = tpu.vector_load %arg13[%parallel_loop3A_814, %parallel_loop3A_815, %parallel_loop3A_816, %parallel_loop3A_817, %parallel_loop3A_818] {strides = array<i32>} : memref<2x8x3x8x128xf32, #tpu.memory_space<vmem>>, vector<16xf32>,
          tpu.vector_store %arg13[%parallel_loop3A_814, %parallel_loop3A_815, %parallel_loop3A_816, %parallel_loop3A_817, %parallel_loop3A_818], %parallel_loop3A_808 {strides = array<i32>} : memref<2x8x3x8x128xf32, #tpu.memory_space<vmem>>, vector<16xf32>,
          %parallel_loop3A_820 = tpu.vector_load_idx %arg14[%broadcast_in_dim3A_15, %parallel_loop3A_562] : memref<8x1442xf32, #tpu.memory_space<vmem>>[vector<16xi32>, vector<16xi32>], vector<16xf32>,
          %parallel_loop3A_821 = arith.constant 16 : i32
          %parallel_loop3A_822 = arith.muli %parallel_loop3A_555, %parallel_loop3A_821 : i32
          %parallel_loop3A_823 = arith.constant 1 : i32
          %parallel_loop3A_824 = arith.constant 0 : i32
          %parallel_loop3A_825 = arith.constant 6 : i32
          %parallel_loop3A_826 = arith.index_cast %parallel_loop3A_823 : i32 to index
          %parallel_loop3A_827 = arith.index_cast %parallel_loop3A_553 : i32 to index
          %parallel_loop3A_828 = arith.index_cast %parallel_loop3A_824 : i32 to index
          %parallel_loop3A_829 = arith.index_cast %parallel_loop3A_825 : i32 to index
          %parallel_loop3A_830 = arith.index_cast %parallel_loop3A_822 : i32 to index
          %parallel_loop3A_831 = tpu.vector_load %arg13[%parallel_loop3A_826, %parallel_loop3A_827, %parallel_loop3A_828, %parallel_loop3A_829, %parallel_loop3A_830] {strides = array<i32>} : memref<2x8x3x8x128xf32, #tpu.memory_space<vmem>>, vector<16xf32>,
          tpu.vector_store %arg13[%parallel_loop3A_826, %parallel_loop3A_827, %parallel_loop3A_828, %parallel_loop3A_829, %parallel_loop3A_830], %parallel_loop3A_820 {strides = array<i32>} : memref<2x8x3x8x128xf32, #tpu.memory_space<vmem>>, vector<16xf32>,
          %parallel_loop3A_832 = arith.constant 1 : i32
          %parallel_loop3A_833 = arith.constant 0 : i32
          %parallel_loop3A_834 = arith.constant 0 : i32
          %parallel_loop3A_835 = tpu.memref_slice %arg12[%parallel_loop3A_832, %parallel_loop3A_833, %parallel_loop3A_834] : memref<2x1024x8xf32, #tpu.memory_space<vmem>> -> memref<1x1024x8xf32, #tpu.memory_space<vmem>>
          %parallel_loop3A_836 = tpu.memref_squeeze %parallel_loop3A_835 : memref<1x1024x8xf32, #tpu.memory_space<vmem>> -> memref<1024x8xf32, #tpu.memory_space<vmem>>
          %parallel_loop3A_837 = tpu.vector_load_idx %parallel_loop3A_836[%parallel_loop3A_573, %broadcast_in_dim3A_15] : memref<1024x8xf32, #tpu.memory_space<vmem>>[vector<16xi32>, vector<16xi32>], vector<16xf32>,
          %parallel_loop3A_838 = arith.constant 16 : i32
          %parallel_loop3A_839 = arith.muli %parallel_loop3A_555, %parallel_loop3A_838 : i32
          %parallel_loop3A_840 = arith.constant 1 : i32
          %parallel_loop3A_841 = arith.constant 1 : i32
          %parallel_loop3A_842 = arith.constant 6 : i32
          %parallel_loop3A_843 = arith.index_cast %parallel_loop3A_840 : i32 to index
          %parallel_loop3A_844 = arith.index_cast %parallel_loop3A_553 : i32 to index
          %parallel_loop3A_845 = arith.index_cast %parallel_loop3A_841 : i32 to index
          %parallel_loop3A_846 = arith.index_cast %parallel_loop3A_842 : i32 to index
          %parallel_loop3A_847 = arith.index_cast %parallel_loop3A_839 : i32 to index
          %parallel_loop3A_848 = tpu.vector_load %arg13[%parallel_loop3A_843, %parallel_loop3A_844, %parallel_loop3A_845, %parallel_loop3A_846, %parallel_loop3A_847] {strides = array<i32>} : memref<2x8x3x8x128xf32, #tpu.memory_space<vmem>>, vector<16xf32>,
          tpu.vector_store %arg13[%parallel_loop3A_843, %parallel_loop3A_844, %parallel_loop3A_845, %parallel_loop3A_846, %parallel_loop3A_847], %parallel_loop3A_837 {strides = array<i32>} : memref<2x8x3x8x128xf32, #tpu.memory_space<vmem>>, vector<16xf32>,
          %parallel_loop3A_849 = tpu.vector_load_idx %arg15[%broadcast_in_dim3A_15, %parallel_loop3A_569] : memref<8x1002xf32, #tpu.memory_space<vmem>>[vector<16xi32>, vector<16xi32>], vector<16xf32>,
          %parallel_loop3A_850 = arith.constant 16 : i32
          %parallel_loop3A_851 = arith.muli %parallel_loop3A_555, %parallel_loop3A_850 : i32
          %parallel_loop3A_852 = arith.constant 1 : i32
          %parallel_loop3A_853 = arith.constant 2 : i32
          %parallel_loop3A_854 = arith.constant 6 : i32
          %parallel_loop3A_855 = arith.index_cast %parallel_loop3A_852 : i32 to index
          %parallel_loop3A_856 = arith.index_cast %parallel_loop3A_553 : i32 to index
          %parallel_loop3A_857 = arith.index_cast %parallel_loop3A_853 : i32 to index
          %parallel_loop3A_858 = arith.index_cast %parallel_loop3A_854 : i32 to index
          %parallel_loop3A_859 = arith.index_cast %parallel_loop3A_851 : i32 to index
          %parallel_loop3A_860 = tpu.vector_load %arg13[%parallel_loop3A_855, %parallel_loop3A_856, %parallel_loop3A_857, %parallel_loop3A_858, %parallel_loop3A_859] {strides = array<i32>} : memref<2x8x3x8x128xf32, #tpu.memory_space<vmem>>, vector<16xf32>,
          tpu.vector_store %arg13[%parallel_loop3A_855, %parallel_loop3A_856, %parallel_loop3A_857, %parallel_loop3A_858, %parallel_loop3A_859], %parallel_loop3A_849 {strides = array<i32>} : memref<2x8x3x8x128xf32, #tpu.memory_space<vmem>>, vector<16xf32>,
          %parallel_loop3A_861 = tpu.vector_load_idx %arg14[%broadcast_in_dim3A_17, %parallel_loop3A_562] : memref<8x1442xf32, #tpu.memory_space<vmem>>[vector<16xi32>, vector<16xi32>], vector<16xf32>,
          %parallel_loop3A_862 = arith.constant 16 : i32
          %parallel_loop3A_863 = arith.muli %parallel_loop3A_555, %parallel_loop3A_862 : i32
          %parallel_loop3A_864 = arith.constant 1 : i32
          %parallel_loop3A_865 = arith.constant 0 : i32
          %parallel_loop3A_866 = arith.constant 7 : i32
          %parallel_loop3A_867 = arith.index_cast %parallel_loop3A_864 : i32 to index
          %parallel_loop3A_868 = arith.index_cast %parallel_loop3A_553 : i32 to index
          %parallel_loop3A_869 = arith.index_cast %parallel_loop3A_865 : i32 to index
          %parallel_loop3A_870 = arith.index_cast %parallel_loop3A_866 : i32 to index
          %parallel_loop3A_871 = arith.index_cast %parallel_loop3A_863 : i32 to index
          %parallel_loop3A_872 = tpu.vector_load %arg13[%parallel_loop3A_867, %parallel_loop3A_868, %parallel_loop3A_869, %parallel_loop3A_870, %parallel_loop3A_871] {strides = array<i32>} : memref<2x8x3x8x128xf32, #tpu.memory_space<vmem>>, vector<16xf32>,
          tpu.vector_store %arg13[%parallel_loop3A_867, %parallel_loop3A_868, %parallel_loop3A_869, %parallel_loop3A_870, %parallel_loop3A_871], %parallel_loop3A_861 {strides = array<i32>} : memref<2x8x3x8x128xf32, #tpu.memory_space<vmem>>, vector<16xf32>,
          %parallel_loop3A_873 = arith.constant 1 : i32
          %parallel_loop3A_874 = arith.constant 0 : i32
          %parallel_loop3A_875 = arith.constant 0 : i32
          %parallel_loop3A_876 = tpu.memref_slice %arg12[%parallel_loop3A_873, %parallel_loop3A_874, %parallel_loop3A_875] : memref<2x1024x8xf32, #tpu.memory_space<vmem>> -> memref<1x1024x8xf32, #tpu.memory_space<vmem>>
          %parallel_loop3A_877 = tpu.memref_squeeze %parallel_loop3A_876 : memref<1x1024x8xf32, #tpu.memory_space<vmem>> -> memref<1024x8xf32, #tpu.memory_space<vmem>>
          %parallel_loop3A_878 = tpu.vector_load_idx %parallel_loop3A_877[%parallel_loop3A_573, %broadcast_in_dim3A_17] : memref<1024x8xf32, #tpu.memory_space<vmem>>[vector<16xi32>, vector<16xi32>], vector<16xf32>,
          %parallel_loop3A_879 = arith.constant 16 : i32
          %parallel_loop3A_880 = arith.muli %parallel_loop3A_555, %parallel_loop3A_879 : i32
          %parallel_loop3A_881 = arith.constant 1 : i32
          %parallel_loop3A_882 = arith.constant 1 : i32
          %parallel_loop3A_883 = arith.constant 7 : i32
          %parallel_loop3A_884 = arith.index_cast %parallel_loop3A_881 : i32 to index
          %parallel_loop3A_885 = arith.index_cast %parallel_loop3A_553 : i32 to index
          %parallel_loop3A_886 = arith.index_cast %parallel_loop3A_882 : i32 to index
          %parallel_loop3A_887 = arith.index_cast %parallel_loop3A_883 : i32 to index
          %parallel_loop3A_888 = arith.index_cast %parallel_loop3A_880 : i32 to index
          %parallel_loop3A_889 = tpu.vector_load %arg13[%parallel_loop3A_884, %parallel_loop3A_885, %parallel_loop3A_886, %parallel_loop3A_887, %parallel_loop3A_888] {strides = array<i32>} : memref<2x8x3x8x128xf32, #tpu.memory_space<vmem>>, vector<16xf32>,
          tpu.vector_store %arg13[%parallel_loop3A_884, %parallel_loop3A_885, %parallel_loop3A_886, %parallel_loop3A_887, %parallel_loop3A_888], %parallel_loop3A_878 {strides = array<i32>} : memref<2x8x3x8x128xf32, #tpu.memory_space<vmem>>, vector<16xf32>,
          %parallel_loop3A_890 = tpu.vector_load_idx %arg15[%broadcast_in_dim3A_17, %parallel_loop3A_569] : memref<8x1002xf32, #tpu.memory_space<vmem>>[vector<16xi32>, vector<16xi32>], vector<16xf32>,
          %parallel_loop3A_891 = arith.constant 16 : i32
          %parallel_loop3A_892 = arith.muli %parallel_loop3A_555, %parallel_loop3A_891 : i32
          %parallel_loop3A_893 = arith.constant 1 : i32
          %parallel_loop3A_894 = arith.constant 2 : i32
          %parallel_loop3A_895 = arith.constant 7 : i32
          %parallel_loop3A_896 = arith.index_cast %parallel_loop3A_893 : i32 to index
          %parallel_loop3A_897 = arith.index_cast %parallel_loop3A_553 : i32 to index
          %parallel_loop3A_898 = arith.index_cast %parallel_loop3A_894 : i32 to index
          %parallel_loop3A_899 = arith.index_cast %parallel_loop3A_895 : i32 to index
          %parallel_loop3A_900 = arith.index_cast %parallel_loop3A_892 : i32 to index
          %parallel_loop3A_901 = tpu.vector_load %arg13[%parallel_loop3A_896, %parallel_loop3A_897, %parallel_loop3A_898, %parallel_loop3A_899, %parallel_loop3A_900] {strides = array<i32>} : memref<2x8x3x8x128xf32, #tpu.memory_space<vmem>>, vector<16xf32>,
          tpu.vector_store %arg13[%parallel_loop3A_896, %parallel_loop3A_897, %parallel_loop3A_898, %parallel_loop3A_899, %parallel_loop3A_900], %parallel_loop3A_890 {strides = array<i32>} : memref<2x8x3x8x128xf32, #tpu.memory_space<vmem>>, vector<16xf32>,
        } {sc.loop_unroll_factor = 16 : i64, sc.parallel_access}
        %add3A_497 = arith.constant 2 : i32
        %add3A_498 = arith.addi %scan3A_453, %add3A_497 : i32
        %lt3A_499 = arith.constant 25 : i32
        %lt3A_500 = arith.cmpi slt, %add3A_498, %lt3A_499 : i32
        %convert_element_type3A_501 = arith.extui %lt3A_500 : i1 to i32
        %cond3A_502 = arith.constant 0 : i32
        %cond3A_503 = arith.cmpi ne, %convert_element_type3A_501, %cond3A_502 : i32
        scf.if %cond3A_503 {
          %add3A_529 = arith.constant 2 : i32
          %add3A_530 = arith.addi %scan3A_453, %add3A_529 : i32
          %dma_start3A_531 = arith.constant 1 : i32
          %dma_start3A_532 = arith.constant 0 : i32
          %dma_start3A_533 = arith.constant 0 : i32
          %dma_start3A_534 = tpu.memref_slice %arg9[%dma_start3A_531, %dma_start3A_532, %dma_start3A_533] : memref<2x8x128xi32, #tpu.memory_space<vmem>> -> memref<1x8x128xi32, #tpu.memory_space<vmem>>
          %dma_start3A_535 = tpu.memref_squeeze %dma_start3A_534 : memref<1x8x128xi32, #tpu.memory_space<vmem>> -> memref<8x128xi32, #tpu.memory_space<vmem>>
          %dma_start3A_536 = arith.constant 0 : i32
          %dma_start3A_537 = arith.constant 0 : i32
          %dma_start3A_538 = tpu.memref_slice %arg2[%add3A_530, %add3A, %dma_start3A_536, %dma_start3A_537] : memref<25x32x8x128xi32, #tpu.memory_space<hbm>> -> memref<1x1x8x128xi32, #tpu.memory_space<hbm>>
          %dma_start3A_539 = tpu.memref_squeeze %dma_start3A_538 : memref<1x1x8x128xi32, #tpu.memory_space<hbm>> -> memref<8x128xi32, #tpu.memory_space<hbm>>
          %dma_start3A_540 = arith.constant 0 : i32
          %dma_start3A_541 = arith.constant 0 : i32
          %dma_start3A_542 = tpu.memref_slice %arg9[%dma_start3A_531, %dma_start3A_540, %dma_start3A_541] : memref<2x8x128xi32, #tpu.memory_space<vmem>> -> memref<1x8x128xi32, #tpu.memory_space<vmem>>
          %dma_start3A_543 = tpu.memref_squeeze %dma_start3A_542 : memref<1x8x128xi32, #tpu.memory_space<vmem>> -> memref<8x128xi32, #tpu.memory_space<vmem>>
          %dma_start3A_544 = arith.constant 0 : i32
          %dma_start3A_545 = arith.constant 0 : i32
          %dma_start3A_546 = tpu.memref_slice %arg2[%add3A_530, %add3A, %dma_start3A_544, %dma_start3A_545] : memref<25x32x8x128xi32, #tpu.memory_space<hbm>> -> memref<1x1x8x128xi32, #tpu.memory_space<hbm>>
          %dma_start3A_547 = tpu.memref_squeeze %dma_start3A_546 : memref<1x1x8x128xi32, #tpu.memory_space<hbm>> -> memref<8x128xi32, #tpu.memory_space<hbm>>
          tpu.enqueue_dma source(%dma_start3A_547 : memref<8x128xi32, #tpu.memory_space<hbm>>) target(%dma_start3A_543 : memref<8x128xi32, #tpu.memory_space<vmem>>) target_semaphore(%arg16 : memref<!tpu.dma_semaphore, #tpu.memory_space<semaphore_mem>>)
          %dma_start3A_548 = arith.constant 1 : i32
          %dma_start3A_549 = arith.constant 0 : i32
          %dma_start3A_550 = arith.constant 0 : i32
          %dma_start3A_551 = tpu.memref_slice %arg11[%dma_start3A_548, %dma_start3A_549, %dma_start3A_550] : memref<2x8x128xi32, #tpu.memory_space<vmem>> -> memref<1x8x128xi32, #tpu.memory_space<vmem>>
          %dma_start3A_552 = tpu.memref_squeeze %dma_start3A_551 : memref<1x8x128xi32, #tpu.memory_space<vmem>> -> memref<8x128xi32, #tpu.memory_space<vmem>>
          %dma_start3A_553 = arith.constant 0 : i32
          %dma_start3A_554 = arith.constant 0 : i32
          %dma_start3A_555 = tpu.memref_slice %arg4[%add3A_530, %add3A, %dma_start3A_553, %dma_start3A_554] : memref<25x32x8x128xi32, #tpu.memory_space<hbm>> -> memref<1x1x8x128xi32, #tpu.memory_space<hbm>>
          %dma_start3A_556 = tpu.memref_squeeze %dma_start3A_555 : memref<1x1x8x128xi32, #tpu.memory_space<hbm>> -> memref<8x128xi32, #tpu.memory_space<hbm>>
          %dma_start3A_557 = arith.constant 0 : i32
          %dma_start3A_558 = arith.constant 0 : i32
          %dma_start3A_559 = tpu.memref_slice %arg11[%dma_start3A_548, %dma_start3A_557, %dma_start3A_558] : memref<2x8x128xi32, #tpu.memory_space<vmem>> -> memref<1x8x128xi32, #tpu.memory_space<vmem>>
          %dma_start3A_560 = tpu.memref_squeeze %dma_start3A_559 : memref<1x8x128xi32, #tpu.memory_space<vmem>> -> memref<8x128xi32, #tpu.memory_space<vmem>>
          %dma_start3A_561 = arith.constant 0 : i32
          %dma_start3A_562 = arith.constant 0 : i32
          %dma_start3A_563 = tpu.memref_slice %arg4[%add3A_530, %add3A, %dma_start3A_561, %dma_start3A_562] : memref<25x32x8x128xi32, #tpu.memory_space<hbm>> -> memref<1x1x8x128xi32, #tpu.memory_space<hbm>>
          %dma_start3A_564 = tpu.memref_squeeze %dma_start3A_563 : memref<1x1x8x128xi32, #tpu.memory_space<hbm>> -> memref<8x128xi32, #tpu.memory_space<hbm>>
          tpu.enqueue_dma source(%dma_start3A_564 : memref<8x128xi32, #tpu.memory_space<hbm>>) target(%dma_start3A_560 : memref<8x128xi32, #tpu.memory_space<vmem>>) target_semaphore(%arg16 : memref<!tpu.dma_semaphore, #tpu.memory_space<semaphore_mem>>)
          %dma_start3A_565 = arith.constant 0 : i32
          %dma_start3A_566 = arith.constant 1 : i32
          %dma_start3A_567 = arith.constant 0 : i32
          %dma_start3A_568 = tpu.memref_slice %arg10[%dma_start3A_566, %dma_start3A_567] : memref<2x1024xi32, #tpu.memory_space<vmem>> -> memref<1x128xi32, #tpu.memory_space<vmem>>
          %dma_start3A_569 = tpu.memref_squeeze %dma_start3A_568 : memref<1x128xi32, #tpu.memory_space<vmem>> -> memref<128xi32, #tpu.memory_space<vmem>>
          %dma_start3A_570 = arith.constant 0 : i32
          %dma_start3A_571 = tpu.memref_slice %arg3[%add3A_530, %add3A, %dma_start3A_565, %dma_start3A_570] : memref<25x32x8x128xi32, #tpu.memory_space<hbm>> -> memref<1x1x1x128xi32, #tpu.memory_space<hbm>>
          %dma_start3A_572 = tpu.memref_squeeze %dma_start3A_571 : memref<1x1x1x128xi32, #tpu.memory_space<hbm>> -> memref<128xi32, #tpu.memory_space<hbm>>
          %dma_start3A_573 = arith.constant 0 : i32
          %dma_start3A_574 = tpu.memref_slice %arg10[%dma_start3A_566, %dma_start3A_573] : memref<2x1024xi32, #tpu.memory_space<vmem>> -> memref<1x128xi32, #tpu.memory_space<vmem>>
          %dma_start3A_575 = tpu.memref_squeeze %dma_start3A_574 : memref<1x128xi32, #tpu.memory_space<vmem>> -> memref<128xi32, #tpu.memory_space<vmem>>
          %dma_start3A_576 = arith.constant 0 : i32
          %dma_start3A_577 = tpu.memref_slice %arg3[%add3A_530, %add3A, %dma_start3A_565, %dma_start3A_576] : memref<25x32x8x128xi32, #tpu.memory_space<hbm>> -> memref<1x1x1x128xi32, #tpu.memory_space<hbm>>
          %dma_start3A_578 = tpu.memref_squeeze %dma_start3A_577 : memref<1x1x1x128xi32, #tpu.memory_space<hbm>> -> memref<128xi32, #tpu.memory_space<hbm>>
          tpu.enqueue_dma source(%dma_start3A_578 : memref<128xi32, #tpu.memory_space<hbm>>) target(%dma_start3A_575 : memref<128xi32, #tpu.memory_space<vmem>>) target_semaphore(%arg16 : memref<!tpu.dma_semaphore, #tpu.memory_space<semaphore_mem>>)
          %dma_start3A_579 = arith.constant 1 : i32
          %dma_start3A_580 = arith.constant 1 : i32
          %dma_start3A_581 = arith.constant 128 : i32
          %dma_start3A_582 = tpu.memref_slice %arg10[%dma_start3A_580, %dma_start3A_581] : memref<2x1024xi32, #tpu.memory_space<vmem>> -> memref<1x128xi32, #tpu.memory_space<vmem>>
          %dma_start3A_583 = tpu.memref_squeeze %dma_start3A_582 : memref<1x128xi32, #tpu.memory_space<vmem>> -> memref<128xi32, #tpu.memory_space<vmem>>
          %dma_start3A_584 = arith.constant 0 : i32
          %dma_start3A_585 = tpu.memref_slice %arg3[%add3A_530, %add3A, %dma_start3A_579, %dma_start3A_584] : memref<25x32x8x128xi32, #tpu.memory_space<hbm>> -> memref<1x1x1x128xi32, #tpu.memory_space<hbm>>
          %dma_start3A_586 = tpu.memref_squeeze %dma_start3A_585 : memref<1x1x1x128xi32, #tpu.memory_space<hbm>> -> memref<128xi32, #tpu.memory_space<hbm>>
          %dma_start3A_587 = arith.constant 128 : i32
          %dma_start3A_588 = tpu.memref_slice %arg10[%dma_start3A_580, %dma_start3A_587] : memref<2x1024xi32, #tpu.memory_space<vmem>> -> memref<1x128xi32, #tpu.memory_space<vmem>>
          %dma_start3A_589 = tpu.memref_squeeze %dma_start3A_588 : memref<1x128xi32, #tpu.memory_space<vmem>> -> memref<128xi32, #tpu.memory_space<vmem>>
          %dma_start3A_590 = arith.constant 0 : i32
          %dma_start3A_591 = tpu.memref_slice %arg3[%add3A_530, %add3A, %dma_start3A_579, %dma_start3A_590] : memref<25x32x8x128xi32, #tpu.memory_space<hbm>> -> memref<1x1x1x128xi32, #tpu.memory_space<hbm>>
          %dma_start3A_592 = tpu.memref_squeeze %dma_start3A_591 : memref<1x1x1x128xi32, #tpu.memory_space<hbm>> -> memref<128xi32, #tpu.memory_space<hbm>>
          tpu.enqueue_dma source(%dma_start3A_592 : memref<128xi32, #tpu.memory_space<hbm>>) target(%dma_start3A_589 : memref<128xi32, #tpu.memory_space<vmem>>) target_semaphore(%arg16 : memref<!tpu.dma_semaphore, #tpu.memory_space<semaphore_mem>>)
          %dma_start3A_593 = arith.constant 2 : i32
          %dma_start3A_594 = arith.constant 1 : i32
          %dma_start3A_595 = arith.constant 256 : i32
          %dma_start3A_596 = tpu.memref_slice %arg10[%dma_start3A_594, %dma_start3A_595] : memref<2x1024xi32, #tpu.memory_space<vmem>> -> memref<1x128xi32, #tpu.memory_space<vmem>>
          %dma_start3A_597 = tpu.memref_squeeze %dma_start3A_596 : memref<1x128xi32, #tpu.memory_space<vmem>> -> memref<128xi32, #tpu.memory_space<vmem>>
          %dma_start3A_598 = arith.constant 0 : i32
          %dma_start3A_599 = tpu.memref_slice %arg3[%add3A_530, %add3A, %dma_start3A_593, %dma_start3A_598] : memref<25x32x8x128xi32, #tpu.memory_space<hbm>> -> memref<1x1x1x128xi32, #tpu.memory_space<hbm>>
          %dma_start3A_600 = tpu.memref_squeeze %dma_start3A_599 : memref<1x1x1x128xi32, #tpu.memory_space<hbm>> -> memref<128xi32, #tpu.memory_space<hbm>>
          %dma_start3A_601 = arith.constant 256 : i32
          %dma_start3A_602 = tpu.memref_slice %arg10[%dma_start3A_594, %dma_start3A_601] : memref<2x1024xi32, #tpu.memory_space<vmem>> -> memref<1x128xi32, #tpu.memory_space<vmem>>
          %dma_start3A_603 = tpu.memref_squeeze %dma_start3A_602 : memref<1x128xi32, #tpu.memory_space<vmem>> -> memref<128xi32, #tpu.memory_space<vmem>>
          %dma_start3A_604 = arith.constant 0 : i32
          %dma_start3A_605 = tpu.memref_slice %arg3[%add3A_530, %add3A, %dma_start3A_593, %dma_start3A_604] : memref<25x32x8x128xi32, #tpu.memory_space<hbm>> -> memref<1x1x1x128xi32, #tpu.memory_space<hbm>>
          %dma_start3A_606 = tpu.memref_squeeze %dma_start3A_605 : memref<1x1x1x128xi32, #tpu.memory_space<hbm>> -> memref<128xi32, #tpu.memory_space<hbm>>
          tpu.enqueue_dma source(%dma_start3A_606 : memref<128xi32, #tpu.memory_space<hbm>>) target(%dma_start3A_603 : memref<128xi32, #tpu.memory_space<vmem>>) target_semaphore(%arg16 : memref<!tpu.dma_semaphore, #tpu.memory_space<semaphore_mem>>)
          %dma_start3A_607 = arith.constant 3 : i32
          %dma_start3A_608 = arith.constant 1 : i32
          %dma_start3A_609 = arith.constant 384 : i32
          %dma_start3A_610 = tpu.memref_slice %arg10[%dma_start3A_608, %dma_start3A_609] : memref<2x1024xi32, #tpu.memory_space<vmem>> -> memref<1x128xi32, #tpu.memory_space<vmem>>
          %dma_start3A_611 = tpu.memref_squeeze %dma_start3A_610 : memref<1x128xi32, #tpu.memory_space<vmem>> -> memref<128xi32, #tpu.memory_space<vmem>>
          %dma_start3A_612 = arith.constant 0 : i32
          %dma_start3A_613 = tpu.memref_slice %arg3[%add3A_530, %add3A, %dma_start3A_607, %dma_start3A_612] : memref<25x32x8x128xi32, #tpu.memory_space<hbm>> -> memref<1x1x1x128xi32, #tpu.memory_space<hbm>>
          %dma_start3A_614 = tpu.memref_squeeze %dma_start3A_613 : memref<1x1x1x128xi32, #tpu.memory_space<hbm>> -> memref<128xi32, #tpu.memory_space<hbm>>
          %dma_start3A_615 = arith.constant 384 : i32
          %dma_start3A_616 = tpu.memref_slice %arg10[%dma_start3A_608, %dma_start3A_615] : memref<2x1024xi32, #tpu.memory_space<vmem>> -> memref<1x128xi32, #tpu.memory_space<vmem>>
          %dma_start3A_617 = tpu.memref_squeeze %dma_start3A_616 : memref<1x128xi32, #tpu.memory_space<vmem>> -> memref<128xi32, #tpu.memory_space<vmem>>
          %dma_start3A_618 = arith.constant 0 : i32
          %dma_start3A_619 = tpu.memref_slice %arg3[%add3A_530, %add3A, %dma_start3A_607, %dma_start3A_618] : memref<25x32x8x128xi32, #tpu.memory_space<hbm>> -> memref<1x1x1x128xi32, #tpu.memory_space<hbm>>
          %dma_start3A_620 = tpu.memref_squeeze %dma_start3A_619 : memref<1x1x1x128xi32, #tpu.memory_space<hbm>> -> memref<128xi32, #tpu.memory_space<hbm>>
          tpu.enqueue_dma source(%dma_start3A_620 : memref<128xi32, #tpu.memory_space<hbm>>) target(%dma_start3A_617 : memref<128xi32, #tpu.memory_space<vmem>>) target_semaphore(%arg16 : memref<!tpu.dma_semaphore, #tpu.memory_space<semaphore_mem>>)
          %dma_start3A_621 = arith.constant 4 : i32
          %dma_start3A_622 = arith.constant 1 : i32
          %dma_start3A_623 = arith.constant 512 : i32
          %dma_start3A_624 = tpu.memref_slice %arg10[%dma_start3A_622, %dma_start3A_623] : memref<2x1024xi32, #tpu.memory_space<vmem>> -> memref<1x128xi32, #tpu.memory_space<vmem>>
          %dma_start3A_625 = tpu.memref_squeeze %dma_start3A_624 : memref<1x128xi32, #tpu.memory_space<vmem>> -> memref<128xi32, #tpu.memory_space<vmem>>
          %dma_start3A_626 = arith.constant 0 : i32
          %dma_start3A_627 = tpu.memref_slice %arg3[%add3A_530, %add3A, %dma_start3A_621, %dma_start3A_626] : memref<25x32x8x128xi32, #tpu.memory_space<hbm>> -> memref<1x1x1x128xi32, #tpu.memory_space<hbm>>
          %dma_start3A_628 = tpu.memref_squeeze %dma_start3A_627 : memref<1x1x1x128xi32, #tpu.memory_space<hbm>> -> memref<128xi32, #tpu.memory_space<hbm>>
          %dma_start3A_629 = arith.constant 512 : i32
          %dma_start3A_630 = tpu.memref_slice %arg10[%dma_start3A_622, %dma_start3A_629] : memref<2x1024xi32, #tpu.memory_space<vmem>> -> memref<1x128xi32, #tpu.memory_space<vmem>>
          %dma_start3A_631 = tpu.memref_squeeze %dma_start3A_630 : memref<1x128xi32, #tpu.memory_space<vmem>> -> memref<128xi32, #tpu.memory_space<vmem>>
          %dma_start3A_632 = arith.constant 0 : i32
          %dma_start3A_633 = tpu.memref_slice %arg3[%add3A_530, %add3A, %dma_start3A_621, %dma_start3A_632] : memref<25x32x8x128xi32, #tpu.memory_space<hbm>> -> memref<1x1x1x128xi32, #tpu.memory_space<hbm>>
          %dma_start3A_634 = tpu.memref_squeeze %dma_start3A_633 : memref<1x1x1x128xi32, #tpu.memory_space<hbm>> -> memref<128xi32, #tpu.memory_space<hbm>>
          tpu.enqueue_dma source(%dma_start3A_634 : memref<128xi32, #tpu.memory_space<hbm>>) target(%dma_start3A_631 : memref<128xi32, #tpu.memory_space<vmem>>) target_semaphore(%arg16 : memref<!tpu.dma_semaphore, #tpu.memory_space<semaphore_mem>>)
          %dma_start3A_635 = arith.constant 5 : i32
          %dma_start3A_636 = arith.constant 1 : i32
          %dma_start3A_637 = arith.constant 640 : i32
          %dma_start3A_638 = tpu.memref_slice %arg10[%dma_start3A_636, %dma_start3A_637] : memref<2x1024xi32, #tpu.memory_space<vmem>> -> memref<1x128xi32, #tpu.memory_space<vmem>>
          %dma_start3A_639 = tpu.memref_squeeze %dma_start3A_638 : memref<1x128xi32, #tpu.memory_space<vmem>> -> memref<128xi32, #tpu.memory_space<vmem>>
          %dma_start3A_640 = arith.constant 0 : i32
          %dma_start3A_641 = tpu.memref_slice %arg3[%add3A_530, %add3A, %dma_start3A_635, %dma_start3A_640] : memref<25x32x8x128xi32, #tpu.memory_space<hbm>> -> memref<1x1x1x128xi32, #tpu.memory_space<hbm>>
          %dma_start3A_642 = tpu.memref_squeeze %dma_start3A_641 : memref<1x1x1x128xi32, #tpu.memory_space<hbm>> -> memref<128xi32, #tpu.memory_space<hbm>>
          %dma_start3A_643 = arith.constant 640 : i32
          %dma_start3A_644 = tpu.memref_slice %arg10[%dma_start3A_636, %dma_start3A_643] : memref<2x1024xi32, #tpu.memory_space<vmem>> -> memref<1x128xi32, #tpu.memory_space<vmem>>
          %dma_start3A_645 = tpu.memref_squeeze %dma_start3A_644 : memref<1x128xi32, #tpu.memory_space<vmem>> -> memref<128xi32, #tpu.memory_space<vmem>>
          %dma_start3A_646 = arith.constant 0 : i32
          %dma_start3A_647 = tpu.memref_slice %arg3[%add3A_530, %add3A, %dma_start3A_635, %dma_start3A_646] : memref<25x32x8x128xi32, #tpu.memory_space<hbm>> -> memref<1x1x1x128xi32, #tpu.memory_space<hbm>>
          %dma_start3A_648 = tpu.memref_squeeze %dma_start3A_647 : memref<1x1x1x128xi32, #tpu.memory_space<hbm>> -> memref<128xi32, #tpu.memory_space<hbm>>
          tpu.enqueue_dma source(%dma_start3A_648 : memref<128xi32, #tpu.memory_space<hbm>>) target(%dma_start3A_645 : memref<128xi32, #tpu.memory_space<vmem>>) target_semaphore(%arg16 : memref<!tpu.dma_semaphore, #tpu.memory_space<semaphore_mem>>)
          %dma_start3A_649 = arith.constant 6 : i32
          %dma_start3A_650 = arith.constant 1 : i32
          %dma_start3A_651 = arith.constant 768 : i32
          %dma_start3A_652 = tpu.memref_slice %arg10[%dma_start3A_650, %dma_start3A_651] : memref<2x1024xi32, #tpu.memory_space<vmem>> -> memref<1x128xi32, #tpu.memory_space<vmem>>
          %dma_start3A_653 = tpu.memref_squeeze %dma_start3A_652 : memref<1x128xi32, #tpu.memory_space<vmem>> -> memref<128xi32, #tpu.memory_space<vmem>>
          %dma_start3A_654 = arith.constant 0 : i32
          %dma_start3A_655 = tpu.memref_slice %arg3[%add3A_530, %add3A, %dma_start3A_649, %dma_start3A_654] : memref<25x32x8x128xi32, #tpu.memory_space<hbm>> -> memref<1x1x1x128xi32, #tpu.memory_space<hbm>>
          %dma_start3A_656 = tpu.memref_squeeze %dma_start3A_655 : memref<1x1x1x128xi32, #tpu.memory_space<hbm>> -> memref<128xi32, #tpu.memory_space<hbm>>
          %dma_start3A_657 = arith.constant 768 : i32
          %dma_start3A_658 = tpu.memref_slice %arg10[%dma_start3A_650, %dma_start3A_657] : memref<2x1024xi32, #tpu.memory_space<vmem>> -> memref<1x128xi32, #tpu.memory_space<vmem>>
          %dma_start3A_659 = tpu.memref_squeeze %dma_start3A_658 : memref<1x128xi32, #tpu.memory_space<vmem>> -> memref<128xi32, #tpu.memory_space<vmem>>
          %dma_start3A_660 = arith.constant 0 : i32
          %dma_start3A_661 = tpu.memref_slice %arg3[%add3A_530, %add3A, %dma_start3A_649, %dma_start3A_660] : memref<25x32x8x128xi32, #tpu.memory_space<hbm>> -> memref<1x1x1x128xi32, #tpu.memory_space<hbm>>
          %dma_start3A_662 = tpu.memref_squeeze %dma_start3A_661 : memref<1x1x1x128xi32, #tpu.memory_space<hbm>> -> memref<128xi32, #tpu.memory_space<hbm>>
          tpu.enqueue_dma source(%dma_start3A_662 : memref<128xi32, #tpu.memory_space<hbm>>) target(%dma_start3A_659 : memref<128xi32, #tpu.memory_space<vmem>>) target_semaphore(%arg16 : memref<!tpu.dma_semaphore, #tpu.memory_space<semaphore_mem>>)
          %dma_start3A_663 = arith.constant 7 : i32
          %dma_start3A_664 = arith.constant 1 : i32
          %dma_start3A_665 = arith.constant 896 : i32
          %dma_start3A_666 = tpu.memref_slice %arg10[%dma_start3A_664, %dma_start3A_665] : memref<2x1024xi32, #tpu.memory_space<vmem>> -> memref<1x128xi32, #tpu.memory_space<vmem>>
          %dma_start3A_667 = tpu.memref_squeeze %dma_start3A_666 : memref<1x128xi32, #tpu.memory_space<vmem>> -> memref<128xi32, #tpu.memory_space<vmem>>
          %dma_start3A_668 = arith.constant 0 : i32
          %dma_start3A_669 = tpu.memref_slice %arg3[%add3A_530, %add3A, %dma_start3A_663, %dma_start3A_668] : memref<25x32x8x128xi32, #tpu.memory_space<hbm>> -> memref<1x1x1x128xi32, #tpu.memory_space<hbm>>
          %dma_start3A_670 = tpu.memref_squeeze %dma_start3A_669 : memref<1x1x1x128xi32, #tpu.memory_space<hbm>> -> memref<128xi32, #tpu.memory_space<hbm>>
          %dma_start3A_671 = arith.constant 896 : i32
          %dma_start3A_672 = tpu.memref_slice %arg10[%dma_start3A_664, %dma_start3A_671] : memref<2x1024xi32, #tpu.memory_space<vmem>> -> memref<1x128xi32, #tpu.memory_space<vmem>>
          %dma_start3A_673 = tpu.memref_squeeze %dma_start3A_672 : memref<1x128xi32, #tpu.memory_space<vmem>> -> memref<128xi32, #tpu.memory_space<vmem>>
          %dma_start3A_674 = arith.constant 0 : i32
          %dma_start3A_675 = tpu.memref_slice %arg3[%add3A_530, %add3A, %dma_start3A_663, %dma_start3A_674] : memref<25x32x8x128xi32, #tpu.memory_space<hbm>> -> memref<1x1x1x128xi32, #tpu.memory_space<hbm>>
          %dma_start3A_676 = tpu.memref_squeeze %dma_start3A_675 : memref<1x1x1x128xi32, #tpu.memory_space<hbm>> -> memref<128xi32, #tpu.memory_space<hbm>>
          tpu.enqueue_dma source(%dma_start3A_676 : memref<128xi32, #tpu.memory_space<hbm>>) target(%dma_start3A_673 : memref<128xi32, #tpu.memory_space<vmem>>) target_semaphore(%arg16 : memref<!tpu.dma_semaphore, #tpu.memory_space<semaphore_mem>>)
        } else {
        }
        %mul3A_504 = arith.constant 8 : i32
        %mul3A_505 = arith.muli %scan3A_453, %mul3A_504 : i32
        %dma_start3A_506 = arith.constant 1 : i32
        %dma_start3A_507 = arith.constant 0 : i32
        %dma_start3A_508 = arith.constant 0 : i32
        %dma_start3A_509 = arith.constant 0 : i32
        %dma_start3A_510 = arith.constant 0 : i32
        %dma_start3A_511 = tpu.memref_slice %arg13[%dma_start3A_506, %dma_start3A_507, %dma_start3A_508, %dma_start3A_509, %dma_start3A_510] : memref<2x8x3x8x128xf32, #tpu.memory_space<vmem>> -> memref<1x8x3x8x128xf32, #tpu.memory_space<vmem>>
        %dma_start3A_512 = tpu.memref_squeeze %dma_start3A_511 : memref<1x8x3x8x128xf32, #tpu.memory_space<vmem>> -> memref<8x3x8x128xf32, #tpu.memory_space<vmem>>
        %dma_start3A_513 = arith.constant 0 : i32
        %dma_start3A_514 = arith.constant 0 : i32
        %dma_start3A_515 = arith.constant 0 : i32
        %dma_start3A_516 = tpu.memref_slice %arg8[%mul3A_505, %dma_start3A_513, %add3A, %dma_start3A_514, %dma_start3A_515] : memref<200x3x32x8x128xf32, #tpu.memory_space<hbm>> -> memref<8x3x1x8x128xf32, #tpu.memory_space<hbm>>
        %dma_start3A_517 = tpu.memref_squeeze %dma_start3A_516 : memref<8x3x1x8x128xf32, #tpu.memory_space<hbm>> -> memref<8x3x8x128xf32, #tpu.memory_space<hbm>>
        %dma_start3A_518 = arith.constant 0 : i32
        %dma_start3A_519 = arith.constant 0 : i32
        %dma_start3A_520 = arith.constant 0 : i32
        %dma_start3A_521 = tpu.memref_slice %arg8[%mul3A_505, %dma_start3A_518, %add3A, %dma_start3A_519, %dma_start3A_520] : memref<200x3x32x8x128xf32, #tpu.memory_space<hbm>> -> memref<8x3x1x8x128xf32, #tpu.memory_space<hbm>>
        %dma_start3A_522 = tpu.memref_squeeze %dma_start3A_521 : memref<8x3x1x8x128xf32, #tpu.memory_space<hbm>> -> memref<8x3x8x128xf32, #tpu.memory_space<hbm>>
        %dma_start3A_523 = arith.constant 0 : i32
        %dma_start3A_524 = arith.constant 0 : i32
        %dma_start3A_525 = arith.constant 0 : i32
        %dma_start3A_526 = arith.constant 0 : i32
        %dma_start3A_527 = tpu.memref_slice %arg13[%dma_start3A_506, %dma_start3A_523, %dma_start3A_524, %dma_start3A_525, %dma_start3A_526] : memref<2x8x3x8x128xf32, #tpu.memory_space<vmem>> -> memref<1x8x3x8x128xf32, #tpu.memory_space<vmem>>
        %dma_start3A_528 = tpu.memref_squeeze %dma_start3A_527 : memref<1x8x3x8x128xf32, #tpu.memory_space<vmem>> -> memref<8x3x8x128xf32, #tpu.memory_space<vmem>>
        tpu.enqueue_dma source(%dma_start3A_528 : memref<8x3x8x128xf32, #tpu.memory_space<vmem>>) target(%dma_start3A_522 : memref<8x3x8x128xf32, #tpu.memory_space<hbm>>) target_semaphore(%arg18 : memref<!tpu.dma_semaphore, #tpu.memory_space<semaphore_mem>>)
      } else {
      }
      %scan3A_465 = arith.constant 0 : i32
      scf.yield %scan3A_465 : i32
    }
    %scan3A_402 = arith.constant 25 : i32
    %dma_wait3A_403 = arith.constant 0 : i32
    %dma_wait3A_404 = arith.constant 0 : i32
    %dma_wait3A_405 = arith.constant 0 : i32
    %dma_wait3A_406 = arith.constant 0 : i32
    %dma_wait3A_407 = arith.constant 0 : i32
    %dma_wait3A_408 = tpu.memref_slice %arg13[%dma_wait3A_403, %dma_wait3A_404, %dma_wait3A_405, %dma_wait3A_406, %dma_wait3A_407] : memref<2x8x3x8x128xf32, #tpu.memory_space<vmem>> -> memref<1x8x3x8x128xf32, #tpu.memory_space<vmem>>
    %dma_wait3A_409 = tpu.memref_squeeze %dma_wait3A_408 : memref<1x8x3x8x128xf32, #tpu.memory_space<vmem>> -> memref<8x3x8x128xf32, #tpu.memory_space<vmem>>
    %dma_wait3A_410 = arith.constant 0 : i32
    %dma_wait3A_411 = arith.constant 0 : i32
    %dma_wait3A_412 = arith.constant 0 : i32
    %dma_wait3A_413 = arith.constant 0 : i32
    %dma_wait3A_414 = tpu.memref_slice %arg8[%dma_wait3A_410, %dma_wait3A_411, %add3A, %dma_wait3A_412, %dma_wait3A_413] : memref<200x3x32x8x128xf32, #tpu.memory_space<hbm>> -> memref<8x3x1x8x128xf32, #tpu.memory_space<hbm>>
    %dma_wait3A_415 = tpu.memref_squeeze %dma_wait3A_414 : memref<8x3x1x8x128xf32, #tpu.memory_space<hbm>> -> memref<8x3x8x128xf32, #tpu.memory_space<hbm>>
    %dma_wait3A_416 = arith.constant 0 : i32
    %dma_wait3A_417 = arith.constant 0 : i32
    %dma_wait3A_418 = arith.constant 0 : i32
    %dma_wait3A_419 = arith.constant 0 : i32
    %dma_wait3A_420 = tpu.memref_slice %arg8[%dma_wait3A_416, %dma_wait3A_417, %add3A, %dma_wait3A_418, %dma_wait3A_419] : memref<200x3x32x8x128xf32, #tpu.memory_space<hbm>> -> memref<8x3x1x8x128xf32, #tpu.memory_space<hbm>>
    %dma_wait3A_421 = tpu.memref_squeeze %dma_wait3A_420 : memref<8x3x1x8x128xf32, #tpu.memory_space<hbm>> -> memref<8x3x8x128xf32, #tpu.memory_space<hbm>>
    %dma_wait3A_422 = arith.constant 0 : i32
    %dma_wait3A_423 = arith.constant 0 : i32
    %dma_wait3A_424 = arith.constant 0 : i32
    %dma_wait3A_425 = arith.constant 0 : i32
    %dma_wait3A_426 = tpu.memref_slice %arg13[%dma_wait3A_403, %dma_wait3A_422, %dma_wait3A_423, %dma_wait3A_424, %dma_wait3A_425] : memref<2x8x3x8x128xf32, #tpu.memory_space<vmem>> -> memref<1x8x3x8x128xf32, #tpu.memory_space<vmem>>
    %dma_wait3A_427 = tpu.memref_squeeze %dma_wait3A_426 : memref<1x8x3x8x128xf32, #tpu.memory_space<vmem>> -> memref<8x3x8x128xf32, #tpu.memory_space<vmem>>
    tpu.wait_dma2 semaphore(%arg18 : memref<!tpu.dma_semaphore, #tpu.memory_space<semaphore_mem>>) src(%dma_wait3A_427 : memref<8x3x8x128xf32, #tpu.memory_space<vmem>>) dst(%dma_wait3A_421 : memref<8x3x8x128xf32, #tpu.memory_space<hbm>>)
    %dma_wait3A_428 = arith.constant 1 : i32
    %dma_wait3A_429 = arith.constant 0 : i32
    %dma_wait3A_430 = arith.constant 0 : i32
    %dma_wait3A_431 = arith.constant 0 : i32
    %dma_wait3A_432 = arith.constant 0 : i32
    %dma_wait3A_433 = tpu.memref_slice %arg13[%dma_wait3A_428, %dma_wait3A_429, %dma_wait3A_430, %dma_wait3A_431, %dma_wait3A_432] : memref<2x8x3x8x128xf32, #tpu.memory_space<vmem>> -> memref<1x8x3x8x128xf32, #tpu.memory_space<vmem>>
    %dma_wait3A_434 = tpu.memref_squeeze %dma_wait3A_433 : memref<1x8x3x8x128xf32, #tpu.memory_space<vmem>> -> memref<8x3x8x128xf32, #tpu.memory_space<vmem>>
    %dma_wait3A_435 = arith.constant 0 : i32
    %dma_wait3A_436 = arith.constant 0 : i32
    %dma_wait3A_437 = arith.constant 0 : i32
    %dma_wait3A_438 = arith.constant 0 : i32
    %dma_wait3A_439 = tpu.memref_slice %arg8[%dma_wait3A_435, %dma_wait3A_436, %add3A, %dma_wait3A_437, %dma_wait3A_438] : memref<200x3x32x8x128xf32, #tpu.memory_space<hbm>> -> memref<8x3x1x8x128xf32, #tpu.memory_space<hbm>>
    %dma_wait3A_440 = tpu.memref_squeeze %dma_wait3A_439 : memref<8x3x1x8x128xf32, #tpu.memory_space<hbm>> -> memref<8x3x8x128xf32, #tpu.memory_space<hbm>>
    %dma_wait3A_441 = arith.constant 0 : i32
    %dma_wait3A_442 = arith.constant 0 : i32
    %dma_wait3A_443 = arith.constant 0 : i32
    %dma_wait3A_444 = arith.constant 0 : i32
    %dma_wait3A_445 = tpu.memref_slice %arg8[%dma_wait3A_441, %dma_wait3A_442, %add3A, %dma_wait3A_443, %dma_wait3A_444] : memref<200x3x32x8x128xf32, #tpu.memory_space<hbm>> -> memref<8x3x1x8x128xf32, #tpu.memory_space<hbm>>
    %dma_wait3A_446 = tpu.memref_squeeze %dma_wait3A_445 : memref<8x3x1x8x128xf32, #tpu.memory_space<hbm>> -> memref<8x3x8x128xf32, #tpu.memory_space<hbm>>
    %dma_wait3A_447 = arith.constant 0 : i32
    %dma_wait3A_448 = arith.constant 0 : i32
    %dma_wait3A_449 = arith.constant 0 : i32
    %dma_wait3A_450 = arith.constant 0 : i32
    %dma_wait3A_451 = tpu.memref_slice %arg13[%dma_wait3A_428, %dma_wait3A_447, %dma_wait3A_448, %dma_wait3A_449, %dma_wait3A_450] : memref<2x8x3x8x128xf32, #tpu.memory_space<vmem>> -> memref<1x8x3x8x128xf32, #tpu.memory_space<vmem>>
    %dma_wait3A_452 = tpu.memref_squeeze %dma_wait3A_451 : memref<1x8x3x8x128xf32, #tpu.memory_space<vmem>> -> memref<8x3x8x128xf32, #tpu.memory_space<vmem>>
    tpu.wait_dma2 semaphore(%arg18 : memref<!tpu.dma_semaphore, #tpu.memory_space<semaphore_mem>>) src(%dma_wait3A_452 : memref<8x3x8x128xf32, #tpu.memory_space<vmem>>) dst(%dma_wait3A_446 : memref<8x3x8x128xf32, #tpu.memory_space<hbm>>)
    return
  }
}

</mosaic_0001>

<sc_bundles>
// kernel: kernel.3.cloned.1.call-start
scs
__scs_entry_jumppad:
0x0: {  	(pc) =	sbr.rel $0x88, $3  }
0x1: {  	(tag) =	ssettag $0x0;
	lr =	simm.s32 $0x1  }
0x2: {  	[smem:$0x3F9B] =	sst lr;
	_ =	strace $0xD0000000  }
0x3: {  	_ = 	snop  }
0x4: {  	_ = 	snop  }
0x5: {  	_ = 	snop  }
0x6: {  	_ = 	snop  }
0x7: {  	_ = 	snop  }
__scs_overlays_trampoline_lowered:
0x8: {  	[smem:$0x3FAA] =	sst s0  }
0x9: {  	[smem:$0x3FAB] =	sst s1  }
0xa: {  	[smem:$0x3FAC] =	sst s2  }
0xb: {  	[smem:$0x3FAD] =	sst s3  }
0xc: {  	[smem:$0x3FAE] =	sst s4  }
0xd: {  	[smem:$0x3FAF] =	sst s5  }
0xe: {  	[smem:$0x3FB0] =	sst s6  }
0xf: {  	[smem:$0x3FB1] =	sst s7  }
0x10: {  	[smem:$0x3FB2] =	sst s8  }
0x11: {  	[smem:$0x3FB3] =	sst s9;
	s0 =	simm.s32 @!p0 $0x0  }
0x12: {  	s1 =	sld [smem:$0x3F99];
	s0 =	simm.s32 @p0 $0x1  }
0x13: {  	[smem:$0x3FB4] =	sst s0;
	s0 =	simm.s32 @!p1 $0x0  }
0x14: {  	s2 =	sld [smem:$0x3F98];
	s0 =	simm.s32 @p1 $0x1  }
0x15: {  	[smem:$0x3FB5] =	sst s0;
	s0 =	simm.s32 @!p2 $0x0  }
0x16: {  	s3 =	sld [smem:$0x3FDB];
	s0 =	simm.s32 @p2 $0x1  }
0x17: {  	s4 =	simm.s32 $0x1BF5;
	[smem:$0x3FB7] =	sst s0  }
0x18: {  	s0 =	sld [smem:$0x3F9A];
	_ =	swait.ge [sflag:s4], $0x0  }
0x19: {  	s7 =	sld [smem:$0x3F9B]  }
0x1a: {  	s8 =	sadd.s32 $0xFFFFE003, lr  }
0x1b: {  	s9 =	sadd.s32 $0xFFFFFEF7, lr;
	s5 =	simm.s32 $0xFFFFFFFF;
	p2 =	slt.u32 s8, $0xFFFFF086  }
0x1c: {  	p1 =	slt.u32 s9, $0xF7A;
	s5 =	simm.s32 @!p2 $0x0  }
0x1d: {  	s5 =	simm.s32 @p1 $0x1;
	p0 =	seq.s32 s7, s2  }
0x1e: {  	s7 =	smul.u32 @!p0 $0xF7A, s2;
	p2 =	seq.s32 @!p0 s5, $0x0  }
0x1f: {  	s9 =	smul.u32 $0xF7A, s1;
	s8 =	simm.s32 @!p0 $0x1BF5;
	p2 =	por !p2, p0  }
0x20: {  	[sflag:s8] =	ssyncset.s32 @!p0 $0xFFFFF086;
	s6 =	sadd.s32 @!p0 s3, s7;
	s7 =	simm.s32 @!p0 $0x108  }
0x21: {  	s3 =	sadd.s32 s3, s9;
	s6 =	sadd.s32 @!p0 $0x88, s6;
	s7 =	simm.s32 @p2 $0x1082  }
0x22: {  	[simem:s7], [sflag:s8] =	dma.local @!p0 [hbm:s6], $0xF7A  }
0x23: {  	s9 =	sor.u32 $0xD0000000, s2;
	s6 =	simm.s32 $0x108;
	_ =	swait.ge @!p0 [sflag:s8], $0x0  }
0x24: {  	s3 =	sadd.s32 $0x88, s3;
	s6 =	simm.s32 @!p1 $0x1082;
	[sflag:s4] =	ssyncset.s32 $0xFFFFF086  }
0x25: {  	[simem:s6], [sflag:s4] =	dma.local [hbm:s3], $0xF7A  }
0x26: {  	[smem:$0x3F9B] =	sst s1;
	(tag) =	ssettag s2;
	_ =	strace s9  }
0x27: {  	s1 =	sld [smem:$0x3FAB]  }
0x28: {  	s2 =	sld [smem:$0x3FAC]  }
0x29: {  	s4 =	sld [smem:$0x3FAE]  }
0x2a: {  	p0 =	seq.s32 s5, $0x0;
	s5 =	sld [smem:$0x3FAF]  }
0x2b: {  	s6 =	sld [smem:$0x3FB0]  }
0x2c: {  	s7 =	sld [smem:$0x3FB1]  }
0x2d: {  	s3 =	simm.s32 $0x108;
	s8 =	sld [smem:$0x3FB2]  }
0x2e: {  	s3 =	simm.s32 @!p0 $0x1082;
	s9 =	sld [smem:$0x3FB3]  }
0x2f: {  	lr =	sadd.s32 s0, s3;
	s0 =	sld [smem:$0x3FAA]  }
0x30: {  	s3 =	sld [smem:$0x3FAD]  }
0x31: {  	[smem:$0x3FB6] =	sst s10  }
0x32: {  	s10 =	sld [smem:$0x3FB4];
	_ =	sdelay $0x3  }
0x33: {  	p0 =	seq.s32 s10, $0x1;
	s10 =	sld [smem:$0x3FB6];
	_ =	sdelay $0x3  }
0x34: {  	[smem:$0x3FB6] =	sst s10  }
0x35: {  	s10 =	sld [smem:$0x3FB5];
	_ =	sdelay $0x3  }
0x36: {  	p1 =	seq.s32 s10, $0x1;
	s10 =	sld [smem:$0x3FB6];
	_ =	sdelay $0x3  }
0x37: {  	[smem:$0x3FB6] =	sst s10  }
0x38: {  	s10 =	sld [smem:$0x3FB7]  }
0x39: {  	_ = 	snop;
	(pc) =	sbr.ind lr, $3  }
0x3a: {  	_ = 	snop  }
0x3b: {  	_ = 	snop  }
0x3c: {  	p2 =	seq.s32 s10, $0x1;
	s10 =	sld [smem:$0x3FB6]  }
0x3d: {  	_ =	shalt  }
0x3e: {  	_ =	shalt  }
0x3f: {  	_ =	shalt  }
0x40: {  	_ =	shalt  }
0x41: {  	_ =	shalt  }
0x42: {  	_ =	shalt  }
0x43: {  	_ =	shalt  }
0x44: {  	_ =	shalt  }
0x45: {  	_ =	shalt  }
0x46: {  	_ =	shalt  }
0x47: {  	_ =	shalt  }
0x48: {  	_ =	shalt  }
0x49: {  	_ =	shalt  }
0x4a: {  	_ =	shalt  }
0x4b: {  	_ =	shalt  }
0x4c: {  	_ =	shalt  }
0x4d: {  	_ =	shalt  }
0x4e: {  	_ =	shalt  }
0x4f: {  	_ =	shalt  }
0x50: {  	_ =	shalt  }
0x51: {  	_ =	shalt  }
0x52: {  	_ =	shalt  }
0x53: {  	_ =	shalt  }
0x54: {  	_ =	shalt  }
0x55: {  	_ =	shalt  }
0x56: {  	_ =	shalt  }
0x57: {  	_ =	shalt  }
0x58: {  	_ =	shalt  }
0x59: {  	_ =	shalt  }
0x5a: {  	_ =	shalt  }
0x5b: {  	_ =	shalt  }
0x5c: {  	_ =	shalt  }
0x5d: {  	_ =	shalt  }
0x5e: {  	_ =	shalt  }
0x5f: {  	_ =	shalt  }
0x60: {  	_ =	shalt  }
0x61: {  	_ =	shalt  }
0x62: {  	_ =	shalt  }
0x63: {  	_ =	shalt  }
0x64: {  	_ =	shalt  }
0x65: {  	_ =	shalt  }
0x66: {  	_ =	shalt  }
0x67: {  	_ =	shalt  }
0x68: {  	_ =	shalt  }
0x69: {  	_ =	shalt  }
0x6a: {  	_ =	shalt  }
0x6b: {  	_ =	shalt  }
0x6c: {  	_ =	shalt  }
0x6d: {  	_ =	shalt  }
0x6e: {  	_ =	shalt  }
0x6f: {  	_ =	shalt  }
0x70: {  	_ =	shalt  }
0x71: {  	_ =	shalt  }
0x72: {  	_ =	shalt  }
0x73: {  	_ =	shalt  }
0x74: {  	_ =	shalt  }
0x75: {  	_ =	shalt  }
0x76: {  	_ =	shalt  }
0x77: {  	_ =	shalt  }
0x78: {  	_ =	shalt  }
0x79: {  	_ =	shalt  }
0x7a: {  	_ =	shalt  }
0x7b: {  	_ =	shalt  }
0x7c: {  	_ =	shalt  }
0x7d: {  	_ =	shalt  }
0x7e: {  	_ =	shalt  }
0x7f: {  	_ =	shalt  }
0x80: {  	_ =	shalt  }
0x81: {  	_ =	shalt  }
0x82: {  	_ =	shalt  }
0x83: {  	_ =	shalt  }
0x84: {  	_ =	shalt  }
0x85: {  	_ =	shalt  }
0x86: {  	_ =	shalt  }
0x87: {  	_ =	shalt  }
.Lfunc_end0:
.L_simem_size_0:
called_computation_lowered:
.L_overlay_start_0:
0x88: {  	s2 =	sld [smem:$0x3FD9]  }
0x89: {  	s3 =	sld [smem:$0x3FFE];
	_ =	sdelay $0x1  }
0x8a: {  	s1 =	srdreg.scid  }
0x8b: {  	s0 =	sand.u32 $0x1, s1  }
0x8c: {  	s17 =	sshll.u32 s0, $0xA;
	s2 =	sadd.s32 s3, s2  }
0x8d: {  	s2 =	sadd.s32 s2, s17  }
0x8e: {  	[smem:$0x3FC2] =	sst s2  }
0x8f: {  	_ = 	snop  }
0x90: {  	s2 =	sld [smem:$0x3FC9]  }
0x91: {  	s18 =	sld [smem:$0x3FC8]  }
0x92: {  	s4 =	sld [smem:$0x3FC7]  }
0x93: {  	s5 =	sld [smem:$0x3FD0];
	(tm) =	ssettm $0x1  }
0x94: {  	s6 =	sld [smem:$0x3FFB];
	_ =	sdelay $0x3  }
0x95: {  	_ =	strace s6  }
0x96: {  	s6 =	sld [smem:$0x3FFC];
	_ =	sdelay $0x3  }
0x97: {  	_ =	strace s6  }
0x98: {  	s6 =	sld [smem:$0x3FFD];
	_ =	sdelay $0x3  }
0x99: {  	_ =	strace s6  }
0x9a: {  	_ =	strace $0x8FFFFFFF  }
0x9b: {  	s19 =	sld [smem:$0x3FDB];
	_ =	sdelay $0x1  }
0x9c: {  	s7 =	simm.s32 $_scs_section_size  }
0x9d: {  	s8 =	simm.s32 $_size__tile_overlayer_lowered;
	s9 =	simm.s32 $_tile_overlayer_lowered  }
0x9e: {  	s22 =	simm.s32 $0x1BFF;
	s21 =	sshll.u32 s9, $0x1;
	s6 =	sadd.s32 s7, s19  }
0x9f: {  	s10 =	simm.s32 $0x0;
	s20 =	sshll.u32 s8, $0x1;
	s8 =	sadd.s32 s21, s6  }
0xa0: {  	[timem:s10], [sflag:s22] =	dma.local [hbm:s8], s20  }
0xa1: {  	_ =	swait.ge [sflag:s22], s20  }
0xa2: {  	s7 =	ssub.s32 $0x0, s20;
	[sflag:s22] =	ssyncset.done $0x0  }
0xa3: {  	[sflag:s22] =	ssyncadd.s32 s7;
	_ =	sdelay $0x1  }
0xa4: {  	s23 =	simm.s32 $0x1B8B  }
0xa5: {  	_ =	swait.ge [sflag:s23], $0x1  }
0xa6: {  	[sflag:s23] =	ssyncset.done $0x0  }
0xa7: {  	s25 =	simm.s32 $0x1B8E;
	s24 =	sld [smem:$0x3FFE];
	[sflag:s23] =	ssyncadd.s32 $0xFFFFFFFF  }
0xa8: {  	s26 =	simm.s32 $execute0_lowered;
	[smem:$0x3FD2] =	sst s25  }
0xa9: {  	s8 =	sshll.u32 s26, $0x1;
	_ =	strace $0x80000046;
	[dreg:$0x1] =	wrdreg $0xFFFFFFFF  }
0xaa: {  	s28 =	simm.s32 $_size_execute0_lowered;
	s6 =	sadd.s32 s6, s8;
	[dreg:$0x0] =	wrdreg $0x0  }
0xab: {  	s8 =	sshll.u32 s28, $0x1;
	[dreg:$0x2] =	wrdreg s6  }
0xac: {  	[dreg:$0x3] =	wrdreg s8  }
0xad: {  	[dreg:$0x4] =	wrdreg $0xC0  }
0xae: {  	_ =	task [dreg:s10], $0x5FFFF  }
0xaf: {  	[dreg:$0x1] =	wrdreg $0xFFFFFFFF  }
0xb0: {  	[dreg:$0x0] =	wrdreg $0x60  }
0xb1: {  	[dreg:$0x2] =	wrdreg s2  }
0xb2: {  	[dreg:$0x3] =	wrdreg s18  }
0xb3: {  	[dreg:$0x4] =	wrdreg s4  }
0xb4: {  	[dreg:$0x5] =	wrdreg s24  }
0xb5: {  	[dreg:$0x6] =	wrdreg s5  }
0xb6: {  	[dreg:$0x7] =	wrdreg $0x9  }
0xb7: {  	_ =	task.clear_ibuf [dreg:s10], $0x8FFFF;
	_ =	strace $0x90000046  }
0xb8: {  	s29 =	simm.s32 $0x9;
	_ =	strace $0x80000048  }
0xb9: {  	_ =	swait.ge [sflag:s29], $0x1  }
0xba: {  	[sflag:s29] =	ssyncadd.s32 $0xFFFFFFFF  }
0xbb: {  	_ =	strace $0x90000048  }
0xbc: {  	_ =	sfence  }
0xbd: {  	s30 =	sld [smem:$0x0];
	_ =	sdelay $0x2  }
0xbe: {  	s31 =	sshll.u32 s1, $0xD;
	s1 =	sshrl.u32 s1, $0x2  }
0xbf: {  	s3 =	sand.u32 $0x4000, s31;
	s1 =	sadd.s32 s1, s30  }
0xc0: {  	s0 =	sor.u32 s3, s0;
	s1 =	sshll.u32 s1, $0x11  }
0xc1: {  	s0 =	sor.u32 s1, s0  }
0xc2: {  	s0 =	sadd.s32 $0x8F2B, s0  }
0xc3: {  	[sflag:s0] =	ssyncadd.remote.s32 $0x1  }
0xc4: {  	_ =	sfence.sel $0xFFFF  }
0xc5: {  	[dreg:$0x0] =	wrdreg $0xFFFFFFFF;
	(pc) =	sbr.abs _section_cstart, $3  }
0xc6: {  	[dreg:$0x1] =	wrdreg $0xFFFFFFFF  }
0xc7: {  	_ =	task.clear_ibuf [dreg:s10], $0x2FFFF;
	_ =	strace $0x9FFFFFFF  }
0xc8: {  	(tm) =	ssettm $0x7FFFFFFF  }
0xc9: {  	_ =	shalt  }
tec
execute0_lowered:
.L_overlay_start_1:
0x0: {  	(tag) =	ssettag $0x1  }
0x1: {  	s4 =	rddreg [dreg:$0x0]  }
0x2: {  	s5 =	rddreg [dreg:$0x1]  }
0x3: {  	s7 =	rddreg [dreg:$0x2]  }
0x4: {  	s0 =	rddreg [dreg:$0x3];
	s6 =	simm.s32 $0x0;
	s1 =	srdreg.scid  }
0x5: {  	[smem:$0x7FF] =	sst s6;
	s3 =	sadd.s32 $0x800, s0;
	s8 =	sadd.s32 $0xE00, s0  }
0x6: {  	s0 =	sadd.s32 $0x400, s0;
	_ =	strace $0x80000047;
	[dreg:$0x6] =	wrdreg s3  }
0x7: {  	s2 =	stileid.u32;
	s30 =	sadd.s32 $0x10, s5;
	[dreg:$0x7] =	wrdreg s0  }
0x8: {  	s1 =	sand.u32 $0x1, s1;
	s10 =	sadd.s32 $0x20, s5;
	[dreg:$0xb] =	wrdreg s30  }
0x9: {  	s2 =	sshll.u32 s2, $0xB;
	s11 =	sadd.s32 $0x30, s5;
	[dreg:$0xe] =	wrdreg s10  }
0xa: {  	s12 =	sadd.s32 $0x40, s5;
	s23 =	sshll.u32 s1, $0xA;
	[dreg:$0x10] =	wrdreg s11  }
0xb: {  	s13 =	sadd.s32 $0x50, s5;
	[dreg:$0x11] =	wrdreg s12;
	s9 =	sor.u32 s23, s2  }
0xc: {  	s15 =	sadd.s32 $0x60, s5;
	[dreg:$0x14] =	wrdreg s13;
	s2 =	sshrl.u32 s9, $0x3  }
0xd: {  	s1 =	ssub.s32 $0x2, s1;
	[dreg:$0x16] =	wrdreg s15;
	s25 =	sadd.s32 s4, s2  }
0xe: {  	s24 =	sshrl.u32 s1, $0x1;
	s26 =	sadd.s32 s7, s2;
	[dreg:$0x8] =	wrdreg s25  }
0xf: {  	s0 =	ssub.s32 s1, s24;
	s1 =	sadd.s32 s2, s30;
	[dreg:$0x9] =	wrdreg s26  }
0x10: {  	s10 =	sadd.s32 s2, s10;
	[dreg:$0xc] =	wrdreg s1  }
0x11: {  	s14 =	sadd.s32 s2, s13;
	[dreg:$0xd] =	wrdreg s10  }
0x12: {  	s0 =	smax.u32 s0, $0x1;
	[dreg:$0x13] =	wrdreg s14  }
0x13: {  	s28 =	sadd.s32 s5, s2;
	[dreg:$0x1b] =	wrdreg s0  }
0x14: {  	s30 =	sor.u32 $0x10000, s9;
	[dreg:$0xa] =	wrdreg s28  }
0x15: {  	s17 =	sor.u32 $0x1000, s2;
	s1 =	sadd.s32 s2, s11;
	[smem:$0x7FD] =	sst s30  }
0x16: {  	s18 =	sadd.s32 s4, s17;
	[dreg:$0xf] =	wrdreg s1  }
0x17: {  	s20 =	sadd.s32 s7, s17;
	[dreg:$0x18] =	wrdreg s18  }
0x18: {  	s29 =	simm.s32 $0x400;
	s21 =	sadd.s32 $0x1010, s28;
	[dreg:$0x19] =	wrdreg s20  }
0x19: {  	s31 =	simm.s32 $0x1;
	s22 =	sadd.s32 $0x1020, s28;
	[dreg:$0x1c] =	wrdreg s21  }
0x1a: {  	s16 =	sadd.s32 $0x70, s5;
	s23 =	sadd.s32 $0x1030, s28;
	[dreg:$0x1d] =	wrdreg s22  }
0x1b: {  	s19 =	smov.u32 s16;
	s24 =	sadd.s32 $0x1040, s28;
	[dreg:$0x1e] =	wrdreg s23  }
0x1c: {  	s25 =	sadd.s32 $0x1050, s28;
	s26 =	sadd.s32 $0x1060, s28;
	[dreg:$0x1f] =	wrdreg s24  }
0x1d: {  	s28 =	sadd.s32 $0x1070, s28;
	s0 =	simm.s32 $0x1800;
	[smem:$0x7FA] =	sst s25  }
0x1e: {  	s7 =	simm.s32 $0x3800;
	s10 =	simm.s32 $0x8000;
	[smem:$0x7FB] =	sst s26  }
.Ltmp0:
0x1f: {  	s1 =	sadd.s32 s2, s12;
	[smem:$0x7FC] =	sst s28;
	(pc) =	sbr.rel .LBB2_1-.Ltmp0, $4  }
0x20: {  	s11 =	simm.s32 $0x3;
	[dreg:$0x12] =	wrdreg s1;
	s1 =	sadd.s32 s2, s15  }
0x21: {  	s22 =	simm.s32 $0x11800;
	s2 =	sadd.s32 s2, s16;
	[dreg:$0x15] =	wrdreg s1  }
0x22: {  	v0 =	vlaneseq.u32;
	s25 =	simm.s32 $0x14540;
	[dreg:$0x17] =	wrdreg s2;
	s1 =	sadd.s32 s5, s17  }
0x23: {  	v0 =	vmul.u32 $0x8, v0;
	s5 =	simm.s32 $0x2;
	s2 =	simm.s32 $0x0;
	[dreg:$0x1a] =	wrdreg s1  }
.LBB2_17:
0x24: {  	_ =	swait.ge [sflag:s11], $0x6000  }
0x25: {  	[sflag:s11] =	ssyncset.done $0x0  }
0x26: {  	[sflag:s11] =	ssyncadd.s32 $0xFFFFA000  }
0x27: {  	_ =	swait.ge [sflag:s11], $0x6000  }
0x28: {  	s2 =	sld [smem:$0x7F9];
	_ =	sdelay $0x2  }
0x29: {  	s1 =	rddreg [dreg:$0x1b];
	s2 =	sadd.s32 $0x1, s2  }
0x2a: {  	p0 =	sne.s32 s2, s1  }
.Ltmp1:
0x2b: {  	_ = 	snop;
	(pc) =	sbr.rel @!p0 .LBB2_18-.Ltmp1, $3  }
0x2c: {  	_ =	sdelay $0x1  }
0x2d: {  	[sflag:s11] =	ssyncset.done $0x0  }
0x2e: {  	[sflag:s11] =	ssyncadd.s32 $0xFFFFA000  }
.LBB2_1:
0x2f: {  	[smem:$0x7F9] =	sst s2  }
0x30: {  	s1 =	rddreg [dreg:$0x6];
	s20 =	simm.s32 $0x4  }
0x31: {  	[tilespmem:s22], [sflag:$0x4] =	stream.linear.gather [hbm4b:s1+s6], $0x2D40, $0x38;
	[tilespmem:$0x164C0] =	vst v63  }
0x32: {  	_ =	swait.ge [sflag:s20], $0x2D40  }
0x33: {  	[sflag:s20] =	ssyncset.done $0x0  }
0x34: {  	s21 =	rddreg [dreg:$0x7];
	[sflag:s20] =	ssyncadd.s32 $0xFFFFD2C0  }
0x35: {  	[tilespmem:s25], [sflag:$0x4] =	stream.linear.gather [hbm4b:s21+s6], $0x1F80, $0x38;
	[tilespmem:$0x164C0] =	vst v63  }
0x36: {  	_ =	swait.ge [sflag:s20], $0x1F80  }
0x37: {  	[sflag:s20] =	ssyncset.done $0x0;
	s23 =	rddreg [dreg:$0x8]  }
0x38: {  	s24 =	rddreg [dreg:$0x9];
	[sflag:s20] =	ssyncadd.s32 $0xFFFFE080  }
0x39: {  	[tilespmem:s6], [sflag:$0x1] =	stream.linear.gather [hbm4b:s23+s6], $0x400, $0x38;
	[tilespmem:$0x164C0] =	vst v63  }
0x3a: {  	s26 =	simm.s32 $0x1000;
	s28 =	rddreg [dreg:$0xa]  }
0x3b: {  	[tilespmem:s26], [sflag:$0x1] =	stream.linear.gather [hbm4b:s24+s6], $0x400, $0x38;
	[tilespmem:$0x164C0] =	vst v63  }
0x3c: {  	s2 =	simm.s32 $0x800;
	s30 =	rddreg [dreg:$0xc]  }
0x3d: {  	[tilespmem:s2], [sflag:$0x1] =	stream.linear.gather [hbm4b:s28+s6], $0x80, $0x38;
	[tilespmem:$0x164C0] =	vst v63  }
0x3e: {  	s3 =	simm.s32 $0x880;
	s4 =	rddreg [dreg:$0xd]  }
0x3f: {  	[tilespmem:s3], [sflag:$0x1] =	stream.linear.gather [hbm4b:s30+s6], $0x80, $0x38;
	[tilespmem:$0x164C0] =	vst v63  }
0x40: {  	s12 =	simm.s32 $0x900;
	s13 =	rddreg [dreg:$0xf]  }
0x41: {  	[tilespmem:s12], [sflag:$0x1] =	stream.linear.gather [hbm4b:s4+s6], $0x80, $0x38;
	[tilespmem:$0x164C0] =	vst v63  }
0x42: {  	s14 =	simm.s32 $0x980;
	s15 =	rddreg [dreg:$0x12]  }
0x43: {  	[tilespmem:s14], [sflag:$0x1] =	stream.linear.gather [hbm4b:s13+s6], $0x80, $0x38;
	[tilespmem:$0x164C0] =	vst v63  }
0x44: {  	s16 =	simm.s32 $0xA00;
	s17 =	rddreg [dreg:$0x13]  }
0x45: {  	[tilespmem:s16], [sflag:$0x1] =	stream.linear.gather [hbm4b:s15+s6], $0x80, $0x38;
	[tilespmem:$0x164C0] =	vst v63  }
0x46: {  	s18 =	simm.s32 $0xA80;
	s20 =	rddreg [dreg:$0x15]  }
0x47: {  	[tilespmem:s18], [sflag:$0x1] =	stream.linear.gather [hbm4b:s17+s6], $0x80, $0x38;
	[tilespmem:$0x164C0] =	vst v63  }
0x48: {  	s21 =	simm.s32 $0xB00;
	s23 =	rddreg [dreg:$0x17]  }
0x49: {  	[tilespmem:s21], [sflag:$0x1] =	stream.linear.gather [hbm4b:s20+s6], $0x80, $0x38;
	[tilespmem:$0x164C0] =	vst v63  }
0x4a: {  	s24 =	simm.s32 $0xB80;
	s26 =	rddreg [dreg:$0x18]  }
0x4b: {  	[tilespmem:s24], [sflag:$0x1] =	stream.linear.gather [hbm4b:s23+s6], $0x80, $0x38;
	[tilespmem:$0x164C0] =	vst v63  }
0x4c: {  	s28 =	rddreg [dreg:$0x19]  }
0x4d: {  	[tilespmem:s29], [sflag:$0x1] =	stream.linear.gather [hbm4b:s26+s6], $0x400, $0x38;
	[tilespmem:$0x164C0] =	vst v63  }
0x4e: {  	s30 =	simm.s32 $0x1400;
	s3 =	rddreg [dreg:$0x1a]  }
0x4f: {  	[tilespmem:s30], [sflag:$0x1] =	stream.linear.gather [hbm4b:s28+s6], $0x400, $0x38;
	[tilespmem:$0x164C0] =	vst v63  }
0x50: {  	s4 =	simm.s32 $0xC00;
	s12 =	rddreg [dreg:$0x1c]  }
0x51: {  	[tilespmem:s4], [sflag:$0x1] =	stream.linear.gather [hbm4b:s3+s6], $0x80, $0x38;
	[tilespmem:$0x164C0] =	vst v63  }
0x52: {  	s13 =	simm.s32 $0xC80;
	s14 =	rddreg [dreg:$0x1d]  }
0x53: {  	[tilespmem:s13], [sflag:$0x1] =	stream.linear.gather [hbm4b:s12+s6], $0x80, $0x38;
	[tilespmem:$0x164C0] =	vst v63  }
0x54: {  	s15 =	simm.s32 $0xD00;
	s16 =	rddreg [dreg:$0x1e]  }
0x55: {  	[tilespmem:s15], [sflag:$0x1] =	stream.linear.gather [hbm4b:s14+s6], $0x80, $0x38;
	[tilespmem:$0x164C0] =	vst v63  }
0x56: {  	s17 =	simm.s32 $0xD80;
	s18 =	rddreg [dreg:$0x1f]  }
0x57: {  	[tilespmem:s17], [sflag:$0x1] =	stream.linear.gather [hbm4b:s16+s6], $0x80, $0x38;
	[tilespmem:$0x164C0] =	vst v63  }
0x58: {  	s20 =	simm.s32 $0xE00;
	s21 =	sld [smem:$0x7FA]  }
0x59: {  	[tilespmem:s20], [sflag:$0x1] =	stream.linear.gather [hbm4b:s18+s6], $0x80, $0x38;
	[tilespmem:$0x164C0] =	vst v63  }
0x5a: {  	s23 =	simm.s32 $0xE80;
	s24 =	sld [smem:$0x7FB]  }
0x5b: {  	[tilespmem:s23], [sflag:$0x1] =	stream.linear.gather [hbm4b:s21+s6], $0x80, $0x38;
	[tilespmem:$0x164C0] =	vst v63  }
0x5c: {  	s26 =	simm.s32 $0xF00;
	s28 =	sld [smem:$0x7FC]  }
0x5d: {  	[tilespmem:s26], [sflag:$0x1] =	stream.linear.gather [hbm4b:s24+s6], $0x80, $0x38;
	[tilespmem:$0x164C0] =	vst v63  }
0x5e: {  	s30 =	simm.s32 $0xF80  }
0x5f: {  	[tilespmem:s30], [sflag:$0x1] =	stream.linear.gather [hbm4b:s28+s6], $0x80, $0x38;
	[tilespmem:$0x164C0] =	vst v63  }
0x60: {  	_ =	swait.ge [sflag:s31], $0x400  }
0x61: {  	[sflag:s31] =	ssyncset.done $0x0  }
0x62: {  	[sflag:s31] =	ssyncadd.s32 $0xFFFFFC00  }
0x63: {  	_ =	swait.ge [sflag:s31], $0x400  }
0x64: {  	[sflag:s31] =	ssyncset.done $0x0  }
.Ltmp2:
0x65: {  	[sflag:s31] =	ssyncadd.s32 $0xFFFFFC00;
	(pc) =	sbr.rel .LBB2_2-.Ltmp2, $4  }
0x66: {  	_ =	swait.ge [sflag:s31], $0x400  }
0x67: {  	[sflag:s31] =	ssyncset.done $0x0  }
0x68: {  	s16 =	simm.s32 $0x0;
	[sflag:s31] =	ssyncadd.s32 $0xFFFFFC00  }
0x69: {  	[tilespmem:s0], [sflag:$0x2] =	stream.indirect.gather [hbm4b:s8+s29], $0x8, s2, s29, $0xb8;
	[tilespmem:$0x164C0] =	vst v63  }
.LBB2_15:
0x6a: {  	s18 =	sld [smem:$0x7FD];
	_ =	sdelay $0x1  }
0x6b: {  	s15 =	sshll.u32 s16, $0xF  }
0x6c: {  	s15 =	sadd.s32 s18, s15  }
0x6d: {  	s24 =	rddreg [dreg:$0x0];
	s15 =	sshrl.u32 s15, $0x3  }
0x6e: {  	s26 =	rddreg [dreg:$0x2];
	s18 =	sadd.s32 s24, s15  }
0x6f: {  	[tilespmem:s14], [sflag:$0x1] =	stream.linear.gather [hbm4b:s18+s6], $0x400, $0x38;
	[tilespmem:$0x164C0] =	vst v63  }
0x70: {  	s14 =	sadd.s32 s26, s15;
	s18 =	rddreg [dreg:$0x1]  }
0x71: {  	[tilespmem:s4], [sflag:$0x1] =	stream.linear.gather [hbm4b:s14+s6], $0x400, $0x38;
	[tilespmem:$0x164C0] =	vst v63  }
0x72: {  	s20 =	rddreg [dreg:$0xb];
	s4 =	sadd.s32 s18, s15  }
0x73: {  	[tilespmem:s30], [sflag:$0x1] =	stream.linear.gather [hbm4b:s4+s6], $0x80, $0x38;
	[tilespmem:$0x164C0] =	vst v63  }
0x74: {  	s21 =	rddreg [dreg:$0xe];
	s4 =	sadd.s32 s15, s20  }
0x75: {  	[tilespmem:s28], [sflag:$0x1] =	stream.linear.gather [hbm4b:s4+s6], $0x80, $0x38;
	[tilespmem:$0x164C0] =	vst v63  }
0x76: {  	s4 =	sadd.s32 s15, s21  }
0x77: {  	[tilespmem:s23], [sflag:$0x1] =	stream.linear.gather [hbm4b:s4+s6], $0x80, $0x38;
	[tilespmem:$0x164C0] =	vst v63  }
0x78: {  	s23 =	rddreg [dreg:$0x10]  }
0x79: {  	s24 =	rddreg [dreg:$0x11];
	s4 =	sadd.s32 s15, s23  }
0x7a: {  	[tilespmem:s17], [sflag:$0x1] =	stream.linear.gather [hbm4b:s4+s6], $0x80, $0x38;
	[tilespmem:$0x164C0] =	vst v63  }
0x7b: {  	s26 =	rddreg [dreg:$0x14];
	s4 =	sadd.s32 s15, s24  }
0x7c: {  	[tilespmem:s13], [sflag:$0x1] =	stream.linear.gather [hbm4b:s4+s6], $0x80, $0x38;
	[tilespmem:$0x164C0] =	vst v63  }
0x7d: {  	s28 =	rddreg [dreg:$0x16];
	s4 =	sadd.s32 s15, s26  }
0x7e: {  	[tilespmem:s12], [sflag:$0x1] =	stream.linear.gather [hbm4b:s4+s6], $0x80, $0x38;
	[tilespmem:$0x164C0] =	vst v63  }
0x7f: {  	s4 =	sadd.s32 s15, s28  }
0x80: {  	[tilespmem:s3], [sflag:$0x1] =	stream.linear.gather [hbm4b:s4+s6], $0x80, $0x38;
	[tilespmem:$0x164C0] =	vst v63  }
0x81: {  	s30 =	sadd.s32 s15, s19  }
0x82: {  	[tilespmem:s2], [sflag:$0x1] =	stream.linear.gather [hbm4b:s30+s6], $0x80, $0x38;
	[tilespmem:$0x164C0] =	vst v63  }
.LBB2_16:
0x83: {  	s2 =	smul.u32 $0xC0000, s16;
	s16 =	sadd.s32 $0x1, s16  }
0x84: {  	p0 =	sne.s32 s16, $0x19  }
.Ltmp3:
0x85: {  	_ = 	snop;
	(pc) =	sbr.rel @!p0 .LBB2_17-.Ltmp3, $4  }
0x86: {  	s2 =	sor.u32 s9, s2  }
0x87: {  	s3 =	rddreg [dreg:$0x4];
	s2 =	sshrl.u32 s2, $0x3  }
0x88: {  	s2 =	sadd.s32 s3, s2  }
0x89: {  	[hbm4b:s2+s29] =	stream.strided.scatter [tilespmem:s1], [sflag:$0x3], $0x6000, s10, s29, $0x38;
	[tilespmem:$0x164C0] =	vst v63  }
.LBB2_2:
0x8a: {  	s1 =	sand.u32 $0x1, s16  }
0x8b: {  	p0 =	seq.s32 s1, $0x1  }
.Ltmp4:
0x8c: {  	_ = 	snop;
	(pc) =	sbr.rel @!p0 .LBB2_3-.Ltmp4, $1  }
0x8d: {  	_ =	sdelay $0x3  }
0x8e: {  	_ =	swait.ge [sflag:s31], $0x400  }
0x8f: {  	[sflag:s31] =	ssyncset.done $0x0  }
0x90: {  	[sflag:s31] =	ssyncadd.s32 $0xFFFFFC00  }
0x91: {  	_ =	swait.ge [sflag:s31], $0x400  }
0x92: {  	[sflag:s31] =	ssyncset.done $0x0  }
0x93: {  	[sflag:s31] =	ssyncadd.s32 $0xFFFFFC00  }
0x94: {  	_ =	swait.ge [sflag:s31], $0x400  }
0x95: {  	[sflag:s31] =	ssyncset.done $0x0  }
0x96: {  	[sflag:s31] =	ssyncadd.s32 $0xFFFFFC00  }
0x97: {  	_ =	swait.ge [sflag:s5], $0x2000  }
0x98: {  	[sflag:s5] =	ssyncset.done $0x0  }
0x99: {  	s1 =	simm.s32 $0x800;
	p0 =	slt.u32 s16, $0x2;
	[sflag:s5] =	ssyncadd.s32 $0xFFFFE000  }
0x9a: {  	[tilespmem:s0], [sflag:$0x2] =	stream.indirect.gather [hbm4b:s8+s29], $0x8, s1, s29, $0xb8;
	[tilespmem:$0x164C0] =	vst v63  }
0x9b: {  	s1 =	simm.s32 @!p0 $0x3  }
0x9c: {  	_ =	swait.ge @!p0 [sflag:s1], $0x6000  }
0x9d: {  	[sflag:s1] =	ssyncset.done @!p0 $0x0  }
0x9e: {  	s17 =	simm.s32 $0x0;
	[sflag:s1] =	ssyncadd.s32 @!p0 $0xFFFFA000  }
.LBB2_12:
0x9f: {  	s23 =	sshll.u32 s17, $0x4  }
0xa0: {  	s1 =	sor.u32 $0x400, s23  }
0xa1: {  	s18 =	sor.u32 $0x410, s23;
	v8 =	vld [tilespmem:s1+$0x0]  }
0xa2: {  	s2 =	sor.u32 $0x420, s23;
	v7 =	vld [tilespmem:s18+$0x0]  }
0xa3: {  	s21 =	sor.u32 $0x430, s23;
	v9 =	vld [tilespmem:s2+$0x0]  }
0xa4: {  	s28 =	sor.u32 $0x440, s23;
	v11 =	vld [tilespmem:s21+$0x0]  }
0xa5: {  	v1 =	vmov s23;
	s20 =	sor.u32 $0x10, s23;
	s30 =	sor.u32 $0x450, s23;
	v14 =	vld [tilespmem:s28+$0x0]  }
0xa6: {  	v1 =	vshll.u32 v1, $0x3;
	v2 =	vmov s20;
	v13 =	vld [tilespmem:s30+$0x0]  }
0xa7: {  	v3 =	vor.u32 v0, v1;
	v2 =	vshll.u32 v2, $0x3;
	v1 =	vld [tilespmem:s23+$0x1400]  }
0xa8: {  	v6 =	vor.u32 v0, v2;
	v2 =	vld [tilespmem:s23+$0x1410]  }
0xa9: {  	v4 =	vld.idx.msk [tilespmem:v8+s22+$0x0], $0xffff  }
0xaa: {  	s24 =	sshrl.u32 s17, $0x3;
	v5 =	vld.idx.msk [tilespmem:v7+s22+$0x0], $0xffff  }
0xab: {  	s26 =	smul.u32 $0x3000, s24;
	v10 =	vld.idx.msk [tilespmem:v9+s22+$0x0], $0xffff  }
0xac: {  	v12 =	vld.idx.msk [tilespmem:v11+s22+$0x0], $0xffff  }
0xad: {  	s4 =	sor.u32 $0x40, s23;
	s13 =	sshra.s32 s26, $0x2;
	v21 =	vld.idx.msk [tilespmem:v14+s22+$0x0], $0xffff  }
0xae: {  	s2 =	sor.u32 $0x20, s23;
	v17 =	vmov s4;
	v22 =	vld.idx.msk [tilespmem:v13+s22+$0x0], $0xffff;
	[tilespmem:s13+$0xB800] =	vst v4  }
0xaf: {  	s3 =	sor.u32 $0x30, s23;
	v50 =	vmov s2;
	v17 =	vshll.u32 v17, $0x3;
	[tilespmem:s13+$0xB810] =	vst v5;
	v19 =	vld.idx.msk [tilespmem:v3+s7+$0x0], $0xffff  }
0xb0: {  	v51 =	vmov s3;
	v17 =	vor.u32 v0, v17;
	v4 =	vshll.u32 v50, $0x3;
	v20 =	vld.idx.msk [tilespmem:v6+s7+$0x0], $0xffff  }
0xb1: {  	s12 =	sor.u32 $0x50, s23;
	v5 =	vshll.u32 v51, $0x3;
	v15 =	vor.u32 v0, v4;
	v4 =	vld [tilespmem:s23+$0x1420]  }
0xb2: {  	v18 =	vmov s12;
	v16 =	vor.u32 v0, v5;
	v5 =	vld [tilespmem:s23+$0x1430];
	[tilespmem:s13+$0xB820] =	vst v10  }
0xb3: {  	v52 =	vshll.u32 v18, $0x3;
	[tilespmem:s13+$0xB830] =	vst v12;
	v12 =	vld [tilespmem:s23+$0x1440]  }
0xb4: {  	v18 =	vor.u32 v0, v52;
	[tilespmem:s13+$0xB840] =	vst v21;
	v10 =	vld [tilespmem:s23+$0x1450]  }
0xb5: {  	v21 =	vld.idx.msk [tilespmem:v17+s7+$0x0], $0xffff  }
0xb6: {  	v23 =	vld.idx.msk [tilespmem:v15+s7+$0x0], $0xffff  }
0xb7: {  	v24 =	vld.idx.msk [tilespmem:v16+s7+$0x0], $0xffff;
	[tilespmem:s13+$0xBC00] =	vst v19  }
0xb8: {  	[tilespmem:s13+$0xB850] =	vst v22;
	v54 =	vld.idx.msk [tilespmem:v1+s25+$0x0], $0xffff  }
0xb9: {  	v55 =	vadd.s32 $0x5A8, v8;
	v53 =	vld.idx.msk [tilespmem:v18+s7+$0x0], $0xffff;
	[tilespmem:s13+$0xBC10] =	vst v20  }
0xba: {  	v25 =	vld.idx.msk [tilespmem:v2+s25+$0x0], $0xffff;
	[tilespmem:s13+$0xBC40] =	vst v21  }
0xbb: {  	v56 =	vadd.s32 $0x5A8, v7;
	v28 =	vld.idx.msk [tilespmem:v12+s25+$0x0], $0xffff;
	[tilespmem:s13+$0xBC20] =	vst v23  }
0xbc: {  	v59 =	vadd.s32 $0x5A8, v14;
	[tilespmem:s13+$0xBC30] =	vst v24;
	v26 =	vld.idx.msk [tilespmem:v4+s25+$0x0], $0xffff  }
0xbd: {  	v57 =	vadd.s32 $0x5A8, v9;
	v27 =	vld.idx.msk [tilespmem:v5+s25+$0x0], $0xffff;
	[tilespmem:s13+$0xC000] =	vst v54  }
0xbe: {  	v58 =	vadd.s32 $0x5A8, v11;
	[tilespmem:s13+$0xBC50] =	vst v53;
	v20 =	vld.idx.msk [tilespmem:v55+s22+$0x0], $0xffff  }
0xbf: {  	v62 =	vor.u32 $0x1, v3;
	v60 =	vld.idx.msk [tilespmem:v10+s25+$0x0], $0xffff;
	[tilespmem:s13+$0xC010] =	vst v25  }
0xc0: {  	v61 =	vadd.s32 $0x5A8, v13;
	v23 =	vld.idx.msk [tilespmem:v56+s22+$0x0], $0xffff;
	[tilespmem:s13+$0xC040] =	vst v28  }
0xc1: {  	v63 =	vor.u32 $0x1, v6;
	v19 =	vld.idx.msk [tilespmem:v59+s22+$0x0], $0xffff;
	[tilespmem:s13+$0xC020] =	vst v26  }
0xc2: {  	v34 =	vor.u32 $0x1, v17;
	[tilespmem:s13+$0xC030] =	vst v27;
	v24 =	vld.idx.msk [tilespmem:v57+s22+$0x0], $0xffff  }
0xc3: {  	v32 =	vor.u32 $0x1, v15;
	v21 =	vld.idx.msk [tilespmem:v58+s22+$0x0], $0xffff;
	[tilespmem:s13+$0xB880] =	vst v20  }
0xc4: {  	v33 =	vor.u32 $0x1, v16;
	[tilespmem:s13+$0xC050] =	vst v60;
	v26 =	vld.idx.msk [tilespmem:v62+s7+$0x0], $0xffff  }
0xc5: {  	v36 =	vadd.s32 $0x3F0, v1;
	v25 =	vld.idx.msk [tilespmem:v61+s22+$0x0], $0xffff;
	[tilespmem:s13+$0xB890] =	vst v23  }
0xc6: {  	v35 =	vor.u32 $0x1, v18;
	v27 =	vld.idx.msk [tilespmem:v63+s7+$0x0], $0xffff;
	[tilespmem:s13+$0xB8C0] =	vst v19  }
0xc7: {  	v37 =	vadd.s32 $0x3F0, v2;
	v20 =	vld.idx.msk [tilespmem:v34+s7+$0x0], $0xffff;
	[tilespmem:s13+$0xB8A0] =	vst v24  }
0xc8: {  	v40 =	vadd.s32 $0x3F0, v12;
	[tilespmem:s13+$0xB8B0] =	vst v21;
	v28 =	vld.idx.msk [tilespmem:v32+s7+$0x0], $0xffff  }
0xc9: {  	v38 =	vadd.s32 $0x3F0, v4;
	v22 =	vld.idx.msk [tilespmem:v33+s7+$0x0], $0xffff;
	[tilespmem:s13+$0xBC80] =	vst v26  }
0xca: {  	v39 =	vadd.s32 $0x3F0, v5;
	[tilespmem:s13+$0xB8D0] =	vst v25;
	v24 =	vld.idx.msk [tilespmem:v36+s25+$0x0], $0xffff  }
0xcb: {  	v42 =	vadd.s32 $0xB50, v8;
	v23 =	vld.idx.msk [tilespmem:v35+s7+$0x0], $0xffff;
	[tilespmem:s13+$0xBC90] =	vst v27  }
0xcc: {  	v41 =	vadd.s32 $0x3F0, v10;
	v21 =	vld.idx.msk [tilespmem:v37+s25+$0x0], $0xffff;
	[tilespmem:s13+$0xBCC0] =	vst v20  }
0xcd: {  	v43 =	vadd.s32 $0xB50, v7;
	v26 =	vld.idx.msk [tilespmem:v40+s25+$0x0], $0xffff;
	[tilespmem:s13+$0xBCA0] =	vst v28  }
0xce: {  	v46 =	vadd.s32 $0xB50, v14;
	[tilespmem:s13+$0xBCB0] =	vst v22;
	v19 =	vld.idx.msk [tilespmem:v38+s25+$0x0], $0xffff  }
0xcf: {  	v44 =	vadd.s32 $0xB50, v9;
	v25 =	vld.idx.msk [tilespmem:v39+s25+$0x0], $0xffff;
	[tilespmem:s13+$0xC080] =	vst v24  }
0xd0: {  	v45 =	vadd.s32 $0xB50, v11;
	[tilespmem:s13+$0xBCD0] =	vst v23;
	v28 =	vld.idx.msk [tilespmem:v42+s22+$0x0], $0xffff  }
0xd1: {  	v48 =	vor.u32 $0x2, v3;
	v27 =	vld.idx.msk [tilespmem:v41+s25+$0x0], $0xffff;
	[tilespmem:s13+$0xC090] =	vst v21  }
0xd2: {  	v47 =	vadd.s32 $0xB50, v13;
	v22 =	vld.idx.msk [tilespmem:v43+s22+$0x0], $0xffff;
	[tilespmem:s13+$0xC0C0] =	vst v26  }
0xd3: {  	v49 =	vor.u32 $0x2, v6;
	v24 =	vld.idx.msk [tilespmem:v46+s22+$0x0], $0xffff;
	[tilespmem:s13+$0xC0A0] =	vst v19  }
0xd4: {  	v52 =	vor.u32 $0x2, v17;
	[tilespmem:s13+$0xC0B0] =	vst v25;
	v20 =	vld.idx.msk [tilespmem:v44+s22+$0x0], $0xffff  }
0xd5: {  	v50 =	vor.u32 $0x2, v15;
	v23 =	vld.idx.msk [tilespmem:v45+s22+$0x0], $0xffff;
	[tilespmem:s13+$0xB900] =	vst v28  }
0xd6: {  	v51 =	vor.u32 $0x2, v16;
	[tilespmem:s13+$0xC0D0] =	vst v27;
	v19 =	vld.idx.msk [tilespmem:v48+s7+$0x0], $0xffff  }
0xd7: {  	v54 =	vadd.s32 $0x7E0, v1;
	v21 =	vld.idx.msk [tilespmem:v47+s22+$0x0], $0xffff;
	[tilespmem:s13+$0xB910] =	vst v22  }
0xd8: {  	v53 =	vor.u32 $0x2, v18;
	v25 =	vld.idx.msk [tilespmem:v49+s7+$0x0], $0xffff;
	[tilespmem:s13+$0xB940] =	vst v24  }
0xd9: {  	v55 =	vadd.s32 $0x7E0, v2;
	v28 =	vld.idx.msk [tilespmem:v52+s7+$0x0], $0xffff;
	[tilespmem:s13+$0xB920] =	vst v20  }
0xda: {  	v58 =	vadd.s32 $0x7E0, v12;
	[tilespmem:s13+$0xB930] =	vst v23;
	v26 =	vld.idx.msk [tilespmem:v50+s7+$0x0], $0xffff  }
0xdb: {  	v56 =	vadd.s32 $0x7E0, v4;
	v27 =	vld.idx.msk [tilespmem:v51+s7+$0x0], $0xffff;
	[tilespmem:s13+$0xBD00] =	vst v19  }
0xdc: {  	v57 =	vadd.s32 $0x7E0, v5;
	[tilespmem:s13+$0xB950] =	vst v21;
	v20 =	vld.idx.msk [tilespmem:v54+s25+$0x0], $0xffff  }
0xdd: {  	v60 =	vadd.s32 $0x10F8, v8;
	v22 =	vld.idx.msk [tilespmem:v53+s7+$0x0], $0xffff;
	[tilespmem:s13+$0xBD10] =	vst v25  }
0xde: {  	v59 =	vadd.s32 $0x7E0, v10;
	v23 =	vld.idx.msk [tilespmem:v55+s25+$0x0], $0xffff;
	[tilespmem:s13+$0xBD40] =	vst v28  }
0xdf: {  	v61 =	vadd.s32 $0x10F8, v7;
	v19 =	vld.idx.msk [tilespmem:v58+s25+$0x0], $0xffff;
	[tilespmem:s13+$0xBD20] =	vst v26  }
0xe0: {  	v32 =	vadd.s32 $0x10F8, v14;
	[tilespmem:s13+$0xBD30] =	vst v27;
	v24 =	vld.idx.msk [tilespmem:v56+s25+$0x0], $0xffff  }
0xe1: {  	v62 =	vadd.s32 $0x10F8, v9;
	v21 =	vld.idx.msk [tilespmem:v57+s25+$0x0], $0xffff;
	[tilespmem:s13+$0xC100] =	vst v20  }
0xe2: {  	v63 =	vadd.s32 $0x10F8, v11;
	[tilespmem:s13+$0xBD50] =	vst v22;
	v26 =	vld.idx.msk [tilespmem:v60+s22+$0x0], $0xffff  }
0xe3: {  	v34 =	vor.u32 $0x3, v3;
	v25 =	vld.idx.msk [tilespmem:v59+s25+$0x0], $0xffff;
	[tilespmem:s13+$0xC110] =	vst v23  }
0xe4: {  	v33 =	vadd.s32 $0x10F8, v13;
	v27 =	vld.idx.msk [tilespmem:v61+s22+$0x0], $0xffff;
	[tilespmem:s13+$0xC140] =	vst v19  }
0xe5: {  	v35 =	vor.u32 $0x3, v6;
	v20 =	vld.idx.msk [tilespmem:v32+s22+$0x0], $0xffff;
	[tilespmem:s13+$0xC120] =	vst v24  }
0xe6: {  	v38 =	vor.u32 $0x3, v17;
	[tilespmem:s13+$0xC130] =	vst v21;
	v28 =	vld.idx.msk [tilespmem:v62+s22+$0x0], $0xffff  }
0xe7: {  	v36 =	vor.u32 $0x3, v15;
	v22 =	vld.idx.msk [tilespmem:v63+s22+$0x0], $0xffff;
	[tilespmem:s13+$0xB980] =	vst v26  }
0xe8: {  	v37 =	vor.u32 $0x3, v16;
	[tilespmem:s13+$0xC150] =	vst v25;
	v24 =	vld.idx.msk [tilespmem:v34+s7+$0x0], $0xffff  }
0xe9: {  	v40 =	vadd.s32 $0xBD0, v1;
	v23 =	vld.idx.msk [tilespmem:v33+s22+$0x0], $0xffff;
	[tilespmem:s13+$0xB990] =	vst v27  }
0xea: {  	v39 =	vor.u32 $0x3, v18;
	v21 =	vld.idx.msk [tilespmem:v35+s7+$0x0], $0xffff;
	[tilespmem:s13+$0xB9C0] =	vst v20  }
0xeb: {  	v41 =	vadd.s32 $0xBD0, v2;
	v26 =	vld.idx.msk [tilespmem:v38+s7+$0x0], $0xffff;
	[tilespmem:s13+$0xB9A0] =	vst v28  }
0xec: {  	v44 =	vadd.s32 $0xBD0, v12;
	[tilespmem:s13+$0xB9B0] =	vst v22;
	v19 =	vld.idx.msk [tilespmem:v36+s7+$0x0], $0xffff  }
0xed: {  	v42 =	vadd.s32 $0xBD0, v4;
	v25 =	vld.idx.msk [tilespmem:v37+s7+$0x0], $0xffff;
	[tilespmem:s13+$0xBD80] =	vst v24  }
0xee: {  	v43 =	vadd.s32 $0xBD0, v5;
	[tilespmem:s13+$0xB9D0] =	vst v23;
	v28 =	vld.idx.msk [tilespmem:v40+s25+$0x0], $0xffff  }
0xef: {  	v46 =	vadd.s32 $0x16A0, v8;
	v27 =	vld.idx.msk [tilespmem:v39+s7+$0x0], $0xffff;
	[tilespmem:s13+$0xBD90] =	vst v21  }
0xf0: {  	v45 =	vadd.s32 $0xBD0, v10;
	v22 =	vld.idx.msk [tilespmem:v41+s25+$0x0], $0xffff;
	[tilespmem:s13+$0xBDC0] =	vst v26  }
0xf1: {  	v47 =	vadd.s32 $0x16A0, v7;
	v24 =	vld.idx.msk [tilespmem:v44+s25+$0x0], $0xffff;
	[tilespmem:s13+$0xBDA0] =	vst v19  }
0xf2: {  	v50 =	vadd.s32 $0x16A0, v14;
	[tilespmem:s13+$0xBDB0] =	vst v25;
	v20 =	vld.idx.msk [tilespmem:v42+s25+$0x0], $0xffff  }
0xf3: {  	v48 =	vadd.s32 $0x16A0, v9;
	v23 =	vld.idx.msk [tilespmem:v43+s25+$0x0], $0xffff;
	[tilespmem:s13+$0xC180] =	vst v28  }
0xf4: {  	v49 =	vadd.s32 $0x16A0, v11;
	[tilespmem:s13+$0xBDD0] =	vst v27;
	v19 =	vld.idx.msk [tilespmem:v46+s22+$0x0], $0xffff  }
0xf5: {  	v52 =	vor.u32 $0x4, v3;
	v21 =	vld.idx.msk [tilespmem:v45+s25+$0x0], $0xffff;
	[tilespmem:s13+$0xC190] =	vst v22  }
0xf6: {  	v51 =	vadd.s32 $0x16A0, v13;
	v25 =	vld.idx.msk [tilespmem:v47+s22+$0x0], $0xffff;
	[tilespmem:s13+$0xC1C0] =	vst v24  }
0xf7: {  	v53 =	vor.u32 $0x4, v6;
	v28 =	vld.idx.msk [tilespmem:v50+s22+$0x0], $0xffff;
	[tilespmem:s13+$0xC1A0] =	vst v20  }
0xf8: {  	v56 =	vor.u32 $0x4, v17;
	[tilespmem:s13+$0xC1B0] =	vst v23;
	v26 =	vld.idx.msk [tilespmem:v48+s22+$0x0], $0xffff  }
0xf9: {  	v54 =	vor.u32 $0x4, v15;
	v27 =	vld.idx.msk [tilespmem:v49+s22+$0x0], $0xffff;
	[tilespmem:s13+$0xBA00] =	vst v19  }
0xfa: {  	v55 =	vor.u32 $0x4, v16;
	[tilespmem:s13+$0xC1D0] =	vst v21;
	v20 =	vld.idx.msk [tilespmem:v52+s7+$0x0], $0xffff  }
0xfb: {  	v58 =	vadd.s32 $0xFC0, v1;
	v22 =	vld.idx.msk [tilespmem:v51+s22+$0x0], $0xffff;
	[tilespmem:s13+$0xBA10] =	vst v25  }
0xfc: {  	v57 =	vor.u32 $0x4, v18;
	v23 =	vld.idx.msk [tilespmem:v53+s7+$0x0], $0xffff;
	[tilespmem:s13+$0xBA40] =	vst v28  }
0xfd: {  	v59 =	vadd.s32 $0xFC0, v2;
	v19 =	vld.idx.msk [tilespmem:v56+s7+$0x0], $0xffff;
	[tilespmem:s13+$0xBA20] =	vst v26  }
0xfe: {  	v62 =	vadd.s32 $0xFC0, v12;
	[tilespmem:s13+$0xBA30] =	vst v27;
	v24 =	vld.idx.msk [tilespmem:v54+s7+$0x0], $0xffff  }
0xff: {  	v60 =	vadd.s32 $0xFC0, v4;
	v21 =	vld.idx.msk [tilespmem:v55+s7+$0x0], $0xffff;
	[tilespmem:s13+$0xBE00] =	vst v20  }
0x100: {  	v61 =	vadd.s32 $0xFC0, v5;
	[tilespmem:s13+$0xBA50] =	vst v22;
	v26 =	vld.idx.msk [tilespmem:v58+s25+$0x0], $0xffff  }
0x101: {  	v32 =	vadd.s32 $0x1C48, v8;
	v25 =	vld.idx.msk [tilespmem:v57+s7+$0x0], $0xffff;
	[tilespmem:s13+$0xBE10] =	vst v23  }
0x102: {  	v63 =	vadd.s32 $0xFC0, v10;
	v27 =	vld.idx.msk [tilespmem:v59+s25+$0x0], $0xffff;
	[tilespmem:s13+$0xBE40] =	vst v19  }
0x103: {  	v33 =	vadd.s32 $0x1C48, v7;
	v20 =	vld.idx.msk [tilespmem:v62+s25+$0x0], $0xffff;
	[tilespmem:s13+$0xBE20] =	vst v24  }
0x104: {  	v36 =	vadd.s32 $0x1C48, v14;
	[tilespmem:s13+$0xBE30] =	vst v21;
	v28 =	vld.idx.msk [tilespmem:v60+s25+$0x0], $0xffff  }
0x105: {  	v34 =	vadd.s32 $0x1C48, v9;
	v22 =	vld.idx.msk [tilespmem:v61+s25+$0x0], $0xffff;
	[tilespmem:s13+$0xC200] =	vst v26  }
0x106: {  	v35 =	vadd.s32 $0x1C48, v11;
	[tilespmem:s13+$0xBE50] =	vst v25;
	v24 =	vld.idx.msk [tilespmem:v32+s22+$0x0], $0xffff  }
0x107: {  	v38 =	vor.u32 $0x5, v3;
	v23 =	vld.idx.msk [tilespmem:v63+s25+$0x0], $0xffff;
	[tilespmem:s13+$0xC210] =	vst v27  }
0x108: {  	v37 =	vadd.s32 $0x1C48, v13;
	v21 =	vld.idx.msk [tilespmem:v33+s22+$0x0], $0xffff;
	[tilespmem:s13+$0xC240] =	vst v20  }
0x109: {  	v39 =	vor.u32 $0x5, v6;
	v26 =	vld.idx.msk [tilespmem:v36+s22+$0x0], $0xffff;
	[tilespmem:s13+$0xC220] =	vst v28  }
0x10a: {  	v42 =	vor.u32 $0x5, v17;
	[tilespmem:s13+$0xC230] =	vst v22;
	v19 =	vld.idx.msk [tilespmem:v34+s22+$0x0], $0xffff  }
0x10b: {  	v40 =	vor.u32 $0x5, v15;
	v25 =	vld.idx.msk [tilespmem:v35+s22+$0x0], $0xffff;
	[tilespmem:s13+$0xBA80] =	vst v24  }
0x10c: {  	v41 =	vor.u32 $0x5, v16;
	[tilespmem:s13+$0xC250] =	vst v23;
	v28 =	vld.idx.msk [tilespmem:v38+s7+$0x0], $0xffff  }
0x10d: {  	v44 =	vadd.s32 $0x13B0, v1;
	v27 =	vld.idx.msk [tilespmem:v37+s22+$0x0], $0xffff;
	[tilespmem:s13+$0xBA90] =	vst v21  }
0x10e: {  	v43 =	vor.u32 $0x5, v18;
	v22 =	vld.idx.msk [tilespmem:v39+s7+$0x0], $0xffff;
	[tilespmem:s13+$0xBAC0] =	vst v26  }
0x10f: {  	v45 =	vadd.s32 $0x13B0, v2;
	v24 =	vld.idx.msk [tilespmem:v42+s7+$0x0], $0xffff;
	[tilespmem:s13+$0xBAA0] =	vst v19  }
0x110: {  	v48 =	vadd.s32 $0x13B0, v12;
	[tilespmem:s13+$0xBAB0] =	vst v25;
	v20 =	vld.idx.msk [tilespmem:v40+s7+$0x0], $0xffff  }
0x111: {  	v46 =	vadd.s32 $0x13B0, v4;
	v23 =	vld.idx.msk [tilespmem:v41+s7+$0x0], $0xffff;
	[tilespmem:s13+$0xBE80] =	vst v28  }
0x112: {  	v47 =	vadd.s32 $0x13B0, v5;
	[tilespmem:s13+$0xBAD0] =	vst v27;
	v19 =	vld.idx.msk [tilespmem:v44+s25+$0x0], $0xffff  }
0x113: {  	v50 =	vadd.s32 $0x21F0, v8;
	v21 =	vld.idx.msk [tilespmem:v43+s7+$0x0], $0xffff;
	[tilespmem:s13+$0xBE90] =	vst v22  }
0x114: {  	v49 =	vadd.s32 $0x13B0, v10;
	v25 =	vld.idx.msk [tilespmem:v45+s25+$0x0], $0xffff;
	[tilespmem:s13+$0xBEC0] =	vst v24  }
0x115: {  	v51 =	vadd.s32 $0x21F0, v7;
	v28 =	vld.idx.msk [tilespmem:v48+s25+$0x0], $0xffff;
	[tilespmem:s13+$0xBEA0] =	vst v20  }
0x116: {  	v54 =	vadd.s32 $0x21F0, v14;
	[tilespmem:s13+$0xBEB0] =	vst v23;
	v26 =	vld.idx.msk [tilespmem:v46+s25+$0x0], $0xffff  }
0x117: {  	v52 =	vadd.s32 $0x21F0, v9;
	v27 =	vld.idx.msk [tilespmem:v47+s25+$0x0], $0xffff;
	[tilespmem:s13+$0xC280] =	vst v19  }
0x118: {  	v53 =	vadd.s32 $0x21F0, v11;
	[tilespmem:s13+$0xBED0] =	vst v21;
	v20 =	vld.idx.msk [tilespmem:v50+s22+$0x0], $0xffff  }
0x119: {  	v56 =	vor.u32 $0x6, v3;
	v22 =	vld.idx.msk [tilespmem:v49+s25+$0x0], $0xffff;
	[tilespmem:s13+$0xC290] =	vst v25  }
0x11a: {  	v55 =	vadd.s32 $0x21F0, v13;
	v23 =	vld.idx.msk [tilespmem:v51+s22+$0x0], $0xffff;
	[tilespmem:s13+$0xC2C0] =	vst v28  }
0x11b: {  	v57 =	vor.u32 $0x6, v6;
	v19 =	vld.idx.msk [tilespmem:v54+s22+$0x0], $0xffff;
	[tilespmem:s13+$0xC2A0] =	vst v26  }
0x11c: {  	v60 =	vor.u32 $0x6, v17;
	[tilespmem:s13+$0xC2B0] =	vst v27;
	v24 =	vld.idx.msk [tilespmem:v52+s22+$0x0], $0xffff  }
0x11d: {  	v58 =	vor.u32 $0x6, v15;
	v21 =	vld.idx.msk [tilespmem:v53+s22+$0x0], $0xffff;
	[tilespmem:s13+$0xBB00] =	vst v20  }
0x11e: {  	v59 =	vor.u32 $0x6, v16;
	[tilespmem:s13+$0xC2D0] =	vst v22;
	v26 =	vld.idx.msk [tilespmem:v56+s7+$0x0], $0xffff  }
0x11f: {  	v62 =	vadd.s32 $0x17A0, v1;
	v25 =	vld.idx.msk [tilespmem:v55+s22+$0x0], $0xffff;
	[tilespmem:s13+$0xBB10] =	vst v23  }
0x120: {  	v61 =	vor.u32 $0x6, v18;
	v27 =	vld.idx.msk [tilespmem:v57+s7+$0x0], $0xffff;
	[tilespmem:s13+$0xBB40] =	vst v19  }
0x121: {  	v63 =	vadd.s32 $0x17A0, v2;
	v20 =	vld.idx.msk [tilespmem:v60+s7+$0x0], $0xffff;
	[tilespmem:s13+$0xBB20] =	vst v24  }
0x122: {  	v33 =	vadd.s32 $0x17A0, v12;
	[tilespmem:s13+$0xBB30] =	vst v21;
	v28 =	vld.idx.msk [tilespmem:v58+s7+$0x0], $0xffff  }
0x123: {  	v31 =	vadd.s32 $0x17A0, v4;
	v22 =	vld.idx.msk [tilespmem:v59+s7+$0x0], $0xffff;
	[tilespmem:s13+$0xBF00] =	vst v26  }
0x124: {  	v32 =	vadd.s32 $0x17A0, v5;
	[tilespmem:s13+$0xBB50] =	vst v25;
	v24 =	vld.idx.msk [tilespmem:v62+s25+$0x0], $0xffff  }
0x125: {  	v8 =	vadd.s32 $0x2798, v8;
	v23 =	vld.idx.msk [tilespmem:v61+s7+$0x0], $0xffff;
	[tilespmem:s13+$0xBF10] =	vst v27  }
0x126: {  	v34 =	vadd.s32 $0x17A0, v10;
	v21 =	vld.idx.msk [tilespmem:v63+s25+$0x0], $0xffff;
	[tilespmem:s13+$0xBF40] =	vst v20  }
0x127: {  	v7 =	vadd.s32 $0x2798, v7;
	v20 =	vld.idx.msk [tilespmem:v33+s25+$0x0], $0xffff;
	[tilespmem:s13+$0xBF20] =	vst v28  }
0x128: {  	v14 =	vadd.s32 $0x2798, v14;
	[tilespmem:s13+$0xBF30] =	vst v22;
	v19 =	vld.idx.msk [tilespmem:v31+s25+$0x0], $0xffff  }
0x129: {  	v9 =	vadd.s32 $0x2798, v9;
	v22 =	vld.idx.msk [tilespmem:v32+s25+$0x0], $0xffff;
	[tilespmem:s13+$0xC300] =	vst v24  }
0x12a: {  	v11 =	vadd.s32 $0x2798, v11;
	[tilespmem:s13+$0xBF50] =	vst v23;
	v8 =	vld.idx.msk [tilespmem:v8+s22+$0x0], $0xffff  }
0x12b: {  	v3 =	vor.u32 $0x7, v3;
	v23 =	vld.idx.msk [tilespmem:v34+s25+$0x0], $0xffff;
	[tilespmem:s13+$0xC310] =	vst v21  }
0x12c: {  	v13 =	vadd.s32 $0x2798, v13;
	v7 =	vld.idx.msk [tilespmem:v7+s22+$0x0], $0xffff;
	[tilespmem:s13+$0xC340] =	vst v20  }
0x12d: {  	v14 =	vld.idx.msk [tilespmem:v14+s22+$0x0], $0xffff;
	[tilespmem:s13+$0xC320] =	vst v19  }
0x12e: {  	v6 =	vor.u32 $0x7, v6;
	[tilespmem:s13+$0xC330] =	vst v22;
	v9 =	vld.idx.msk [tilespmem:v9+s22+$0x0], $0xffff  }
0x12f: {  	v35 =	vor.u32 $0x7, v17;
	v11 =	vld.idx.msk [tilespmem:v11+s22+$0x0], $0xffff;
	[tilespmem:s13+$0xBB80] =	vst v8  }
0x130: {  	v15 =	vor.u32 $0x7, v15;
	[tilespmem:s13+$0xC350] =	vst v23;
	v3 =	vld.idx.msk [tilespmem:v3+s7+$0x0], $0xffff  }
0x131: {  	v16 =	vor.u32 $0x7, v16;
	v13 =	vld.idx.msk [tilespmem:v13+s22+$0x0], $0xffff;
	[tilespmem:s13+$0xBB90] =	vst v7  }
0x132: {  	v36 =	vor.u32 $0x7, v18;
	[tilespmem:s13+$0xBBC0] =	vst v14  }
0x133: {  	v1 =	vadd.s32 $0x1B90, v1;
	v6 =	vld.idx.msk [tilespmem:v6+s7+$0x0], $0xffff;
	[tilespmem:s13+$0xBBA0] =	vst v9  }
0x134: {  	v2 =	vadd.s32 $0x1B90, v2;
	v8 =	vld.idx.msk [tilespmem:v35+s7+$0x0], $0xffff;
	[tilespmem:s13+$0xBBB0] =	vst v11  }
0x135: {  	v9 =	vld.idx.msk [tilespmem:v15+s7+$0x0], $0xffff;
	[tilespmem:s13+$0xBF80] =	vst v3;
	v3 =	vadd.s32 $0x1B90, v12  }
0x136: {  	v4 =	vadd.s32 $0x1B90, v4;
	[tilespmem:s13+$0xBBD0] =	vst v13;
	v11 =	vld.idx.msk [tilespmem:v16+s7+$0x0], $0xffff  }
0x137: {  	v5 =	vadd.s32 $0x1B90, v5;
	v7 =	vld.idx.msk [tilespmem:v36+s7+$0x0], $0xffff  }
0x138: {  	v37 =	vadd.s32 $0x1B90, v10;
	[tilespmem:s13+$0xBF90] =	vst v6;
	v1 =	vld.idx.msk [tilespmem:v1+s25+$0x0], $0xffff  }
0x139: {  	v2 =	vld.idx.msk [tilespmem:v2+s25+$0x0], $0xffff;
	[tilespmem:s13+$0xBFC0] =	vst v8  }
0x13a: {  	[tilespmem:s13+$0xBFA0] =	vst v9;
	v3 =	vld.idx.msk [tilespmem:v3+s25+$0x0], $0xffff  }
0x13b: {  	[tilespmem:s13+$0xBFB0] =	vst v11;
	v4 =	vld.idx.msk [tilespmem:v4+s25+$0x0], $0xffff  }
0x13c: {  	[tilespmem:s13+$0xBFD0] =	vst v7;
	v5 =	vld.idx.msk [tilespmem:v5+s25+$0x0], $0xffff  }
0x13d: {  	[tilespmem:s13+$0xC380] =	vst v1;
	v1 =	vld.idx.msk [tilespmem:v37+s25+$0x0], $0xffff  }
0x13e: {  	[tilespmem:s13+$0xC390] =	vst v2  }
0x13f: {  	[tilespmem:s13+$0xC3C0] =	vst v3  }
0x140: {  	[tilespmem:s13+$0xC3A0] =	vst v4  }
0x141: {  	s3 =	sor.u32 $0x9, s17;
	[tilespmem:s13+$0xC3B0] =	vst v5  }
0x142: {  	s14 =	sor.u32 $0x460, s23;
	s12 =	sshrl.u32 s3, $0x3;
	[tilespmem:s13+$0xC3D0] =	vst v1  }
0x143: {  	s21 =	sshll.u32 s12, $0x7;
	v2 =	vld [tilespmem:s14+$0x0]  }
0x144: {  	s15 =	sor.u32 $0x470, s23;
	s18 =	sor.u32 $0x8, s17;
	v7 =	vld [tilespmem:s21+$0x410]  }
0x145: {  	s20 =	sshll.u32 s18, $0x4;
	v1 =	vld [tilespmem:s15+$0x0]  }
0x146: {  	s4 =	sor.u32 $0x400, s20  }
0x147: {  	s24 =	sor.u32 $0x70, s23;
	v3 =	vld [tilespmem:s4+$0x0]  }
0x148: {  	v40 =	vmov s24  }
0x149: {  	v5 =	vshll.u32 v40, $0x3  }
0x14a: {  	s3 =	sshll.u32 s3, $0x4;
	v9 =	vor.u32 v0, v5;
	v5 =	vld [tilespmem:s23+$0x1470]  }
0x14b: {  	v44 =	vmov s3;
	v6 =	vld [tilespmem:s20+$0x1400]  }
0x14c: {  	s1 =	sshrl.u32 s18, $0x3;
	v45 =	vshll.u32 v44, $0x3;
	s14 =	sor.u32 $0x60, s23;
	v46 =	vld.idx.msk [tilespmem:v7+s22+$0x0], $0xffff  }
0x14d: {  	s1 =	smul.u32 $0x3000, s1;
	v11 =	vor.u32 v0, v45;
	v38 =	vmov s14;
	v41 =	vld.idx.msk [tilespmem:v1+s22+$0x0], $0xffff  }
0x14e: {  	s12 =	smul.u32 $0x3000, s12;
	v42 =	vmov s20;
	v4 =	vshll.u32 v38, $0x3;
	v39 =	vld.idx.msk [tilespmem:v2+s22+$0x0], $0xffff  }
0x14f: {  	v10 =	vshll.u32 v42, $0x3;
	v8 =	vor.u32 v0, v4;
	v43 =	vld.idx.msk [tilespmem:v3+s22+$0x0], $0xffff  }
0x150: {  	v10 =	vor.u32 v0, v10;
	s3 =	sshra.s32 s1, $0x2;
	s1 =	sshra.s32 s12, $0x2;
	v12 =	vld [tilespmem:s21+$0x1410]  }
0x151: {  	v4 =	vld [tilespmem:s23+$0x1460];
	[tilespmem:s1+$0xB810] =	vst v46  }
0x152: {  	[tilespmem:s13+$0xB870] =	vst v41;
	v13 =	vld.idx.msk [tilespmem:v11+s7+$0x0], $0xffff  }
0x153: {  	[tilespmem:s13+$0xB860] =	vst v39;
	v48 =	vld.idx.msk [tilespmem:v9+s7+$0x0], $0xffff  }
0x154: {  	[tilespmem:s3+$0xB800] =	vst v43;
	v47 =	vld.idx.msk [tilespmem:v8+s7+$0x0], $0xffff  }
0x155: {  	v49 =	vld.idx.msk [tilespmem:v10+s7+$0x0], $0xffff;
	_ =	sdelay $0x1  }
0x156: {  	[tilespmem:s1+$0xBC10] =	vst v13  }
0x157: {  	[tilespmem:s13+$0xBC70] =	vst v48;
	v55 =	vld.idx.msk [tilespmem:v12+s25+$0x0], $0xffff  }
0x158: {  	v56 =	vadd.s32 $0x5A8, v7;
	[tilespmem:s13+$0xBC60] =	vst v47;
	v51 =	vld.idx.msk [tilespmem:v5+s25+$0x0], $0xffff  }
0x159: {  	v52 =	vadd.s32 $0x5A8, v1;
	[tilespmem:s3+$0xBC00] =	vst v49;
	v14 =	vld.idx.msk [tilespmem:v4+s25+$0x0], $0xffff  }
0x15a: {  	v50 =	vadd.s32 $0x5A8, v2;
	v53 =	vld.idx.msk [tilespmem:v6+s25+$0x0], $0xffff  }
0x15b: {  	v54 =	vadd.s32 $0x5A8, v3  }
0x15c: {  	[tilespmem:s1+$0xC010] =	vst v55  }
0x15d: {  	[tilespmem:s13+$0xC070] =	vst v51;
	v19 =	vld.idx.msk [tilespmem:v56+s22+$0x0], $0xffff  }
0x15e: {  	v60 =	vor.u32 $0x1, v11;
	[tilespmem:s13+$0xC060] =	vst v14;
	v16 =	vld.idx.msk [tilespmem:v52+s22+$0x0], $0xffff  }
0x15f: {  	v58 =	vor.u32 $0x1, v9;
	[tilespmem:s3+$0xC000] =	vst v53;
	v14 =	vld.idx.msk [tilespmem:v50+s22+$0x0], $0xffff  }
0x160: {  	v57 =	vor.u32 $0x1, v8;
	v13 =	vld.idx.msk [tilespmem:v54+s22+$0x0], $0xffff  }
0x161: {  	v59 =	vor.u32 $0x1, v10  }
0x162: {  	[tilespmem:s1+$0xB890] =	vst v19  }
0x163: {  	[tilespmem:s13+$0xB8F0] =	vst v16;
	v19 =	vld.idx.msk [tilespmem:v60+s7+$0x0], $0xffff  }
0x164: {  	v25 =	vadd.s32 $0x3F0, v12;
	[tilespmem:s13+$0xB8E0] =	vst v14;
	v16 =	vld.idx.msk [tilespmem:v58+s7+$0x0], $0xffff  }
0x165: {  	v62 =	vadd.s32 $0x3F0, v5;
	[tilespmem:s3+$0xB880] =	vst v13;
	v14 =	vld.idx.msk [tilespmem:v57+s7+$0x0], $0xffff  }
0x166: {  	v61 =	vadd.s32 $0x3F0, v4;
	v63 =	vld.idx.msk [tilespmem:v59+s7+$0x0], $0xffff  }
0x167: {  	v24 =	vadd.s32 $0x3F0, v6  }
0x168: {  	[tilespmem:s1+$0xBC90] =	vst v19  }
0x169: {  	[tilespmem:s13+$0xBCF0] =	vst v16;
	v19 =	vld.idx.msk [tilespmem:v25+s25+$0x0], $0xffff  }
0x16a: {  	v29 =	vadd.s32 $0xB50, v7;
	[tilespmem:s13+$0xBCE0] =	vst v14;
	v13 =	vld.idx.msk [tilespmem:v62+s25+$0x0], $0xffff  }
0x16b: {  	v27 =	vadd.s32 $0xB50, v1;
	[tilespmem:s3+$0xBC80] =	vst v63;
	v14 =	vld.idx.msk [tilespmem:v61+s25+$0x0], $0xffff  }
0x16c: {  	v26 =	vadd.s32 $0xB50, v2;
	v17 =	vld.idx.msk [tilespmem:v24+s25+$0x0], $0xffff  }
0x16d: {  	v28 =	vadd.s32 $0xB50, v3  }
0x16e: {  	[tilespmem:s1+$0xC090] =	vst v19  }
0x16f: {  	[tilespmem:s13+$0xC0F0] =	vst v13;
	v19 =	vld.idx.msk [tilespmem:v29+s22+$0x0], $0xffff  }
0x170: {  	v34 =	vor.u32 $0x2, v11;
	[tilespmem:s13+$0xC0E0] =	vst v14;
	v31 =	vld.idx.msk [tilespmem:v27+s22+$0x0], $0xffff  }
0x171: {  	v32 =	vor.u32 $0x2, v9;
	[tilespmem:s3+$0xC080] =	vst v17;
	v14 =	vld.idx.msk [tilespmem:v26+s22+$0x0], $0xffff  }
0x172: {  	v30 =	vor.u32 $0x2, v8;
	v17 =	vld.idx.msk [tilespmem:v28+s22+$0x0], $0xffff  }
0x173: {  	v33 =	vor.u32 $0x2, v10  }
0x174: {  	[tilespmem:s1+$0xB910] =	vst v19  }
0x175: {  	[tilespmem:s13+$0xB970] =	vst v31;
	v19 =	vld.idx.msk [tilespmem:v34+s7+$0x0], $0xffff  }
0x176: {  	v38 =	vadd.s32 $0x7E0, v12;
	[tilespmem:s13+$0xB960] =	vst v14;
	v15 =	vld.idx.msk [tilespmem:v32+s7+$0x0], $0xffff  }
0x177: {  	v36 =	vadd.s32 $0x7E0, v5;
	[tilespmem:s3+$0xB900] =	vst v17;
	v13 =	vld.idx.msk [tilespmem:v30+s7+$0x0], $0xffff  }
0x178: {  	v35 =	vadd.s32 $0x7E0, v4;
	v17 =	vld.idx.msk [tilespmem:v33+s7+$0x0], $0xffff  }
0x179: {  	v37 =	vadd.s32 $0x7E0, v6  }
0x17a: {  	[tilespmem:s1+$0xBD10] =	vst v19  }
0x17b: {  	[tilespmem:s13+$0xBD70] =	vst v15;
	v19 =	vld.idx.msk [tilespmem:v38+s25+$0x0], $0xffff  }
0x17c: {  	v42 =	vadd.s32 $0x10F8, v7;
	[tilespmem:s13+$0xBD60] =	vst v13;
	v15 =	vld.idx.msk [tilespmem:v36+s25+$0x0], $0xffff  }
0x17d: {  	v40 =	vadd.s32 $0x10F8, v1;
	[tilespmem:s3+$0xBD00] =	vst v17;
	v13 =	vld.idx.msk [tilespmem:v35+s25+$0x0], $0xffff  }
0x17e: {  	v39 =	vadd.s32 $0x10F8, v2;
	v17 =	vld.idx.msk [tilespmem:v37+s25+$0x0], $0xffff  }
0x17f: {  	v41 =	vadd.s32 $0x10F8, v3  }
0x180: {  	[tilespmem:s1+$0xC110] =	vst v19  }
0x181: {  	[tilespmem:s13+$0xC170] =	vst v15;
	v19 =	vld.idx.msk [tilespmem:v42+s22+$0x0], $0xffff  }
0x182: {  	v46 =	vor.u32 $0x3, v11;
	[tilespmem:s13+$0xC160] =	vst v13;
	v15 =	vld.idx.msk [tilespmem:v40+s22+$0x0], $0xffff  }
0x183: {  	v44 =	vor.u32 $0x3, v9;
	[tilespmem:s3+$0xC100] =	vst v17;
	v13 =	vld.idx.msk [tilespmem:v39+s22+$0x0], $0xffff  }
0x184: {  	v43 =	vor.u32 $0x3, v8;
	v17 =	vld.idx.msk [tilespmem:v41+s22+$0x0], $0xffff  }
0x185: {  	v45 =	vor.u32 $0x3, v10  }
0x186: {  	[tilespmem:s1+$0xB990] =	vst v19  }
0x187: {  	[tilespmem:s13+$0xB9F0] =	vst v15;
	v19 =	vld.idx.msk [tilespmem:v46+s7+$0x0], $0xffff  }
0x188: {  	v50 =	vadd.s32 $0xBD0, v12;
	[tilespmem:s13+$0xB9E0] =	vst v13;
	v15 =	vld.idx.msk [tilespmem:v44+s7+$0x0], $0xffff  }
0x189: {  	v48 =	vadd.s32 $0xBD0, v5;
	[tilespmem:s3+$0xB980] =	vst v17;
	v13 =	vld.idx.msk [tilespmem:v43+s7+$0x0], $0xffff  }
0x18a: {  	v47 =	vadd.s32 $0xBD0, v4;
	v17 =	vld.idx.msk [tilespmem:v45+s7+$0x0], $0xffff  }
0x18b: {  	v49 =	vadd.s32 $0xBD0, v6  }
0x18c: {  	[tilespmem:s1+$0xBD90] =	vst v19  }
0x18d: {  	[tilespmem:s13+$0xBDF0] =	vst v15;
	v19 =	vld.idx.msk [tilespmem:v50+s25+$0x0], $0xffff  }
0x18e: {  	v54 =	vadd.s32 $0x16A0, v7;
	[tilespmem:s13+$0xBDE0] =	vst v13;
	v15 =	vld.idx.msk [tilespmem:v48+s25+$0x0], $0xffff  }
0x18f: {  	v52 =	vadd.s32 $0x16A0, v1;
	[tilespmem:s3+$0xBD80] =	vst v17;
	v13 =	vld.idx.msk [tilespmem:v47+s25+$0x0], $0xffff  }
0x190: {  	v51 =	vadd.s32 $0x16A0, v2;
	v17 =	vld.idx.msk [tilespmem:v49+s25+$0x0], $0xffff  }
0x191: {  	v53 =	vadd.s32 $0x16A0, v3  }
0x192: {  	[tilespmem:s1+$0xC190] =	vst v19  }
0x193: {  	[tilespmem:s13+$0xC1F0] =	vst v15;
	v19 =	vld.idx.msk [tilespmem:v54+s22+$0x0], $0xffff  }
0x194: {  	v58 =	vor.u32 $0x4, v11;
	[tilespmem:s13+$0xC1E0] =	vst v13;
	v15 =	vld.idx.msk [tilespmem:v52+s22+$0x0], $0xffff  }
0x195: {  	v56 =	vor.u32 $0x4, v9;
	[tilespmem:s3+$0xC180] =	vst v17;
	v13 =	vld.idx.msk [tilespmem:v51+s22+$0x0], $0xffff  }
0x196: {  	v55 =	vor.u32 $0x4, v8;
	v17 =	vld.idx.msk [tilespmem:v53+s22+$0x0], $0xffff  }
0x197: {  	v57 =	vor.u32 $0x4, v10  }
0x198: {  	[tilespmem:s1+$0xBA10] =	vst v19  }
0x199: {  	[tilespmem:s13+$0xBA70] =	vst v15;
	v19 =	vld.idx.msk [tilespmem:v58+s7+$0x0], $0xffff  }
0x19a: {  	v62 =	vadd.s32 $0xFC0, v12;
	[tilespmem:s13+$0xBA60] =	vst v13;
	v15 =	vld.idx.msk [tilespmem:v56+s7+$0x0], $0xffff  }
0x19b: {  	v60 =	vadd.s32 $0xFC0, v5;
	[tilespmem:s3+$0xBA00] =	vst v17;
	v13 =	vld.idx.msk [tilespmem:v55+s7+$0x0], $0xffff  }
0x19c: {  	v59 =	vadd.s32 $0xFC0, v4;
	v17 =	vld.idx.msk [tilespmem:v57+s7+$0x0], $0xffff  }
0x19d: {  	v61 =	vadd.s32 $0xFC0, v6  }
0x19e: {  	[tilespmem:s1+$0xBE10] =	vst v19  }
0x19f: {  	[tilespmem:s13+$0xBE70] =	vst v15;
	v19 =	vld.idx.msk [tilespmem:v62+s25+$0x0], $0xffff  }
0x1a0: {  	v26 =	vadd.s32 $0x1C48, v7;
	[tilespmem:s13+$0xBE60] =	vst v13;
	v15 =	vld.idx.msk [tilespmem:v60+s25+$0x0], $0xffff  }
0x1a1: {  	v24 =	vadd.s32 $0x1C48, v1;
	[tilespmem:s3+$0xBE00] =	vst v17;
	v13 =	vld.idx.msk [tilespmem:v59+s25+$0x0], $0xffff  }
0x1a2: {  	v63 =	vadd.s32 $0x1C48, v2;
	v17 =	vld.idx.msk [tilespmem:v61+s25+$0x0], $0xffff  }
0x1a3: {  	v25 =	vadd.s32 $0x1C48, v3  }
0x1a4: {  	[tilespmem:s1+$0xC210] =	vst v19  }
0x1a5: {  	[tilespmem:s13+$0xC270] =	vst v15;
	v19 =	vld.idx.msk [tilespmem:v26+s22+$0x0], $0xffff  }
0x1a6: {  	v30 =	vor.u32 $0x5, v11;
	[tilespmem:s13+$0xC260] =	vst v13;
	v15 =	vld.idx.msk [tilespmem:v24+s22+$0x0], $0xffff  }
0x1a7: {  	v28 =	vor.u32 $0x5, v9;
	[tilespmem:s3+$0xC200] =	vst v17;
	v13 =	vld.idx.msk [tilespmem:v63+s22+$0x0], $0xffff  }
0x1a8: {  	v27 =	vor.u32 $0x5, v8;
	v17 =	vld.idx.msk [tilespmem:v25+s22+$0x0], $0xffff  }
0x1a9: {  	v29 =	vor.u32 $0x5, v10  }
0x1aa: {  	[tilespmem:s1+$0xBA90] =	vst v19  }
0x1ab: {  	[tilespmem:s13+$0xBAF0] =	vst v15;
	v19 =	vld.idx.msk [tilespmem:v30+s7+$0x0], $0xffff  }
0x1ac: {  	v34 =	vadd.s32 $0x13B0, v12;
	[tilespmem:s13+$0xBAE0] =	vst v13;
	v15 =	vld.idx.msk [tilespmem:v28+s7+$0x0], $0xffff  }
0x1ad: {  	v32 =	vadd.s32 $0x13B0, v5;
	[tilespmem:s3+$0xBA80] =	vst v17;
	v13 =	vld.idx.msk [tilespmem:v27+s7+$0x0], $0xffff  }
0x1ae: {  	v31 =	vadd.s32 $0x13B0, v4;
	v17 =	vld.idx.msk [tilespmem:v29+s7+$0x0], $0xffff  }
0x1af: {  	v33 =	vadd.s32 $0x13B0, v6  }
0x1b0: {  	[tilespmem:s1+$0xBE90] =	vst v19  }
0x1b1: {  	[tilespmem:s13+$0xBEF0] =	vst v15;
	v19 =	vld.idx.msk [tilespmem:v34+s25+$0x0], $0xffff  }
0x1b2: {  	v38 =	vadd.s32 $0x21F0, v7;
	[tilespmem:s13+$0xBEE0] =	vst v13;
	v15 =	vld.idx.msk [tilespmem:v32+s25+$0x0], $0xffff  }
0x1b3: {  	v36 =	vadd.s32 $0x21F0, v1;
	[tilespmem:s3+$0xBE80] =	vst v17;
	v13 =	vld.idx.msk [tilespmem:v31+s25+$0x0], $0xffff  }
0x1b4: {  	v35 =	vadd.s32 $0x21F0, v2;
	v17 =	vld.idx.msk [tilespmem:v33+s25+$0x0], $0xffff  }
0x1b5: {  	v37 =	vadd.s32 $0x21F0, v3  }
0x1b6: {  	[tilespmem:s1+$0xC290] =	vst v19  }
0x1b7: {  	[tilespmem:s13+$0xC2F0] =	vst v15;
	v19 =	vld.idx.msk [tilespmem:v38+s22+$0x0], $0xffff  }
0x1b8: {  	v42 =	vor.u32 $0x6, v11;
	[tilespmem:s13+$0xC2E0] =	vst v13;
	v15 =	vld.idx.msk [tilespmem:v36+s22+$0x0], $0xffff  }
0x1b9: {  	v40 =	vor.u32 $0x6, v9;
	[tilespmem:s3+$0xC280] =	vst v17;
	v13 =	vld.idx.msk [tilespmem:v35+s22+$0x0], $0xffff  }
0x1ba: {  	v39 =	vor.u32 $0x6, v8;
	v17 =	vld.idx.msk [tilespmem:v37+s22+$0x0], $0xffff  }
0x1bb: {  	v41 =	vor.u32 $0x6, v10  }
0x1bc: {  	[tilespmem:s1+$0xBB10] =	vst v19  }
0x1bd: {  	[tilespmem:s13+$0xBB70] =	vst v15;
	v19 =	vld.idx.msk [tilespmem:v42+s7+$0x0], $0xffff  }
0x1be: {  	v46 =	vadd.s32 $0x17A0, v12;
	[tilespmem:s13+$0xBB60] =	vst v13;
	v15 =	vld.idx.msk [tilespmem:v40+s7+$0x0], $0xffff  }
0x1bf: {  	v44 =	vadd.s32 $0x17A0, v5;
	[tilespmem:s3+$0xBB00] =	vst v17;
	v13 =	vld.idx.msk [tilespmem:v39+s7+$0x0], $0xffff  }
0x1c0: {  	v43 =	vadd.s32 $0x17A0, v4;
	v17 =	vld.idx.msk [tilespmem:v41+s7+$0x0], $0xffff  }
0x1c1: {  	v45 =	vadd.s32 $0x17A0, v6  }
0x1c2: {  	[tilespmem:s1+$0xBF10] =	vst v19  }
0x1c3: {  	[tilespmem:s13+$0xBF70] =	vst v15;
	v49 =	vld.idx.msk [tilespmem:v46+s25+$0x0], $0xffff  }
0x1c4: {  	v7 =	vadd.s32 $0x2798, v7;
	[tilespmem:s13+$0xBF60] =	vst v13;
	v47 =	vld.idx.msk [tilespmem:v44+s25+$0x0], $0xffff  }
0x1c5: {  	v1 =	vadd.s32 $0x2798, v1;
	[tilespmem:s3+$0xBF00] =	vst v17;
	v13 =	vld.idx.msk [tilespmem:v43+s25+$0x0], $0xffff  }
0x1c6: {  	v2 =	vadd.s32 $0x2798, v2;
	v48 =	vld.idx.msk [tilespmem:v45+s25+$0x0], $0xffff  }
0x1c7: {  	v3 =	vadd.s32 $0x2798, v3  }
0x1c8: {  	[tilespmem:s1+$0xC310] =	vst v49  }
0x1c9: {  	[tilespmem:s13+$0xC370] =	vst v47;
	v7 =	vld.idx.msk [tilespmem:v7+s22+$0x0], $0xffff  }
0x1ca: {  	s23 =	sor.u32 $0xD, s17;
	[tilespmem:s13+$0xC360] =	vst v13;
	v1 =	vld.idx.msk [tilespmem:v1+s22+$0x0], $0xffff  }
0x1cb: {  	s4 =	sor.u32 $0xA, s17;
	s2 =	sshrl.u32 s23, $0x3;
	[tilespmem:s3+$0xC300] =	vst v48;
	v2 =	vld.idx.msk [tilespmem:v2+s22+$0x0], $0xffff  }
0x1cc: {  	s14 =	sshrl.u32 s4, $0x3;
	s24 =	sshll.u32 s2, $0x7;
	v3 =	vld.idx.msk [tilespmem:v3+s22+$0x0], $0xffff  }
0x1cd: {  	s15 =	sor.u32 $0xB, s17;
	s26 =	sshll.u32 s14, $0x7;
	v8 =	vor.u32 $0x7, v8;
	v50 =	vadd.s32 $0x1B90, v4;
	v4 =	vld [tilespmem:s24+$0x1450]  }
0x1ce: {  	s20 =	sor.u32 $0xC, s17;
	s18 =	sshrl.u32 s15, $0x3;
	v9 =	vor.u32 $0x7, v9;
	[tilespmem:s1+$0xBB90] =	vst v7;
	v7 =	vld [tilespmem:s26+$0x420]  }
0x1cf: {  	s21 =	sshrl.u32 s20, $0x3;
	s28 =	sshll.u32 s18, $0x7;
	v10 =	vor.u32 $0x7, v10;
	[tilespmem:s13+$0xBBF0] =	vst v1;
	v1 =	vld [tilespmem:s26+$0x1420]  }
0x1d0: {  	s30 =	sshll.u32 s21, $0x7;
	v11 =	vor.u32 $0x7, v11;
	[tilespmem:s13+$0xBBE0] =	vst v2;
	v2 =	vld [tilespmem:s28+$0x1430]  }
0x1d1: {  	[tilespmem:s3+$0xBB80] =	vst v3;
	v3 =	vld [tilespmem:s30+$0x1440]  }
0x1d2: {  	v13 =	vld.idx.msk [tilespmem:v8+s7+$0x0], $0xffff  }
0x1d3: {  	v14 =	vld.idx.msk [tilespmem:v9+s7+$0x0], $0xffff  }
0x1d4: {  	v15 =	vld.idx.msk [tilespmem:v10+s7+$0x0], $0xffff  }
0x1d5: {  	v16 =	vld.idx.msk [tilespmem:v11+s7+$0x0], $0xffff  }
0x1d6: {  	s26 =	sor.u32 $0xE, s17;
	v8 =	vld [tilespmem:s28+$0x430]  }
0x1d7: {  	v9 =	vld [tilespmem:s30+$0x440];
	s12 =	sshrl.u32 s26, $0x3  }
0x1d8: {  	v10 =	vld [tilespmem:s24+$0x450];
	s30 =	sor.u32 $0xF, s17;
	s24 =	sshll.u32 s12, $0x7  }
0x1d9: {  	v51 =	vadd.s32 $0x1B90, v5;
	s28 =	sshrl.u32 s30, $0x3;
	v11 =	vld [tilespmem:s24+$0x460]  }
0x1da: {  	v52 =	vadd.s32 $0x1B90, v6;
	v5 =	vld [tilespmem:s24+$0x1460];
	s24 =	sshll.u32 s28, $0x7  }
0x1db: {  	v53 =	vadd.s32 $0x1B90, v12;
	v12 =	vld [tilespmem:s24+$0x470]  }
0x1dc: {  	v6 =	vld [tilespmem:s24+$0x1470];
	[tilespmem:s13+$0xBFE0] =	vst v13  }
0x1dd: {  	[tilespmem:s13+$0xBFF0] =	vst v14;
	v13 =	vld.idx.msk [tilespmem:v50+s25+$0x0], $0xffff  }
0x1de: {  	[tilespmem:s3+$0xBF80] =	vst v15;
	v14 =	vld.idx.msk [tilespmem:v51+s25+$0x0], $0xffff  }
0x1df: {  	s4 =	sshll.u32 s4, $0x4;
	[tilespmem:s1+$0xBF90] =	vst v16;
	v15 =	vld.idx.msk [tilespmem:v52+s25+$0x0], $0xffff  }
0x1e0: {  	v54 =	vmov s4;
	s24 =	sshll.u32 s15, $0x4;
	v55 =	vld.idx.msk [tilespmem:v53+s25+$0x0], $0xffff  }
0x1e1: {  	s15 =	sshll.u32 s20, $0x4;
	v56 =	vmov s24;
	v16 =	vshll.u32 v54, $0x3;
	v57 =	vld.idx.msk [tilespmem:v7+s22+$0x0], $0xffff  }
0x1e2: {  	s20 =	sshll.u32 s23, $0x4;
	v58 =	vmov s15;
	v59 =	vshll.u32 v56, $0x3;
	v60 =	vld.idx.msk [tilespmem:v8+s22+$0x0], $0xffff;
	[tilespmem:s13+$0xC3E0] =	vst v13;
	v13 =	vor.u32 v0, v16  }
0x1e3: {  	s23 =	smul.u32 $0x3000, s14;
	v61 =	vmov s20;
	s24 =	sshll.u32 s26, $0x4;
	v62 =	vshll.u32 v58, $0x3;
	v63 =	vld.idx.msk [tilespmem:v9+s22+$0x0], $0xffff;
	[tilespmem:s13+$0xC3F0] =	vst v14;
	v14 =	vor.u32 v0, v59  }
0x1e4: {  	s30 =	sshll.u32 s30, $0x4;
	s26 =	smul.u32 $0x3000, s18;
	v27 =	vmov s24;
	v28 =	vshll.u32 v61, $0x3;
	v29 =	vld.idx.msk [tilespmem:v10+s22+$0x0], $0xffff;
	[tilespmem:s3+$0xC380] =	vst v15;
	v15 =	vor.u32 v0, v62  }
0x1e5: {  	v30 =	vmov s30;
	s15 =	smul.u32 $0x3000, s21;
	s14 =	sshra.s32 s23, $0x2;
	v31 =	vshll.u32 v27, $0x3;
	v32 =	vld.idx.msk [tilespmem:v11+s22+$0x0], $0xffff;
	[tilespmem:s1+$0xC390] =	vst v55;
	v16 =	vor.u32 v0, v28  }
0x1e6: {  	s2 =	smul.u32 $0x3000, s2;
	v33 =	vshll.u32 v30, $0x3;
	s18 =	sshra.s32 s26, $0x2;
	v17 =	vor.u32 v0, v31;
	v34 =	vld.idx.msk [tilespmem:v12+s22+$0x0], $0xffff;
	[tilespmem:s14+$0xB820] =	vst v57  }
0x1e7: {  	s21 =	smul.u32 $0x3000, s12;
	v18 =	vor.u32 v0, v33;
	s20 =	sshra.s32 s15, $0x2;
	[tilespmem:s18+$0xB830] =	vst v60;
	v35 =	vld.idx.msk [tilespmem:v13+s7+$0x0], $0xffff  }
0x1e8: {  	s24 =	sshra.s32 s2, $0x2;
	s26 =	smul.u32 $0x3000, s28;
	[tilespmem:s20+$0xB840] =	vst v63;
	v36 =	vld.idx.msk [tilespmem:v14+s7+$0x0], $0xffff  }
0x1e9: {  	s1 =	sshra.s32 s21, $0x2;
	[tilespmem:s24+$0xB850] =	vst v29;
	v20 =	vld.idx.msk [tilespmem:v15+s7+$0x0], $0xffff  }
0x1ea: {  	s28 =	sshra.s32 s26, $0x2;
	[tilespmem:s1+$0xB860] =	vst v32;
	v21 =	vld.idx.msk [tilespmem:v16+s7+$0x0], $0xffff  }
0x1eb: {  	v22 =	vld.idx.msk [tilespmem:v17+s7+$0x0], $0xffff;
	[tilespmem:s28+$0xB870] =	vst v34  }
0x1ec: {  	v23 =	vld.idx.msk [tilespmem:v18+s7+$0x0], $0xffff;
	[tilespmem:s14+$0xBC20] =	vst v35  }
0x1ed: {  	[tilespmem:s18+$0xBC30] =	vst v36;
	v24 =	vld.idx.msk [tilespmem:v1+s25+$0x0], $0xffff  }
0x1ee: {  	v37 =	vadd.s32 $0x5A8, v7;
	[tilespmem:s20+$0xBC40] =	vst v20;
	v38 =	vld.idx.msk [tilespmem:v2+s25+$0x0], $0xffff  }
0x1ef: {  	v39 =	vadd.s32 $0x5A8, v8;
	[tilespmem:s24+$0xBC50] =	vst v21;
	v40 =	vld.idx.msk [tilespmem:v3+s25+$0x0], $0xffff  }
0x1f0: {  	v41 =	vadd.s32 $0x5A8, v9;
	[tilespmem:s1+$0xBC60] =	vst v22;
	v42 =	vld.idx.msk [tilespmem:v4+s25+$0x0], $0xffff  }
0x1f1: {  	v43 =	vadd.s32 $0x5A8, v10;
	v44 =	vld.idx.msk [tilespmem:v5+s25+$0x0], $0xffff;
	[tilespmem:s28+$0xBC70] =	vst v23  }
0x1f2: {  	v45 =	vadd.s32 $0x5A8, v11;
	v46 =	vld.idx.msk [tilespmem:v6+s25+$0x0], $0xffff;
	[tilespmem:s14+$0xC020] =	vst v24  }
0x1f3: {  	v47 =	vadd.s32 $0x5A8, v12;
	[tilespmem:s18+$0xC030] =	vst v38;
	v19 =	vld.idx.msk [tilespmem:v37+s22+$0x0], $0xffff  }
0x1f4: {  	v48 =	vor.u32 $0x1, v13;
	[tilespmem:s20+$0xC040] =	vst v40;
	v20 =	vld.idx.msk [tilespmem:v39+s22+$0x0], $0xffff  }
0x1f5: {  	v49 =	vor.u32 $0x1, v14;
	[tilespmem:s24+$0xC050] =	vst v42;
	v21 =	vld.idx.msk [tilespmem:v41+s22+$0x0], $0xffff  }
0x1f6: {  	v50 =	vor.u32 $0x1, v15;
	[tilespmem:s1+$0xC060] =	vst v44;
	v22 =	vld.idx.msk [tilespmem:v43+s22+$0x0], $0xffff  }
0x1f7: {  	v51 =	vor.u32 $0x1, v16;
	[tilespmem:s28+$0xC070] =	vst v46;
	v23 =	vld.idx.msk [tilespmem:v45+s22+$0x0], $0xffff  }
0x1f8: {  	v52 =	vor.u32 $0x1, v17;
	v25 =	vld.idx.msk [tilespmem:v47+s22+$0x0], $0xffff;
	[tilespmem:s14+$0xB8A0] =	vst v19  }
0x1f9: {  	v53 =	vor.u32 $0x1, v18;
	[tilespmem:s18+$0xB8B0] =	vst v20;
	v26 =	vld.idx.msk [tilespmem:v48+s7+$0x0], $0xffff  }
0x1fa: {  	v54 =	vadd.s32 $0x3F0, v1;
	[tilespmem:s20+$0xB8C0] =	vst v21;
	v27 =	vld.idx.msk [tilespmem:v49+s7+$0x0], $0xffff  }
0x1fb: {  	v55 =	vadd.s32 $0x3F0, v2;
	[tilespmem:s24+$0xB8D0] =	vst v22;
	v28 =	vld.idx.msk [tilespmem:v50+s7+$0x0], $0xffff  }
0x1fc: {  	v56 =	vadd.s32 $0x3F0, v3;
	[tilespmem:s1+$0xB8E0] =	vst v23;
	v24 =	vld.idx.msk [tilespmem:v51+s7+$0x0], $0xffff  }
0x1fd: {  	v57 =	vadd.s32 $0x3F0, v4;
	[tilespmem:s28+$0xB8F0] =	vst v25;
	v19 =	vld.idx.msk [tilespmem:v52+s7+$0x0], $0xffff  }
0x1fe: {  	v58 =	vadd.s32 $0x3F0, v5;
	v20 =	vld.idx.msk [tilespmem:v53+s7+$0x0], $0xffff;
	[tilespmem:s14+$0xBCA0] =	vst v26  }
0x1ff: {  	v59 =	vadd.s32 $0x3F0, v6;
	[tilespmem:s18+$0xBCB0] =	vst v27;
	v21 =	vld.idx.msk [tilespmem:v54+s25+$0x0], $0xffff  }
0x200: {  	v60 =	vadd.s32 $0xB50, v7;
	[tilespmem:s20+$0xBCC0] =	vst v28;
	v22 =	vld.idx.msk [tilespmem:v55+s25+$0x0], $0xffff  }
0x201: {  	v61 =	vadd.s32 $0xB50, v8;
	[tilespmem:s24+$0xBCD0] =	vst v24;
	v23 =	vld.idx.msk [tilespmem:v56+s25+$0x0], $0xffff  }
0x202: {  	v62 =	vadd.s32 $0xB50, v9;
	[tilespmem:s1+$0xBCE0] =	vst v19;
	v25 =	vld.idx.msk [tilespmem:v57+s25+$0x0], $0xffff  }
0x203: {  	v63 =	vadd.s32 $0xB50, v10;
	[tilespmem:s28+$0xBCF0] =	vst v20;
	v26 =	vld.idx.msk [tilespmem:v58+s25+$0x0], $0xffff  }
0x204: {  	v32 =	vadd.s32 $0xB50, v11;
	v27 =	vld.idx.msk [tilespmem:v59+s25+$0x0], $0xffff;
	[tilespmem:s14+$0xC0A0] =	vst v21  }
0x205: {  	v33 =	vadd.s32 $0xB50, v12;
	[tilespmem:s18+$0xC0B0] =	vst v22;
	v28 =	vld.idx.msk [tilespmem:v60+s22+$0x0], $0xffff  }
0x206: {  	v34 =	vor.u32 $0x2, v13;
	[tilespmem:s20+$0xC0C0] =	vst v23;
	v24 =	vld.idx.msk [tilespmem:v61+s22+$0x0], $0xffff  }
0x207: {  	v35 =	vor.u32 $0x2, v14;
	[tilespmem:s24+$0xC0D0] =	vst v25;
	v19 =	vld.idx.msk [tilespmem:v62+s22+$0x0], $0xffff  }
0x208: {  	v36 =	vor.u32 $0x2, v15;
	[tilespmem:s1+$0xC0E0] =	vst v26;
	v20 =	vld.idx.msk [tilespmem:v63+s22+$0x0], $0xffff  }
0x209: {  	v37 =	vor.u32 $0x2, v16;
	[tilespmem:s28+$0xC0F0] =	vst v27;
	v21 =	vld.idx.msk [tilespmem:v32+s22+$0x0], $0xffff  }
0x20a: {  	v38 =	vor.u32 $0x2, v17;
	v22 =	vld.idx.msk [tilespmem:v33+s22+$0x0], $0xffff;
	[tilespmem:s14+$0xB920] =	vst v28  }
0x20b: {  	v39 =	vor.u32 $0x2, v18;
	[tilespmem:s18+$0xB930] =	vst v24;
	v23 =	vld.idx.msk [tilespmem:v34+s7+$0x0], $0xffff  }
0x20c: {  	v40 =	vadd.s32 $0x7E0, v1;
	[tilespmem:s20+$0xB940] =	vst v19;
	v25 =	vld.idx.msk [tilespmem:v35+s7+$0x0], $0xffff  }
0x20d: {  	v41 =	vadd.s32 $0x7E0, v2;
	[tilespmem:s24+$0xB950] =	vst v20;
	v26 =	vld.idx.msk [tilespmem:v36+s7+$0x0], $0xffff  }
0x20e: {  	v42 =	vadd.s32 $0x7E0, v3;
	[tilespmem:s1+$0xB960] =	vst v21;
	v27 =	vld.idx.msk [tilespmem:v37+s7+$0x0], $0xffff  }
0x20f: {  	v43 =	vadd.s32 $0x7E0, v4;
	[tilespmem:s28+$0xB970] =	vst v22;
	v28 =	vld.idx.msk [tilespmem:v38+s7+$0x0], $0xffff  }
0x210: {  	v44 =	vadd.s32 $0x7E0, v5;
	v24 =	vld.idx.msk [tilespmem:v39+s7+$0x0], $0xffff;
	[tilespmem:s14+$0xBD20] =	vst v23  }
0x211: {  	v45 =	vadd.s32 $0x7E0, v6;
	[tilespmem:s18+$0xBD30] =	vst v25;
	v19 =	vld.idx.msk [tilespmem:v40+s25+$0x0], $0xffff  }
0x212: {  	v46 =	vadd.s32 $0x10F8, v7;
	[tilespmem:s20+$0xBD40] =	vst v26;
	v20 =	vld.idx.msk [tilespmem:v41+s25+$0x0], $0xffff  }
0x213: {  	v47 =	vadd.s32 $0x10F8, v8;
	[tilespmem:s24+$0xBD50] =	vst v27;
	v21 =	vld.idx.msk [tilespmem:v42+s25+$0x0], $0xffff  }
0x214: {  	v48 =	vadd.s32 $0x10F8, v9;
	[tilespmem:s1+$0xBD60] =	vst v28;
	v22 =	vld.idx.msk [tilespmem:v43+s25+$0x0], $0xffff  }
0x215: {  	v49 =	vadd.s32 $0x10F8, v10;
	[tilespmem:s28+$0xBD70] =	vst v24;
	v23 =	vld.idx.msk [tilespmem:v44+s25+$0x0], $0xffff  }
0x216: {  	v50 =	vadd.s32 $0x10F8, v11;
	v25 =	vld.idx.msk [tilespmem:v45+s25+$0x0], $0xffff;
	[tilespmem:s14+$0xC120] =	vst v19  }
0x217: {  	v51 =	vadd.s32 $0x10F8, v12;
	[tilespmem:s18+$0xC130] =	vst v20;
	v26 =	vld.idx.msk [tilespmem:v46+s22+$0x0], $0xffff  }
0x218: {  	v52 =	vor.u32 $0x3, v13;
	[tilespmem:s20+$0xC140] =	vst v21;
	v27 =	vld.idx.msk [tilespmem:v47+s22+$0x0], $0xffff  }
0x219: {  	v53 =	vor.u32 $0x3, v14;
	[tilespmem:s24+$0xC150] =	vst v22;
	v28 =	vld.idx.msk [tilespmem:v48+s22+$0x0], $0xffff  }
0x21a: {  	v54 =	vor.u32 $0x3, v15;
	[tilespmem:s1+$0xC160] =	vst v23;
	v24 =	vld.idx.msk [tilespmem:v49+s22+$0x0], $0xffff  }
0x21b: {  	v55 =	vor.u32 $0x3, v16;
	[tilespmem:s28+$0xC170] =	vst v25;
	v19 =	vld.idx.msk [tilespmem:v50+s22+$0x0], $0xffff  }
0x21c: {  	v56 =	vor.u32 $0x3, v17;
	v20 =	vld.idx.msk [tilespmem:v51+s22+$0x0], $0xffff;
	[tilespmem:s14+$0xB9A0] =	vst v26  }
0x21d: {  	v57 =	vor.u32 $0x3, v18;
	[tilespmem:s18+$0xB9B0] =	vst v27;
	v21 =	vld.idx.msk [tilespmem:v52+s7+$0x0], $0xffff  }
0x21e: {  	v58 =	vadd.s32 $0xBD0, v1;
	[tilespmem:s20+$0xB9C0] =	vst v28;
	v22 =	vld.idx.msk [tilespmem:v53+s7+$0x0], $0xffff  }
0x21f: {  	v59 =	vadd.s32 $0xBD0, v2;
	[tilespmem:s24+$0xB9D0] =	vst v24;
	v23 =	vld.idx.msk [tilespmem:v54+s7+$0x0], $0xffff  }
0x220: {  	v60 =	vadd.s32 $0xBD0, v3;
	[tilespmem:s1+$0xB9E0] =	vst v19;
	v25 =	vld.idx.msk [tilespmem:v55+s7+$0x0], $0xffff  }
0x221: {  	v61 =	vadd.s32 $0xBD0, v4;
	[tilespmem:s28+$0xB9F0] =	vst v20;
	v26 =	vld.idx.msk [tilespmem:v56+s7+$0x0], $0xffff  }
0x222: {  	v62 =	vadd.s32 $0xBD0, v5;
	v27 =	vld.idx.msk [tilespmem:v57+s7+$0x0], $0xffff;
	[tilespmem:s14+$0xBDA0] =	vst v21  }
0x223: {  	v63 =	vadd.s32 $0xBD0, v6;
	[tilespmem:s18+$0xBDB0] =	vst v22;
	v28 =	vld.idx.msk [tilespmem:v58+s25+$0x0], $0xffff  }
0x224: {  	v32 =	vadd.s32 $0x16A0, v7;
	[tilespmem:s20+$0xBDC0] =	vst v23;
	v24 =	vld.idx.msk [tilespmem:v59+s25+$0x0], $0xffff  }
0x225: {  	v33 =	vadd.s32 $0x16A0, v8;
	[tilespmem:s24+$0xBDD0] =	vst v25;
	v19 =	vld.idx.msk [tilespmem:v60+s25+$0x0], $0xffff  }
0x226: {  	v34 =	vadd.s32 $0x16A0, v9;
	[tilespmem:s1+$0xBDE0] =	vst v26;
	v20 =	vld.idx.msk [tilespmem:v61+s25+$0x0], $0xffff  }
0x227: {  	v35 =	vadd.s32 $0x16A0, v10;
	[tilespmem:s28+$0xBDF0] =	vst v27;
	v21 =	vld.idx.msk [tilespmem:v62+s25+$0x0], $0xffff  }
0x228: {  	v36 =	vadd.s32 $0x16A0, v11;
	v22 =	vld.idx.msk [tilespmem:v63+s25+$0x0], $0xffff;
	[tilespmem:s14+$0xC1A0] =	vst v28  }
0x229: {  	v37 =	vadd.s32 $0x16A0, v12;
	[tilespmem:s18+$0xC1B0] =	vst v24;
	v23 =	vld.idx.msk [tilespmem:v32+s22+$0x0], $0xffff  }
0x22a: {  	v38 =	vor.u32 $0x4, v13;
	[tilespmem:s20+$0xC1C0] =	vst v19;
	v25 =	vld.idx.msk [tilespmem:v33+s22+$0x0], $0xffff  }
0x22b: {  	v39 =	vor.u32 $0x4, v14;
	[tilespmem:s24+$0xC1D0] =	vst v20;
	v26 =	vld.idx.msk [tilespmem:v34+s22+$0x0], $0xffff  }
0x22c: {  	v40 =	vor.u32 $0x4, v15;
	[tilespmem:s1+$0xC1E0] =	vst v21;
	v27 =	vld.idx.msk [tilespmem:v35+s22+$0x0], $0xffff  }
0x22d: {  	v41 =	vor.u32 $0x4, v16;
	[tilespmem:s28+$0xC1F0] =	vst v22;
	v28 =	vld.idx.msk [tilespmem:v36+s22+$0x0], $0xffff  }
0x22e: {  	v42 =	vor.u32 $0x4, v17;
	v24 =	vld.idx.msk [tilespmem:v37+s22+$0x0], $0xffff;
	[tilespmem:s14+$0xBA20] =	vst v23  }
0x22f: {  	v43 =	vor.u32 $0x4, v18;
	[tilespmem:s18+$0xBA30] =	vst v25;
	v19 =	vld.idx.msk [tilespmem:v38+s7+$0x0], $0xffff  }
0x230: {  	v44 =	vadd.s32 $0xFC0, v1;
	[tilespmem:s20+$0xBA40] =	vst v26;
	v20 =	vld.idx.msk [tilespmem:v39+s7+$0x0], $0xffff  }
0x231: {  	v45 =	vadd.s32 $0xFC0, v2;
	[tilespmem:s24+$0xBA50] =	vst v27;
	v21 =	vld.idx.msk [tilespmem:v40+s7+$0x0], $0xffff  }
0x232: {  	v46 =	vadd.s32 $0xFC0, v3;
	[tilespmem:s1+$0xBA60] =	vst v28;
	v22 =	vld.idx.msk [tilespmem:v41+s7+$0x0], $0xffff  }
0x233: {  	v47 =	vadd.s32 $0xFC0, v4;
	[tilespmem:s28+$0xBA70] =	vst v24;
	v23 =	vld.idx.msk [tilespmem:v42+s7+$0x0], $0xffff  }
0x234: {  	v48 =	vadd.s32 $0xFC0, v5;
	v25 =	vld.idx.msk [tilespmem:v43+s7+$0x0], $0xffff;
	[tilespmem:s14+$0xBE20] =	vst v19  }
0x235: {  	v49 =	vadd.s32 $0xFC0, v6;
	[tilespmem:s18+$0xBE30] =	vst v20;
	v26 =	vld.idx.msk [tilespmem:v44+s25+$0x0], $0xffff  }
0x236: {  	v50 =	vadd.s32 $0x1C48, v7;
	[tilespmem:s20+$0xBE40] =	vst v21;
	v27 =	vld.idx.msk [tilespmem:v45+s25+$0x0], $0xffff  }
0x237: {  	v51 =	vadd.s32 $0x1C48, v8;
	[tilespmem:s24+$0xBE50] =	vst v22;
	v28 =	vld.idx.msk [tilespmem:v46+s25+$0x0], $0xffff  }
0x238: {  	v52 =	vadd.s32 $0x1C48, v9;
	[tilespmem:s1+$0xBE60] =	vst v23;
	v24 =	vld.idx.msk [tilespmem:v47+s25+$0x0], $0xffff  }
0x239: {  	v53 =	vadd.s32 $0x1C48, v10;
	[tilespmem:s28+$0xBE70] =	vst v25;
	v19 =	vld.idx.msk [tilespmem:v48+s25+$0x0], $0xffff  }
0x23a: {  	v54 =	vadd.s32 $0x1C48, v11;
	v20 =	vld.idx.msk [tilespmem:v49+s25+$0x0], $0xffff;
	[tilespmem:s14+$0xC220] =	vst v26  }
0x23b: {  	v55 =	vadd.s32 $0x1C48, v12;
	[tilespmem:s18+$0xC230] =	vst v27;
	v21 =	vld.idx.msk [tilespmem:v50+s22+$0x0], $0xffff  }
0x23c: {  	v56 =	vor.u32 $0x5, v13;
	[tilespmem:s20+$0xC240] =	vst v28;
	v22 =	vld.idx.msk [tilespmem:v51+s22+$0x0], $0xffff  }
0x23d: {  	v57 =	vor.u32 $0x5, v14;
	[tilespmem:s24+$0xC250] =	vst v24;
	v23 =	vld.idx.msk [tilespmem:v52+s22+$0x0], $0xffff  }
0x23e: {  	v58 =	vor.u32 $0x5, v15;
	[tilespmem:s1+$0xC260] =	vst v19;
	v25 =	vld.idx.msk [tilespmem:v53+s22+$0x0], $0xffff  }
0x23f: {  	v59 =	vor.u32 $0x5, v16;
	[tilespmem:s28+$0xC270] =	vst v20;
	v26 =	vld.idx.msk [tilespmem:v54+s22+$0x0], $0xffff  }
0x240: {  	v60 =	vor.u32 $0x5, v17;
	v27 =	vld.idx.msk [tilespmem:v55+s22+$0x0], $0xffff;
	[tilespmem:s14+$0xBAA0] =	vst v21  }
0x241: {  	v61 =	vor.u32 $0x5, v18;
	[tilespmem:s18+$0xBAB0] =	vst v22;
	v28 =	vld.idx.msk [tilespmem:v56+s7+$0x0], $0xffff  }
0x242: {  	v62 =	vadd.s32 $0x13B0, v1;
	[tilespmem:s20+$0xBAC0] =	vst v23;
	v24 =	vld.idx.msk [tilespmem:v57+s7+$0x0], $0xffff  }
0x243: {  	v63 =	vadd.s32 $0x13B0, v2;
	[tilespmem:s24+$0xBAD0] =	vst v25;
	v19 =	vld.idx.msk [tilespmem:v58+s7+$0x0], $0xffff  }
0x244: {  	v32 =	vadd.s32 $0x13B0, v3;
	[tilespmem:s1+$0xBAE0] =	vst v26;
	v20 =	vld.idx.msk [tilespmem:v59+s7+$0x0], $0xffff  }
0x245: {  	v33 =	vadd.s32 $0x13B0, v4;
	[tilespmem:s28+$0xBAF0] =	vst v27;
	v21 =	vld.idx.msk [tilespmem:v60+s7+$0x0], $0xffff  }
0x246: {  	v34 =	vadd.s32 $0x13B0, v5;
	v22 =	vld.idx.msk [tilespmem:v61+s7+$0x0], $0xffff;
	[tilespmem:s14+$0xBEA0] =	vst v28  }
0x247: {  	v35 =	vadd.s32 $0x13B0, v6;
	[tilespmem:s18+$0xBEB0] =	vst v24;
	v23 =	vld.idx.msk [tilespmem:v62+s25+$0x0], $0xffff  }
0x248: {  	v36 =	vadd.s32 $0x21F0, v7;
	[tilespmem:s20+$0xBEC0] =	vst v19;
	v25 =	vld.idx.msk [tilespmem:v63+s25+$0x0], $0xffff  }
0x249: {  	v37 =	vadd.s32 $0x21F0, v8;
	[tilespmem:s24+$0xBED0] =	vst v20;
	v26 =	vld.idx.msk [tilespmem:v32+s25+$0x0], $0xffff  }
0x24a: {  	v38 =	vadd.s32 $0x21F0, v9;
	[tilespmem:s1+$0xBEE0] =	vst v21;
	v27 =	vld.idx.msk [tilespmem:v33+s25+$0x0], $0xffff  }
0x24b: {  	v39 =	vadd.s32 $0x21F0, v10;
	[tilespmem:s28+$0xBEF0] =	vst v22;
	v28 =	vld.idx.msk [tilespmem:v34+s25+$0x0], $0xffff  }
0x24c: {  	v40 =	vadd.s32 $0x21F0, v11;
	v24 =	vld.idx.msk [tilespmem:v35+s25+$0x0], $0xffff;
	[tilespmem:s14+$0xC2A0] =	vst v23  }
0x24d: {  	v41 =	vadd.s32 $0x21F0, v12;
	[tilespmem:s18+$0xC2B0] =	vst v25;
	v19 =	vld.idx.msk [tilespmem:v36+s22+$0x0], $0xffff  }
0x24e: {  	v42 =	vor.u32 $0x6, v13;
	[tilespmem:s20+$0xC2C0] =	vst v26;
	v20 =	vld.idx.msk [tilespmem:v37+s22+$0x0], $0xffff  }
0x24f: {  	v43 =	vor.u32 $0x6, v14;
	[tilespmem:s24+$0xC2D0] =	vst v27;
	v21 =	vld.idx.msk [tilespmem:v38+s22+$0x0], $0xffff  }
0x250: {  	v44 =	vor.u32 $0x6, v15;
	[tilespmem:s1+$0xC2E0] =	vst v28;
	v22 =	vld.idx.msk [tilespmem:v39+s22+$0x0], $0xffff  }
0x251: {  	v45 =	vor.u32 $0x6, v16;
	[tilespmem:s28+$0xC2F0] =	vst v24;
	v23 =	vld.idx.msk [tilespmem:v40+s22+$0x0], $0xffff  }
0x252: {  	v46 =	vor.u32 $0x6, v17;
	v25 =	vld.idx.msk [tilespmem:v41+s22+$0x0], $0xffff;
	[tilespmem:s14+$0xBB20] =	vst v19  }
0x253: {  	v47 =	vor.u32 $0x6, v18;
	[tilespmem:s18+$0xBB30] =	vst v20;
	v26 =	vld.idx.msk [tilespmem:v42+s7+$0x0], $0xffff  }
0x254: {  	v48 =	vadd.s32 $0x17A0, v1;
	[tilespmem:s20+$0xBB40] =	vst v21;
	v27 =	vld.idx.msk [tilespmem:v43+s7+$0x0], $0xffff  }
0x255: {  	v49 =	vadd.s32 $0x17A0, v2;
	[tilespmem:s24+$0xBB50] =	vst v22;
	v28 =	vld.idx.msk [tilespmem:v44+s7+$0x0], $0xffff  }
0x256: {  	v50 =	vadd.s32 $0x17A0, v3;
	[tilespmem:s1+$0xBB60] =	vst v23;
	v24 =	vld.idx.msk [tilespmem:v45+s7+$0x0], $0xffff  }
0x257: {  	v51 =	vadd.s32 $0x17A0, v4;
	[tilespmem:s28+$0xBB70] =	vst v25;
	v19 =	vld.idx.msk [tilespmem:v46+s7+$0x0], $0xffff  }
0x258: {  	v52 =	vadd.s32 $0x17A0, v5;
	v20 =	vld.idx.msk [tilespmem:v47+s7+$0x0], $0xffff;
	[tilespmem:s14+$0xBF20] =	vst v26  }
0x259: {  	v53 =	vadd.s32 $0x17A0, v6;
	[tilespmem:s18+$0xBF30] =	vst v27;
	v21 =	vld.idx.msk [tilespmem:v48+s25+$0x0], $0xffff  }
0x25a: {  	v7 =	vadd.s32 $0x2798, v7;
	[tilespmem:s20+$0xBF40] =	vst v28;
	v22 =	vld.idx.msk [tilespmem:v49+s25+$0x0], $0xffff  }
0x25b: {  	v8 =	vadd.s32 $0x2798, v8;
	[tilespmem:s24+$0xBF50] =	vst v24;
	v23 =	vld.idx.msk [tilespmem:v50+s25+$0x0], $0xffff  }
0x25c: {  	v9 =	vadd.s32 $0x2798, v9;
	[tilespmem:s1+$0xBF60] =	vst v19;
	v54 =	vld.idx.msk [tilespmem:v51+s25+$0x0], $0xffff  }
0x25d: {  	v10 =	vadd.s32 $0x2798, v10;
	[tilespmem:s28+$0xBF70] =	vst v20;
	v55 =	vld.idx.msk [tilespmem:v52+s25+$0x0], $0xffff  }
0x25e: {  	v11 =	vadd.s32 $0x2798, v11;
	v56 =	vld.idx.msk [tilespmem:v53+s25+$0x0], $0xffff;
	[tilespmem:s14+$0xC320] =	vst v21  }
0x25f: {  	v12 =	vadd.s32 $0x2798, v12;
	[tilespmem:s18+$0xC330] =	vst v22;
	v7 =	vld.idx.msk [tilespmem:v7+s22+$0x0], $0xffff  }
0x260: {  	v13 =	vor.u32 $0x7, v13;
	[tilespmem:s20+$0xC340] =	vst v23;
	v8 =	vld.idx.msk [tilespmem:v8+s22+$0x0], $0xffff  }
0x261: {  	v14 =	vor.u32 $0x7, v14;
	[tilespmem:s24+$0xC350] =	vst v54;
	v9 =	vld.idx.msk [tilespmem:v9+s22+$0x0], $0xffff  }
0x262: {  	v15 =	vor.u32 $0x7, v15;
	[tilespmem:s1+$0xC360] =	vst v55;
	v10 =	vld.idx.msk [tilespmem:v10+s22+$0x0], $0xffff  }
0x263: {  	v16 =	vor.u32 $0x7, v16;
	[tilespmem:s28+$0xC370] =	vst v56;
	v11 =	vld.idx.msk [tilespmem:v11+s22+$0x0], $0xffff  }
0x264: {  	v57 =	vor.u32 $0x7, v17;
	v12 =	vld.idx.msk [tilespmem:v12+s22+$0x0], $0xffff;
	[tilespmem:s14+$0xBBA0] =	vst v7  }
0x265: {  	v59 =	vor.u32 $0x7, v18;
	[tilespmem:s18+$0xBBB0] =	vst v8;
	v58 =	vld.idx.msk [tilespmem:v13+s7+$0x0], $0xffff  }
0x266: {  	v1 =	vadd.s32 $0x1B90, v1;
	[tilespmem:s20+$0xBBC0] =	vst v9;
	v60 =	vld.idx.msk [tilespmem:v14+s7+$0x0], $0xffff  }
0x267: {  	v2 =	vadd.s32 $0x1B90, v2;
	[tilespmem:s24+$0xBBD0] =	vst v10;
	v61 =	vld.idx.msk [tilespmem:v15+s7+$0x0], $0xffff  }
0x268: {  	v3 =	vadd.s32 $0x1B90, v3;
	[tilespmem:s1+$0xBBE0] =	vst v11;
	v62 =	vld.idx.msk [tilespmem:v16+s7+$0x0], $0xffff  }
0x269: {  	v4 =	vadd.s32 $0x1B90, v4;
	[tilespmem:s28+$0xBBF0] =	vst v12;
	v7 =	vld.idx.msk [tilespmem:v57+s7+$0x0], $0xffff  }
0x26a: {  	v5 =	vadd.s32 $0x1B90, v5;
	v63 =	vld.idx.msk [tilespmem:v59+s7+$0x0], $0xffff;
	[tilespmem:s14+$0xBFA0] =	vst v58  }
0x26b: {  	v6 =	vadd.s32 $0x1B90, v6;
	[tilespmem:s18+$0xBFB0] =	vst v60;
	v1 =	vld.idx.msk [tilespmem:v1+s25+$0x0], $0xffff  }
0x26c: {  	[tilespmem:s20+$0xBFC0] =	vst v61;
	v2 =	vld.idx.msk [tilespmem:v2+s25+$0x0], $0xffff  }
0x26d: {  	[tilespmem:s24+$0xBFD0] =	vst v62;
	v3 =	vld.idx.msk [tilespmem:v3+s25+$0x0], $0xffff  }
0x26e: {  	[tilespmem:s1+$0xBFE0] =	vst v7;
	v4 =	vld.idx.msk [tilespmem:v4+s25+$0x0], $0xffff  }
0x26f: {  	[tilespmem:s28+$0xBFF0] =	vst v63;
	v5 =	vld.idx.msk [tilespmem:v5+s25+$0x0], $0xffff  }
0x270: {  	p0 =	slt.u32 s17, $0x30;
	[tilespmem:s14+$0xC3A0] =	vst v1;
	v1 =	vld.idx.msk [tilespmem:v6+s25+$0x0], $0xffff  }
.Ltmp5:
0x271: {  	[tilespmem:s18+$0xC3B0] =	vst v2;
	(pc) =	sbr.rel @p0 .LBB2_12-.Ltmp5, $4  }
0x272: {  	[tilespmem:s20+$0xC3C0] =	vst v3  }
0x273: {  	[tilespmem:s24+$0xC3D0] =	vst v4  }
0x274: {  	s30 =	sadd.s32 $0x10, s17;
	[tilespmem:s1+$0xC3E0] =	vst v5  }
0x275: {  	s17 =	smov.u32 s30;
	[tilespmem:s28+$0xC3F0] =	vst v1  }
0x276: {  	p0 =	sgt.u32 s16, $0x16  }
.Ltmp6:
0x277: {  	_ = 	snop;
	(pc) =	sbr.rel @p0 .LBB2_16-.Ltmp6, $2  }
0x278: {  	_ =	sdelay $0x2  }
0x279: {  	s1 =	simm.s32 $0xB800  }
.Ltmp7:
0x27a: {  	(pc) =	sbr.rel .LBB2_15-.Ltmp7, $4  }
0x27b: {  	s2 =	simm.s32 $0xF80  }
0x27c: {  	s3 =	simm.s32 $0xF00;
	s12 =	simm.s32 $0xE80;
	s13 =	simm.s32 $0xE00  }
0x27d: {  	s17 =	simm.s32 $0xD80;
	s23 =	simm.s32 $0xD00;
	s28 =	simm.s32 $0xC80  }
0x27e: {  	s30 =	simm.s32 $0xC00;
	s4 =	simm.s32 $0x1400;
	s14 =	simm.s32 $0x400  }
.LBB2_3:
0x27f: {  	p0 =	sne.s32 s16, $0x18  }
.Ltmp8:
0x280: {  	_ = 	snop;
	(pc) =	sbr.rel @p0 .LBB2_5-.Ltmp8, $1  }
0x281: {  	_ =	sdelay $0x3  }
.Ltmp9:
0x282: {  	(pc) =	sbr.rel .LBB2_6-.Ltmp9, $4  }
0x283: {  	_ = 	snop  }
0x284: {  	_ =	swait.ge [sflag:s5], $0x2000  }
0x285: {  	[sflag:s5] =	ssyncset.done $0x0  }
0x286: {  	[sflag:s5] =	ssyncadd.s32 $0xFFFFE000  }
.LBB2_5:
0x287: {  	_ =	swait.ge [sflag:s31], $0x400  }
0x288: {  	[sflag:s31] =	ssyncset.done $0x0  }
0x289: {  	[sflag:s31] =	ssyncadd.s32 $0xFFFFFC00  }
0x28a: {  	_ =	swait.ge [sflag:s31], $0x400  }
0x28b: {  	[sflag:s31] =	ssyncset.done $0x0  }
0x28c: {  	[sflag:s31] =	ssyncadd.s32 $0xFFFFFC00  }
0x28d: {  	_ =	swait.ge [sflag:s31], $0x400  }
0x28e: {  	p0 =	slt.u32 s16, $0x2;
	[sflag:s31] =	ssyncset.done $0x0  }
.Ltmp10:
0x28f: {  	[sflag:s31] =	ssyncadd.s32 $0xFFFFFC00;
	(pc) =	sbr.rel @p0 .LBB2_7-.Ltmp10, $4  }
0x290: {  	_ =	swait.ge [sflag:s5], $0x2000  }
0x291: {  	[sflag:s5] =	ssyncset.done $0x0  }
0x292: {  	s1 =	simm.s32 $0xC00;
	[sflag:s5] =	ssyncadd.s32 $0xFFFFE000  }
0x293: {  	[tilespmem:s7], [sflag:$0x2] =	stream.indirect.gather [hbm4b:s8+s29], $0x8, s1, s29, $0xb8;
	[tilespmem:$0x164C0] =	vst v63  }
.LBB2_6:
0x294: {  	_ =	swait.ge [sflag:s11], $0x6000  }
0x295: {  	[sflag:s11] =	ssyncset.done $0x0  }
0x296: {  	[sflag:s11] =	ssyncadd.s32 $0xFFFFA000  }
.LBB2_7:
0x297: {  	s17 =	simm.s32 $0x0  }
.LBB2_8:
0x298: {  	s23 =	sshll.u32 s17, $0x4  }
0x299: {  	v9 =	vld [tilespmem:s23+$0x0];
	s1 =	sor.u32 $0x10, s23  }
0x29a: {  	s2 =	sor.u32 $0x20, s23;
	v7 =	vld [tilespmem:s1+$0x0]  }
0x29b: {  	s18 =	sor.u32 $0x30, s23;
	v11 =	vld [tilespmem:s2+$0x0]  }
0x29c: {  	s4 =	sor.u32 $0x40, s23;
	v12 =	vld [tilespmem:s18+$0x0]  }
0x29d: {  	v1 =	vmov s23;
	s20 =	sor.u32 $0x50, s23;
	v15 =	vld [tilespmem:s4+$0x0]  }
0x29e: {  	v1 =	vshll.u32 v1, $0x3;
	v2 =	vmov s1;
	v13 =	vld [tilespmem:s20+$0x0]  }
0x29f: {  	v5 =	vor.u32 v0, v1;
	v2 =	vshll.u32 v2, $0x3;
	v1 =	vld [tilespmem:s23+$0x1000]  }
0x2a0: {  	v6 =	vor.u32 v0, v2;
	v2 =	vld [tilespmem:s23+$0x1010]  }
0x2a1: {  	v3 =	vld.idx.msk [tilespmem:v9+s22+$0x0], $0xffff  }
0x2a2: {  	s3 =	sshrl.u32 s17, $0x3;
	v4 =	vld.idx.msk [tilespmem:v7+s22+$0x0], $0xffff  }
0x2a3: {  	s3 =	smul.u32 $0x3000, s3;
	v8 =	vld.idx.msk [tilespmem:v11+s22+$0x0], $0xffff  }
0x2a4: {  	v10 =	vld.idx.msk [tilespmem:v12+s22+$0x0], $0xffff  }
0x2a5: {  	s13 =	sshra.s32 s3, $0x2;
	v21 =	vld.idx.msk [tilespmem:v15+s22+$0x0], $0xffff  }
0x2a6: {  	v18 =	vmov s20;
	v22 =	vld.idx.msk [tilespmem:v13+s22+$0x0], $0xffff;
	[tilespmem:s13+$0x5800] =	vst v3  }
0x2a7: {  	v17 =	vmov s4;
	v52 =	vshll.u32 v18, $0x3;
	v19 =	vld.idx.msk [tilespmem:v5+s0+$0x0], $0xffff  }
0x2a8: {  	v17 =	vshll.u32 v17, $0x3;
	v18 =	vor.u32 v0, v52;
	v3 =	vmov s2;
	[tilespmem:s13+$0x5810] =	vst v4;
	v4 =	vld [tilespmem:s23+$0x1020]  }
0x2a9: {  	v51 =	vmov s18;
	v17 =	vor.u32 v0, v17;
	v3 =	vshll.u32 v3, $0x3;
	[tilespmem:s13+$0x5820] =	vst v8;
	v8 =	vld [tilespmem:s23+$0x1050]  }
0x2aa: {  	v20 =	vld.idx.msk [tilespmem:v6+s0+$0x0], $0xffff;
	v14 =	vor.u32 v0, v3;
	v3 =	vshll.u32 v51, $0x3  }
0x2ab: {  	[tilespmem:s13+$0x5850] =	vst v22;
	v16 =	vor.u32 v0, v3;
	v3 =	vld [tilespmem:s23+$0x1030]  }
0x2ac: {  	[tilespmem:s13+$0x5830] =	vst v10;
	v10 =	vld [tilespmem:s23+$0x1040]  }
0x2ad: {  	v53 =	vld.idx.msk [tilespmem:v18+s0+$0x0], $0xffff;
	[tilespmem:s13+$0x5840] =	vst v21  }
0x2ae: {  	v21 =	vld.idx.msk [tilespmem:v17+s0+$0x0], $0xffff  }
0x2af: {  	[tilespmem:s13+$0x5C00] =	vst v19;
	v23 =	vld.idx.msk [tilespmem:v14+s0+$0x0], $0xffff  }
0x2b0: {  	v54 =	vld.idx.msk [tilespmem:v1+s25+$0x0], $0xffff  }
0x2b1: {  	v55 =	vadd.s32 $0x5A8, v9;
	[tilespmem:s13+$0x5C10] =	vst v20;
	v24 =	vld.idx.msk [tilespmem:v16+s0+$0x0], $0xffff  }
0x2b2: {  	[tilespmem:s13+$0x5C50] =	vst v53;
	v25 =	vld.idx.msk [tilespmem:v2+s25+$0x0], $0xffff  }
0x2b3: {  	v56 =	vadd.s32 $0x5A8, v7;
	[tilespmem:s13+$0x5C40] =	vst v21;
	v60 =	vld.idx.msk [tilespmem:v8+s25+$0x0], $0xffff  }
0x2b4: {  	v61 =	vadd.s32 $0x5A8, v13;
	v28 =	vld.idx.msk [tilespmem:v10+s25+$0x0], $0xffff;
	[tilespmem:s13+$0x5C20] =	vst v23  }
0x2b5: {  	v59 =	vadd.s32 $0x5A8, v15;
	[tilespmem:s13+$0x6000] =	vst v54;
	v26 =	vld.idx.msk [tilespmem:v4+s25+$0x0], $0xffff  }
0x2b6: {  	v57 =	vadd.s32 $0x5A8, v11;
	[tilespmem:s13+$0x5C30] =	vst v24;
	v20 =	vld.idx.msk [tilespmem:v55+s22+$0x0], $0xffff  }
0x2b7: {  	v62 =	vor.u32 $0x1, v5;
	[tilespmem:s13+$0x6010] =	vst v25;
	v27 =	vld.idx.msk [tilespmem:v3+s25+$0x0], $0xffff  }
0x2b8: {  	v58 =	vadd.s32 $0x5A8, v12;
	v23 =	vld.idx.msk [tilespmem:v56+s22+$0x0], $0xffff;
	[tilespmem:s13+$0x6050] =	vst v60  }
0x2b9: {  	v63 =	vor.u32 $0x1, v6;
	v25 =	vld.idx.msk [tilespmem:v61+s22+$0x0], $0xffff;
	[tilespmem:s13+$0x6040] =	vst v28  }
0x2ba: {  	v35 =	vor.u32 $0x1, v18;
	v19 =	vld.idx.msk [tilespmem:v59+s22+$0x0], $0xffff;
	[tilespmem:s13+$0x6020] =	vst v26  }
0x2bb: {  	v34 =	vor.u32 $0x1, v17;
	[tilespmem:s13+$0x5880] =	vst v20;
	v24 =	vld.idx.msk [tilespmem:v57+s22+$0x0], $0xffff  }
0x2bc: {  	v32 =	vor.u32 $0x1, v14;
	[tilespmem:s13+$0x6030] =	vst v27;
	v26 =	vld.idx.msk [tilespmem:v62+s0+$0x0], $0xffff  }
0x2bd: {  	v36 =	vadd.s32 $0x3F0, v1;
	[tilespmem:s13+$0x5890] =	vst v23;
	v21 =	vld.idx.msk [tilespmem:v58+s22+$0x0], $0xffff  }
0x2be: {  	v33 =	vor.u32 $0x1, v16;
	v27 =	vld.idx.msk [tilespmem:v63+s0+$0x0], $0xffff;
	[tilespmem:s13+$0x58D0] =	vst v25  }
0x2bf: {  	v37 =	vadd.s32 $0x3F0, v2;
	v23 =	vld.idx.msk [tilespmem:v35+s0+$0x0], $0xffff;
	[tilespmem:s13+$0x58C0] =	vst v19  }
0x2c0: {  	v41 =	vadd.s32 $0x3F0, v8;
	v20 =	vld.idx.msk [tilespmem:v34+s0+$0x0], $0xffff;
	[tilespmem:s13+$0x58A0] =	vst v24  }
0x2c1: {  	v40 =	vadd.s32 $0x3F0, v10;
	[tilespmem:s13+$0x5C80] =	vst v26;
	v28 =	vld.idx.msk [tilespmem:v32+s0+$0x0], $0xffff  }
0x2c2: {  	v38 =	vadd.s32 $0x3F0, v4;
	[tilespmem:s13+$0x58B0] =	vst v21;
	v24 =	vld.idx.msk [tilespmem:v36+s25+$0x0], $0xffff  }
0x2c3: {  	v42 =	vadd.s32 $0xB50, v9;
	[tilespmem:s13+$0x5C90] =	vst v27;
	v22 =	vld.idx.msk [tilespmem:v33+s0+$0x0], $0xffff  }
0x2c4: {  	v39 =	vadd.s32 $0x3F0, v3;
	v21 =	vld.idx.msk [tilespmem:v37+s25+$0x0], $0xffff;
	[tilespmem:s13+$0x5CD0] =	vst v23  }
0x2c5: {  	v43 =	vadd.s32 $0xB50, v7;
	v27 =	vld.idx.msk [tilespmem:v41+s25+$0x0], $0xffff;
	[tilespmem:s13+$0x5CC0] =	vst v20  }
0x2c6: {  	v47 =	vadd.s32 $0xB50, v13;
	v26 =	vld.idx.msk [tilespmem:v40+s25+$0x0], $0xffff;
	[tilespmem:s13+$0x5CA0] =	vst v28  }
0x2c7: {  	v46 =	vadd.s32 $0xB50, v15;
	[tilespmem:s13+$0x6080] =	vst v24;
	v19 =	vld.idx.msk [tilespmem:v38+s25+$0x0], $0xffff  }
0x2c8: {  	v44 =	vadd.s32 $0xB50, v11;
	[tilespmem:s13+$0x5CB0] =	vst v22;
	v28 =	vld.idx.msk [tilespmem:v42+s22+$0x0], $0xffff  }
0x2c9: {  	v48 =	vor.u32 $0x2, v5;
	[tilespmem:s13+$0x6090] =	vst v21;
	v25 =	vld.idx.msk [tilespmem:v39+s25+$0x0], $0xffff  }
0x2ca: {  	v45 =	vadd.s32 $0xB50, v12;
	v22 =	vld.idx.msk [tilespmem:v43+s22+$0x0], $0xffff;
	[tilespmem:s13+$0x60D0] =	vst v27  }
0x2cb: {  	v49 =	vor.u32 $0x2, v6;
	v21 =	vld.idx.msk [tilespmem:v47+s22+$0x0], $0xffff;
	[tilespmem:s13+$0x60C0] =	vst v26  }
0x2cc: {  	v53 =	vor.u32 $0x2, v18;
	v24 =	vld.idx.msk [tilespmem:v46+s22+$0x0], $0xffff;
	[tilespmem:s13+$0x60A0] =	vst v19  }
0x2cd: {  	v52 =	vor.u32 $0x2, v17;
	[tilespmem:s13+$0x5900] =	vst v28;
	v20 =	vld.idx.msk [tilespmem:v44+s22+$0x0], $0xffff  }
0x2ce: {  	v50 =	vor.u32 $0x2, v14;
	[tilespmem:s13+$0x60B0] =	vst v25;
	v19 =	vld.idx.msk [tilespmem:v48+s0+$0x0], $0xffff  }
0x2cf: {  	v54 =	vadd.s32 $0x7E0, v1;
	[tilespmem:s13+$0x5910] =	vst v22;
	v23 =	vld.idx.msk [tilespmem:v45+s22+$0x0], $0xffff  }
0x2d0: {  	v51 =	vor.u32 $0x2, v16;
	v25 =	vld.idx.msk [tilespmem:v49+s0+$0x0], $0xffff;
	[tilespmem:s13+$0x5950] =	vst v21  }
0x2d1: {  	v55 =	vadd.s32 $0x7E0, v2;
	v22 =	vld.idx.msk [tilespmem:v53+s0+$0x0], $0xffff;
	[tilespmem:s13+$0x5940] =	vst v24  }
0x2d2: {  	v59 =	vadd.s32 $0x7E0, v8;
	v28 =	vld.idx.msk [tilespmem:v52+s0+$0x0], $0xffff;
	[tilespmem:s13+$0x5920] =	vst v20  }
0x2d3: {  	v58 =	vadd.s32 $0x7E0, v10;
	[tilespmem:s13+$0x5D00] =	vst v19;
	v26 =	vld.idx.msk [tilespmem:v50+s0+$0x0], $0xffff  }
0x2d4: {  	v56 =	vadd.s32 $0x7E0, v4;
	[tilespmem:s13+$0x5930] =	vst v23;
	v20 =	vld.idx.msk [tilespmem:v54+s25+$0x0], $0xffff  }
0x2d5: {  	v60 =	vadd.s32 $0x10F8, v9;
	[tilespmem:s13+$0x5D10] =	vst v25;
	v27 =	vld.idx.msk [tilespmem:v51+s0+$0x0], $0xffff  }
0x2d6: {  	v57 =	vadd.s32 $0x7E0, v3;
	v23 =	vld.idx.msk [tilespmem:v55+s25+$0x0], $0xffff;
	[tilespmem:s13+$0x5D50] =	vst v22  }
0x2d7: {  	v61 =	vadd.s32 $0x10F8, v7;
	v25 =	vld.idx.msk [tilespmem:v59+s25+$0x0], $0xffff;
	[tilespmem:s13+$0x5D40] =	vst v28  }
0x2d8: {  	v33 =	vadd.s32 $0x10F8, v13;
	v19 =	vld.idx.msk [tilespmem:v58+s25+$0x0], $0xffff;
	[tilespmem:s13+$0x5D20] =	vst v26  }
0x2d9: {  	v32 =	vadd.s32 $0x10F8, v15;
	[tilespmem:s13+$0x6100] =	vst v20;
	v24 =	vld.idx.msk [tilespmem:v56+s25+$0x0], $0xffff  }
0x2da: {  	v62 =	vadd.s32 $0x10F8, v11;
	[tilespmem:s13+$0x5D30] =	vst v27;
	v26 =	vld.idx.msk [tilespmem:v60+s22+$0x0], $0xffff  }
0x2db: {  	v34 =	vor.u32 $0x3, v5;
	[tilespmem:s13+$0x6110] =	vst v23;
	v21 =	vld.idx.msk [tilespmem:v57+s25+$0x0], $0xffff  }
0x2dc: {  	v63 =	vadd.s32 $0x10F8, v12;
	v27 =	vld.idx.msk [tilespmem:v61+s22+$0x0], $0xffff;
	[tilespmem:s13+$0x6150] =	vst v25  }
0x2dd: {  	v35 =	vor.u32 $0x3, v6;
	v23 =	vld.idx.msk [tilespmem:v33+s22+$0x0], $0xffff;
	[tilespmem:s13+$0x6140] =	vst v19  }
0x2de: {  	v39 =	vor.u32 $0x3, v18;
	v20 =	vld.idx.msk [tilespmem:v32+s22+$0x0], $0xffff;
	[tilespmem:s13+$0x6120] =	vst v24  }
0x2df: {  	v38 =	vor.u32 $0x3, v17;
	[tilespmem:s13+$0x5980] =	vst v26;
	v28 =	vld.idx.msk [tilespmem:v62+s22+$0x0], $0xffff  }
0x2e0: {  	v36 =	vor.u32 $0x3, v14;
	[tilespmem:s13+$0x6130] =	vst v21;
	v24 =	vld.idx.msk [tilespmem:v34+s0+$0x0], $0xffff  }
0x2e1: {  	v40 =	vadd.s32 $0xBD0, v1;
	[tilespmem:s13+$0x5990] =	vst v27;
	v22 =	vld.idx.msk [tilespmem:v63+s22+$0x0], $0xffff  }
0x2e2: {  	v37 =	vor.u32 $0x3, v16;
	v21 =	vld.idx.msk [tilespmem:v35+s0+$0x0], $0xffff;
	[tilespmem:s13+$0x59D0] =	vst v23  }
0x2e3: {  	v41 =	vadd.s32 $0xBD0, v2;
	v27 =	vld.idx.msk [tilespmem:v39+s0+$0x0], $0xffff;
	[tilespmem:s13+$0x59C0] =	vst v20  }
0x2e4: {  	v45 =	vadd.s32 $0xBD0, v8;
	v26 =	vld.idx.msk [tilespmem:v38+s0+$0x0], $0xffff;
	[tilespmem:s13+$0x59A0] =	vst v28  }
0x2e5: {  	v44 =	vadd.s32 $0xBD0, v10;
	[tilespmem:s13+$0x5D80] =	vst v24;
	v19 =	vld.idx.msk [tilespmem:v36+s0+$0x0], $0xffff  }
0x2e6: {  	v42 =	vadd.s32 $0xBD0, v4;
	[tilespmem:s13+$0x59B0] =	vst v22;
	v28 =	vld.idx.msk [tilespmem:v40+s25+$0x0], $0xffff  }
0x2e7: {  	v46 =	vadd.s32 $0x16A0, v9;
	[tilespmem:s13+$0x5D90] =	vst v21;
	v25 =	vld.idx.msk [tilespmem:v37+s0+$0x0], $0xffff  }
0x2e8: {  	v43 =	vadd.s32 $0xBD0, v3;
	v22 =	vld.idx.msk [tilespmem:v41+s25+$0x0], $0xffff;
	[tilespmem:s13+$0x5DD0] =	vst v27  }
0x2e9: {  	v47 =	vadd.s32 $0x16A0, v7;
	v21 =	vld.idx.msk [tilespmem:v45+s25+$0x0], $0xffff;
	[tilespmem:s13+$0x5DC0] =	vst v26  }
0x2ea: {  	v51 =	vadd.s32 $0x16A0, v13;
	v24 =	vld.idx.msk [tilespmem:v44+s25+$0x0], $0xffff;
	[tilespmem:s13+$0x5DA0] =	vst v19  }
0x2eb: {  	v50 =	vadd.s32 $0x16A0, v15;
	[tilespmem:s13+$0x6180] =	vst v28;
	v20 =	vld.idx.msk [tilespmem:v42+s25+$0x0], $0xffff  }
0x2ec: {  	v48 =	vadd.s32 $0x16A0, v11;
	[tilespmem:s13+$0x5DB0] =	vst v25;
	v19 =	vld.idx.msk [tilespmem:v46+s22+$0x0], $0xffff  }
0x2ed: {  	v52 =	vor.u32 $0x4, v5;
	[tilespmem:s13+$0x6190] =	vst v22;
	v23 =	vld.idx.msk [tilespmem:v43+s25+$0x0], $0xffff  }
0x2ee: {  	v49 =	vadd.s32 $0x16A0, v12;
	v25 =	vld.idx.msk [tilespmem:v47+s22+$0x0], $0xffff;
	[tilespmem:s13+$0x61D0] =	vst v21  }
0x2ef: {  	v53 =	vor.u32 $0x4, v6;
	v22 =	vld.idx.msk [tilespmem:v51+s22+$0x0], $0xffff;
	[tilespmem:s13+$0x61C0] =	vst v24  }
0x2f0: {  	v57 =	vor.u32 $0x4, v18;
	v28 =	vld.idx.msk [tilespmem:v50+s22+$0x0], $0xffff;
	[tilespmem:s13+$0x61A0] =	vst v20  }
0x2f1: {  	v56 =	vor.u32 $0x4, v17;
	[tilespmem:s13+$0x5A00] =	vst v19;
	v26 =	vld.idx.msk [tilespmem:v48+s22+$0x0], $0xffff  }
0x2f2: {  	v54 =	vor.u32 $0x4, v14;
	[tilespmem:s13+$0x61B0] =	vst v23;
	v20 =	vld.idx.msk [tilespmem:v52+s0+$0x0], $0xffff  }
0x2f3: {  	v58 =	vadd.s32 $0xFC0, v1;
	[tilespmem:s13+$0x5A10] =	vst v25;
	v27 =	vld.idx.msk [tilespmem:v49+s22+$0x0], $0xffff  }
0x2f4: {  	v55 =	vor.u32 $0x4, v16;
	v23 =	vld.idx.msk [tilespmem:v53+s0+$0x0], $0xffff;
	[tilespmem:s13+$0x5A50] =	vst v22  }
0x2f5: {  	v59 =	vadd.s32 $0xFC0, v2;
	v25 =	vld.idx.msk [tilespmem:v57+s0+$0x0], $0xffff;
	[tilespmem:s13+$0x5A40] =	vst v28  }
0x2f6: {  	v63 =	vadd.s32 $0xFC0, v8;
	v19 =	vld.idx.msk [tilespmem:v56+s0+$0x0], $0xffff;
	[tilespmem:s13+$0x5A20] =	vst v26  }
0x2f7: {  	v62 =	vadd.s32 $0xFC0, v10;
	[tilespmem:s13+$0x5E00] =	vst v20;
	v24 =	vld.idx.msk [tilespmem:v54+s0+$0x0], $0xffff  }
0x2f8: {  	v60 =	vadd.s32 $0xFC0, v4;
	[tilespmem:s13+$0x5A30] =	vst v27;
	v26 =	vld.idx.msk [tilespmem:v58+s25+$0x0], $0xffff  }
0x2f9: {  	v32 =	vadd.s32 $0x1C48, v9;
	[tilespmem:s13+$0x5E10] =	vst v23;
	v21 =	vld.idx.msk [tilespmem:v55+s0+$0x0], $0xffff  }
0x2fa: {  	v61 =	vadd.s32 $0xFC0, v3;
	v27 =	vld.idx.msk [tilespmem:v59+s25+$0x0], $0xffff;
	[tilespmem:s13+$0x5E50] =	vst v25  }
0x2fb: {  	v33 =	vadd.s32 $0x1C48, v7;
	v23 =	vld.idx.msk [tilespmem:v63+s25+$0x0], $0xffff;
	[tilespmem:s13+$0x5E40] =	vst v19  }
0x2fc: {  	v37 =	vadd.s32 $0x1C48, v13;
	v20 =	vld.idx.msk [tilespmem:v62+s25+$0x0], $0xffff;
	[tilespmem:s13+$0x5E20] =	vst v24  }
0x2fd: {  	v36 =	vadd.s32 $0x1C48, v15;
	[tilespmem:s13+$0x6200] =	vst v26;
	v28 =	vld.idx.msk [tilespmem:v60+s25+$0x0], $0xffff  }
0x2fe: {  	v34 =	vadd.s32 $0x1C48, v11;
	[tilespmem:s13+$0x5E30] =	vst v21;
	v24 =	vld.idx.msk [tilespmem:v32+s22+$0x0], $0xffff  }
0x2ff: {  	v38 =	vor.u32 $0x5, v5;
	[tilespmem:s13+$0x6210] =	vst v27;
	v22 =	vld.idx.msk [tilespmem:v61+s25+$0x0], $0xffff  }
0x300: {  	v35 =	vadd.s32 $0x1C48, v12;
	v21 =	vld.idx.msk [tilespmem:v33+s22+$0x0], $0xffff;
	[tilespmem:s13+$0x6250] =	vst v23  }
0x301: {  	v39 =	vor.u32 $0x5, v6;
	v27 =	vld.idx.msk [tilespmem:v37+s22+$0x0], $0xffff;
	[tilespmem:s13+$0x6240] =	vst v20  }
0x302: {  	v43 =	vor.u32 $0x5, v18;
	v26 =	vld.idx.msk [tilespmem:v36+s22+$0x0], $0xffff;
	[tilespmem:s13+$0x6220] =	vst v28  }
0x303: {  	v42 =	vor.u32 $0x5, v17;
	[tilespmem:s13+$0x5A80] =	vst v24;
	v19 =	vld.idx.msk [tilespmem:v34+s22+$0x0], $0xffff  }
0x304: {  	v40 =	vor.u32 $0x5, v14;
	[tilespmem:s13+$0x6230] =	vst v22;
	v28 =	vld.idx.msk [tilespmem:v38+s0+$0x0], $0xffff  }
0x305: {  	v44 =	vadd.s32 $0x13B0, v1;
	[tilespmem:s13+$0x5A90] =	vst v21;
	v25 =	vld.idx.msk [tilespmem:v35+s22+$0x0], $0xffff  }
0x306: {  	v41 =	vor.u32 $0x5, v16;
	v22 =	vld.idx.msk [tilespmem:v39+s0+$0x0], $0xffff;
	[tilespmem:s13+$0x5AD0] =	vst v27  }
0x307: {  	v45 =	vadd.s32 $0x13B0, v2;
	v21 =	vld.idx.msk [tilespmem:v43+s0+$0x0], $0xffff;
	[tilespmem:s13+$0x5AC0] =	vst v26  }
0x308: {  	v49 =	vadd.s32 $0x13B0, v8;
	v24 =	vld.idx.msk [tilespmem:v42+s0+$0x0], $0xffff;
	[tilespmem:s13+$0x5AA0] =	vst v19  }
0x309: {  	v48 =	vadd.s32 $0x13B0, v10;
	[tilespmem:s13+$0x5E80] =	vst v28;
	v20 =	vld.idx.msk [tilespmem:v40+s0+$0x0], $0xffff  }
0x30a: {  	v46 =	vadd.s32 $0x13B0, v4;
	[tilespmem:s13+$0x5AB0] =	vst v25;
	v19 =	vld.idx.msk [tilespmem:v44+s25+$0x0], $0xffff  }
0x30b: {  	v50 =	vadd.s32 $0x21F0, v9;
	[tilespmem:s13+$0x5E90] =	vst v22;
	v23 =	vld.idx.msk [tilespmem:v41+s0+$0x0], $0xffff  }
0x30c: {  	v47 =	vadd.s32 $0x13B0, v3;
	v25 =	vld.idx.msk [tilespmem:v45+s25+$0x0], $0xffff;
	[tilespmem:s13+$0x5ED0] =	vst v21  }
0x30d: {  	v51 =	vadd.s32 $0x21F0, v7;
	v22 =	vld.idx.msk [tilespmem:v49+s25+$0x0], $0xffff;
	[tilespmem:s13+$0x5EC0] =	vst v24  }
0x30e: {  	v55 =	vadd.s32 $0x21F0, v13;
	v28 =	vld.idx.msk [tilespmem:v48+s25+$0x0], $0xffff;
	[tilespmem:s13+$0x5EA0] =	vst v20  }
0x30f: {  	v54 =	vadd.s32 $0x21F0, v15;
	[tilespmem:s13+$0x6280] =	vst v19;
	v26 =	vld.idx.msk [tilespmem:v46+s25+$0x0], $0xffff  }
0x310: {  	v52 =	vadd.s32 $0x21F0, v11;
	[tilespmem:s13+$0x5EB0] =	vst v23;
	v20 =	vld.idx.msk [tilespmem:v50+s22+$0x0], $0xffff  }
0x311: {  	v56 =	vor.u32 $0x6, v5;
	[tilespmem:s13+$0x6290] =	vst v25;
	v27 =	vld.idx.msk [tilespmem:v47+s25+$0x0], $0xffff  }
0x312: {  	v53 =	vadd.s32 $0x21F0, v12;
	v23 =	vld.idx.msk [tilespmem:v51+s22+$0x0], $0xffff;
	[tilespmem:s13+$0x62D0] =	vst v22  }
0x313: {  	v57 =	vor.u32 $0x6, v6;
	v25 =	vld.idx.msk [tilespmem:v55+s22+$0x0], $0xffff;
	[tilespmem:s13+$0x62C0] =	vst v28  }
0x314: {  	v61 =	vor.u32 $0x6, v18;
	v19 =	vld.idx.msk [tilespmem:v54+s22+$0x0], $0xffff;
	[tilespmem:s13+$0x62A0] =	vst v26  }
0x315: {  	v60 =	vor.u32 $0x6, v17;
	[tilespmem:s13+$0x5B00] =	vst v20;
	v24 =	vld.idx.msk [tilespmem:v52+s22+$0x0], $0xffff  }
0x316: {  	v58 =	vor.u32 $0x6, v14;
	[tilespmem:s13+$0x62B0] =	vst v27;
	v26 =	vld.idx.msk [tilespmem:v56+s0+$0x0], $0xffff  }
0x317: {  	v62 =	vadd.s32 $0x17A0, v1;
	[tilespmem:s13+$0x5B10] =	vst v23;
	v21 =	vld.idx.msk [tilespmem:v53+s22+$0x0], $0xffff  }
0x318: {  	v59 =	vor.u32 $0x6, v16;
	v27 =	vld.idx.msk [tilespmem:v57+s0+$0x0], $0xffff;
	[tilespmem:s13+$0x5B50] =	vst v25  }
0x319: {  	v63 =	vadd.s32 $0x17A0, v2;
	v23 =	vld.idx.msk [tilespmem:v61+s0+$0x0], $0xffff;
	[tilespmem:s13+$0x5B40] =	vst v19  }
0x31a: {  	v33 =	vadd.s32 $0x17A0, v8;
	v20 =	vld.idx.msk [tilespmem:v60+s0+$0x0], $0xffff;
	[tilespmem:s13+$0x5B20] =	vst v24  }
0x31b: {  	v32 =	vadd.s32 $0x17A0, v10;
	[tilespmem:s13+$0x5F00] =	vst v26;
	v28 =	vld.idx.msk [tilespmem:v58+s0+$0x0], $0xffff  }
0x31c: {  	v30 =	vadd.s32 $0x17A0, v4;
	[tilespmem:s13+$0x5B30] =	vst v21;
	v24 =	vld.idx.msk [tilespmem:v62+s25+$0x0], $0xffff  }
0x31d: {  	v9 =	vadd.s32 $0x2798, v9;
	[tilespmem:s13+$0x5F10] =	vst v27;
	v22 =	vld.idx.msk [tilespmem:v59+s0+$0x0], $0xffff  }
0x31e: {  	v31 =	vadd.s32 $0x17A0, v3;
	v21 =	vld.idx.msk [tilespmem:v63+s25+$0x0], $0xffff;
	[tilespmem:s13+$0x5F50] =	vst v23  }
0x31f: {  	v7 =	vadd.s32 $0x2798, v7;
	v23 =	vld.idx.msk [tilespmem:v33+s25+$0x0], $0xffff;
	[tilespmem:s13+$0x5F40] =	vst v20  }
0x320: {  	v13 =	vadd.s32 $0x2798, v13;
	v20 =	vld.idx.msk [tilespmem:v32+s25+$0x0], $0xffff;
	[tilespmem:s13+$0x5F20] =	vst v28  }
0x321: {  	v15 =	vadd.s32 $0x2798, v15;
	[tilespmem:s13+$0x6300] =	vst v24;
	v19 =	vld.idx.msk [tilespmem:v30+s25+$0x0], $0xffff  }
0x322: {  	v11 =	vadd.s32 $0x2798, v11;
	[tilespmem:s13+$0x5F30] =	vst v22;
	v9 =	vld.idx.msk [tilespmem:v9+s22+$0x0], $0xffff  }
0x323: {  	v5 =	vor.u32 $0x7, v5;
	[tilespmem:s13+$0x6310] =	vst v21;
	v22 =	vld.idx.msk [tilespmem:v31+s25+$0x0], $0xffff  }
0x324: {  	v12 =	vadd.s32 $0x2798, v12;
	v7 =	vld.idx.msk [tilespmem:v7+s22+$0x0], $0xffff;
	[tilespmem:s13+$0x6350] =	vst v23  }
0x325: {  	v6 =	vor.u32 $0x7, v6;
	v13 =	vld.idx.msk [tilespmem:v13+s22+$0x0], $0xffff;
	[tilespmem:s13+$0x6340] =	vst v20  }
0x326: {  	v35 =	vor.u32 $0x7, v18;
	v15 =	vld.idx.msk [tilespmem:v15+s22+$0x0], $0xffff;
	[tilespmem:s13+$0x6320] =	vst v19  }
0x327: {  	v34 =	vor.u32 $0x7, v17;
	[tilespmem:s13+$0x5B80] =	vst v9;
	v11 =	vld.idx.msk [tilespmem:v11+s22+$0x0], $0xffff  }
0x328: {  	v14 =	vor.u32 $0x7, v14;
	[tilespmem:s13+$0x6330] =	vst v22;
	v5 =	vld.idx.msk [tilespmem:v5+s0+$0x0], $0xffff  }
0x329: {  	v1 =	vadd.s32 $0x1B90, v1;
	[tilespmem:s13+$0x5B90] =	vst v7;
	v12 =	vld.idx.msk [tilespmem:v12+s22+$0x0], $0xffff  }
0x32a: {  	v16 =	vor.u32 $0x7, v16;
	v6 =	vld.idx.msk [tilespmem:v6+s0+$0x0], $0xffff;
	[tilespmem:s13+$0x5BD0] =	vst v13  }
0x32b: {  	v7 =	vld.idx.msk [tilespmem:v35+s0+$0x0], $0xffff;
	[tilespmem:s13+$0x5BC0] =	vst v15  }
0x32c: {  	v2 =	vadd.s32 $0x1B90, v2;
	v9 =	vld.idx.msk [tilespmem:v34+s0+$0x0], $0xffff;
	[tilespmem:s13+$0x5BA0] =	vst v11  }
0x32d: {  	v36 =	vadd.s32 $0x1B90, v10;
	[tilespmem:s13+$0x5F80] =	vst v5;
	v11 =	vld.idx.msk [tilespmem:v14+s0+$0x0], $0xffff  }
0x32e: {  	v37 =	vadd.s32 $0x1B90, v8;
	[tilespmem:s13+$0x5BB0] =	vst v12;
	v1 =	vld.idx.msk [tilespmem:v1+s25+$0x0], $0xffff  }
0x32f: {  	v4 =	vadd.s32 $0x1B90, v4;
	[tilespmem:s13+$0x5F90] =	vst v6;
	v12 =	vld.idx.msk [tilespmem:v16+s0+$0x0], $0xffff  }
0x330: {  	v3 =	vadd.s32 $0x1B90, v3;
	[tilespmem:s13+$0x5FD0] =	vst v7  }
0x331: {  	v2 =	vld.idx.msk [tilespmem:v2+s25+$0x0], $0xffff;
	[tilespmem:s13+$0x5FC0] =	vst v9  }
0x332: {  	v5 =	vld.idx.msk [tilespmem:v36+s25+$0x0], $0xffff;
	[tilespmem:s13+$0x5FA0] =	vst v11  }
0x333: {  	[tilespmem:s13+$0x6380] =	vst v1;
	v1 =	vld.idx.msk [tilespmem:v37+s25+$0x0], $0xffff  }
0x334: {  	v4 =	vld.idx.msk [tilespmem:v4+s25+$0x0], $0xffff;
	[tilespmem:s13+$0x5FB0] =	vst v12  }
0x335: {  	v3 =	vld.idx.msk [tilespmem:v3+s25+$0x0], $0xffff  }
0x336: {  	[tilespmem:s13+$0x6390] =	vst v2  }
0x337: {  	[tilespmem:s13+$0x63C0] =	vst v5  }
0x338: {  	[tilespmem:s13+$0x63D0] =	vst v1  }
0x339: {  	s30 =	sor.u32 $0x9, s17;
	[tilespmem:s13+$0x63A0] =	vst v4  }
0x33a: {  	s21 =	sor.u32 $0x60, s23;
	s14 =	sshrl.u32 s30, $0x3;
	[tilespmem:s13+$0x63B0] =	vst v3  }
0x33b: {  	s28 =	sshll.u32 s14, $0x7;
	v2 =	vld [tilespmem:s21+$0x0]  }
0x33c: {  	s24 =	sor.u32 $0x70, s23;
	v7 =	vld [tilespmem:s28+$0x10]  }
0x33d: {  	s26 =	sor.u32 $0x8, s17;
	v1 =	vld [tilespmem:s24+$0x0]  }
0x33e: {  	s12 =	sshll.u32 s26, $0x4  }
0x33f: {  	v3 =	vld [tilespmem:s12+$0x0]  }
0x340: {  	v38 =	vmov s21  }
0x341: {  	v40 =	vmov s24;
	v4 =	vshll.u32 v38, $0x3  }
0x342: {  	s4 =	sshll.u32 s30, $0x4;
	v5 =	vshll.u32 v40, $0x3;
	v8 =	vor.u32 v0, v4;
	v4 =	vld [tilespmem:s23+$0x1060]  }
0x343: {  	v44 =	vmov s4;
	v9 =	vor.u32 v0, v5;
	v5 =	vld [tilespmem:s23+$0x1070]  }
0x344: {  	s15 =	sshrl.u32 s26, $0x3;
	v45 =	vshll.u32 v44, $0x3;
	v46 =	vld.idx.msk [tilespmem:v7+s22+$0x0], $0xffff  }
0x345: {  	s1 =	smul.u32 $0x3000, s15;
	v11 =	vor.u32 v0, v45;
	v41 =	vld.idx.msk [tilespmem:v1+s22+$0x0], $0xffff  }
0x346: {  	s18 =	smul.u32 $0x3000, s14;
	v42 =	vmov s12;
	v39 =	vld.idx.msk [tilespmem:v2+s22+$0x0], $0xffff  }
0x347: {  	v10 =	vshll.u32 v42, $0x3;
	v43 =	vld.idx.msk [tilespmem:v3+s22+$0x0], $0xffff  }
0x348: {  	s3 =	sshra.s32 s1, $0x2;
	s1 =	sshra.s32 s18, $0x2;
	v10 =	vor.u32 v0, v10;
	v12 =	vld [tilespmem:s28+$0x1010]  }
0x349: {  	v6 =	vld [tilespmem:s12+$0x1000];
	[tilespmem:s1+$0x5810] =	vst v46  }
0x34a: {  	[tilespmem:s13+$0x5870] =	vst v41;
	v13 =	vld.idx.msk [tilespmem:v11+s0+$0x0], $0xffff  }
0x34b: {  	[tilespmem:s13+$0x5860] =	vst v39;
	v48 =	vld.idx.msk [tilespmem:v9+s0+$0x0], $0xffff  }
0x34c: {  	[tilespmem:s3+$0x5800] =	vst v43;
	v47 =	vld.idx.msk [tilespmem:v8+s0+$0x0], $0xffff  }
0x34d: {  	v49 =	vld.idx.msk [tilespmem:v10+s0+$0x0], $0xffff;
	_ =	sdelay $0x1  }
0x34e: {  	[tilespmem:s1+$0x5C10] =	vst v13  }
0x34f: {  	[tilespmem:s13+$0x5C70] =	vst v48;
	v55 =	vld.idx.msk [tilespmem:v12+s25+$0x0], $0xffff  }
0x350: {  	v56 =	vadd.s32 $0x5A8, v7;
	[tilespmem:s13+$0x5C60] =	vst v47;
	v51 =	vld.idx.msk [tilespmem:v5+s25+$0x0], $0xffff  }
0x351: {  	v52 =	vadd.s32 $0x5A8, v1;
	[tilespmem:s3+$0x5C00] =	vst v49;
	v14 =	vld.idx.msk [tilespmem:v4+s25+$0x0], $0xffff  }
0x352: {  	v50 =	vadd.s32 $0x5A8, v2;
	v53 =	vld.idx.msk [tilespmem:v6+s25+$0x0], $0xffff  }
0x353: {  	v54 =	vadd.s32 $0x5A8, v3  }
0x354: {  	[tilespmem:s1+$0x6010] =	vst v55  }
0x355: {  	[tilespmem:s13+$0x6070] =	vst v51;
	v19 =	vld.idx.msk [tilespmem:v56+s22+$0x0], $0xffff  }
0x356: {  	v60 =	vor.u32 $0x1, v11;
	[tilespmem:s13+$0x6060] =	vst v14;
	v16 =	vld.idx.msk [tilespmem:v52+s22+$0x0], $0xffff  }
0x357: {  	v58 =	vor.u32 $0x1, v9;
	[tilespmem:s3+$0x6000] =	vst v53;
	v14 =	vld.idx.msk [tilespmem:v50+s22+$0x0], $0xffff  }
0x358: {  	v57 =	vor.u32 $0x1, v8;
	v13 =	vld.idx.msk [tilespmem:v54+s22+$0x0], $0xffff  }
0x359: {  	v59 =	vor.u32 $0x1, v10  }
0x35a: {  	[tilespmem:s1+$0x5890] =	vst v19  }
0x35b: {  	[tilespmem:s13+$0x58F0] =	vst v16;
	v19 =	vld.idx.msk [tilespmem:v60+s0+$0x0], $0xffff  }
0x35c: {  	v25 =	vadd.s32 $0x3F0, v12;
	[tilespmem:s13+$0x58E0] =	vst v14;
	v16 =	vld.idx.msk [tilespmem:v58+s0+$0x0], $0xffff  }
0x35d: {  	v62 =	vadd.s32 $0x3F0, v5;
	[tilespmem:s3+$0x5880] =	vst v13;
	v14 =	vld.idx.msk [tilespmem:v57+s0+$0x0], $0xffff  }
0x35e: {  	v61 =	vadd.s32 $0x3F0, v4;
	v63 =	vld.idx.msk [tilespmem:v59+s0+$0x0], $0xffff  }
0x35f: {  	v24 =	vadd.s32 $0x3F0, v6  }
0x360: {  	[tilespmem:s1+$0x5C90] =	vst v19  }
0x361: {  	[tilespmem:s13+$0x5CF0] =	vst v16;
	v19 =	vld.idx.msk [tilespmem:v25+s25+$0x0], $0xffff  }
0x362: {  	v29 =	vadd.s32 $0xB50, v7;
	[tilespmem:s13+$0x5CE0] =	vst v14;
	v13 =	vld.idx.msk [tilespmem:v62+s25+$0x0], $0xffff  }
0x363: {  	v27 =	vadd.s32 $0xB50, v1;
	[tilespmem:s3+$0x5C80] =	vst v63;
	v14 =	vld.idx.msk [tilespmem:v61+s25+$0x0], $0xffff  }
0x364: {  	v26 =	vadd.s32 $0xB50, v2;
	v17 =	vld.idx.msk [tilespmem:v24+s25+$0x0], $0xffff  }
0x365: {  	v28 =	vadd.s32 $0xB50, v3  }
0x366: {  	[tilespmem:s1+$0x6090] =	vst v19  }
0x367: {  	[tilespmem:s13+$0x60F0] =	vst v13;
	v19 =	vld.idx.msk [tilespmem:v29+s22+$0x0], $0xffff  }
0x368: {  	v34 =	vor.u32 $0x2, v11;
	[tilespmem:s13+$0x60E0] =	vst v14;
	v31 =	vld.idx.msk [tilespmem:v27+s22+$0x0], $0xffff  }
0x369: {  	v32 =	vor.u32 $0x2, v9;
	[tilespmem:s3+$0x6080] =	vst v17;
	v14 =	vld.idx.msk [tilespmem:v26+s22+$0x0], $0xffff  }
0x36a: {  	v30 =	vor.u32 $0x2, v8;
	v17 =	vld.idx.msk [tilespmem:v28+s22+$0x0], $0xffff  }
0x36b: {  	v33 =	vor.u32 $0x2, v10  }
0x36c: {  	[tilespmem:s1+$0x5910] =	vst v19  }
0x36d: {  	[tilespmem:s13+$0x5970] =	vst v31;
	v19 =	vld.idx.msk [tilespmem:v34+s0+$0x0], $0xffff  }
0x36e: {  	v38 =	vadd.s32 $0x7E0, v12;
	[tilespmem:s13+$0x5960] =	vst v14;
	v15 =	vld.idx.msk [tilespmem:v32+s0+$0x0], $0xffff  }
0x36f: {  	v36 =	vadd.s32 $0x7E0, v5;
	[tilespmem:s3+$0x5900] =	vst v17;
	v13 =	vld.idx.msk [tilespmem:v30+s0+$0x0], $0xffff  }
0x370: {  	v35 =	vadd.s32 $0x7E0, v4;
	v17 =	vld.idx.msk [tilespmem:v33+s0+$0x0], $0xffff  }
0x371: {  	v37 =	vadd.s32 $0x7E0, v6  }
0x372: {  	[tilespmem:s1+$0x5D10] =	vst v19  }
0x373: {  	[tilespmem:s13+$0x5D70] =	vst v15;
	v19 =	vld.idx.msk [tilespmem:v38+s25+$0x0], $0xffff  }
0x374: {  	v42 =	vadd.s32 $0x10F8, v7;
	[tilespmem:s13+$0x5D60] =	vst v13;
	v15 =	vld.idx.msk [tilespmem:v36+s25+$0x0], $0xffff  }
0x375: {  	v40 =	vadd.s32 $0x10F8, v1;
	[tilespmem:s3+$0x5D00] =	vst v17;
	v13 =	vld.idx.msk [tilespmem:v35+s25+$0x0], $0xffff  }
0x376: {  	v39 =	vadd.s32 $0x10F8, v2;
	v17 =	vld.idx.msk [tilespmem:v37+s25+$0x0], $0xffff  }
0x377: {  	v41 =	vadd.s32 $0x10F8, v3  }
0x378: {  	[tilespmem:s1+$0x6110] =	vst v19  }
0x379: {  	[tilespmem:s13+$0x6170] =	vst v15;
	v19 =	vld.idx.msk [tilespmem:v42+s22+$0x0], $0xffff  }
0x37a: {  	v46 =	vor.u32 $0x3, v11;
	[tilespmem:s13+$0x6160] =	vst v13;
	v15 =	vld.idx.msk [tilespmem:v40+s22+$0x0], $0xffff  }
0x37b: {  	v44 =	vor.u32 $0x3, v9;
	[tilespmem:s3+$0x6100] =	vst v17;
	v13 =	vld.idx.msk [tilespmem:v39+s22+$0x0], $0xffff  }
0x37c: {  	v43 =	vor.u32 $0x3, v8;
	v17 =	vld.idx.msk [tilespmem:v41+s22+$0x0], $0xffff  }
0x37d: {  	v45 =	vor.u32 $0x3, v10  }
0x37e: {  	[tilespmem:s1+$0x5990] =	vst v19  }
0x37f: {  	[tilespmem:s13+$0x59F0] =	vst v15;
	v19 =	vld.idx.msk [tilespmem:v46+s0+$0x0], $0xffff  }
0x380: {  	v50 =	vadd.s32 $0xBD0, v12;
	[tilespmem:s13+$0x59E0] =	vst v13;
	v15 =	vld.idx.msk [tilespmem:v44+s0+$0x0], $0xffff  }
0x381: {  	v48 =	vadd.s32 $0xBD0, v5;
	[tilespmem:s3+$0x5980] =	vst v17;
	v13 =	vld.idx.msk [tilespmem:v43+s0+$0x0], $0xffff  }
0x382: {  	v47 =	vadd.s32 $0xBD0, v4;
	v17 =	vld.idx.msk [tilespmem:v45+s0+$0x0], $0xffff  }
0x383: {  	v49 =	vadd.s32 $0xBD0, v6  }
0x384: {  	[tilespmem:s1+$0x5D90] =	vst v19  }
0x385: {  	[tilespmem:s13+$0x5DF0] =	vst v15;
	v19 =	vld.idx.msk [tilespmem:v50+s25+$0x0], $0xffff  }
0x386: {  	v54 =	vadd.s32 $0x16A0, v7;
	[tilespmem:s13+$0x5DE0] =	vst v13;
	v15 =	vld.idx.msk [tilespmem:v48+s25+$0x0], $0xffff  }
0x387: {  	v52 =	vadd.s32 $0x16A0, v1;
	[tilespmem:s3+$0x5D80] =	vst v17;
	v13 =	vld.idx.msk [tilespmem:v47+s25+$0x0], $0xffff  }
0x388: {  	v51 =	vadd.s32 $0x16A0, v2;
	v17 =	vld.idx.msk [tilespmem:v49+s25+$0x0], $0xffff  }
0x389: {  	v53 =	vadd.s32 $0x16A0, v3  }
0x38a: {  	[tilespmem:s1+$0x6190] =	vst v19  }
0x38b: {  	[tilespmem:s13+$0x61F0] =	vst v15;
	v19 =	vld.idx.msk [tilespmem:v54+s22+$0x0], $0xffff  }
0x38c: {  	v58 =	vor.u32 $0x4, v11;
	[tilespmem:s13+$0x61E0] =	vst v13;
	v15 =	vld.idx.msk [tilespmem:v52+s22+$0x0], $0xffff  }
0x38d: {  	v56 =	vor.u32 $0x4, v9;
	[tilespmem:s3+$0x6180] =	vst v17;
	v13 =	vld.idx.msk [tilespmem:v51+s22+$0x0], $0xffff  }
0x38e: {  	v55 =	vor.u32 $0x4, v8;
	v17 =	vld.idx.msk [tilespmem:v53+s22+$0x0], $0xffff  }
0x38f: {  	v57 =	vor.u32 $0x4, v10  }
0x390: {  	[tilespmem:s1+$0x5A10] =	vst v19  }
0x391: {  	[tilespmem:s13+$0x5A70] =	vst v15;
	v19 =	vld.idx.msk [tilespmem:v58+s0+$0x0], $0xffff  }
0x392: {  	v62 =	vadd.s32 $0xFC0, v12;
	[tilespmem:s13+$0x5A60] =	vst v13;
	v15 =	vld.idx.msk [tilespmem:v56+s0+$0x0], $0xffff  }
0x393: {  	v60 =	vadd.s32 $0xFC0, v5;
	[tilespmem:s3+$0x5A00] =	vst v17;
	v13 =	vld.idx.msk [tilespmem:v55+s0+$0x0], $0xffff  }
0x394: {  	v59 =	vadd.s32 $0xFC0, v4;
	v17 =	vld.idx.msk [tilespmem:v57+s0+$0x0], $0xffff  }
0x395: {  	v61 =	vadd.s32 $0xFC0, v6  }
0x396: {  	[tilespmem:s1+$0x5E10] =	vst v19  }
0x397: {  	[tilespmem:s13+$0x5E70] =	vst v15;
	v19 =	vld.idx.msk [tilespmem:v62+s25+$0x0], $0xffff  }
0x398: {  	v26 =	vadd.s32 $0x1C48, v7;
	[tilespmem:s13+$0x5E60] =	vst v13;
	v15 =	vld.idx.msk [tilespmem:v60+s25+$0x0], $0xffff  }
0x399: {  	v24 =	vadd.s32 $0x1C48, v1;
	[tilespmem:s3+$0x5E00] =	vst v17;
	v13 =	vld.idx.msk [tilespmem:v59+s25+$0x0], $0xffff  }
0x39a: {  	v63 =	vadd.s32 $0x1C48, v2;
	v17 =	vld.idx.msk [tilespmem:v61+s25+$0x0], $0xffff  }
0x39b: {  	v25 =	vadd.s32 $0x1C48, v3  }
0x39c: {  	[tilespmem:s1+$0x6210] =	vst v19  }
0x39d: {  	[tilespmem:s13+$0x6270] =	vst v15;
	v19 =	vld.idx.msk [tilespmem:v26+s22+$0x0], $0xffff  }
0x39e: {  	v30 =	vor.u32 $0x5, v11;
	[tilespmem:s13+$0x6260] =	vst v13;
	v15 =	vld.idx.msk [tilespmem:v24+s22+$0x0], $0xffff  }
0x39f: {  	v28 =	vor.u32 $0x5, v9;
	[tilespmem:s3+$0x6200] =	vst v17;
	v13 =	vld.idx.msk [tilespmem:v63+s22+$0x0], $0xffff  }
0x3a0: {  	v27 =	vor.u32 $0x5, v8;
	v17 =	vld.idx.msk [tilespmem:v25+s22+$0x0], $0xffff  }
0x3a1: {  	v29 =	vor.u32 $0x5, v10  }
0x3a2: {  	[tilespmem:s1+$0x5A90] =	vst v19  }
0x3a3: {  	[tilespmem:s13+$0x5AF0] =	vst v15;
	v19 =	vld.idx.msk [tilespmem:v30+s0+$0x0], $0xffff  }
0x3a4: {  	v34 =	vadd.s32 $0x13B0, v12;
	[tilespmem:s13+$0x5AE0] =	vst v13;
	v15 =	vld.idx.msk [tilespmem:v28+s0+$0x0], $0xffff  }
0x3a5: {  	v32 =	vadd.s32 $0x13B0, v5;
	[tilespmem:s3+$0x5A80] =	vst v17;
	v13 =	vld.idx.msk [tilespmem:v27+s0+$0x0], $0xffff  }
0x3a6: {  	v31 =	vadd.s32 $0x13B0, v4;
	v17 =	vld.idx.msk [tilespmem:v29+s0+$0x0], $0xffff  }
0x3a7: {  	v33 =	vadd.s32 $0x13B0, v6  }
0x3a8: {  	[tilespmem:s1+$0x5E90] =	vst v19  }
0x3a9: {  	[tilespmem:s13+$0x5EF0] =	vst v15;
	v19 =	vld.idx.msk [tilespmem:v34+s25+$0x0], $0xffff  }
0x3aa: {  	v38 =	vadd.s32 $0x21F0, v7;
	[tilespmem:s13+$0x5EE0] =	vst v13;
	v15 =	vld.idx.msk [tilespmem:v32+s25+$0x0], $0xffff  }
0x3ab: {  	v36 =	vadd.s32 $0x21F0, v1;
	[tilespmem:s3+$0x5E80] =	vst v17;
	v13 =	vld.idx.msk [tilespmem:v31+s25+$0x0], $0xffff  }
0x3ac: {  	v35 =	vadd.s32 $0x21F0, v2;
	v17 =	vld.idx.msk [tilespmem:v33+s25+$0x0], $0xffff  }
0x3ad: {  	v37 =	vadd.s32 $0x21F0, v3  }
0x3ae: {  	[tilespmem:s1+$0x6290] =	vst v19  }
0x3af: {  	[tilespmem:s13+$0x62F0] =	vst v15;
	v19 =	vld.idx.msk [tilespmem:v38+s22+$0x0], $0xffff  }
0x3b0: {  	v42 =	vor.u32 $0x6, v11;
	[tilespmem:s13+$0x62E0] =	vst v13;
	v15 =	vld.idx.msk [tilespmem:v36+s22+$0x0], $0xffff  }
0x3b1: {  	v40 =	vor.u32 $0x6, v9;
	[tilespmem:s3+$0x6280] =	vst v17;
	v13 =	vld.idx.msk [tilespmem:v35+s22+$0x0], $0xffff  }
0x3b2: {  	v39 =	vor.u32 $0x6, v8;
	v17 =	vld.idx.msk [tilespmem:v37+s22+$0x0], $0xffff  }
0x3b3: {  	v41 =	vor.u32 $0x6, v10  }
0x3b4: {  	[tilespmem:s1+$0x5B10] =	vst v19  }
0x3b5: {  	[tilespmem:s13+$0x5B70] =	vst v15;
	v19 =	vld.idx.msk [tilespmem:v42+s0+$0x0], $0xffff  }
0x3b6: {  	v46 =	vadd.s32 $0x17A0, v12;
	[tilespmem:s13+$0x5B60] =	vst v13;
	v15 =	vld.idx.msk [tilespmem:v40+s0+$0x0], $0xffff  }
0x3b7: {  	v44 =	vadd.s32 $0x17A0, v5;
	[tilespmem:s3+$0x5B00] =	vst v17;
	v13 =	vld.idx.msk [tilespmem:v39+s0+$0x0], $0xffff  }
0x3b8: {  	v43 =	vadd.s32 $0x17A0, v4;
	v17 =	vld.idx.msk [tilespmem:v41+s0+$0x0], $0xffff  }
0x3b9: {  	v45 =	vadd.s32 $0x17A0, v6  }
0x3ba: {  	[tilespmem:s1+$0x5F10] =	vst v19  }
0x3bb: {  	[tilespmem:s13+$0x5F70] =	vst v15;
	v49 =	vld.idx.msk [tilespmem:v46+s25+$0x0], $0xffff  }
0x3bc: {  	v7 =	vadd.s32 $0x2798, v7;
	[tilespmem:s13+$0x5F60] =	vst v13;
	v47 =	vld.idx.msk [tilespmem:v44+s25+$0x0], $0xffff  }
0x3bd: {  	v1 =	vadd.s32 $0x2798, v1;
	[tilespmem:s3+$0x5F00] =	vst v17;
	v13 =	vld.idx.msk [tilespmem:v43+s25+$0x0], $0xffff  }
0x3be: {  	v2 =	vadd.s32 $0x2798, v2;
	v48 =	vld.idx.msk [tilespmem:v45+s25+$0x0], $0xffff  }
0x3bf: {  	v3 =	vadd.s32 $0x2798, v3  }
0x3c0: {  	[tilespmem:s1+$0x6310] =	vst v49  }
0x3c1: {  	[tilespmem:s13+$0x6370] =	vst v47;
	v7 =	vld.idx.msk [tilespmem:v7+s22+$0x0], $0xffff  }
0x3c2: {  	[tilespmem:s13+$0x6360] =	vst v13;
	v1 =	vld.idx.msk [tilespmem:v1+s22+$0x0], $0xffff  }
0x3c3: {  	s4 =	sor.u32 $0xA, s17;
	[tilespmem:s3+$0x6300] =	vst v48;
	v2 =	vld.idx.msk [tilespmem:v2+s22+$0x0], $0xffff  }
0x3c4: {  	s14 =	sshrl.u32 s4, $0x3;
	v3 =	vld.idx.msk [tilespmem:v3+s22+$0x0], $0xffff  }
0x3c5: {  	s20 =	sshll.u32 s14, $0x7;
	s23 =	sor.u32 $0xB, s17;
	v8 =	vor.u32 $0x7, v8  }
0x3c6: {  	s15 =	sor.u32 $0xC, s17;
	s28 =	sshrl.u32 s23, $0x3;
	v9 =	vor.u32 $0x7, v9;
	[tilespmem:s1+$0x5B90] =	vst v7;
	v7 =	vld [tilespmem:s20+$0x20]  }
0x3c7: {  	s18 =	sshrl.u32 s15, $0x3;
	s21 =	sshll.u32 s28, $0x7;
	v10 =	vor.u32 $0x7, v10;
	[tilespmem:s13+$0x5BF0] =	vst v1;
	v1 =	vld [tilespmem:s20+$0x1020]  }
0x3c8: {  	s24 =	sshll.u32 s18, $0x7;
	v11 =	vor.u32 $0x7, v11;
	[tilespmem:s13+$0x5BE0] =	vst v2;
	v2 =	vld [tilespmem:s21+$0x1030]  }
0x3c9: {  	[tilespmem:s3+$0x5B80] =	vst v3;
	v3 =	vld [tilespmem:s24+$0x1040]  }
0x3ca: {  	v13 =	vld.idx.msk [tilespmem:v8+s0+$0x0], $0xffff  }
0x3cb: {  	v14 =	vld.idx.msk [tilespmem:v9+s0+$0x0], $0xffff  }
0x3cc: {  	v15 =	vld.idx.msk [tilespmem:v10+s0+$0x0], $0xffff  }
0x3cd: {  	s20 =	sor.u32 $0xD, s17;
	v16 =	vld.idx.msk [tilespmem:v11+s0+$0x0], $0xffff  }
0x3ce: {  	v8 =	vld [tilespmem:s21+$0x30];
	s30 =	sshrl.u32 s20, $0x3  }
0x3cf: {  	v9 =	vld [tilespmem:s24+$0x40];
	s21 =	sor.u32 $0xE, s17;
	s26 =	sshll.u32 s30, $0x7  }
0x3d0: {  	s12 =	sshrl.u32 s21, $0x3;
	v10 =	vld [tilespmem:s26+$0x50]  }
0x3d1: {  	v50 =	vadd.s32 $0x1B90, v4;
	v4 =	vld [tilespmem:s26+$0x1050];
	s24 =	sshll.u32 s12, $0x7;
	s26 =	sor.u32 $0xF, s17  }
0x3d2: {  	v51 =	vadd.s32 $0x1B90, v5;
	v11 =	vld [tilespmem:s24+$0x60];
	s2 =	sshrl.u32 s26, $0x3  }
0x3d3: {  	v52 =	vadd.s32 $0x1B90, v6;
	v5 =	vld [tilespmem:s24+$0x1060];
	s24 =	sshll.u32 s2, $0x7  }
0x3d4: {  	v53 =	vadd.s32 $0x1B90, v12;
	v12 =	vld [tilespmem:s24+$0x70]  }
0x3d5: {  	v6 =	vld [tilespmem:s24+$0x1070];
	[tilespmem:s13+$0x5FE0] =	vst v13  }
0x3d6: {  	[tilespmem:s13+$0x5FF0] =	vst v14;
	v13 =	vld.idx.msk [tilespmem:v50+s25+$0x0], $0xffff  }
0x3d7: {  	[tilespmem:s3+$0x5F80] =	vst v15;
	v14 =	vld.idx.msk [tilespmem:v51+s25+$0x0], $0xffff  }
0x3d8: {  	s4 =	sshll.u32 s4, $0x4;
	[tilespmem:s1+$0x5F90] =	vst v16;
	v15 =	vld.idx.msk [tilespmem:v52+s25+$0x0], $0xffff  }
0x3d9: {  	s23 =	sshll.u32 s23, $0x4;
	v54 =	vmov s4;
	v55 =	vld.idx.msk [tilespmem:v53+s25+$0x0], $0xffff  }
0x3da: {  	v56 =	vmov s23;
	v16 =	vshll.u32 v54, $0x3;
	s24 =	sshll.u32 s15, $0x4;
	v57 =	vld.idx.msk [tilespmem:v7+s22+$0x0], $0xffff  }
0x3db: {  	v59 =	vshll.u32 v56, $0x3;
	s15 =	sshll.u32 s20, $0x4;
	v58 =	vmov s24;
	v60 =	vld.idx.msk [tilespmem:v8+s22+$0x0], $0xffff;
	[tilespmem:s13+$0x63E0] =	vst v13;
	v13 =	vor.u32 v0, v16  }
0x3dc: {  	s23 =	sshll.u32 s21, $0x4;
	s20 =	smul.u32 $0x3000, s14;
	v61 =	vmov s15;
	v62 =	vshll.u32 v58, $0x3;
	v63 =	vld.idx.msk [tilespmem:v9+s22+$0x0], $0xffff;
	[tilespmem:s13+$0x63F0] =	vst v14;
	v14 =	vor.u32 v0, v59  }
0x3dd: {  	v27 =	vmov s23;
	s24 =	smul.u32 $0x3000, s28;
	s28 =	sshll.u32 s26, $0x4;
	v28 =	vshll.u32 v61, $0x3;
	v29 =	vld.idx.msk [tilespmem:v10+s22+$0x0], $0xffff;
	[tilespmem:s3+$0x6380] =	vst v15;
	v15 =	vor.u32 v0, v62  }
0x3de: {  	v31 =	vshll.u32 v27, $0x3;
	s15 =	smul.u32 $0x3000, s18;
	v30 =	vmov s28;
	s14 =	sshra.s32 s20, $0x2;
	[tilespmem:s1+$0x6390] =	vst v55;
	v16 =	vor.u32 v0, v28;
	v32 =	vld.idx.msk [tilespmem:v11+s22+$0x0], $0xffff  }
0x3df: {  	v17 =	vor.u32 v0, v31;
	s20 =	smul.u32 $0x3000, s30;
	s18 =	sshra.s32 s24, $0x2;
	v33 =	vshll.u32 v30, $0x3;
	[tilespmem:s14+$0x5820] =	vst v57;
	v34 =	vld.idx.msk [tilespmem:v12+s22+$0x0], $0xffff  }
0x3e0: {  	s21 =	sshra.s32 s15, $0x2;
	s24 =	smul.u32 $0x3000, s12;
	v18 =	vor.u32 v0, v33;
	[tilespmem:s18+$0x5830] =	vst v60;
	v35 =	vld.idx.msk [tilespmem:v13+s0+$0x0], $0xffff  }
0x3e1: {  	s2 =	smul.u32 $0x3000, s2;
	s26 =	sshra.s32 s20, $0x2;
	[tilespmem:s21+$0x5840] =	vst v63;
	v36 =	vld.idx.msk [tilespmem:v14+s0+$0x0], $0xffff  }
0x3e2: {  	s1 =	sshra.s32 s24, $0x2;
	[tilespmem:s26+$0x5850] =	vst v29;
	v20 =	vld.idx.msk [tilespmem:v15+s0+$0x0], $0xffff  }
0x3e3: {  	s28 =	sshra.s32 s2, $0x2;
	v21 =	vld.idx.msk [tilespmem:v16+s0+$0x0], $0xffff;
	[tilespmem:s1+$0x5860] =	vst v32  }
0x3e4: {  	v22 =	vld.idx.msk [tilespmem:v17+s0+$0x0], $0xffff;
	[tilespmem:s28+$0x5870] =	vst v34  }
0x3e5: {  	v23 =	vld.idx.msk [tilespmem:v18+s0+$0x0], $0xffff;
	[tilespmem:s14+$0x5C20] =	vst v35  }
0x3e6: {  	[tilespmem:s18+$0x5C30] =	vst v36;
	v24 =	vld.idx.msk [tilespmem:v1+s25+$0x0], $0xffff  }
0x3e7: {  	v37 =	vadd.s32 $0x5A8, v7;
	[tilespmem:s21+$0x5C40] =	vst v20;
	v38 =	vld.idx.msk [tilespmem:v2+s25+$0x0], $0xffff  }
0x3e8: {  	v39 =	vadd.s32 $0x5A8, v8;
	[tilespmem:s26+$0x5C50] =	vst v21;
	v40 =	vld.idx.msk [tilespmem:v3+s25+$0x0], $0xffff  }
0x3e9: {  	v41 =	vadd.s32 $0x5A8, v9;
	v42 =	vld.idx.msk [tilespmem:v4+s25+$0x0], $0xffff;
	[tilespmem:s1+$0x5C60] =	vst v22  }
0x3ea: {  	v43 =	vadd.s32 $0x5A8, v10;
	v44 =	vld.idx.msk [tilespmem:v5+s25+$0x0], $0xffff;
	[tilespmem:s28+$0x5C70] =	vst v23  }
0x3eb: {  	v45 =	vadd.s32 $0x5A8, v11;
	v46 =	vld.idx.msk [tilespmem:v6+s25+$0x0], $0xffff;
	[tilespmem:s14+$0x6020] =	vst v24  }
0x3ec: {  	v47 =	vadd.s32 $0x5A8, v12;
	[tilespmem:s18+$0x6030] =	vst v38;
	v19 =	vld.idx.msk [tilespmem:v37+s22+$0x0], $0xffff  }
0x3ed: {  	v48 =	vor.u32 $0x1, v13;
	[tilespmem:s21+$0x6040] =	vst v40;
	v20 =	vld.idx.msk [tilespmem:v39+s22+$0x0], $0xffff  }
0x3ee: {  	v49 =	vor.u32 $0x1, v14;
	[tilespmem:s26+$0x6050] =	vst v42;
	v21 =	vld.idx.msk [tilespmem:v41+s22+$0x0], $0xffff  }
0x3ef: {  	v50 =	vor.u32 $0x1, v15;
	[tilespmem:s1+$0x6060] =	vst v44;
	v22 =	vld.idx.msk [tilespmem:v43+s22+$0x0], $0xffff  }
0x3f0: {  	v51 =	vor.u32 $0x1, v16;
	v23 =	vld.idx.msk [tilespmem:v45+s22+$0x0], $0xffff;
	[tilespmem:s28+$0x6070] =	vst v46  }
0x3f1: {  	v52 =	vor.u32 $0x1, v17;
	v25 =	vld.idx.msk [tilespmem:v47+s22+$0x0], $0xffff;
	[tilespmem:s14+$0x58A0] =	vst v19  }
0x3f2: {  	v53 =	vor.u32 $0x1, v18;
	[tilespmem:s18+$0x58B0] =	vst v20;
	v26 =	vld.idx.msk [tilespmem:v48+s0+$0x0], $0xffff  }
0x3f3: {  	v54 =	vadd.s32 $0x3F0, v1;
	[tilespmem:s21+$0x58C0] =	vst v21;
	v27 =	vld.idx.msk [tilespmem:v49+s0+$0x0], $0xffff  }
0x3f4: {  	v55 =	vadd.s32 $0x3F0, v2;
	[tilespmem:s26+$0x58D0] =	vst v22;
	v28 =	vld.idx.msk [tilespmem:v50+s0+$0x0], $0xffff  }
0x3f5: {  	v56 =	vadd.s32 $0x3F0, v3;
	[tilespmem:s1+$0x58E0] =	vst v23;
	v24 =	vld.idx.msk [tilespmem:v51+s0+$0x0], $0xffff  }
0x3f6: {  	v57 =	vadd.s32 $0x3F0, v4;
	v19 =	vld.idx.msk [tilespmem:v52+s0+$0x0], $0xffff;
	[tilespmem:s28+$0x58F0] =	vst v25  }
0x3f7: {  	v58 =	vadd.s32 $0x3F0, v5;
	v20 =	vld.idx.msk [tilespmem:v53+s0+$0x0], $0xffff;
	[tilespmem:s14+$0x5CA0] =	vst v26  }
0x3f8: {  	v59 =	vadd.s32 $0x3F0, v6;
	[tilespmem:s18+$0x5CB0] =	vst v27;
	v21 =	vld.idx.msk [tilespmem:v54+s25+$0x0], $0xffff  }
0x3f9: {  	v60 =	vadd.s32 $0xB50, v7;
	[tilespmem:s21+$0x5CC0] =	vst v28;
	v22 =	vld.idx.msk [tilespmem:v55+s25+$0x0], $0xffff  }
0x3fa: {  	v61 =	vadd.s32 $0xB50, v8;
	[tilespmem:s26+$0x5CD0] =	vst v24;
	v23 =	vld.idx.msk [tilespmem:v56+s25+$0x0], $0xffff  }
0x3fb: {  	v62 =	vadd.s32 $0xB50, v9;
	[tilespmem:s1+$0x5CE0] =	vst v19;
	v25 =	vld.idx.msk [tilespmem:v57+s25+$0x0], $0xffff  }
0x3fc: {  	v63 =	vadd.s32 $0xB50, v10;
	v26 =	vld.idx.msk [tilespmem:v58+s25+$0x0], $0xffff;
	[tilespmem:s28+$0x5CF0] =	vst v20  }
0x3fd: {  	v32 =	vadd.s32 $0xB50, v11;
	v27 =	vld.idx.msk [tilespmem:v59+s25+$0x0], $0xffff;
	[tilespmem:s14+$0x60A0] =	vst v21  }
0x3fe: {  	v33 =	vadd.s32 $0xB50, v12;
	[tilespmem:s18+$0x60B0] =	vst v22;
	v28 =	vld.idx.msk [tilespmem:v60+s22+$0x0], $0xffff  }
0x3ff: {  	v34 =	vor.u32 $0x2, v13;
	[tilespmem:s21+$0x60C0] =	vst v23;
	v24 =	vld.idx.msk [tilespmem:v61+s22+$0x0], $0xffff  }
0x400: {  	v35 =	vor.u32 $0x2, v14;
	[tilespmem:s26+$0x60D0] =	vst v25;
	v19 =	vld.idx.msk [tilespmem:v62+s22+$0x0], $0xffff  }
0x401: {  	v36 =	vor.u32 $0x2, v15;
	[tilespmem:s1+$0x60E0] =	vst v26;
	v20 =	vld.idx.msk [tilespmem:v63+s22+$0x0], $0xffff  }
0x402: {  	v37 =	vor.u32 $0x2, v16;
	v21 =	vld.idx.msk [tilespmem:v32+s22+$0x0], $0xffff;
	[tilespmem:s28+$0x60F0] =	vst v27  }
0x403: {  	v38 =	vor.u32 $0x2, v17;
	v22 =	vld.idx.msk [tilespmem:v33+s22+$0x0], $0xffff;
	[tilespmem:s14+$0x5920] =	vst v28  }
0x404: {  	v39 =	vor.u32 $0x2, v18;
	[tilespmem:s18+$0x5930] =	vst v24;
	v23 =	vld.idx.msk [tilespmem:v34+s0+$0x0], $0xffff  }
0x405: {  	v40 =	vadd.s32 $0x7E0, v1;
	[tilespmem:s21+$0x5940] =	vst v19;
	v25 =	vld.idx.msk [tilespmem:v35+s0+$0x0], $0xffff  }
0x406: {  	v41 =	vadd.s32 $0x7E0, v2;
	[tilespmem:s26+$0x5950] =	vst v20;
	v26 =	vld.idx.msk [tilespmem:v36+s0+$0x0], $0xffff  }
0x407: {  	v42 =	vadd.s32 $0x7E0, v3;
	[tilespmem:s1+$0x5960] =	vst v21;
	v27 =	vld.idx.msk [tilespmem:v37+s0+$0x0], $0xffff  }
0x408: {  	v43 =	vadd.s32 $0x7E0, v4;
	v28 =	vld.idx.msk [tilespmem:v38+s0+$0x0], $0xffff;
	[tilespmem:s28+$0x5970] =	vst v22  }
0x409: {  	v44 =	vadd.s32 $0x7E0, v5;
	v24 =	vld.idx.msk [tilespmem:v39+s0+$0x0], $0xffff;
	[tilespmem:s14+$0x5D20] =	vst v23  }
0x40a: {  	v45 =	vadd.s32 $0x7E0, v6;
	[tilespmem:s18+$0x5D30] =	vst v25;
	v19 =	vld.idx.msk [tilespmem:v40+s25+$0x0], $0xffff  }
0x40b: {  	v46 =	vadd.s32 $0x10F8, v7;
	[tilespmem:s21+$0x5D40] =	vst v26;
	v20 =	vld.idx.msk [tilespmem:v41+s25+$0x0], $0xffff  }
0x40c: {  	v47 =	vadd.s32 $0x10F8, v8;
	[tilespmem:s26+$0x5D50] =	vst v27;
	v21 =	vld.idx.msk [tilespmem:v42+s25+$0x0], $0xffff  }
0x40d: {  	v48 =	vadd.s32 $0x10F8, v9;
	[tilespmem:s1+$0x5D60] =	vst v28;
	v22 =	vld.idx.msk [tilespmem:v43+s25+$0x0], $0xffff  }
0x40e: {  	v49 =	vadd.s32 $0x10F8, v10;
	v23 =	vld.idx.msk [tilespmem:v44+s25+$0x0], $0xffff;
	[tilespmem:s28+$0x5D70] =	vst v24  }
0x40f: {  	v50 =	vadd.s32 $0x10F8, v11;
	v25 =	vld.idx.msk [tilespmem:v45+s25+$0x0], $0xffff;
	[tilespmem:s14+$0x6120] =	vst v19  }
0x410: {  	v51 =	vadd.s32 $0x10F8, v12;
	[tilespmem:s18+$0x6130] =	vst v20;
	v26 =	vld.idx.msk [tilespmem:v46+s22+$0x0], $0xffff  }
0x411: {  	v52 =	vor.u32 $0x3, v13;
	[tilespmem:s21+$0x6140] =	vst v21;
	v27 =	vld.idx.msk [tilespmem:v47+s22+$0x0], $0xffff  }
0x412: {  	v53 =	vor.u32 $0x3, v14;
	[tilespmem:s26+$0x6150] =	vst v22;
	v28 =	vld.idx.msk [tilespmem:v48+s22+$0x0], $0xffff  }
0x413: {  	v54 =	vor.u32 $0x3, v15;
	[tilespmem:s1+$0x6160] =	vst v23;
	v24 =	vld.idx.msk [tilespmem:v49+s22+$0x0], $0xffff  }
0x414: {  	v55 =	vor.u32 $0x3, v16;
	v19 =	vld.idx.msk [tilespmem:v50+s22+$0x0], $0xffff;
	[tilespmem:s28+$0x6170] =	vst v25  }
0x415: {  	v56 =	vor.u32 $0x3, v17;
	v20 =	vld.idx.msk [tilespmem:v51+s22+$0x0], $0xffff;
	[tilespmem:s14+$0x59A0] =	vst v26  }
0x416: {  	v57 =	vor.u32 $0x3, v18;
	[tilespmem:s18+$0x59B0] =	vst v27;
	v21 =	vld.idx.msk [tilespmem:v52+s0+$0x0], $0xffff  }
0x417: {  	v58 =	vadd.s32 $0xBD0, v1;
	[tilespmem:s21+$0x59C0] =	vst v28;
	v22 =	vld.idx.msk [tilespmem:v53+s0+$0x0], $0xffff  }
0x418: {  	v59 =	vadd.s32 $0xBD0, v2;
	[tilespmem:s26+$0x59D0] =	vst v24;
	v23 =	vld.idx.msk [tilespmem:v54+s0+$0x0], $0xffff  }
0x419: {  	v60 =	vadd.s32 $0xBD0, v3;
	[tilespmem:s1+$0x59E0] =	vst v19;
	v25 =	vld.idx.msk [tilespmem:v55+s0+$0x0], $0xffff  }
0x41a: {  	v61 =	vadd.s32 $0xBD0, v4;
	v26 =	vld.idx.msk [tilespmem:v56+s0+$0x0], $0xffff;
	[tilespmem:s28+$0x59F0] =	vst v20  }
0x41b: {  	v62 =	vadd.s32 $0xBD0, v5;
	v27 =	vld.idx.msk [tilespmem:v57+s0+$0x0], $0xffff;
	[tilespmem:s14+$0x5DA0] =	vst v21  }
0x41c: {  	v63 =	vadd.s32 $0xBD0, v6;
	[tilespmem:s18+$0x5DB0] =	vst v22;
	v28 =	vld.idx.msk [tilespmem:v58+s25+$0x0], $0xffff  }
0x41d: {  	v32 =	vadd.s32 $0x16A0, v7;
	[tilespmem:s21+$0x5DC0] =	vst v23;
	v24 =	vld.idx.msk [tilespmem:v59+s25+$0x0], $0xffff  }
0x41e: {  	v33 =	vadd.s32 $0x16A0, v8;
	[tilespmem:s26+$0x5DD0] =	vst v25;
	v19 =	vld.idx.msk [tilespmem:v60+s25+$0x0], $0xffff  }
0x41f: {  	v34 =	vadd.s32 $0x16A0, v9;
	[tilespmem:s1+$0x5DE0] =	vst v26;
	v20 =	vld.idx.msk [tilespmem:v61+s25+$0x0], $0xffff  }
0x420: {  	v35 =	vadd.s32 $0x16A0, v10;
	v21 =	vld.idx.msk [tilespmem:v62+s25+$0x0], $0xffff;
	[tilespmem:s28+$0x5DF0] =	vst v27  }
0x421: {  	v36 =	vadd.s32 $0x16A0, v11;
	v22 =	vld.idx.msk [tilespmem:v63+s25+$0x0], $0xffff;
	[tilespmem:s14+$0x61A0] =	vst v28  }
0x422: {  	v37 =	vadd.s32 $0x16A0, v12;
	[tilespmem:s18+$0x61B0] =	vst v24;
	v23 =	vld.idx.msk [tilespmem:v32+s22+$0x0], $0xffff  }
0x423: {  	v38 =	vor.u32 $0x4, v13;
	[tilespmem:s21+$0x61C0] =	vst v19;
	v25 =	vld.idx.msk [tilespmem:v33+s22+$0x0], $0xffff  }
0x424: {  	v39 =	vor.u32 $0x4, v14;
	[tilespmem:s26+$0x61D0] =	vst v20;
	v26 =	vld.idx.msk [tilespmem:v34+s22+$0x0], $0xffff  }
0x425: {  	v40 =	vor.u32 $0x4, v15;
	[tilespmem:s1+$0x61E0] =	vst v21;
	v27 =	vld.idx.msk [tilespmem:v35+s22+$0x0], $0xffff  }
0x426: {  	v41 =	vor.u32 $0x4, v16;
	v28 =	vld.idx.msk [tilespmem:v36+s22+$0x0], $0xffff;
	[tilespmem:s28+$0x61F0] =	vst v22  }
0x427: {  	v42 =	vor.u32 $0x4, v17;
	v24 =	vld.idx.msk [tilespmem:v37+s22+$0x0], $0xffff;
	[tilespmem:s14+$0x5A20] =	vst v23  }
0x428: {  	v43 =	vor.u32 $0x4, v18;
	[tilespmem:s18+$0x5A30] =	vst v25;
	v19 =	vld.idx.msk [tilespmem:v38+s0+$0x0], $0xffff  }
0x429: {  	v44 =	vadd.s32 $0xFC0, v1;
	[tilespmem:s21+$0x5A40] =	vst v26;
	v20 =	vld.idx.msk [tilespmem:v39+s0+$0x0], $0xffff  }
0x42a: {  	v45 =	vadd.s32 $0xFC0, v2;
	[tilespmem:s26+$0x5A50] =	vst v27;
	v21 =	vld.idx.msk [tilespmem:v40+s0+$0x0], $0xffff  }
0x42b: {  	v46 =	vadd.s32 $0xFC0, v3;
	[tilespmem:s1+$0x5A60] =	vst v28;
	v22 =	vld.idx.msk [tilespmem:v41+s0+$0x0], $0xffff  }
0x42c: {  	v47 =	vadd.s32 $0xFC0, v4;
	v23 =	vld.idx.msk [tilespmem:v42+s0+$0x0], $0xffff;
	[tilespmem:s28+$0x5A70] =	vst v24  }
0x42d: {  	v48 =	vadd.s32 $0xFC0, v5;
	v25 =	vld.idx.msk [tilespmem:v43+s0+$0x0], $0xffff;
	[tilespmem:s14+$0x5E20] =	vst v19  }
0x42e: {  	v49 =	vadd.s32 $0xFC0, v6;
	[tilespmem:s18+$0x5E30] =	vst v20;
	v26 =	vld.idx.msk [tilespmem:v44+s25+$0x0], $0xffff  }
0x42f: {  	v50 =	vadd.s32 $0x1C48, v7;
	[tilespmem:s21+$0x5E40] =	vst v21;
	v27 =	vld.idx.msk [tilespmem:v45+s25+$0x0], $0xffff  }
0x430: {  	v51 =	vadd.s32 $0x1C48, v8;
	[tilespmem:s26+$0x5E50] =	vst v22;
	v28 =	vld.idx.msk [tilespmem:v46+s25+$0x0], $0xffff  }
0x431: {  	v52 =	vadd.s32 $0x1C48, v9;
	[tilespmem:s1+$0x5E60] =	vst v23;
	v24 =	vld.idx.msk [tilespmem:v47+s25+$0x0], $0xffff  }
0x432: {  	v53 =	vadd.s32 $0x1C48, v10;
	v19 =	vld.idx.msk [tilespmem:v48+s25+$0x0], $0xffff;
	[tilespmem:s28+$0x5E70] =	vst v25  }
0x433: {  	v54 =	vadd.s32 $0x1C48, v11;
	v20 =	vld.idx.msk [tilespmem:v49+s25+$0x0], $0xffff;
	[tilespmem:s14+$0x6220] =	vst v26  }
0x434: {  	v55 =	vadd.s32 $0x1C48, v12;
	[tilespmem:s18+$0x6230] =	vst v27;
	v21 =	vld.idx.msk [tilespmem:v50+s22+$0x0], $0xffff  }
0x435: {  	v56 =	vor.u32 $0x5, v13;
	[tilespmem:s21+$0x6240] =	vst v28;
	v22 =	vld.idx.msk [tilespmem:v51+s22+$0x0], $0xffff  }
0x436: {  	v57 =	vor.u32 $0x5, v14;
	[tilespmem:s26+$0x6250] =	vst v24;
	v23 =	vld.idx.msk [tilespmem:v52+s22+$0x0], $0xffff  }
0x437: {  	v58 =	vor.u32 $0x5, v15;
	[tilespmem:s1+$0x6260] =	vst v19;
	v25 =	vld.idx.msk [tilespmem:v53+s22+$0x0], $0xffff  }
0x438: {  	v59 =	vor.u32 $0x5, v16;
	v26 =	vld.idx.msk [tilespmem:v54+s22+$0x0], $0xffff;
	[tilespmem:s28+$0x6270] =	vst v20  }
0x439: {  	v60 =	vor.u32 $0x5, v17;
	v27 =	vld.idx.msk [tilespmem:v55+s22+$0x0], $0xffff;
	[tilespmem:s14+$0x5AA0] =	vst v21  }
0x43a: {  	v61 =	vor.u32 $0x5, v18;
	[tilespmem:s18+$0x5AB0] =	vst v22;
	v28 =	vld.idx.msk [tilespmem:v56+s0+$0x0], $0xffff  }
0x43b: {  	v62 =	vadd.s32 $0x13B0, v1;
	[tilespmem:s21+$0x5AC0] =	vst v23;
	v24 =	vld.idx.msk [tilespmem:v57+s0+$0x0], $0xffff  }
0x43c: {  	v63 =	vadd.s32 $0x13B0, v2;
	[tilespmem:s26+$0x5AD0] =	vst v25;
	v19 =	vld.idx.msk [tilespmem:v58+s0+$0x0], $0xffff  }
0x43d: {  	v32 =	vadd.s32 $0x13B0, v3;
	[tilespmem:s1+$0x5AE0] =	vst v26;
	v20 =	vld.idx.msk [tilespmem:v59+s0+$0x0], $0xffff  }
0x43e: {  	v33 =	vadd.s32 $0x13B0, v4;
	v21 =	vld.idx.msk [tilespmem:v60+s0+$0x0], $0xffff;
	[tilespmem:s28+$0x5AF0] =	vst v27  }
0x43f: {  	v34 =	vadd.s32 $0x13B0, v5;
	v22 =	vld.idx.msk [tilespmem:v61+s0+$0x0], $0xffff;
	[tilespmem:s14+$0x5EA0] =	vst v28  }
0x440: {  	v35 =	vadd.s32 $0x13B0, v6;
	[tilespmem:s18+$0x5EB0] =	vst v24;
	v23 =	vld.idx.msk [tilespmem:v62+s25+$0x0], $0xffff  }
0x441: {  	v36 =	vadd.s32 $0x21F0, v7;
	[tilespmem:s21+$0x5EC0] =	vst v19;
	v25 =	vld.idx.msk [tilespmem:v63+s25+$0x0], $0xffff  }
0x442: {  	v37 =	vadd.s32 $0x21F0, v8;
	[tilespmem:s26+$0x5ED0] =	vst v20;
	v26 =	vld.idx.msk [tilespmem:v32+s25+$0x0], $0xffff  }
0x443: {  	v38 =	vadd.s32 $0x21F0, v9;
	[tilespmem:s1+$0x5EE0] =	vst v21;
	v27 =	vld.idx.msk [tilespmem:v33+s25+$0x0], $0xffff  }
0x444: {  	v39 =	vadd.s32 $0x21F0, v10;
	v28 =	vld.idx.msk [tilespmem:v34+s25+$0x0], $0xffff;
	[tilespmem:s28+$0x5EF0] =	vst v22  }
0x445: {  	v40 =	vadd.s32 $0x21F0, v11;
	v24 =	vld.idx.msk [tilespmem:v35+s25+$0x0], $0xffff;
	[tilespmem:s14+$0x62A0] =	vst v23  }
0x446: {  	v41 =	vadd.s32 $0x21F0, v12;
	[tilespmem:s18+$0x62B0] =	vst v25;
	v19 =	vld.idx.msk [tilespmem:v36+s22+$0x0], $0xffff  }
0x447: {  	v42 =	vor.u32 $0x6, v13;
	[tilespmem:s21+$0x62C0] =	vst v26;
	v20 =	vld.idx.msk [tilespmem:v37+s22+$0x0], $0xffff  }
0x448: {  	v43 =	vor.u32 $0x6, v14;
	[tilespmem:s26+$0x62D0] =	vst v27;
	v21 =	vld.idx.msk [tilespmem:v38+s22+$0x0], $0xffff  }
0x449: {  	v44 =	vor.u32 $0x6, v15;
	[tilespmem:s1+$0x62E0] =	vst v28;
	v22 =	vld.idx.msk [tilespmem:v39+s22+$0x0], $0xffff  }
0x44a: {  	v45 =	vor.u32 $0x6, v16;
	v23 =	vld.idx.msk [tilespmem:v40+s22+$0x0], $0xffff;
	[tilespmem:s28+$0x62F0] =	vst v24  }
0x44b: {  	v46 =	vor.u32 $0x6, v17;
	v25 =	vld.idx.msk [tilespmem:v41+s22+$0x0], $0xffff;
	[tilespmem:s14+$0x5B20] =	vst v19  }
0x44c: {  	v47 =	vor.u32 $0x6, v18;
	[tilespmem:s18+$0x5B30] =	vst v20;
	v26 =	vld.idx.msk [tilespmem:v42+s0+$0x0], $0xffff  }
0x44d: {  	v48 =	vadd.s32 $0x17A0, v1;
	[tilespmem:s21+$0x5B40] =	vst v21;
	v27 =	vld.idx.msk [tilespmem:v43+s0+$0x0], $0xffff  }
0x44e: {  	v49 =	vadd.s32 $0x17A0, v2;
	[tilespmem:s26+$0x5B50] =	vst v22;
	v28 =	vld.idx.msk [tilespmem:v44+s0+$0x0], $0xffff  }
0x44f: {  	v50 =	vadd.s32 $0x17A0, v3;
	[tilespmem:s1+$0x5B60] =	vst v23;
	v24 =	vld.idx.msk [tilespmem:v45+s0+$0x0], $0xffff  }
0x450: {  	v51 =	vadd.s32 $0x17A0, v4;
	v19 =	vld.idx.msk [tilespmem:v46+s0+$0x0], $0xffff;
	[tilespmem:s28+$0x5B70] =	vst v25  }
0x451: {  	v52 =	vadd.s32 $0x17A0, v5;
	v20 =	vld.idx.msk [tilespmem:v47+s0+$0x0], $0xffff;
	[tilespmem:s14+$0x5F20] =	vst v26  }
0x452: {  	v53 =	vadd.s32 $0x17A0, v6;
	[tilespmem:s18+$0x5F30] =	vst v27;
	v21 =	vld.idx.msk [tilespmem:v48+s25+$0x0], $0xffff  }
0x453: {  	v7 =	vadd.s32 $0x2798, v7;
	[tilespmem:s21+$0x5F40] =	vst v28;
	v22 =	vld.idx.msk [tilespmem:v49+s25+$0x0], $0xffff  }
0x454: {  	v8 =	vadd.s32 $0x2798, v8;
	[tilespmem:s26+$0x5F50] =	vst v24;
	v23 =	vld.idx.msk [tilespmem:v50+s25+$0x0], $0xffff  }
0x455: {  	v9 =	vadd.s32 $0x2798, v9;
	[tilespmem:s1+$0x5F60] =	vst v19;
	v54 =	vld.idx.msk [tilespmem:v51+s25+$0x0], $0xffff  }
0x456: {  	v10 =	vadd.s32 $0x2798, v10;
	v55 =	vld.idx.msk [tilespmem:v52+s25+$0x0], $0xffff;
	[tilespmem:s28+$0x5F70] =	vst v20  }
0x457: {  	v11 =	vadd.s32 $0x2798, v11;
	v56 =	vld.idx.msk [tilespmem:v53+s25+$0x0], $0xffff;
	[tilespmem:s14+$0x6320] =	vst v21  }
0x458: {  	v12 =	vadd.s32 $0x2798, v12;
	[tilespmem:s18+$0x6330] =	vst v22;
	v7 =	vld.idx.msk [tilespmem:v7+s22+$0x0], $0xffff  }
0x459: {  	v13 =	vor.u32 $0x7, v13;
	[tilespmem:s21+$0x6340] =	vst v23;
	v8 =	vld.idx.msk [tilespmem:v8+s22+$0x0], $0xffff  }
0x45a: {  	v14 =	vor.u32 $0x7, v14;
	[tilespmem:s26+$0x6350] =	vst v54;
	v9 =	vld.idx.msk [tilespmem:v9+s22+$0x0], $0xffff  }
0x45b: {  	v15 =	vor.u32 $0x7, v15;
	[tilespmem:s1+$0x6360] =	vst v55;
	v10 =	vld.idx.msk [tilespmem:v10+s22+$0x0], $0xffff  }
0x45c: {  	v16 =	vor.u32 $0x7, v16;
	v11 =	vld.idx.msk [tilespmem:v11+s22+$0x0], $0xffff;
	[tilespmem:s28+$0x6370] =	vst v56  }
0x45d: {  	v57 =	vor.u32 $0x7, v17;
	v12 =	vld.idx.msk [tilespmem:v12+s22+$0x0], $0xffff;
	[tilespmem:s14+$0x5BA0] =	vst v7  }
0x45e: {  	v59 =	vor.u32 $0x7, v18;
	[tilespmem:s18+$0x5BB0] =	vst v8;
	v58 =	vld.idx.msk [tilespmem:v13+s0+$0x0], $0xffff  }
0x45f: {  	v1 =	vadd.s32 $0x1B90, v1;
	[tilespmem:s21+$0x5BC0] =	vst v9;
	v60 =	vld.idx.msk [tilespmem:v14+s0+$0x0], $0xffff  }
0x460: {  	v2 =	vadd.s32 $0x1B90, v2;
	[tilespmem:s26+$0x5BD0] =	vst v10;
	v61 =	vld.idx.msk [tilespmem:v15+s0+$0x0], $0xffff  }
0x461: {  	v3 =	vadd.s32 $0x1B90, v3;
	[tilespmem:s1+$0x5BE0] =	vst v11;
	v62 =	vld.idx.msk [tilespmem:v16+s0+$0x0], $0xffff  }
0x462: {  	v4 =	vadd.s32 $0x1B90, v4;
	v7 =	vld.idx.msk [tilespmem:v57+s0+$0x0], $0xffff;
	[tilespmem:s28+$0x5BF0] =	vst v12  }
0x463: {  	v5 =	vadd.s32 $0x1B90, v5;
	v63 =	vld.idx.msk [tilespmem:v59+s0+$0x0], $0xffff;
	[tilespmem:s14+$0x5FA0] =	vst v58  }
0x464: {  	v6 =	vadd.s32 $0x1B90, v6;
	[tilespmem:s18+$0x5FB0] =	vst v60;
	v1 =	vld.idx.msk [tilespmem:v1+s25+$0x0], $0xffff  }
0x465: {  	[tilespmem:s21+$0x5FC0] =	vst v61;
	v2 =	vld.idx.msk [tilespmem:v2+s25+$0x0], $0xffff  }
0x466: {  	[tilespmem:s26+$0x5FD0] =	vst v62;
	v3 =	vld.idx.msk [tilespmem:v3+s25+$0x0], $0xffff  }
0x467: {  	[tilespmem:s1+$0x5FE0] =	vst v7;
	v4 =	vld.idx.msk [tilespmem:v4+s25+$0x0], $0xffff  }
0x468: {  	v5 =	vld.idx.msk [tilespmem:v5+s25+$0x0], $0xffff;
	[tilespmem:s28+$0x5FF0] =	vst v63  }
0x469: {  	p0 =	slt.u32 s17, $0x30;
	[tilespmem:s14+$0x63A0] =	vst v1;
	v1 =	vld.idx.msk [tilespmem:v6+s25+$0x0], $0xffff  }
.Ltmp11:
0x46a: {  	[tilespmem:s18+$0x63B0] =	vst v2;
	(pc) =	sbr.rel @p0 .LBB2_8-.Ltmp11, $4  }
0x46b: {  	[tilespmem:s21+$0x63C0] =	vst v3  }
0x46c: {  	[tilespmem:s26+$0x63D0] =	vst v4  }
0x46d: {  	s30 =	sadd.s32 $0x10, s17;
	[tilespmem:s1+$0x63E0] =	vst v5  }
0x46e: {  	s17 =	smov.u32 s30;
	[tilespmem:s28+$0x63F0] =	vst v1  }
0x46f: {  	p0 =	slt.u32 s16, $0x17  }
.Ltmp12:
0x470: {  	_ = 	snop;
	(pc) =	sbr.rel @!p0 .LBB2_16-.Ltmp12, $2  }
0x471: {  	_ =	sdelay $0x2  }
0x472: {  	s1 =	simm.s32 $0x5800  }
.Ltmp13:
0x473: {  	(pc) =	sbr.rel .LBB2_15-.Ltmp13, $4  }
0x474: {  	s2 =	simm.s32 $0xB80  }
0x475: {  	s3 =	simm.s32 $0xB00;
	s12 =	simm.s32 $0xA80;
	s13 =	simm.s32 $0xA00  }
0x476: {  	s17 =	simm.s32 $0x980;
	s23 =	simm.s32 $0x900;
	s28 =	simm.s32 $0x880  }
0x477: {  	s30 =	simm.s32 $0x800;
	s4 =	simm.s32 $0x1000;
	s14 =	simm.s32 $0x0  }
.LBB2_18:
0x478: {  	_ =	sfence.sel $0x180000  }
0x479: {  	[bflag:$0x0] =	sbarrier.arrive $0xFFFF  }
0x47a: {  	_ =	strace $0x90000047  }
0x47b: {  	s0 =	stileid.u32;
	[bflag:$0x2] =	sbarrier.arrive $0xFFFF  }
0x47c: {  	p0 =	sne.s32 s0, $0x0;
	s0 =	rddreg [dreg:$0x5]  }
0x47d: {  	s0 =	sadd.s32 @!p0 $0x100000, s0  }
0x47e: {  	[sflag:s0] =	ssyncadd.tile.s32 @!p0 $0x1;
	_ =	shalt  }
.Lfunc_end2:
_tile_overlayer_lowered:
.L_overlay_start_2:
0x47f: {  	(tag) =	ssettag $0x2  }
0x480: {  	s0 =	rddreg [dreg:$0x0];
	s2 =	stileid.u32  }
0x481: {  	s1 =	rddreg [dreg:$0x1];
	p0 =	sne.s32 s2, $0x0  }
0x482: {  	s3 =	rddreg [dreg:$0x2];
	[bflag:$0x3] =	sbarrier.arrive $0xFFFF;
	s2 =	simm.s32 @!p0 $0x1C04  }
0x483: {  	[timem:s3], [sflag:s2] =	dma.local @!p0 [hbm:s0], s1  }
0x484: {  	s0 =	simm.s32 @!p0 $0x4  }
0x485: {  	_ =	swait.ge @!p0 [sflag:s0], s1  }
0x486: {  	s1 =	ssub.s32 @!p0 $0x0, s1;
	[sflag:s0] =	ssyncset.done @!p0 $0x0  }
0x487: {  	[sflag:s0] =	ssyncadd.s32 @!p0 s1  }
0x488: {  	[bflag:$0x3] =	sbarrier.arrive $0xFFFF  }
0x489: {  	_ =	shalt  }

</sc_bundles>
